<compile_context>
chip_gen: v7x
topology: tpu7x:2x2x1
jax: 0.10.2.dev20260603
libtpu: 0.0.44.dev20260713+nightly
codegen_flags: <defaults>
</compile_context>

<pallas_src>
import functools
import math

import jax
import jax.numpy as jnp
from jax import lax
from jax.experimental import pallas as pl
from jax.experimental.pallas import tpu as pltpu
from jax.experimental.pallas import tpu_sc as plsc

_NC = 2
_NS = 16


def _largest_div(n, cap, mult=8):
    best = None
    for d in range(1, n + 1):
        if n % d == 0 and d <= cap and d % mult == 0:
            best = d
    return best




_NBUF = 5


def _fill_ref(ref, rows, width, value):
    def frow(i, _):
        def fcol(j, _):
            ref[i, pl.ds(j * 16, 16)] = jnp.full((16,), value, jnp.float32)
            return 0
        lax.fori_loop(0, width // 16, fcol, 0)
        return 0
    lax.fori_loop(0, rows, frow, 0)


def _zero_acc(zbuf, acc, zr, width, row0, rpt):
    _fill_ref(zbuf, zr, width, 0.0)
    for t in range(rpt // zr):
        pltpu.sync_copy(zbuf, acc.at[pl.ds(row0 + t * zr, zr)])


def _edge_loop(tbl, src_all, dst_all, rows, acc, gsem, ssem, cpt, nb):
    def group(i, _):
        j0 = i * nb
        gd = [pltpu.async_copy(tbl.at[src_all.at[j0 + b]], rows[b], gsem[b])
              for b in range(nb)]
        sd = []
        for b in range(nb):
            gd[b].wait()
            sd.append(pltpu.async_copy(rows[b], acc.at[dst_all.at[j0 + b]],
                                       ssem[b], add=True))
        for d in sd:
            d.wait()
        return 0
    lax.fori_loop(0, cpt // nb, group, 0)


_SC_MESH = None


def _sc_mesh():
    global _SC_MESH
    if _SC_MESH is None:
        _SC_MESH = plsc.VectorSubcoreMesh(
            core_axis_name="c", subcore_axis_name="s",
            num_cores=_NC, num_subcores=_NS)
    return _SC_MESH


@functools.cache
def _sc_hist_pass(n_nodes, n_edges):
    w = 16
    nw = _NC * _NS
    ept = n_edges // nw
    ch = _largest_div(ept, 128)
    cpt = ept // ch
    nb = _NBUF
    assert cpt % nb == 0
    rpt = n_nodes // _NS
    zr = _largest_div(rpt, max(8, 65536 // (w * 4)), mult=1)

    scratch = {
        "src_all": pltpu.VMEM((cpt, ch), jnp.int32),
        "dst_all": pltpu.VMEM((cpt, ch), jnp.int32),
        "rows": [pltpu.VMEM((ch, w), jnp.float32) for _ in range(nb)],
        "zbuf": pltpu.VMEM((zr, w), jnp.float32),
        "acc": pltpu.VMEM_SHARED((n_nodes, w), jnp.float32),
        "gsem": [pltpu.SemaphoreType.DMA for _ in range(nb)],
        "ssem": [pltpu.SemaphoreType.DMA for _ in range(nb)],
    }

    def body(table_hbm, ei_hbm, out_hbm, sc):
        c = lax.axis_index("c")
        s = lax.axis_index("s")
        tid = c * _NS + s
        pltpu.sync_copy(ei_hbm.at[0, tid], sc["src_all"])
        pltpu.sync_copy(ei_hbm.at[1, tid], sc["dst_all"])
        row0 = s * rpt
        _zero_acc(sc["zbuf"], sc["acc"], zr, w, row0, rpt)
        plsc.subcore_barrier()
        _edge_loop(table_hbm, sc["src_all"], sc["dst_all"], sc["rows"],
                   sc["acc"], sc["gsem"], sc["ssem"], cpt, nb)
        plsc.subcore_barrier()
        for t in range(rpt // zr):
            r = row0 + t * zr
            pltpu.sync_copy(sc["acc"].at[pl.ds(r, zr), pl.ds(0, 8)],
                            out_hbm.at[c, pl.ds(r, zr)])

    kern = pl.kernel(
        body,
        out_type=jax.ShapeDtypeStruct((_NC, n_nodes, 8), jnp.float32),
        mesh=_sc_mesh(),
        scratch_types=[scratch],
        compiler_params=pltpu.CompilerParams(use_tc_tiling_on_sc=False),
    )
    return lambda table, ei4: kern(table, ei4.reshape(2, nw, cpt, ch))


@functools.cache
def _sc_seg_pass(n_nodes, n_edges, width):
    hw = width // 2
    ept = n_edges // _NS
    ch = 40
    cpt = ept // ch
    nb = 10
    assert cpt % nb == 0
    rpt = n_nodes // _NS
    zr = _largest_div(rpt, max(8, 65536 // (hw * 4)), mult=1)

    hcpt = cpt // 2
    scratch = {
        "src_all": pltpu.VMEM((cpt, ch), jnp.int32),
        "dst_all": pltpu.VMEM((cpt, ch), jnp.int32),
        "rows": [pltpu.VMEM((ch, hw), jnp.float32) for _ in range(nb)],
        "zbuf": pltpu.VMEM((zr, hw), jnp.float32),
        "acc": pltpu.VMEM_SHARED((n_nodes, hw), jnp.float32),
        "gsem": [pltpu.SemaphoreType.DMA for _ in range(nb)],
        "ssem": [pltpu.SemaphoreType.DMA for _ in range(nb)],
    }

    def body(tl_hbm, tr_hbm, src_hbm, dst_hbm, out_hbm, sc):
        c = lax.axis_index("c")
        s = lax.axis_index("s")
        pltpu.sync_copy(src_hbm.at[s], sc["src_all"])
        pltpu.sync_copy(dst_hbm.at[s], sc["dst_all"])
        row0 = s * rpt
        _zero_acc(sc["zbuf"], sc["acc"], zr, hw, row0, rpt)
        plsc.subcore_barrier()

        @pl.when(c == 0)
        def _():
            _edge_loop(tl_hbm, sc["src_all"], sc["dst_all"], sc["rows"],
                       sc["acc"], sc["gsem"], sc["ssem"], cpt, nb)

        @pl.when(c == 1)
        def _():
            _edge_loop(tr_hbm, sc["src_all"], sc["dst_all"], sc["rows"],
                       sc["acc"], sc["gsem"], sc["ssem"], cpt, nb)

        plsc.subcore_barrier()
        for t in range(rpt // zr):
            r = row0 + t * zr
            pltpu.sync_copy(sc["acc"].at[pl.ds(r, zr)],
                            out_hbm.at[pl.ds(r, zr), pl.ds(c * hw, hw)])

    kern = pl.kernel(
        body,
        out_type=jax.ShapeDtypeStruct((n_nodes, width), jnp.float32),
        mesh=_sc_mesh(),
        scratch_types=[scratch],
        compiler_params=pltpu.CompilerParams(use_tc_tiling_on_sc=False),
    )

    def run(table, ei4):
        src3 = ei4[0].reshape(_NS, cpt, ch)
        dst3 = ei4[1].reshape(_NS, cpt, ch)
        return kern(table[:, :hw], table[:, hw:], src3, dst3)
    return run



_RB = 1000


def _prescale_body(hist_ref, feat_ref, xs_ref, dinv_ref):
    h = hist_ref[...]
    cnt = h[0, :, 0:1] + h[1, :, 0:1]
    d = lax.rsqrt(cnt + 1.0)
    xs_ref[...] = feat_ref[...] * d
    dinv_ref[...] = d


def _prescale(hist, feat):
    n, f = feat.shape
    return pl.pallas_call(
        _prescale_body,
        grid=(n // _RB,),
        in_specs=[
            pl.BlockSpec((_NC, _RB, 8), lambda i: (0, i, 0)),
            pl.BlockSpec((_RB, f), lambda i: (i, 0)),
        ],
        out_specs=[
            pl.BlockSpec((_RB, f), lambda i: (i, 0)),
            pl.BlockSpec((_RB, 1), lambda i: (i, 0)),
        ],
        out_shape=[
            jax.ShapeDtypeStruct((n, f), jnp.float32),
            jax.ShapeDtypeStruct((n, 1), jnp.float32),
        ],
    )(hist, feat)


def _conv_mm_body(u_ref, x_ref, d_ref, w_ref, b_ref, p_ref, h_ref, s_ref,
                  st_ref):
    d = d_ref[...]
    z = d * u_ref[...] + (d * d) * x_ref[...]
    h = jnp.dot(z, w_ref[...], preferred_element_type=jnp.float32) + b_ref[...]
    h = jnp.maximum(h, 0.0)
    h_ref[...] = h
    p = p_ref[...]
    s = jnp.dot(h, p, preferred_element_type=jnp.float32) * lax.rsqrt(
        jnp.sum(p * p))
    s_ref[...] = s
    st_ref[...] = s.T[None]


def _conv_mm(u, x, dinv, W, b, p):
    n, f = x.shape
    fo = W.shape[1]
    return pl.pallas_call(
        _conv_mm_body,
        grid=(n // _RB,),
        in_specs=[
            pl.BlockSpec((_RB, f), lambda i: (i, 0)),
            pl.BlockSpec((_RB, f), lambda i: (i, 0)),
            pl.BlockSpec((_RB, 1), lambda i: (i, 0)),
            pl.BlockSpec((f, fo), lambda i: (0, 0)),
            pl.BlockSpec((1, fo), lambda i: (0, 0)),
            pl.BlockSpec((fo, 1), lambda i: (0, 0)),
        ],
        out_specs=[
            pl.BlockSpec((_RB, fo), lambda i: (i, 0)),
            pl.BlockSpec((_RB, 1), lambda i: (i, 0)),
            pl.BlockSpec((1, 1, _RB), lambda i: (i, 0, 0)),
        ],
        out_shape=[
            jax.ShapeDtypeStruct((n, fo), jnp.float32),
            jax.ShapeDtypeStruct((n, 1), jnp.float32),
            jax.ShapeDtypeStruct((n // _RB, 1, _RB), jnp.float32),
        ],
    )(u, x, dinv, W, b, p)


def _float_key(s):
    ub = lax.bitcast_convert_type(s, jnp.uint32)
    top = jnp.uint32(0x80000000)
    return jnp.where(ub >= top, ~ub, ub ^ top)


def _topk_mask(key, k, n):
    def bs(_, lohi):
        lo, hi = lohi
        mid = lo + ((hi - lo) >> jnp.uint32(1)) + jnp.uint32(1)
        ge = jnp.sum((key >= mid).astype(jnp.int32)) >= k
        return (jnp.where(ge, mid, lo), jnp.where(ge, hi, mid - jnp.uint32(1)))
    t, _ = lax.fori_loop(0, 32, bs, (jnp.uint32(0), jnp.uint32(0xFFFFFFFF)))
    cgt = jnp.sum((key > t).astype(jnp.int32))
    r = k - cgt
    idx = (lax.broadcasted_iota(jnp.int32, key.shape, 0) * key.shape[-1]
           + lax.broadcasted_iota(jnp.int32, key.shape, key.ndim - 1))
    tie = key == t
    def bs2(_, lohi):
        lo, hi = lohi
        mid = (lo + hi) >> 1
        ge = jnp.sum((tie & (idx <= mid)).astype(jnp.int32)) >= r
        return (jnp.where(ge, lo, mid + 1), jnp.where(ge, mid, hi))
    j, _ = lax.fori_loop(0, 14, bs2, (jnp.int32(0), jnp.int32(n - 1)))
    return ((key > t) | (tie & (idx <= j))).astype(jnp.float32)


def _topk1_body(k, n, st_ref, mrow_ref):
    mrow_ref[...] = _topk_mask(_float_key(st_ref[...]), k, n)


def _topk1(score_rows, k):
    r, _, c = score_rows.shape
    return pl.pallas_call(
        functools.partial(_topk1_body, k, r * c),
        out_shape=jax.ShapeDtypeStruct((r, 1, c), jnp.float32),
    )(score_rows)


def _pool_mm_body(h_ref, s_ref, mrow_ref, w_ref, o_ref, mcol_ref, mrep_ref):
    m = mrow_ref[0].T
    mcol_ref[...] = m
    mrep_ref[...] = jnp.broadcast_to(m, (m.shape[0], 16))
    hp = h_ref[...] * (jnp.tanh(s_ref[...]) * m)
    o_ref[...] = jnp.dot(hp, w_ref[...], preferred_element_type=jnp.float32)


def _pool_mm(h, score, mrow, W):
    n, f = h.shape
    fo = W.shape[1]
    return pl.pallas_call(
        _pool_mm_body,
        grid=(n // _RB,),
        in_specs=[
            pl.BlockSpec((_RB, f), lambda i: (i, 0)),
            pl.BlockSpec((_RB, 1), lambda i: (i, 0)),
            pl.BlockSpec((1, 1, _RB), lambda i: (i, 0, 0)),
            pl.BlockSpec((f, fo), lambda i: (0, 0)),
        ],
        out_specs=[
            pl.BlockSpec((_RB, fo), lambda i: (i, 0)),
            pl.BlockSpec((_RB, 1), lambda i: (i, 0)),
            pl.BlockSpec((_RB, 16), lambda i: (i, 0)),
        ],
        out_shape=[
            jax.ShapeDtypeStruct((n, fo), jnp.float32),
            jax.ShapeDtypeStruct((n, 1), jnp.float32),
            jax.ShapeDtypeStruct((n, 16), jnp.float32),
        ],
    )(h, score, mrow, W)


def _conv2_post_body(u_ref, h_ref, d_ref, b_ref, p_ref, m_ref, o_ref, k_ref):
    d = d_ref[...]
    o = d * u_ref[...] + (d * d) * h_ref[...] + b_ref[...]
    o = jnp.maximum(o, 0.0)
    o_ref[...] = o
    p = p_ref[...]
    s = jnp.dot(o, p, preferred_element_type=jnp.float32) * lax.rsqrt(
        jnp.sum(p * p))
    k_ref[...] = jnp.where(m_ref[...] > 0.0, s, -jnp.inf).T[None]


def _conv2_post(u, h, dinv, b, p, m):
    n, f = h.shape
    return pl.pallas_call(
        _conv2_post_body,
        grid=(n // _RB,),
        in_specs=[
            pl.BlockSpec((_RB, f), lambda i: (i, 0)),
            pl.BlockSpec((_RB, f), lambda i: (i, 0)),
            pl.BlockSpec((_RB, 1), lambda i: (i, 0)),
            pl.BlockSpec((1, f), lambda i: (0, 0)),
            pl.BlockSpec((f, 1), lambda i: (0, 0)),
            pl.BlockSpec((_RB, 1), lambda i: (i, 0)),
        ],
        out_specs=[
            pl.BlockSpec((_RB, f), lambda i: (i, 0)),
            pl.BlockSpec((1, 1, _RB), lambda i: (i, 0, 0)),
        ],
        out_shape=[
            jax.ShapeDtypeStruct((n, f), jnp.float32),
            jax.ShapeDtypeStruct((n // _RB, 1, _RB), jnp.float32),
        ],
    )(u, h, dinv, b, p, m)


def _final_body(k, n, nsteps, o_ref, key_ref, w_ref, b_ref, out_ref, wt_ref):
    i = pl.program_id(0)

    @pl.when(i == 0)
    def _():
        s = key_ref[...]
        m2 = _topk_mask(_float_key(s), k, n)
        wt_ref[...] = jnp.tanh(s) * m2 * (1.0 / k)
        out_ref[...] = jnp.zeros_like(out_ref)

    wblk = wt_ref[pl.ds(i, 1), :, :][0].T
    out_ref[...] += jnp.sum(o_ref[...] * wblk, axis=0, keepdims=True)

    @pl.when(i == nsteps - 1)
    def _():
        logits = jnp.dot(out_ref[...], w_ref[...],
                         preferred_element_type=jnp.float32) + b_ref[...]
        valid = lax.broadcasted_iota(jnp.int32, logits.shape, 1) < 3
        neg = jnp.float32(-3.0e38)
        mx = jnp.max(jnp.where(valid, logits, neg))
        lse = jnp.log(jnp.sum(jnp.where(valid, jnp.exp(logits - mx), 0.0)))
        out_ref[...] = logits - mx - lse


def _final(out2, key2, Wp, bp, k):
    n, f = out2.shape
    nsteps = n // _RB
    return pl.pallas_call(
        functools.partial(_final_body, k, n, nsteps),
        grid=(nsteps,),
        in_specs=[
            pl.BlockSpec((_RB, f), lambda i: (i, 0)),
            pl.BlockSpec((nsteps, 1, _RB), lambda i: (0, 0, 0)),
            pl.BlockSpec((f, 128), lambda i: (0, 0)),
            pl.BlockSpec((1, 128), lambda i: (0, 0)),
        ],
        out_specs=pl.BlockSpec((1, 128), lambda i: (0, 0)),
        out_shape=jax.ShapeDtypeStruct((1, 128), jnp.float32),
        scratch_shapes=[pltpu.VMEM((nsteps, 1, _RB), jnp.float32)],
    )(out2, key2, Wp, bp)




def kernel(x, edge_index, batch, W1, b1, p1, W2, b2, p2, Wfc, bfc):
    n, f = x.shape
    e = edge_index.shape[1]
    k1 = int(math.ceil(0.8 * n))
    k2 = int(math.ceil(0.8 * k1))

    ch = _largest_div(e // (_NC * _NS), 128)
    ei4 = edge_index.reshape(2, _NC * _NS, e // (_NC * _NS * ch), ch)
    ones16 = jnp.ones((n, 16), jnp.float32)
    hist1 = _sc_hist_pass(n, e)(ones16, ei4)
    xs1, dinv1 = _prescale(hist1, x)
    u1 = _sc_seg_pass(n, e, f)(xs1, ei4)
    h, s1, s1r = _conv_mm(u1, x, dinv1, W1, b1.reshape(1, -1),
                          p1.reshape(-1, 1))

    m1row = _topk1(s1r, k1)
    h2, m1, m1rep = _pool_mm(h, s1, m1row, W2)

    hist2 = _sc_hist_pass(n, e)(m1rep, ei4)
    xs2, dinv2 = _prescale(hist2, h2)
    u2 = _sc_seg_pass(n, e, f)(xs2, ei4)
    out2, key2 = _conv2_post(u2, h2, dinv2, b2.reshape(1, -1),
                             p2.reshape(-1, 1), m1)

    Wp = jnp.pad(Wfc, ((0, 0), (0, 128 - Wfc.shape[1])))
    bp = jnp.pad(bfc, (0, 128 - bfc.shape[0])).reshape(1, -1)
    res = _final(out2, key2, Wp, bp, k2)
    return res[:, :3]

# --- scband reference (transcript-rebuilt; emitter-appended) ---
"""Pipeline reference for scband-gcn-89498528514251 (READ-ONLY COPY).

The authoritative reference and input builder live on the scoring server;
editing this copy changes nothing except your own understanding.
"""

import jax, jax.numpy as jnp
import numpy as np
import math

N = 10000
E = 320000
NFEAT = 128
NHID = 256
NOUT = 128
RATIO = 0.8


def setup_inputs(seed: int = 0) -> dict:
    key = jax.random.key(seed)
    ks = jax.random.split(key, 12)
    x = jax.random.normal(ks[0], (N, NFEAT), dtype=jnp.float32)
    edge_index = jax.random.randint(ks[1], (2, E), 0, N, dtype=jnp.int32)
    batch = jnp.zeros((N,), dtype=jnp.int32)
    W1 = jax.random.normal(ks[2], (NFEAT, NHID), dtype=jnp.float32) / np.sqrt(NFEAT)
    b1 = jnp.zeros((NHID,), dtype=jnp.float32)
    p1 = jax.random.normal(ks[3], (NHID,), dtype=jnp.float32) / np.sqrt(NHID)
    W2 = jax.random.normal(ks[4], (NHID, NOUT), dtype=jnp.float32) / np.sqrt(NHID)
    b2 = jnp.zeros((NOUT,), dtype=jnp.float32)
    p2 = jax.random.normal(ks[5], (NOUT,), dtype=jnp.float32) / np.sqrt(NOUT)
    Wfc = jax.random.normal(ks[6], (NOUT, 3), dtype=jnp.float32) / np.sqrt(NOUT)
    bfc = jnp.zeros((3,), dtype=jnp.float32)
    return {"x": x, "edge_index": edge_index, "batch": batch,
            "W1": W1, "b1": b1, "p1": p1,
            "W2": W2, "b2": b2, "p2": p2,
            "Wfc": Wfc, "bfc": bfc}


def gcn_conv(x, edge_index, edge_weight, W, b):
    # PyG GCNConv: add self-loops, symmetric normalization, linear then propagate, then bias
    Nn = x.shape[0]
    h = x @ W
    src, dst = edge_index[0], edge_index[1]
    deg = jax.ops.segment_sum(edge_weight, dst, num_segments=Nn) + 1.0  # +1 for self-loop
    dinv = jax.lax.rsqrt(deg)
    norm = dinv[src] * dinv[dst] * edge_weight
    agg = jax.ops.segment_sum(h[src] * norm[:, None], dst, num_segments=Nn)
    out = agg + h * (dinv * dinv)[:, None]  # self-loop contribution, norm = dinv_i^2
    return out + b


def topk_pool(x, edge_index, edge_weight, batch, p, ratio):
    # PyG TopKPooling (single graph, batch all zeros): score = x.p/||p||, select top ceil(ratio*N),
    # x_new = x[perm] * tanh(score[perm]); induced subgraph via static-shape edge masking (weight 0)
    Nn = x.shape[0]
    k = int(math.ceil(ratio * Nn))
    score = x @ p / jnp.linalg.norm(p)
    sv, perm = jax.lax.top_k(score, k)
    xn = x[perm] * jnp.tanh(sv)[:, None]
    newidx = jnp.full((Nn,), -1, dtype=edge_index.dtype).at[perm].set(jnp.arange(k, dtype=edge_index.dtype))
    src = newidx[edge_index[0]]
    dst = newidx[edge_index[1]]
    valid = (src >= 0) & (dst >= 0)
    ei = jnp.stack([jnp.where(valid, src, 0), jnp.where(valid, dst, 0)])
    ew = edge_weight * valid.astype(x.dtype)
    return xn, ei, ew, batch[perm]


def reference(x, edge_index, batch, W1, b1, p1, W2, b2, p2, Wfc, bfc):
    ew = jnp.ones((edge_index.shape[1],), dtype=x.dtype)
    h = jax.nn.relu(gcn_conv(x, edge_index, ew, W1, b1))
    h, ei, ew, bch = topk_pool(h, edge_index, ew, batch, p1, RATIO)
    # F.dropout with training=False is identity (inference)
    h = jax.nn.relu(gcn_conv(h, ei, ew, W2, b2))
    h, ei, ew, bch = topk_pool(h, ei, ew, bch, p2, RATIO)
    # avg_pool over batch assignment -> per-graph mean of node features (1 graph)
    num = jax.ops.segment_sum(h, bch, num_segments=1)
    cnt = jax.ops.segment_sum(jnp.ones((h.shape[0],), dtype=h.dtype), bch, num_segments=1)
    g = num / cnt[:, None]
    logits = g @ Wfc + bfc
    return jax.nn.log_softmax(logits, axis=1)

if __name__ == "__main__":
    import jax
    _d = setup_inputs()
    print(jax.jit(kernel)(*tuple(_d.values())))

</pallas_src>

<mosaic_0001>
#map = affine_map<(d0, d1) -> (0, 0)>
#map1 = affine_map<(d0, d1) -> (0, 0, 0, 0)>
#map2 = affine_map<(d0, d1) -> (0, 0, 0)>
module attributes {stable_mosaic.version = 14 : i64} {
  func.func @body(%arg0: i32, %arg1: i32, %arg2: memref<10000x16xf32, #tpu.memory_space<hbm>>, %arg3: memref<2x32x125x80xi32, #tpu.memory_space<hbm>>, %arg4: memref<2x10000x8xf32, #tpu.memory_space<hbm>>, %arg5: memref<10000x16xf32, #tpu.memory_space<vmem_shared>>, %arg6: memref<125x80xi32, #tpu.memory_space<vmem>>, %arg7: memref<!tpu.dma_semaphore, #tpu.memory_space<semaphore_mem>>, %arg8: memref<!tpu.dma_semaphore, #tpu.memory_space<semaphore_mem>>, %arg9: memref<!tpu.dma_semaphore, #tpu.memory_space<semaphore_mem>>, %arg10: memref<!tpu.dma_semaphore, #tpu.memory_space<semaphore_mem>>, %arg11: memref<!tpu.dma_semaphore, #tpu.memory_space<semaphore_mem>>, %arg12: memref<80x16xf32, #tpu.memory_space<vmem>>, %arg13: memref<80x16xf32, #tpu.memory_space<vmem>>, %arg14: memref<80x16xf32, #tpu.memory_space<vmem>>, %arg15: memref<80x16xf32, #tpu.memory_space<vmem>>, %arg16: memref<80x16xf32, #tpu.memory_space<vmem>>, %arg17: memref<125x80xi32, #tpu.memory_space<vmem>>, %arg18: memref<!tpu.dma_semaphore, #tpu.memory_space<semaphore_mem>>, %arg19: memref<!tpu.dma_semaphore, #tpu.memory_space<semaphore_mem>>, %arg20: memref<!tpu.dma_semaphore, #tpu.memory_space<semaphore_mem>>, %arg21: memref<!tpu.dma_semaphore, #tpu.memory_space<semaphore_mem>>, %arg22: memref<!tpu.dma_semaphore, #tpu.memory_space<semaphore_mem>>, %arg23: memref<625x16xf32, #tpu.memory_space<vmem>>) attributes {dimension_semantics = [#tpu.dimension_semantics<core_parallel>, #tpu.dimension_semantics<subcore_parallel>], iteration_bounds = array<i64: 2, 16>, scalar_prefetch = 0 : i64, scratch_operands = 19 : i64, tpu.core_type = #tpu.core_type<sc_vector_subcore>, window_params = [{transform_indices = #map}, {transform_indices = #map1}, {transform_indices = #map2}]} {
    %mul3A = arith.constant 16 : i32
    %mul3A_0 = arith.muli %arg0, %mul3A : i32
    %add3A = arith.addi %mul3A_0, %arg1 : i32
    %run_scoped3A = arith.constant 0 : i32
    "tpu.region"() ({
      %run_scoped3A_22 = tpu.sem_alloc : memref<!tpu.dma_semaphore, #tpu.memory_space<semaphore_mem>>
      %dma_start3A = arith.constant 0 : i32
      %dma_start3A_23 = arith.constant 0 : i32
      %dma_start3A_24 = tpu.memref_slice %arg3[%run_scoped3A, %add3A, %dma_start3A, %dma_start3A_23] : memref<2x32x125x80xi32, #tpu.memory_space<hbm>> -> memref<1x1x125x80xi32, #tpu.memory_space<hbm>>
      %dma_start3A_25 = tpu.memref_squeeze %dma_start3A_24 : memref<1x1x125x80xi32, #tpu.memory_space<hbm>> -> memref<125x80xi32, #tpu.memory_space<hbm>>
      %dma_start3A_26 = arith.constant 0 : i32
      %dma_start3A_27 = arith.constant 0 : i32
      %dma_start3A_28 = tpu.memref_slice %arg3[%run_scoped3A, %add3A, %dma_start3A_26, %dma_start3A_27] : memref<2x32x125x80xi32, #tpu.memory_space<hbm>> -> memref<1x1x125x80xi32, #tpu.memory_space<hbm>>
      %dma_start3A_29 = tpu.memref_squeeze %dma_start3A_28 : memref<1x1x125x80xi32, #tpu.memory_space<hbm>> -> memref<125x80xi32, #tpu.memory_space<hbm>>
      tpu.enqueue_dma source(%dma_start3A_29 : memref<125x80xi32, #tpu.memory_space<hbm>>) target(%arg17 : memref<125x80xi32, #tpu.memory_space<vmem>>) target_semaphore(%run_scoped3A_22 : memref<!tpu.dma_semaphore, #tpu.memory_space<semaphore_mem>>)
      %dma_wait3A = arith.constant 0 : i32
      %dma_wait3A_30 = arith.constant 0 : i32
      %dma_wait3A_31 = tpu.memref_slice %arg3[%run_scoped3A, %add3A, %dma_wait3A, %dma_wait3A_30] : memref<2x32x125x80xi32, #tpu.memory_space<hbm>> -> memref<1x1x125x80xi32, #tpu.memory_space<hbm>>
      %dma_wait3A_32 = tpu.memref_squeeze %dma_wait3A_31 : memref<1x1x125x80xi32, #tpu.memory_space<hbm>> -> memref<125x80xi32, #tpu.memory_space<hbm>>
      %dma_wait3A_33 = arith.constant 0 : i32
      %dma_wait3A_34 = arith.constant 0 : i32
      %dma_wait3A_35 = tpu.memref_slice %arg3[%run_scoped3A, %add3A, %dma_wait3A_33, %dma_wait3A_34] : memref<2x32x125x80xi32, #tpu.memory_space<hbm>> -> memref<1x1x125x80xi32, #tpu.memory_space<hbm>>
      %dma_wait3A_36 = tpu.memref_squeeze %dma_wait3A_35 : memref<1x1x125x80xi32, #tpu.memory_space<hbm>> -> memref<125x80xi32, #tpu.memory_space<hbm>>
      tpu.wait_dma2 semaphore(%run_scoped3A_22 : memref<!tpu.dma_semaphore, #tpu.memory_space<semaphore_mem>>) src(%dma_wait3A_36 : memref<125x80xi32, #tpu.memory_space<hbm>>) dst(%arg17 : memref<125x80xi32, #tpu.memory_space<vmem>>)
      tpu.yield
    }) : () -> ()
    %run_scoped3A_1 = arith.constant 1 : i32
    "tpu.region"() ({
      %run_scoped3A_22 = tpu.sem_alloc : memref<!tpu.dma_semaphore, #tpu.memory_space<semaphore_mem>>
      %dma_start3A = arith.constant 0 : i32
      %dma_start3A_23 = arith.constant 0 : i32
      %dma_start3A_24 = tpu.memref_slice %arg3[%run_scoped3A_1, %add3A, %dma_start3A, %dma_start3A_23] : memref<2x32x125x80xi32, #tpu.memory_space<hbm>> -> memref<1x1x125x80xi32, #tpu.memory_space<hbm>>
      %dma_start3A_25 = tpu.memref_squeeze %dma_start3A_24 : memref<1x1x125x80xi32, #tpu.memory_space<hbm>> -> memref<125x80xi32, #tpu.memory_space<hbm>>
      %dma_start3A_26 = arith.constant 0 : i32
      %dma_start3A_27 = arith.constant 0 : i32
      %dma_start3A_28 = tpu.memref_slice %arg3[%run_scoped3A_1, %add3A, %dma_start3A_26, %dma_start3A_27] : memref<2x32x125x80xi32, #tpu.memory_space<hbm>> -> memref<1x1x125x80xi32, #tpu.memory_space<hbm>>
      %dma_start3A_29 = tpu.memref_squeeze %dma_start3A_28 : memref<1x1x125x80xi32, #tpu.memory_space<hbm>> -> memref<125x80xi32, #tpu.memory_space<hbm>>
      tpu.enqueue_dma source(%dma_start3A_29 : memref<125x80xi32, #tpu.memory_space<hbm>>) target(%arg6 : memref<125x80xi32, #tpu.memory_space<vmem>>) target_semaphore(%run_scoped3A_22 : memref<!tpu.dma_semaphore, #tpu.memory_space<semaphore_mem>>)
      %dma_wait3A = arith.constant 0 : i32
      %dma_wait3A_30 = arith.constant 0 : i32
      %dma_wait3A_31 = tpu.memref_slice %arg3[%run_scoped3A_1, %add3A, %dma_wait3A, %dma_wait3A_30] : memref<2x32x125x80xi32, #tpu.memory_space<hbm>> -> memref<1x1x125x80xi32, #tpu.memory_space<hbm>>
      %dma_wait3A_32 = tpu.memref_squeeze %dma_wait3A_31 : memref<1x1x125x80xi32, #tpu.memory_space<hbm>> -> memref<125x80xi32, #tpu.memory_space<hbm>>
      %dma_wait3A_33 = arith.constant 0 : i32
      %dma_wait3A_34 = arith.constant 0 : i32
      %dma_wait3A_35 = tpu.memref_slice %arg3[%run_scoped3A_1, %add3A, %dma_wait3A_33, %dma_wait3A_34] : memref<2x32x125x80xi32, #tpu.memory_space<hbm>> -> memref<1x1x125x80xi32, #tpu.memory_space<hbm>>
      %dma_wait3A_36 = tpu.memref_squeeze %dma_wait3A_35 : memref<1x1x125x80xi32, #tpu.memory_space<hbm>> -> memref<125x80xi32, #tpu.memory_space<hbm>>
      tpu.wait_dma2 semaphore(%run_scoped3A_22 : memref<!tpu.dma_semaphore, #tpu.memory_space<semaphore_mem>>) src(%dma_wait3A_36 : memref<125x80xi32, #tpu.memory_space<hbm>>) dst(%arg6 : memref<125x80xi32, #tpu.memory_space<vmem>>)
      tpu.yield
    }) : () -> ()
    %mul3A_2 = arith.constant 625 : i32
    %mul3A_3 = arith.muli %arg1, %mul3A_2 : i32
    %scan3A = arith.constant 0 : i32
    %scan3A_4 = arith.constant 0 : i32
    %scan3A_5 = arith.constant 625 : i32
    %scan3A_6 = arith.addi %scan3A_4, %scan3A_5 : i32
    %scan3A_7 = arith.constant 1 : i32
    %scan3A_8 = scf.for %scan3A_22 = %scan3A_4 to %scan3A_6 step %scan3A_7 iter_args(%scan3A_23 = %scan3A) -> (i32)  : i32 {
      %scan3A_24 = arith.constant 0 : i32
      %scan3A_25 = arith.constant 0 : i32
      %broadcast_in_dim3A = arith.constant 0.000000e+00 : f32
      %broadcast_in_dim3A_26 = vector.broadcast %broadcast_in_dim3A : f32 to vector<16xf32>
      %mul3A_27 = arith.constant 16 : i32
      %mul3A_28 = arith.muli %scan3A_25, %mul3A_27 : i32
      %swap3A = arith.index_cast %scan3A_22 : i32 to index
      %swap3A_29 = arith.index_cast %mul3A_28 : i32 to index
      %swap3A_30 = tpu.vector_load %arg23[%swap3A, %swap3A_29] {strides = array<i32>} : memref<625x16xf32, #tpu.memory_space<vmem>>, vector<1x16xf32>,
      %swap3A_31 = vector.shape_cast %swap3A_30 : vector<1x16xf32> to vector<16xf32>
      %swap3A_32 = vector.shape_cast %broadcast_in_dim3A_26 : vector<16xf32> to vector<1x16xf32>
      tpu.vector_store %arg23[%swap3A, %swap3A_29], %swap3A_32 {strides = array<i32>} : memref<625x16xf32, #tpu.memory_space<vmem>>, vector<1x16xf32>,
      %scan3A_33 = arith.constant 0 : i32
      %scan3A_34 = arith.constant 1 : i32
      %scan3A_35 = arith.constant 0 : i32
      scf.yield %scan3A_35 : i32
    }
    %scan3A_9 = arith.constant 625 : i32
    %add3A_10 = arith.constant 0 : i32
    %add3A_11 = arith.addi %mul3A_3, %add3A_10 : i32
    "tpu.region"() ({
      %run_scoped3A_22 = tpu.sem_alloc : memref<!tpu.dma_semaphore, #tpu.memory_space<semaphore_mem>>
      %dma_start3A = arith.constant 0 : i32
      %dma_start3A_23 = tpu.memref_slice %arg5[%add3A_11, %dma_start3A] : memref<10000x16xf32, #tpu.memory_space<vmem_shared>> -> memref<625x16xf32, #tpu.memory_space<vmem_shared>>
      %dma_start3A_24 = arith.constant 0 : i32
      %dma_start3A_25 = tpu.memref_slice %arg5[%add3A_11, %dma_start3A_24] : memref<10000x16xf32, #tpu.memory_space<vmem_shared>> -> memref<625x16xf32, #tpu.memory_space<vmem_shared>>
      tpu.enqueue_dma source(%arg23 : memref<625x16xf32, #tpu.memory_space<vmem>>) target(%dma_start3A_25 : memref<625x16xf32, #tpu.memory_space<vmem_shared>>) target_semaphore(%run_scoped3A_22 : memref<!tpu.dma_semaphore, #tpu.memory_space<semaphore_mem>>)
      %dma_wait3A = arith.constant 0 : i32
      %dma_wait3A_26 = tpu.memref_slice %arg5[%add3A_11, %dma_wait3A] : memref<10000x16xf32, #tpu.memory_space<vmem_shared>> -> memref<625x16xf32, #tpu.memory_space<vmem_shared>>
      %dma_wait3A_27 = arith.constant 0 : i32
      %dma_wait3A_28 = tpu.memref_slice %arg5[%add3A_11, %dma_wait3A_27] : memref<10000x16xf32, #tpu.memory_space<vmem_shared>> -> memref<625x16xf32, #tpu.memory_space<vmem_shared>>
      tpu.wait_dma2 semaphore(%run_scoped3A_22 : memref<!tpu.dma_semaphore, #tpu.memory_space<semaphore_mem>>) src(%arg23 : memref<625x16xf32, #tpu.memory_space<vmem>>) dst(%dma_wait3A_28 : memref<625x16xf32, #tpu.memory_space<vmem_shared>>)
      tpu.yield
    }) : () -> ()
    %barrier3A = arith.constant 0 : index
    tpu.barrier barrier_id(%barrier3A)
    %scan3A_12 = arith.constant 0 : i32
    %scan3A_13 = arith.constant 0 : i32
    %scan3A_14 = arith.constant 25 : i32
    %scan3A_15 = arith.addi %scan3A_13, %scan3A_14 : i32
    %scan3A_16 = arith.constant 1 : i32
    %scan3A_17 = scf.for %scan3A_22 = %scan3A_13 to %scan3A_15 step %scan3A_16 iter_args(%scan3A_23 = %scan3A_12) -> (i32)  : i32 {
      %mul3A_24 = arith.constant 5 : i32
      %mul3A_25 = arith.muli %scan3A_22, %mul3A_24 : i32
      %add3A_26 = arith.constant 0 : i32
      %add3A_27 = arith.addi %mul3A_25, %add3A_26 : i32
      %dma_start3A = arith.constant 0 : i32
      %dma_start3A_28 = tpu.memref_slice %arg17[%add3A_27, %dma_start3A] : memref<125x80xi32, #tpu.memory_space<vmem>> -> memref<1x80xi32, #tpu.memory_space<vmem>>
      %dma_start3A_29 = tpu.memref_squeeze %dma_start3A_28 : memref<1x80xi32, #tpu.memory_space<vmem>> -> memref<80xi32, #tpu.memory_space<vmem>>
      %dma_start3A_30 = arith.constant 0 : i32
      %dma_start3A_31 = arith.constant 0 : i32
      %dma_start3A_32 = tpu.memref_slice %arg2[%dma_start3A_30, %dma_start3A_31] : memref<10000x16xf32, #tpu.memory_space<hbm>> -> memref<10000x16xf32, #tpu.memory_space<hbm>>
      tpu.enqueue_indirect_dma source(%dma_start3A_32 : memref<10000x16xf32, #tpu.memory_space<hbm>>) target(%arg12 : memref<80x16xf32, #tpu.memory_space<vmem>>) offsets(%dma_start3A_29 : memref<80xi32, #tpu.memory_space<vmem>>) semaphore(%arg7 : memref<!tpu.dma_semaphore, #tpu.memory_space<semaphore_mem>>)
      %add3A_33 = arith.constant 1 : i32
      %add3A_34 = arith.addi %mul3A_25, %add3A_33 : i32
      %dma_start3A_35 = arith.constant 0 : i32
      %dma_start3A_36 = tpu.memref_slice %arg17[%add3A_34, %dma_start3A_35] : memref<125x80xi32, #tpu.memory_space<vmem>> -> memref<1x80xi32, #tpu.memory_space<vmem>>
      %dma_start3A_37 = tpu.memref_squeeze %dma_start3A_36 : memref<1x80xi32, #tpu.memory_space<vmem>> -> memref<80xi32, #tpu.memory_space<vmem>>
      %dma_start3A_38 = arith.constant 0 : i32
      %dma_start3A_39 = arith.constant 0 : i32
      %dma_start3A_40 = tpu.memref_slice %arg2[%dma_start3A_38, %dma_start3A_39] : memref<10000x16xf32, #tpu.memory_space<hbm>> -> memref<10000x16xf32, #tpu.memory_space<hbm>>
      tpu.enqueue_indirect_dma source(%dma_start3A_40 : memref<10000x16xf32, #tpu.memory_space<hbm>>) target(%arg13 : memref<80x16xf32, #tpu.memory_space<vmem>>) offsets(%dma_start3A_37 : memref<80xi32, #tpu.memory_space<vmem>>) semaphore(%arg8 : memref<!tpu.dma_semaphore, #tpu.memory_space<semaphore_mem>>)
      %add3A_41 = arith.constant 2 : i32
      %add3A_42 = arith.addi %mul3A_25, %add3A_41 : i32
      %dma_start3A_43 = arith.constant 0 : i32
      %dma_start3A_44 = tpu.memref_slice %arg17[%add3A_42, %dma_start3A_43] : memref<125x80xi32, #tpu.memory_space<vmem>> -> memref<1x80xi32, #tpu.memory_space<vmem>>
      %dma_start3A_45 = tpu.memref_squeeze %dma_start3A_44 : memref<1x80xi32, #tpu.memory_space<vmem>> -> memref<80xi32, #tpu.memory_space<vmem>>
      %dma_start3A_46 = arith.constant 0 : i32
      %dma_start3A_47 = arith.constant 0 : i32
      %dma_start3A_48 = tpu.memref_slice %arg2[%dma_start3A_46, %dma_start3A_47] : memref<10000x16xf32, #tpu.memory_space<hbm>> -> memref<10000x16xf32, #tpu.memory_space<hbm>>
      tpu.enqueue_indirect_dma source(%dma_start3A_48 : memref<10000x16xf32, #tpu.memory_space<hbm>>) target(%arg14 : memref<80x16xf32, #tpu.memory_space<vmem>>) offsets(%dma_start3A_45 : memref<80xi32, #tpu.memory_space<vmem>>) semaphore(%arg9 : memref<!tpu.dma_semaphore, #tpu.memory_space<semaphore_mem>>)
      %add3A_49 = arith.constant 3 : i32
      %add3A_50 = arith.addi %mul3A_25, %add3A_49 : i32
      %dma_start3A_51 = arith.constant 0 : i32
      %dma_start3A_52 = tpu.memref_slice %arg17[%add3A_50, %dma_start3A_51] : memref<125x80xi32, #tpu.memory_space<vmem>> -> memref<1x80xi32, #tpu.memory_space<vmem>>
      %dma_start3A_53 = tpu.memref_squeeze %dma_start3A_52 : memref<1x80xi32, #tpu.memory_space<vmem>> -> memref<80xi32, #tpu.memory_space<vmem>>
      %dma_start3A_54 = arith.constant 0 : i32
      %dma_start3A_55 = arith.constant 0 : i32
      %dma_start3A_56 = tpu.memref_slice %arg2[%dma_start3A_54, %dma_start3A_55] : memref<10000x16xf32, #tpu.memory_space<hbm>> -> memref<10000x16xf32, #tpu.memory_space<hbm>>
      tpu.enqueue_indirect_dma source(%dma_start3A_56 : memref<10000x16xf32, #tpu.memory_space<hbm>>) target(%arg15 : memref<80x16xf32, #tpu.memory_space<vmem>>) offsets(%dma_start3A_53 : memref<80xi32, #tpu.memory_space<vmem>>) semaphore(%arg10 : memref<!tpu.dma_semaphore, #tpu.memory_space<semaphore_mem>>)
      %add3A_57 = arith.constant 4 : i32
      %add3A_58 = arith.addi %mul3A_25, %add3A_57 : i32
      %dma_start3A_59 = arith.constant 0 : i32
      %dma_start3A_60 = tpu.memref_slice %arg17[%add3A_58, %dma_start3A_59] : memref<125x80xi32, #tpu.memory_space<vmem>> -> memref<1x80xi32, #tpu.memory_space<vmem>>
      %dma_start3A_61 = tpu.memref_squeeze %dma_start3A_60 : memref<1x80xi32, #tpu.memory_space<vmem>> -> memref<80xi32, #tpu.memory_space<vmem>>
      %dma_start3A_62 = arith.constant 0 : i32
      %dma_start3A_63 = arith.constant 0 : i32
      %dma_start3A_64 = tpu.memref_slice %arg2[%dma_start3A_62, %dma_start3A_63] : memref<10000x16xf32, #tpu.memory_space<hbm>> -> memref<10000x16xf32, #tpu.memory_space<hbm>>
      tpu.enqueue_indirect_dma source(%dma_start3A_64 : memref<10000x16xf32, #tpu.memory_space<hbm>>) target(%arg16 : memref<80x16xf32, #tpu.memory_space<vmem>>) offsets(%dma_start3A_61 : memref<80xi32, #tpu.memory_space<vmem>>) semaphore(%arg11 : memref<!tpu.dma_semaphore, #tpu.memory_space<semaphore_mem>>)
      %dma_wait3A = arith.constant 0 : i32
      %dma_wait3A_65 = tpu.memref_slice %arg17[%add3A_27, %dma_wait3A] : memref<125x80xi32, #tpu.memory_space<vmem>> -> memref<1x80xi32, #tpu.memory_space<vmem>>
      %dma_wait3A_66 = tpu.memref_squeeze %dma_wait3A_65 : memref<1x80xi32, #tpu.memory_space<vmem>> -> memref<80xi32, #tpu.memory_space<vmem>>
      %dma_wait3A_67 = arith.constant 0 : i32
      %dma_wait3A_68 = arith.constant 0 : i32
      %dma_wait3A_69 = tpu.memref_slice %arg2[%dma_wait3A_67, %dma_wait3A_68] : memref<10000x16xf32, #tpu.memory_space<hbm>> -> memref<10000x16xf32, #tpu.memory_space<hbm>>
      tpu.wait_indirect_dma semaphore(%arg7 : memref<!tpu.dma_semaphore, #tpu.memory_space<semaphore_mem>>) src(%dma_wait3A_69 : memref<10000x16xf32, #tpu.memory_space<hbm>>) dst(%arg12 : memref<80x16xf32, #tpu.memory_space<vmem>>)
      %add3A_70 = arith.constant 0 : i32
      %add3A_71 = arith.addi %mul3A_25, %add3A_70 : i32
      %dma_start3A_72 = arith.constant 0 : i32
      %dma_start3A_73 = tpu.memref_slice %arg6[%add3A_71, %dma_start3A_72] : memref<125x80xi32, #tpu.memory_space<vmem>> -> memref<1x80xi32, #tpu.memory_space<vmem>>
      %dma_start3A_74 = tpu.memref_squeeze %dma_start3A_73 : memref<1x80xi32, #tpu.memory_space<vmem>> -> memref<80xi32, #tpu.memory_space<vmem>>
      %dma_start3A_75 = arith.constant 0 : i32
      %dma_start3A_76 = arith.constant 0 : i32
      %dma_start3A_77 = tpu.memref_slice %arg5[%dma_start3A_75, %dma_start3A_76] : memref<10000x16xf32, #tpu.memory_space<vmem_shared>> -> memref<10000x16xf32, #tpu.memory_space<vmem_shared>>
      tpu.enqueue_indirect_dma source(%arg12 : memref<80x16xf32, #tpu.memory_space<vmem>>) target(%dma_start3A_77 : memref<10000x16xf32, #tpu.memory_space<vmem_shared>>) offsets(%dma_start3A_74 : memref<80xi32, #tpu.memory_space<vmem>>) semaphore(%arg18 : memref<!tpu.dma_semaphore, #tpu.memory_space<semaphore_mem>>) {add = true}
      %dma_wait3A_78 = arith.constant 0 : i32
      %dma_wait3A_79 = tpu.memref_slice %arg17[%add3A_34, %dma_wait3A_78] : memref<125x80xi32, #tpu.memory_space<vmem>> -> memref<1x80xi32, #tpu.memory_space<vmem>>
      %dma_wait3A_80 = tpu.memref_squeeze %dma_wait3A_79 : memref<1x80xi32, #tpu.memory_space<vmem>> -> memref<80xi32, #tpu.memory_space<vmem>>
      %dma_wait3A_81 = arith.constant 0 : i32
      %dma_wait3A_82 = arith.constant 0 : i32
      %dma_wait3A_83 = tpu.memref_slice %arg2[%dma_wait3A_81, %dma_wait3A_82] : memref<10000x16xf32, #tpu.memory_space<hbm>> -> memref<10000x16xf32, #tpu.memory_space<hbm>>
      tpu.wait_indirect_dma semaphore(%arg8 : memref<!tpu.dma_semaphore, #tpu.memory_space<semaphore_mem>>) src(%dma_wait3A_83 : memref<10000x16xf32, #tpu.memory_space<hbm>>) dst(%arg13 : memref<80x16xf32, #tpu.memory_space<vmem>>)
      %add3A_84 = arith.constant 1 : i32
      %add3A_85 = arith.addi %mul3A_25, %add3A_84 : i32
      %dma_start3A_86 = arith.constant 0 : i32
      %dma_start3A_87 = tpu.memref_slice %arg6[%add3A_85, %dma_start3A_86] : memref<125x80xi32, #tpu.memory_space<vmem>> -> memref<1x80xi32, #tpu.memory_space<vmem>>
      %dma_start3A_88 = tpu.memref_squeeze %dma_start3A_87 : memref<1x80xi32, #tpu.memory_space<vmem>> -> memref<80xi32, #tpu.memory_space<vmem>>
      %dma_start3A_89 = arith.constant 0 : i32
      %dma_start3A_90 = arith.constant 0 : i32
      %dma_start3A_91 = tpu.memref_slice %arg5[%dma_start3A_89, %dma_start3A_90] : memref<10000x16xf32, #tpu.memory_space<vmem_shared>> -> memref<10000x16xf32, #tpu.memory_space<vmem_shared>>
      tpu.enqueue_indirect_dma source(%arg13 : memref<80x16xf32, #tpu.memory_space<vmem>>) target(%dma_start3A_91 : memref<10000x16xf32, #tpu.memory_space<vmem_shared>>) offsets(%dma_start3A_88 : memref<80xi32, #tpu.memory_space<vmem>>) semaphore(%arg19 : memref<!tpu.dma_semaphore, #tpu.memory_space<semaphore_mem>>) {add = true}
      %dma_wait3A_92 = arith.constant 0 : i32
      %dma_wait3A_93 = tpu.memref_slice %arg17[%add3A_42, %dma_wait3A_92] : memref<125x80xi32, #tpu.memory_space<vmem>> -> memref<1x80xi32, #tpu.memory_space<vmem>>
      %dma_wait3A_94 = tpu.memref_squeeze %dma_wait3A_93 : memref<1x80xi32, #tpu.memory_space<vmem>> -> memref<80xi32, #tpu.memory_space<vmem>>
      %dma_wait3A_95 = arith.constant 0 : i32
      %dma_wait3A_96 = arith.constant 0 : i32
      %dma_wait3A_97 = tpu.memref_slice %arg2[%dma_wait3A_95, %dma_wait3A_96] : memref<10000x16xf32, #tpu.memory_space<hbm>> -> memref<10000x16xf32, #tpu.memory_space<hbm>>
      tpu.wait_indirect_dma semaphore(%arg9 : memref<!tpu.dma_semaphore, #tpu.memory_space<semaphore_mem>>) src(%dma_wait3A_97 : memref<10000x16xf32, #tpu.memory_space<hbm>>) dst(%arg14 : memref<80x16xf32, #tpu.memory_space<vmem>>)
      %add3A_98 = arith.constant 2 : i32
      %add3A_99 = arith.addi %mul3A_25, %add3A_98 : i32
      %dma_start3A_100 = arith.constant 0 : i32
      %dma_start3A_101 = tpu.memref_slice %arg6[%add3A_99, %dma_start3A_100] : memref<125x80xi32, #tpu.memory_space<vmem>> -> memref<1x80xi32, #tpu.memory_space<vmem>>
      %dma_start3A_102 = tpu.memref_squeeze %dma_start3A_101 : memref<1x80xi32, #tpu.memory_space<vmem>> -> memref<80xi32, #tpu.memory_space<vmem>>
      %dma_start3A_103 = arith.constant 0 : i32
      %dma_start3A_104 = arith.constant 0 : i32
      %dma_start3A_105 = tpu.memref_slice %arg5[%dma_start3A_103, %dma_start3A_104] : memref<10000x16xf32, #tpu.memory_space<vmem_shared>> -> memref<10000x16xf32, #tpu.memory_space<vmem_shared>>
      tpu.enqueue_indirect_dma source(%arg14 : memref<80x16xf32, #tpu.memory_space<vmem>>) target(%dma_start3A_105 : memref<10000x16xf32, #tpu.memory_space<vmem_shared>>) offsets(%dma_start3A_102 : memref<80xi32, #tpu.memory_space<vmem>>) semaphore(%arg20 : memref<!tpu.dma_semaphore, #tpu.memory_space<semaphore_mem>>) {add = true}
      %dma_wait3A_106 = arith.constant 0 : i32
      %dma_wait3A_107 = tpu.memref_slice %arg17[%add3A_50, %dma_wait3A_106] : memref<125x80xi32, #tpu.memory_space<vmem>> -> memref<1x80xi32, #tpu.memory_space<vmem>>
      %dma_wait3A_108 = tpu.memref_squeeze %dma_wait3A_107 : memref<1x80xi32, #tpu.memory_space<vmem>> -> memref<80xi32, #tpu.memory_space<vmem>>
      %dma_wait3A_109 = arith.constant 0 : i32
      %dma_wait3A_110 = arith.constant 0 : i32
      %dma_wait3A_111 = tpu.memref_slice %arg2[%dma_wait3A_109, %dma_wait3A_110] : memref<10000x16xf32, #tpu.memory_space<hbm>> -> memref<10000x16xf32, #tpu.memory_space<hbm>>
      tpu.wait_indirect_dma semaphore(%arg10 : memref<!tpu.dma_semaphore, #tpu.memory_space<semaphore_mem>>) src(%dma_wait3A_111 : memref<10000x16xf32, #tpu.memory_space<hbm>>) dst(%arg15 : memref<80x16xf32, #tpu.memory_space<vmem>>)
      %add3A_112 = arith.constant 3 : i32
      %add3A_113 = arith.addi %mul3A_25, %add3A_112 : i32
      %dma_start3A_114 = arith.constant 0 : i32
      %dma_start3A_115 = tpu.memref_slice %arg6[%add3A_113, %dma_start3A_114] : memref<125x80xi32, #tpu.memory_space<vmem>> -> memref<1x80xi32, #tpu.memory_space<vmem>>
      %dma_start3A_116 = tpu.memref_squeeze %dma_start3A_115 : memref<1x80xi32, #tpu.memory_space<vmem>> -> memref<80xi32, #tpu.memory_space<vmem>>
      %dma_start3A_117 = arith.constant 0 : i32
      %dma_start3A_118 = arith.constant 0 : i32
      %dma_start3A_119 = tpu.memref_slice %arg5[%dma_start3A_117, %dma_start3A_118] : memref<10000x16xf32, #tpu.memory_space<vmem_shared>> -> memref<10000x16xf32, #tpu.memory_space<vmem_shared>>
      tpu.enqueue_indirect_dma source(%arg15 : memref<80x16xf32, #tpu.memory_space<vmem>>) target(%dma_start3A_119 : memref<10000x16xf32, #tpu.memory_space<vmem_shared>>) offsets(%dma_start3A_116 : memref<80xi32, #tpu.memory_space<vmem>>) semaphore(%arg21 : memref<!tpu.dma_semaphore, #tpu.memory_space<semaphore_mem>>) {add = true}
      %dma_wait3A_120 = arith.constant 0 : i32
      %dma_wait3A_121 = tpu.memref_slice %arg17[%add3A_58, %dma_wait3A_120] : memref<125x80xi32, #tpu.memory_space<vmem>> -> memref<1x80xi32, #tpu.memory_space<vmem>>
      %dma_wait3A_122 = tpu.memref_squeeze %dma_wait3A_121 : memref<1x80xi32, #tpu.memory_space<vmem>> -> memref<80xi32, #tpu.memory_space<vmem>>
      %dma_wait3A_123 = arith.constant 0 : i32
      %dma_wait3A_124 = arith.constant 0 : i32
      %dma_wait3A_125 = tpu.memref_slice %arg2[%dma_wait3A_123, %dma_wait3A_124] : memref<10000x16xf32, #tpu.memory_space<hbm>> -> memref<10000x16xf32, #tpu.memory_space<hbm>>
      tpu.wait_indirect_dma semaphore(%arg11 : memref<!tpu.dma_semaphore, #tpu.memory_space<semaphore_mem>>) src(%dma_wait3A_125 : memref<10000x16xf32, #tpu.memory_space<hbm>>) dst(%arg16 : memref<80x16xf32, #tpu.memory_space<vmem>>)
      %add3A_126 = arith.constant 4 : i32
      %add3A_127 = arith.addi %mul3A_25, %add3A_126 : i32
      %dma_start3A_128 = arith.constant 0 : i32
      %dma_start3A_129 = tpu.memref_slice %arg6[%add3A_127, %dma_start3A_128] : memref<125x80xi32, #tpu.memory_space<vmem>> -> memref<1x80xi32, #tpu.memory_space<vmem>>
      %dma_start3A_130 = tpu.memref_squeeze %dma_start3A_129 : memref<1x80xi32, #tpu.memory_space<vmem>> -> memref<80xi32, #tpu.memory_space<vmem>>
      %dma_start3A_131 = arith.constant 0 : i32
      %dma_start3A_132 = arith.constant 0 : i32
      %dma_start3A_133 = tpu.memref_slice %arg5[%dma_start3A_131, %dma_start3A_132] : memref<10000x16xf32, #tpu.memory_space<vmem_shared>> -> memref<10000x16xf32, #tpu.memory_space<vmem_shared>>
      tpu.enqueue_indirect_dma source(%arg16 : memref<80x16xf32, #tpu.memory_space<vmem>>) target(%dma_start3A_133 : memref<10000x16xf32, #tpu.memory_space<vmem_shared>>) offsets(%dma_start3A_130 : memref<80xi32, #tpu.memory_space<vmem>>) semaphore(%arg22 : memref<!tpu.dma_semaphore, #tpu.memory_space<semaphore_mem>>) {add = true}
      %dma_wait3A_134 = arith.constant 0 : i32
      %dma_wait3A_135 = tpu.memref_slice %arg6[%add3A_71, %dma_wait3A_134] : memref<125x80xi32, #tpu.memory_space<vmem>> -> memref<1x80xi32, #tpu.memory_space<vmem>>
      %dma_wait3A_136 = tpu.memref_squeeze %dma_wait3A_135 : memref<1x80xi32, #tpu.memory_space<vmem>> -> memref<80xi32, #tpu.memory_space<vmem>>
      %dma_wait3A_137 = arith.constant 0 : i32
      %dma_wait3A_138 = arith.constant 0 : i32
      %dma_wait3A_139 = tpu.memref_slice %arg5[%dma_wait3A_137, %dma_wait3A_138] : memref<10000x16xf32, #tpu.memory_space<vmem_shared>> -> memref<10000x16xf32, #tpu.memory_space<vmem_shared>>
      tpu.wait_indirect_dma semaphore(%arg18 : memref<!tpu.dma_semaphore, #tpu.memory_space<semaphore_mem>>) src(%arg12 : memref<80x16xf32, #tpu.memory_space<vmem>>) dst(%dma_wait3A_139 : memref<10000x16xf32, #tpu.memory_space<vmem_shared>>)
      %dma_wait3A_140 = arith.constant 0 : i32
      %dma_wait3A_141 = tpu.memref_slice %arg6[%add3A_85, %dma_wait3A_140] : memref<125x80xi32, #tpu.memory_space<vmem>> -> memref<1x80xi32, #tpu.memory_space<vmem>>
      %dma_wait3A_142 = tpu.memref_squeeze %dma_wait3A_141 : memref<1x80xi32, #tpu.memory_space<vmem>> -> memref<80xi32, #tpu.memory_space<vmem>>
      %dma_wait3A_143 = arith.constant 0 : i32
      %dma_wait3A_144 = arith.constant 0 : i32
      %dma_wait3A_145 = tpu.memref_slice %arg5[%dma_wait3A_143, %dma_wait3A_144] : memref<10000x16xf32, #tpu.memory_space<vmem_shared>> -> memref<10000x16xf32, #tpu.memory_space<vmem_shared>>
      tpu.wait_indirect_dma semaphore(%arg19 : memref<!tpu.dma_semaphore, #tpu.memory_space<semaphore_mem>>) src(%arg13 : memref<80x16xf32, #tpu.memory_space<vmem>>) dst(%dma_wait3A_145 : memref<10000x16xf32, #tpu.memory_space<vmem_shared>>)
      %dma_wait3A_146 = arith.constant 0 : i32
      %dma_wait3A_147 = tpu.memref_slice %arg6[%add3A_99, %dma_wait3A_146] : memref<125x80xi32, #tpu.memory_space<vmem>> -> memref<1x80xi32, #tpu.memory_space<vmem>>
      %dma_wait3A_148 = tpu.memref_squeeze %dma_wait3A_147 : memref<1x80xi32, #tpu.memory_space<vmem>> -> memref<80xi32, #tpu.memory_space<vmem>>
      %dma_wait3A_149 = arith.constant 0 : i32
      %dma_wait3A_150 = arith.constant 0 : i32
      %dma_wait3A_151 = tpu.memref_slice %arg5[%dma_wait3A_149, %dma_wait3A_150] : memref<10000x16xf32, #tpu.memory_space<vmem_shared>> -> memref<10000x16xf32, #tpu.memory_space<vmem_shared>>
      tpu.wait_indirect_dma semaphore(%arg20 : memref<!tpu.dma_semaphore, #tpu.memory_space<semaphore_mem>>) src(%arg14 : memref<80x16xf32, #tpu.memory_space<vmem>>) dst(%dma_wait3A_151 : memref<10000x16xf32, #tpu.memory_space<vmem_shared>>)
      %dma_wait3A_152 = arith.constant 0 : i32
      %dma_wait3A_153 = tpu.memref_slice %arg6[%add3A_113, %dma_wait3A_152] : memref<125x80xi32, #tpu.memory_space<vmem>> -> memref<1x80xi32, #tpu.memory_space<vmem>>
      %dma_wait3A_154 = tpu.memref_squeeze %dma_wait3A_153 : memref<1x80xi32, #tpu.memory_space<vmem>> -> memref<80xi32, #tpu.memory_space<vmem>>
      %dma_wait3A_155 = arith.constant 0 : i32
      %dma_wait3A_156 = arith.constant 0 : i32
      %dma_wait3A_157 = tpu.memref_slice %arg5[%dma_wait3A_155, %dma_wait3A_156] : memref<10000x16xf32, #tpu.memory_space<vmem_shared>> -> memref<10000x16xf32, #tpu.memory_space<vmem_shared>>
      tpu.wait_indirect_dma semaphore(%arg21 : memref<!tpu.dma_semaphore, #tpu.memory_space<semaphore_mem>>) src(%arg15 : memref<80x16xf32, #tpu.memory_space<vmem>>) dst(%dma_wait3A_157 : memref<10000x16xf32, #tpu.memory_space<vmem_shared>>)
      %dma_wait3A_158 = arith.constant 0 : i32
      %dma_wait3A_159 = tpu.memref_slice %arg6[%add3A_127, %dma_wait3A_158] : memref<125x80xi32, #tpu.memory_space<vmem>> -> memref<1x80xi32, #tpu.memory_space<vmem>>
      %dma_wait3A_160 = tpu.memref_squeeze %dma_wait3A_159 : memref<1x80xi32, #tpu.memory_space<vmem>> -> memref<80xi32, #tpu.memory_space<vmem>>
      %dma_wait3A_161 = arith.constant 0 : i32
      %dma_wait3A_162 = arith.constant 0 : i32
      %dma_wait3A_163 = tpu.memref_slice %arg5[%dma_wait3A_161, %dma_wait3A_162] : memref<10000x16xf32, #tpu.memory_space<vmem_shared>> -> memref<10000x16xf32, #tpu.memory_space<vmem_shared>>
      tpu.wait_indirect_dma semaphore(%arg22 : memref<!tpu.dma_semaphore, #tpu.memory_space<semaphore_mem>>) src(%arg16 : memref<80x16xf32, #tpu.memory_space<vmem>>) dst(%dma_wait3A_163 : memref<10000x16xf32, #tpu.memory_space<vmem_shared>>)
      %scan3A_164 = arith.constant 0 : i32
      scf.yield %scan3A_164 : i32
    }
    %scan3A_18 = arith.constant 25 : i32
    %barrier3A_19 = arith.constant 0 : index
    tpu.barrier barrier_id(%barrier3A_19)
    %add3A_20 = arith.constant 0 : i32
    %add3A_21 = arith.addi %mul3A_3, %add3A_20 : i32
    "tpu.region"() ({
      %run_scoped3A_22 = tpu.sem_alloc : memref<!tpu.dma_semaphore, #tpu.memory_space<semaphore_mem>>
      %dma_start3A = arith.constant 0 : i32
      %dma_start3A_23 = tpu.memref_slice %arg4[%arg0, %add3A_21, %dma_start3A] : memref<2x10000x8xf32, #tpu.memory_space<hbm>> -> memref<1x625x8xf32, #tpu.memory_space<hbm>>
      %dma_start3A_24 = tpu.memref_squeeze %dma_start3A_23 : memref<1x625x8xf32, #tpu.memory_space<hbm>> -> memref<625x8xf32, #tpu.memory_space<hbm>>
      %dma_start3A_25 = arith.constant 0 : i32
      %dma_start3A_26 = tpu.memref_slice %arg5[%add3A_21, %dma_start3A_25] : memref<10000x16xf32, #tpu.memory_space<vmem_shared>> -> memref<625x8xf32, #tpu.memory_space<vmem_shared>>
      tpu.enqueue_dma source(%dma_start3A_26 : memref<625x8xf32, #tpu.memory_space<vmem_shared>>) target(%dma_start3A_24 : memref<625x8xf32, #tpu.memory_space<hbm>>) target_semaphore(%run_scoped3A_22 : memref<!tpu.dma_semaphore, #tpu.memory_space<semaphore_mem>>)
      %dma_wait3A = arith.constant 0 : i32
      %dma_wait3A_27 = tpu.memref_slice %arg4[%arg0, %add3A_21, %dma_wait3A] : memref<2x10000x8xf32, #tpu.memory_space<hbm>> -> memref<1x625x8xf32, #tpu.memory_space<hbm>>
      %dma_wait3A_28 = tpu.memref_squeeze %dma_wait3A_27 : memref<1x625x8xf32, #tpu.memory_space<hbm>> -> memref<625x8xf32, #tpu.memory_space<hbm>>
      %dma_wait3A_29 = arith.constant 0 : i32
      %dma_wait3A_30 = tpu.memref_slice %arg5[%add3A_21, %dma_wait3A_29] : memref<10000x16xf32, #tpu.memory_space<vmem_shared>> -> memref<625x8xf32, #tpu.memory_space<vmem_shared>>
      tpu.wait_dma2 semaphore(%run_scoped3A_22 : memref<!tpu.dma_semaphore, #tpu.memory_space<semaphore_mem>>) src(%dma_wait3A_30 : memref<625x8xf32, #tpu.memory_space<vmem_shared>>) dst(%dma_wait3A_28 : memref<625x8xf32, #tpu.memory_space<hbm>>)
      tpu.yield
    }) : () -> ()
    return
  }
}

#map = affine_map<(d0, d1) -> (0, 0)>
#map1 = affine_map<(d0, d1) -> (0, 0, 0)>
module attributes {stable_mosaic.version = 14 : i64} {
  func.func @body(%arg0: i32, %arg1: i32, %arg2: memref<10000x64xf32, #tpu.memory_space<hbm>>, %arg3: memref<10000x64xf32, #tpu.memory_space<hbm>>, %arg4: memref<16x500x40xi32, #tpu.memory_space<hbm>>, %arg5: memref<16x500x40xi32, #tpu.memory_space<hbm>>, %arg6: memref<10000x128xf32, #tpu.memory_space<hbm>>, %arg7: memref<10000x64xf32, #tpu.memory_space<vmem_shared>>, %arg8: memref<500x40xi32, #tpu.memory_space<vmem>>, %arg9: memref<!tpu.dma_semaphore, #tpu.memory_space<semaphore_mem>>, %arg10: memref<!tpu.dma_semaphore, #tpu.memory_space<semaphore_mem>>, %arg11: memref<!tpu.dma_semaphore, #tpu.memory_space<semaphore_mem>>, %arg12: memref<!tpu.dma_semaphore, #tpu.memory_space<semaphore_mem>>, %arg13: memref<!tpu.dma_semaphore, #tpu.memory_space<semaphore_mem>>, %arg14: memref<!tpu.dma_semaphore, #tpu.memory_space<semaphore_mem>>, %arg15: memref<!tpu.dma_semaphore, #tpu.memory_space<semaphore_mem>>, %arg16: memref<!tpu.dma_semaphore, #tpu.memory_space<semaphore_mem>>, %arg17: memref<!tpu.dma_semaphore, #tpu.memory_space<semaphore_mem>>, %arg18: memref<!tpu.dma_semaphore, #tpu.memory_space<semaphore_mem>>, %arg19: memref<40x64xf32, #tpu.memory_space<vmem>>, %arg20: memref<40x64xf32, #tpu.memory_space<vmem>>, %arg21: memref<40x64xf32, #tpu.memory_space<vmem>>, %arg22: memref<40x64xf32, #tpu.memory_space<vmem>>, %arg23: memref<40x64xf32, #tpu.memory_space<vmem>>, %arg24: memref<40x64xf32, #tpu.memory_space<vmem>>, %arg25: memref<40x64xf32, #tpu.memory_space<vmem>>, %arg26: memref<40x64xf32, #tpu.memory_space<vmem>>, %arg27: memref<40x64xf32, #tpu.memory_space<vmem>>, %arg28: memref<40x64xf32, #tpu.memory_space<vmem>>, %arg29: memref<500x40xi32, #tpu.memory_space<vmem>>, %arg30: memref<!tpu.dma_semaphore, #tpu.memory_space<semaphore_mem>>, %arg31: memref<!tpu.dma_semaphore, #tpu.memory_space<semaphore_mem>>, %arg32: memref<!tpu.dma_semaphore, #tpu.memory_space<semaphore_mem>>, %arg33: memref<!tpu.dma_semaphore, #tpu.memory_space<semaphore_mem>>, %arg34: memref<!tpu.dma_semaphore, #tpu.memory_space<semaphore_mem>>, %arg35: memref<!tpu.dma_semaphore, #tpu.memory_space<semaphore_mem>>, %arg36: memref<!tpu.dma_semaphore, #tpu.memory_space<semaphore_mem>>, %arg37: memref<!tpu.dma_semaphore, #tpu.memory_space<semaphore_mem>>, %arg38: memref<!tpu.dma_semaphore, #tpu.memory_space<semaphore_mem>>, %arg39: memref<!tpu.dma_semaphore, #tpu.memory_space<semaphore_mem>>, %arg40: memref<125x64xf32, #tpu.memory_space<vmem>>) attributes {dimension_semantics = [#tpu.dimension_semantics<core_parallel>, #tpu.dimension_semantics<subcore_parallel>], iteration_bounds = array<i64: 2, 16>, scalar_prefetch = 0 : i64, scratch_operands = 34 : i64, tpu.core_type = #tpu.core_type<sc_vector_subcore>, window_params = [{transform_indices = #map}, {transform_indices = #map}, {transform_indices = #map1}, {transform_indices = #map1}, {transform_indices = #map}]} {
    "tpu.region"() ({
      %run_scoped3A = tpu.sem_alloc : memref<!tpu.dma_semaphore, #tpu.memory_space<semaphore_mem>>
      %dma_start3A = arith.constant 0 : i32
      %dma_start3A_44 = arith.constant 0 : i32
      %dma_start3A_45 = tpu.memref_slice %arg4[%arg1, %dma_start3A, %dma_start3A_44] : memref<16x500x40xi32, #tpu.memory_space<hbm>> -> memref<1x500x40xi32, #tpu.memory_space<hbm>>
      %dma_start3A_46 = tpu.memref_squeeze %dma_start3A_45 : memref<1x500x40xi32, #tpu.memory_space<hbm>> -> memref<500x40xi32, #tpu.memory_space<hbm>>
      %dma_start3A_47 = arith.constant 0 : i32
      %dma_start3A_48 = arith.constant 0 : i32
      %dma_start3A_49 = tpu.memref_slice %arg4[%arg1, %dma_start3A_47, %dma_start3A_48] : memref<16x500x40xi32, #tpu.memory_space<hbm>> -> memref<1x500x40xi32, #tpu.memory_space<hbm>>
      %dma_start3A_50 = tpu.memref_squeeze %dma_start3A_49 : memref<1x500x40xi32, #tpu.memory_space<hbm>> -> memref<500x40xi32, #tpu.memory_space<hbm>>
      tpu.enqueue_dma source(%dma_start3A_50 : memref<500x40xi32, #tpu.memory_space<hbm>>) target(%arg29 : memref<500x40xi32, #tpu.memory_space<vmem>>) target_semaphore(%run_scoped3A : memref<!tpu.dma_semaphore, #tpu.memory_space<semaphore_mem>>)
      %dma_wait3A = arith.constant 0 : i32
      %dma_wait3A_51 = arith.constant 0 : i32
      %dma_wait3A_52 = tpu.memref_slice %arg4[%arg1, %dma_wait3A, %dma_wait3A_51] : memref<16x500x40xi32, #tpu.memory_space<hbm>> -> memref<1x500x40xi32, #tpu.memory_space<hbm>>
      %dma_wait3A_53 = tpu.memref_squeeze %dma_wait3A_52 : memref<1x500x40xi32, #tpu.memory_space<hbm>> -> memref<500x40xi32, #tpu.memory_space<hbm>>
      %dma_wait3A_54 = arith.constant 0 : i32
      %dma_wait3A_55 = arith.constant 0 : i32
      %dma_wait3A_56 = tpu.memref_slice %arg4[%arg1, %dma_wait3A_54, %dma_wait3A_55] : memref<16x500x40xi32, #tpu.memory_space<hbm>> -> memref<1x500x40xi32, #tpu.memory_space<hbm>>
      %dma_wait3A_57 = tpu.memref_squeeze %dma_wait3A_56 : memref<1x500x40xi32, #tpu.memory_space<hbm>> -> memref<500x40xi32, #tpu.memory_space<hbm>>
      tpu.wait_dma2 semaphore(%run_scoped3A : memref<!tpu.dma_semaphore, #tpu.memory_space<semaphore_mem>>) src(%dma_wait3A_57 : memref<500x40xi32, #tpu.memory_space<hbm>>) dst(%arg29 : memref<500x40xi32, #tpu.memory_space<vmem>>)
      tpu.yield
    }) : () -> ()
    "tpu.region"() ({
      %run_scoped3A = tpu.sem_alloc : memref<!tpu.dma_semaphore, #tpu.memory_space<semaphore_mem>>
      %dma_start3A = arith.constant 0 : i32
      %dma_start3A_44 = arith.constant 0 : i32
      %dma_start3A_45 = tpu.memref_slice %arg5[%arg1, %dma_start3A, %dma_start3A_44] : memref<16x500x40xi32, #tpu.memory_space<hbm>> -> memref<1x500x40xi32, #tpu.memory_space<hbm>>
      %dma_start3A_46 = tpu.memref_squeeze %dma_start3A_45 : memref<1x500x40xi32, #tpu.memory_space<hbm>> -> memref<500x40xi32, #tpu.memory_space<hbm>>
      %dma_start3A_47 = arith.constant 0 : i32
      %dma_start3A_48 = arith.constant 0 : i32
      %dma_start3A_49 = tpu.memref_slice %arg5[%arg1, %dma_start3A_47, %dma_start3A_48] : memref<16x500x40xi32, #tpu.memory_space<hbm>> -> memref<1x500x40xi32, #tpu.memory_space<hbm>>
      %dma_start3A_50 = tpu.memref_squeeze %dma_start3A_49 : memref<1x500x40xi32, #tpu.memory_space<hbm>> -> memref<500x40xi32, #tpu.memory_space<hbm>>
      tpu.enqueue_dma source(%dma_start3A_50 : memref<500x40xi32, #tpu.memory_space<hbm>>) target(%arg8 : memref<500x40xi32, #tpu.memory_space<vmem>>) target_semaphore(%run_scoped3A : memref<!tpu.dma_semaphore, #tpu.memory_space<semaphore_mem>>)
      %dma_wait3A = arith.constant 0 : i32
      %dma_wait3A_51 = arith.constant 0 : i32
      %dma_wait3A_52 = tpu.memref_slice %arg5[%arg1, %dma_wait3A, %dma_wait3A_51] : memref<16x500x40xi32, #tpu.memory_space<hbm>> -> memref<1x500x40xi32, #tpu.memory_space<hbm>>
      %dma_wait3A_53 = tpu.memref_squeeze %dma_wait3A_52 : memref<1x500x40xi32, #tpu.memory_space<hbm>> -> memref<500x40xi32, #tpu.memory_space<hbm>>
      %dma_wait3A_54 = arith.constant 0 : i32
      %dma_wait3A_55 = arith.constant 0 : i32
      %dma_wait3A_56 = tpu.memref_slice %arg5[%arg1, %dma_wait3A_54, %dma_wait3A_55] : memref<16x500x40xi32, #tpu.memory_space<hbm>> -> memref<1x500x40xi32, #tpu.memory_space<hbm>>
      %dma_wait3A_57 = tpu.memref_squeeze %dma_wait3A_56 : memref<1x500x40xi32, #tpu.memory_space<hbm>> -> memref<500x40xi32, #tpu.memory_space<hbm>>
      tpu.wait_dma2 semaphore(%run_scoped3A : memref<!tpu.dma_semaphore, #tpu.memory_space<semaphore_mem>>) src(%dma_wait3A_57 : memref<500x40xi32, #tpu.memory_space<hbm>>) dst(%arg8 : memref<500x40xi32, #tpu.memory_space<vmem>>)
      tpu.yield
    }) : () -> ()
    %mul3A = arith.constant 625 : i32
    %mul3A_0 = arith.muli %arg1, %mul3A : i32
    %scan3A = arith.constant 0 : i32
    %scan3A_1 = arith.constant 0 : i32
    %scan3A_2 = arith.constant 125 : i32
    %scan3A_3 = arith.addi %scan3A_1, %scan3A_2 : i32
    %scan3A_4 = arith.constant 1 : i32
    %scan3A_5 = scf.for %scan3A_44 = %scan3A_1 to %scan3A_3 step %scan3A_4 iter_args(%scan3A_45 = %scan3A) -> (i32)  : i32 {
      %scan3A_46 = arith.constant 0 : i32
      %scan3A_47 = arith.constant 0 : i32
      %scan3A_48 = arith.constant 4 : i32
      %scan3A_49 = arith.addi %scan3A_47, %scan3A_48 : i32
      %scan3A_50 = arith.constant 1 : i32
      %scan3A_51 = scf.for %scan3A_54 = %scan3A_47 to %scan3A_49 step %scan3A_50 iter_args(%scan3A_55 = %scan3A_46) -> (i32)  : i32 {
        %broadcast_in_dim3A = arith.constant 0.000000e+00 : f32
        %broadcast_in_dim3A_56 = vector.broadcast %broadcast_in_dim3A : f32 to vector<16xf32>
        %mul3A_57 = arith.constant 16 : i32
        %mul3A_58 = arith.muli %scan3A_54, %mul3A_57 : i32
        %swap3A = arith.index_cast %scan3A_44 : i32 to index
        %swap3A_59 = arith.index_cast %mul3A_58 : i32 to index
        %swap3A_60 = tpu.vector_load %arg40[%swap3A, %swap3A_59] {strides = array<i32>} : memref<125x64xf32, #tpu.memory_space<vmem>>, vector<1x16xf32>,
        %swap3A_61 = vector.shape_cast %swap3A_60 : vector<1x16xf32> to vector<16xf32>
        %swap3A_62 = vector.shape_cast %broadcast_in_dim3A_56 : vector<16xf32> to vector<1x16xf32>
        tpu.vector_store %arg40[%swap3A, %swap3A_59], %swap3A_62 {strides = array<i32>} : memref<125x64xf32, #tpu.memory_space<vmem>>, vector<1x16xf32>,
        %scan3A_63 = arith.constant 0 : i32
        scf.yield %scan3A_63 : i32
      }
      %scan3A_52 = arith.constant 4 : i32
      %scan3A_53 = arith.constant 0 : i32
      scf.yield %scan3A_53 : i32
    }
    %scan3A_6 = arith.constant 125 : i32
    %add3A = arith.constant 0 : i32
    %add3A_7 = arith.addi %mul3A_0, %add3A : i32
    "tpu.region"() ({
      %run_scoped3A = tpu.sem_alloc : memref<!tpu.dma_semaphore, #tpu.memory_space<semaphore_mem>>
      %dma_start3A = arith.constant 0 : i32
      %dma_start3A_44 = tpu.memref_slice %arg7[%add3A_7, %dma_start3A] : memref<10000x64xf32, #tpu.memory_space<vmem_shared>> -> memref<125x64xf32, #tpu.memory_space<vmem_shared>>
      %dma_start3A_45 = arith.constant 0 : i32
      %dma_start3A_46 = tpu.memref_slice %arg7[%add3A_7, %dma_start3A_45] : memref<10000x64xf32, #tpu.memory_space<vmem_shared>> -> memref<125x64xf32, #tpu.memory_space<vmem_shared>>
      tpu.enqueue_dma source(%arg40 : memref<125x64xf32, #tpu.memory_space<vmem>>) target(%dma_start3A_46 : memref<125x64xf32, #tpu.memory_space<vmem_shared>>) target_semaphore(%run_scoped3A : memref<!tpu.dma_semaphore, #tpu.memory_space<semaphore_mem>>)
      %dma_wait3A = arith.constant 0 : i32
      %dma_wait3A_47 = tpu.memref_slice %arg7[%add3A_7, %dma_wait3A] : memref<10000x64xf32, #tpu.memory_space<vmem_shared>> -> memref<125x64xf32, #tpu.memory_space<vmem_shared>>
      %dma_wait3A_48 = arith.constant 0 : i32
      %dma_wait3A_49 = tpu.memref_slice %arg7[%add3A_7, %dma_wait3A_48] : memref<10000x64xf32, #tpu.memory_space<vmem_shared>> -> memref<125x64xf32, #tpu.memory_space<vmem_shared>>
      tpu.wait_dma2 semaphore(%run_scoped3A : memref<!tpu.dma_semaphore, #tpu.memory_space<semaphore_mem>>) src(%arg40 : memref<125x64xf32, #tpu.memory_space<vmem>>) dst(%dma_wait3A_49 : memref<125x64xf32, #tpu.memory_space<vmem_shared>>)
      tpu.yield
    }) : () -> ()
    %add3A_8 = arith.constant 125 : i32
    %add3A_9 = arith.addi %mul3A_0, %add3A_8 : i32
    "tpu.region"() ({
      %run_scoped3A = tpu.sem_alloc : memref<!tpu.dma_semaphore, #tpu.memory_space<semaphore_mem>>
      %dma_start3A = arith.constant 0 : i32
      %dma_start3A_44 = tpu.memref_slice %arg7[%add3A_9, %dma_start3A] : memref<10000x64xf32, #tpu.memory_space<vmem_shared>> -> memref<125x64xf32, #tpu.memory_space<vmem_shared>>
      %dma_start3A_45 = arith.constant 0 : i32
      %dma_start3A_46 = tpu.memref_slice %arg7[%add3A_9, %dma_start3A_45] : memref<10000x64xf32, #tpu.memory_space<vmem_shared>> -> memref<125x64xf32, #tpu.memory_space<vmem_shared>>
      tpu.enqueue_dma source(%arg40 : memref<125x64xf32, #tpu.memory_space<vmem>>) target(%dma_start3A_46 : memref<125x64xf32, #tpu.memory_space<vmem_shared>>) target_semaphore(%run_scoped3A : memref<!tpu.dma_semaphore, #tpu.memory_space<semaphore_mem>>)
      %dma_wait3A = arith.constant 0 : i32
      %dma_wait3A_47 = tpu.memref_slice %arg7[%add3A_9, %dma_wait3A] : memref<10000x64xf32, #tpu.memory_space<vmem_shared>> -> memref<125x64xf32, #tpu.memory_space<vmem_shared>>
      %dma_wait3A_48 = arith.constant 0 : i32
      %dma_wait3A_49 = tpu.memref_slice %arg7[%add3A_9, %dma_wait3A_48] : memref<10000x64xf32, #tpu.memory_space<vmem_shared>> -> memref<125x64xf32, #tpu.memory_space<vmem_shared>>
      tpu.wait_dma2 semaphore(%run_scoped3A : memref<!tpu.dma_semaphore, #tpu.memory_space<semaphore_mem>>) src(%arg40 : memref<125x64xf32, #tpu.memory_space<vmem>>) dst(%dma_wait3A_49 : memref<125x64xf32, #tpu.memory_space<vmem_shared>>)
      tpu.yield
    }) : () -> ()
    %add3A_10 = arith.constant 250 : i32
    %add3A_11 = arith.addi %mul3A_0, %add3A_10 : i32
    "tpu.region"() ({
      %run_scoped3A = tpu.sem_alloc : memref<!tpu.dma_semaphore, #tpu.memory_space<semaphore_mem>>
      %dma_start3A = arith.constant 0 : i32
      %dma_start3A_44 = tpu.memref_slice %arg7[%add3A_11, %dma_start3A] : memref<10000x64xf32, #tpu.memory_space<vmem_shared>> -> memref<125x64xf32, #tpu.memory_space<vmem_shared>>
      %dma_start3A_45 = arith.constant 0 : i32
      %dma_start3A_46 = tpu.memref_slice %arg7[%add3A_11, %dma_start3A_45] : memref<10000x64xf32, #tpu.memory_space<vmem_shared>> -> memref<125x64xf32, #tpu.memory_space<vmem_shared>>
      tpu.enqueue_dma source(%arg40 : memref<125x64xf32, #tpu.memory_space<vmem>>) target(%dma_start3A_46 : memref<125x64xf32, #tpu.memory_space<vmem_shared>>) target_semaphore(%run_scoped3A : memref<!tpu.dma_semaphore, #tpu.memory_space<semaphore_mem>>)
      %dma_wait3A = arith.constant 0 : i32
      %dma_wait3A_47 = tpu.memref_slice %arg7[%add3A_11, %dma_wait3A] : memref<10000x64xf32, #tpu.memory_space<vmem_shared>> -> memref<125x64xf32, #tpu.memory_space<vmem_shared>>
      %dma_wait3A_48 = arith.constant 0 : i32
      %dma_wait3A_49 = tpu.memref_slice %arg7[%add3A_11, %dma_wait3A_48] : memref<10000x64xf32, #tpu.memory_space<vmem_shared>> -> memref<125x64xf32, #tpu.memory_space<vmem_shared>>
      tpu.wait_dma2 semaphore(%run_scoped3A : memref<!tpu.dma_semaphore, #tpu.memory_space<semaphore_mem>>) src(%arg40 : memref<125x64xf32, #tpu.memory_space<vmem>>) dst(%dma_wait3A_49 : memref<125x64xf32, #tpu.memory_space<vmem_shared>>)
      tpu.yield
    }) : () -> ()
    %add3A_12 = arith.constant 375 : i32
    %add3A_13 = arith.addi %mul3A_0, %add3A_12 : i32
    "tpu.region"() ({
      %run_scoped3A = tpu.sem_alloc : memref<!tpu.dma_semaphore, #tpu.memory_space<semaphore_mem>>
      %dma_start3A = arith.constant 0 : i32
      %dma_start3A_44 = tpu.memref_slice %arg7[%add3A_13, %dma_start3A] : memref<10000x64xf32, #tpu.memory_space<vmem_shared>> -> memref<125x64xf32, #tpu.memory_space<vmem_shared>>
      %dma_start3A_45 = arith.constant 0 : i32
      %dma_start3A_46 = tpu.memref_slice %arg7[%add3A_13, %dma_start3A_45] : memref<10000x64xf32, #tpu.memory_space<vmem_shared>> -> memref<125x64xf32, #tpu.memory_space<vmem_shared>>
      tpu.enqueue_dma source(%arg40 : memref<125x64xf32, #tpu.memory_space<vmem>>) target(%dma_start3A_46 : memref<125x64xf32, #tpu.memory_space<vmem_shared>>) target_semaphore(%run_scoped3A : memref<!tpu.dma_semaphore, #tpu.memory_space<semaphore_mem>>)
      %dma_wait3A = arith.constant 0 : i32
      %dma_wait3A_47 = tpu.memref_slice %arg7[%add3A_13, %dma_wait3A] : memref<10000x64xf32, #tpu.memory_space<vmem_shared>> -> memref<125x64xf32, #tpu.memory_space<vmem_shared>>
      %dma_wait3A_48 = arith.constant 0 : i32
      %dma_wait3A_49 = tpu.memref_slice %arg7[%add3A_13, %dma_wait3A_48] : memref<10000x64xf32, #tpu.memory_space<vmem_shared>> -> memref<125x64xf32, #tpu.memory_space<vmem_shared>>
      tpu.wait_dma2 semaphore(%run_scoped3A : memref<!tpu.dma_semaphore, #tpu.memory_space<semaphore_mem>>) src(%arg40 : memref<125x64xf32, #tpu.memory_space<vmem>>) dst(%dma_wait3A_49 : memref<125x64xf32, #tpu.memory_space<vmem_shared>>)
      tpu.yield
    }) : () -> ()
    %add3A_14 = arith.constant 500 : i32
    %add3A_15 = arith.addi %mul3A_0, %add3A_14 : i32
    "tpu.region"() ({
      %run_scoped3A = tpu.sem_alloc : memref<!tpu.dma_semaphore, #tpu.memory_space<semaphore_mem>>
      %dma_start3A = arith.constant 0 : i32
      %dma_start3A_44 = tpu.memref_slice %arg7[%add3A_15, %dma_start3A] : memref<10000x64xf32, #tpu.memory_space<vmem_shared>> -> memref<125x64xf32, #tpu.memory_space<vmem_shared>>
      %dma_start3A_45 = arith.constant 0 : i32
      %dma_start3A_46 = tpu.memref_slice %arg7[%add3A_15, %dma_start3A_45] : memref<10000x64xf32, #tpu.memory_space<vmem_shared>> -> memref<125x64xf32, #tpu.memory_space<vmem_shared>>
      tpu.enqueue_dma source(%arg40 : memref<125x64xf32, #tpu.memory_space<vmem>>) target(%dma_start3A_46 : memref<125x64xf32, #tpu.memory_space<vmem_shared>>) target_semaphore(%run_scoped3A : memref<!tpu.dma_semaphore, #tpu.memory_space<semaphore_mem>>)
      %dma_wait3A = arith.constant 0 : i32
      %dma_wait3A_47 = tpu.memref_slice %arg7[%add3A_15, %dma_wait3A] : memref<10000x64xf32, #tpu.memory_space<vmem_shared>> -> memref<125x64xf32, #tpu.memory_space<vmem_shared>>
      %dma_wait3A_48 = arith.constant 0 : i32
      %dma_wait3A_49 = tpu.memref_slice %arg7[%add3A_15, %dma_wait3A_48] : memref<10000x64xf32, #tpu.memory_space<vmem_shared>> -> memref<125x64xf32, #tpu.memory_space<vmem_shared>>
      tpu.wait_dma2 semaphore(%run_scoped3A : memref<!tpu.dma_semaphore, #tpu.memory_space<semaphore_mem>>) src(%arg40 : memref<125x64xf32, #tpu.memory_space<vmem>>) dst(%dma_wait3A_49 : memref<125x64xf32, #tpu.memory_space<vmem_shared>>)
      tpu.yield
    }) : () -> ()
    %barrier3A = arith.constant 0 : index
    tpu.barrier barrier_id(%barrier3A)
    %eq3A = arith.constant 0 : i32
    %eq3A_16 = arith.cmpi eq, %arg0, %eq3A : i32
    %convert_element_type3A = arith.extui %eq3A_16 : i1 to i32
    %cond3A = arith.constant 0 : i32
    %cond3A_17 = arith.cmpi ne, %convert_element_type3A, %cond3A : i32
    scf.if %cond3A_17 {
      %scan3A_44 = arith.constant 0 : i32
      %scan3A_45 = arith.constant 0 : i32
      %scan3A_46 = arith.constant 50 : i32
      %scan3A_47 = arith.addi %scan3A_45, %scan3A_46 : i32
      %scan3A_48 = arith.constant 1 : i32
      %scan3A_49 = scf.for %scan3A_51 = %scan3A_45 to %scan3A_47 step %scan3A_48 iter_args(%scan3A_52 = %scan3A_44) -> (i32)  : i32 {
        %mul3A_53 = arith.constant 10 : i32
        %mul3A_54 = arith.muli %scan3A_51, %mul3A_53 : i32
        %add3A_55 = arith.constant 0 : i32
        %add3A_56 = arith.addi %mul3A_54, %add3A_55 : i32
        %dma_start3A = arith.constant 0 : i32
        %dma_start3A_57 = tpu.memref_slice %arg29[%add3A_56, %dma_start3A] : memref<500x40xi32, #tpu.memory_space<vmem>> -> memref<1x40xi32, #tpu.memory_space<vmem>>
        %dma_start3A_58 = tpu.memref_squeeze %dma_start3A_57 : memref<1x40xi32, #tpu.memory_space<vmem>> -> memref<40xi32, #tpu.memory_space<vmem>>
        %dma_start3A_59 = arith.constant 0 : i32
        %dma_start3A_60 = arith.constant 0 : i32
        %dma_start3A_61 = tpu.memref_slice %arg2[%dma_start3A_59, %dma_start3A_60] : memref<10000x64xf32, #tpu.memory_space<hbm>> -> memref<10000x64xf32, #tpu.memory_space<hbm>>
        tpu.enqueue_indirect_dma source(%dma_start3A_61 : memref<10000x64xf32, #tpu.memory_space<hbm>>) target(%arg19 : memref<40x64xf32, #tpu.memory_space<vmem>>) offsets(%dma_start3A_58 : memref<40xi32, #tpu.memory_space<vmem>>) semaphore(%arg9 : memref<!tpu.dma_semaphore, #tpu.memory_space<semaphore_mem>>)
        %add3A_62 = arith.constant 1 : i32
        %add3A_63 = arith.addi %mul3A_54, %add3A_62 : i32
        %dma_start3A_64 = arith.constant 0 : i32
        %dma_start3A_65 = tpu.memref_slice %arg29[%add3A_63, %dma_start3A_64] : memref<500x40xi32, #tpu.memory_space<vmem>> -> memref<1x40xi32, #tpu.memory_space<vmem>>
        %dma_start3A_66 = tpu.memref_squeeze %dma_start3A_65 : memref<1x40xi32, #tpu.memory_space<vmem>> -> memref<40xi32, #tpu.memory_space<vmem>>
        %dma_start3A_67 = arith.constant 0 : i32
        %dma_start3A_68 = arith.constant 0 : i32
        %dma_start3A_69 = tpu.memref_slice %arg2[%dma_start3A_67, %dma_start3A_68] : memref<10000x64xf32, #tpu.memory_space<hbm>> -> memref<10000x64xf32, #tpu.memory_space<hbm>>
        tpu.enqueue_indirect_dma source(%dma_start3A_69 : memref<10000x64xf32, #tpu.memory_space<hbm>>) target(%arg20 : memref<40x64xf32, #tpu.memory_space<vmem>>) offsets(%dma_start3A_66 : memref<40xi32, #tpu.memory_space<vmem>>) semaphore(%arg10 : memref<!tpu.dma_semaphore, #tpu.memory_space<semaphore_mem>>)
        %add3A_70 = arith.constant 2 : i32
        %add3A_71 = arith.addi %mul3A_54, %add3A_70 : i32
        %dma_start3A_72 = arith.constant 0 : i32
        %dma_start3A_73 = tpu.memref_slice %arg29[%add3A_71, %dma_start3A_72] : memref<500x40xi32, #tpu.memory_space<vmem>> -> memref<1x40xi32, #tpu.memory_space<vmem>>
        %dma_start3A_74 = tpu.memref_squeeze %dma_start3A_73 : memref<1x40xi32, #tpu.memory_space<vmem>> -> memref<40xi32, #tpu.memory_space<vmem>>
        %dma_start3A_75 = arith.constant 0 : i32
        %dma_start3A_76 = arith.constant 0 : i32
        %dma_start3A_77 = tpu.memref_slice %arg2[%dma_start3A_75, %dma_start3A_76] : memref<10000x64xf32, #tpu.memory_space<hbm>> -> memref<10000x64xf32, #tpu.memory_space<hbm>>
        tpu.enqueue_indirect_dma source(%dma_start3A_77 : memref<10000x64xf32, #tpu.memory_space<hbm>>) target(%arg21 : memref<40x64xf32, #tpu.memory_space<vmem>>) offsets(%dma_start3A_74 : memref<40xi32, #tpu.memory_space<vmem>>) semaphore(%arg11 : memref<!tpu.dma_semaphore, #tpu.memory_space<semaphore_mem>>)
        %add3A_78 = arith.constant 3 : i32
        %add3A_79 = arith.addi %mul3A_54, %add3A_78 : i32
        %dma_start3A_80 = arith.constant 0 : i32
        %dma_start3A_81 = tpu.memref_slice %arg29[%add3A_79, %dma_start3A_80] : memref<500x40xi32, #tpu.memory_space<vmem>> -> memref<1x40xi32, #tpu.memory_space<vmem>>
        %dma_start3A_82 = tpu.memref_squeeze %dma_start3A_81 : memref<1x40xi32, #tpu.memory_space<vmem>> -> memref<40xi32, #tpu.memory_space<vmem>>
        %dma_start3A_83 = arith.constant 0 : i32
        %dma_start3A_84 = arith.constant 0 : i32
        %dma_start3A_85 = tpu.memref_slice %arg2[%dma_start3A_83, %dma_start3A_84] : memref<10000x64xf32, #tpu.memory_space<hbm>> -> memref<10000x64xf32, #tpu.memory_space<hbm>>
        tpu.enqueue_indirect_dma source(%dma_start3A_85 : memref<10000x64xf32, #tpu.memory_space<hbm>>) target(%arg22 : memref<40x64xf32, #tpu.memory_space<vmem>>) offsets(%dma_start3A_82 : memref<40xi32, #tpu.memory_space<vmem>>) semaphore(%arg12 : memref<!tpu.dma_semaphore, #tpu.memory_space<semaphore_mem>>)
        %add3A_86 = arith.constant 4 : i32
        %add3A_87 = arith.addi %mul3A_54, %add3A_86 : i32
        %dma_start3A_88 = arith.constant 0 : i32
        %dma_start3A_89 = tpu.memref_slice %arg29[%add3A_87, %dma_start3A_88] : memref<500x40xi32, #tpu.memory_space<vmem>> -> memref<1x40xi32, #tpu.memory_space<vmem>>
        %dma_start3A_90 = tpu.memref_squeeze %dma_start3A_89 : memref<1x40xi32, #tpu.memory_space<vmem>> -> memref<40xi32, #tpu.memory_space<vmem>>
        %dma_start3A_91 = arith.constant 0 : i32
        %dma_start3A_92 = arith.constant 0 : i32
        %dma_start3A_93 = tpu.memref_slice %arg2[%dma_start3A_91, %dma_start3A_92] : memref<10000x64xf32, #tpu.memory_space<hbm>> -> memref<10000x64xf32, #tpu.memory_space<hbm>>
        tpu.enqueue_indirect_dma source(%dma_start3A_93 : memref<10000x64xf32, #tpu.memory_space<hbm>>) target(%arg23 : memref<40x64xf32, #tpu.memory_space<vmem>>) offsets(%dma_start3A_90 : memref<40xi32, #tpu.memory_space<vmem>>) semaphore(%arg13 : memref<!tpu.dma_semaphore, #tpu.memory_space<semaphore_mem>>)
        %add3A_94 = arith.constant 5 : i32
        %add3A_95 = arith.addi %mul3A_54, %add3A_94 : i32
        %dma_start3A_96 = arith.constant 0 : i32
        %dma_start3A_97 = tpu.memref_slice %arg29[%add3A_95, %dma_start3A_96] : memref<500x40xi32, #tpu.memory_space<vmem>> -> memref<1x40xi32, #tpu.memory_space<vmem>>
        %dma_start3A_98 = tpu.memref_squeeze %dma_start3A_97 : memref<1x40xi32, #tpu.memory_space<vmem>> -> memref<40xi32, #tpu.memory_space<vmem>>
        %dma_start3A_99 = arith.constant 0 : i32
        %dma_start3A_100 = arith.constant 0 : i32
        %dma_start3A_101 = tpu.memref_slice %arg2[%dma_start3A_99, %dma_start3A_100] : memref<10000x64xf32, #tpu.memory_space<hbm>> -> memref<10000x64xf32, #tpu.memory_space<hbm>>
        tpu.enqueue_indirect_dma source(%dma_start3A_101 : memref<10000x64xf32, #tpu.memory_space<hbm>>) target(%arg24 : memref<40x64xf32, #tpu.memory_space<vmem>>) offsets(%dma_start3A_98 : memref<40xi32, #tpu.memory_space<vmem>>) semaphore(%arg14 : memref<!tpu.dma_semaphore, #tpu.memory_space<semaphore_mem>>)
        %add3A_102 = arith.constant 6 : i32
        %add3A_103 = arith.addi %mul3A_54, %add3A_102 : i32
        %dma_start3A_104 = arith.constant 0 : i32
        %dma_start3A_105 = tpu.memref_slice %arg29[%add3A_103, %dma_start3A_104] : memref<500x40xi32, #tpu.memory_space<vmem>> -> memref<1x40xi32, #tpu.memory_space<vmem>>
        %dma_start3A_106 = tpu.memref_squeeze %dma_start3A_105 : memref<1x40xi32, #tpu.memory_space<vmem>> -> memref<40xi32, #tpu.memory_space<vmem>>
        %dma_start3A_107 = arith.constant 0 : i32
        %dma_start3A_108 = arith.constant 0 : i32
        %dma_start3A_109 = tpu.memref_slice %arg2[%dma_start3A_107, %dma_start3A_108] : memref<10000x64xf32, #tpu.memory_space<hbm>> -> memref<10000x64xf32, #tpu.memory_space<hbm>>
        tpu.enqueue_indirect_dma source(%dma_start3A_109 : memref<10000x64xf32, #tpu.memory_space<hbm>>) target(%arg25 : memref<40x64xf32, #tpu.memory_space<vmem>>) offsets(%dma_start3A_106 : memref<40xi32, #tpu.memory_space<vmem>>) semaphore(%arg15 : memref<!tpu.dma_semaphore, #tpu.memory_space<semaphore_mem>>)
        %add3A_110 = arith.constant 7 : i32
        %add3A_111 = arith.addi %mul3A_54, %add3A_110 : i32
        %dma_start3A_112 = arith.constant 0 : i32
        %dma_start3A_113 = tpu.memref_slice %arg29[%add3A_111, %dma_start3A_112] : memref<500x40xi32, #tpu.memory_space<vmem>> -> memref<1x40xi32, #tpu.memory_space<vmem>>
        %dma_start3A_114 = tpu.memref_squeeze %dma_start3A_113 : memref<1x40xi32, #tpu.memory_space<vmem>> -> memref<40xi32, #tpu.memory_space<vmem>>
        %dma_start3A_115 = arith.constant 0 : i32
        %dma_start3A_116 = arith.constant 0 : i32
        %dma_start3A_117 = tpu.memref_slice %arg2[%dma_start3A_115, %dma_start3A_116] : memref<10000x64xf32, #tpu.memory_space<hbm>> -> memref<10000x64xf32, #tpu.memory_space<hbm>>
        tpu.enqueue_indirect_dma source(%dma_start3A_117 : memref<10000x64xf32, #tpu.memory_space<hbm>>) target(%arg26 : memref<40x64xf32, #tpu.memory_space<vmem>>) offsets(%dma_start3A_114 : memref<40xi32, #tpu.memory_space<vmem>>) semaphore(%arg16 : memref<!tpu.dma_semaphore, #tpu.memory_space<semaphore_mem>>)
        %add3A_118 = arith.constant 8 : i32
        %add3A_119 = arith.addi %mul3A_54, %add3A_118 : i32
        %dma_start3A_120 = arith.constant 0 : i32
        %dma_start3A_121 = tpu.memref_slice %arg29[%add3A_119, %dma_start3A_120] : memref<500x40xi32, #tpu.memory_space<vmem>> -> memref<1x40xi32, #tpu.memory_space<vmem>>
        %dma_start3A_122 = tpu.memref_squeeze %dma_start3A_121 : memref<1x40xi32, #tpu.memory_space<vmem>> -> memref<40xi32, #tpu.memory_space<vmem>>
        %dma_start3A_123 = arith.constant 0 : i32
        %dma_start3A_124 = arith.constant 0 : i32
        %dma_start3A_125 = tpu.memref_slice %arg2[%dma_start3A_123, %dma_start3A_124] : memref<10000x64xf32, #tpu.memory_space<hbm>> -> memref<10000x64xf32, #tpu.memory_space<hbm>>
        tpu.enqueue_indirect_dma source(%dma_start3A_125 : memref<10000x64xf32, #tpu.memory_space<hbm>>) target(%arg27 : memref<40x64xf32, #tpu.memory_space<vmem>>) offsets(%dma_start3A_122 : memref<40xi32, #tpu.memory_space<vmem>>) semaphore(%arg17 : memref<!tpu.dma_semaphore, #tpu.memory_space<semaphore_mem>>)
        %add3A_126 = arith.constant 9 : i32
        %add3A_127 = arith.addi %mul3A_54, %add3A_126 : i32
        %dma_start3A_128 = arith.constant 0 : i32
        %dma_start3A_129 = tpu.memref_slice %arg29[%add3A_127, %dma_start3A_128] : memref<500x40xi32, #tpu.memory_space<vmem>> -> memref<1x40xi32, #tpu.memory_space<vmem>>
        %dma_start3A_130 = tpu.memref_squeeze %dma_start3A_129 : memref<1x40xi32, #tpu.memory_space<vmem>> -> memref<40xi32, #tpu.memory_space<vmem>>
        %dma_start3A_131 = arith.constant 0 : i32
        %dma_start3A_132 = arith.constant 0 : i32
        %dma_start3A_133 = tpu.memref_slice %arg2[%dma_start3A_131, %dma_start3A_132] : memref<10000x64xf32, #tpu.memory_space<hbm>> -> memref<10000x64xf32, #tpu.memory_space<hbm>>
        tpu.enqueue_indirect_dma source(%dma_start3A_133 : memref<10000x64xf32, #tpu.memory_space<hbm>>) target(%arg28 : memref<40x64xf32, #tpu.memory_space<vmem>>) offsets(%dma_start3A_130 : memref<40xi32, #tpu.memory_space<vmem>>) semaphore(%arg18 : memref<!tpu.dma_semaphore, #tpu.memory_space<semaphore_mem>>)
        %dma_wait3A = arith.constant 0 : i32
        %dma_wait3A_134 = tpu.memref_slice %arg29[%add3A_56, %dma_wait3A] : memref<500x40xi32, #tpu.memory_space<vmem>> -> memref<1x40xi32, #tpu.memory_space<vmem>>
        %dma_wait3A_135 = tpu.memref_squeeze %dma_wait3A_134 : memref<1x40xi32, #tpu.memory_space<vmem>> -> memref<40xi32, #tpu.memory_space<vmem>>
        %dma_wait3A_136 = arith.constant 0 : i32
        %dma_wait3A_137 = arith.constant 0 : i32
        %dma_wait3A_138 = tpu.memref_slice %arg2[%dma_wait3A_136, %dma_wait3A_137] : memref<10000x64xf32, #tpu.memory_space<hbm>> -> memref<10000x64xf32, #tpu.memory_space<hbm>>
        tpu.wait_indirect_dma semaphore(%arg9 : memref<!tpu.dma_semaphore, #tpu.memory_space<semaphore_mem>>) src(%dma_wait3A_138 : memref<10000x64xf32, #tpu.memory_space<hbm>>) dst(%arg19 : memref<40x64xf32, #tpu.memory_space<vmem>>)
        %add3A_139 = arith.constant 0 : i32
        %add3A_140 = arith.addi %mul3A_54, %add3A_139 : i32
        %dma_start3A_141 = arith.constant 0 : i32
        %dma_start3A_142 = tpu.memref_slice %arg8[%add3A_140, %dma_start3A_141] : memref<500x40xi32, #tpu.memory_space<vmem>> -> memref<1x40xi32, #tpu.memory_space<vmem>>
        %dma_start3A_143 = tpu.memref_squeeze %dma_start3A_142 : memref<1x40xi32, #tpu.memory_space<vmem>> -> memref<40xi32, #tpu.memory_space<vmem>>
        %dma_start3A_144 = arith.constant 0 : i32
        %dma_start3A_145 = arith.constant 0 : i32
        %dma_start3A_146 = tpu.memref_slice %arg7[%dma_start3A_144, %dma_start3A_145] : memref<10000x64xf32, #tpu.memory_space<vmem_shared>> -> memref<10000x64xf32, #tpu.memory_space<vmem_shared>>
        tpu.enqueue_indirect_dma source(%arg19 : memref<40x64xf32, #tpu.memory_space<vmem>>) target(%dma_start3A_146 : memref<10000x64xf32, #tpu.memory_space<vmem_shared>>) offsets(%dma_start3A_143 : memref<40xi32, #tpu.memory_space<vmem>>) semaphore(%arg30 : memref<!tpu.dma_semaphore, #tpu.memory_space<semaphore_mem>>) {add = true}
        %dma_wait3A_147 = arith.constant 0 : i32
        %dma_wait3A_148 = tpu.memref_slice %arg29[%add3A_63, %dma_wait3A_147] : memref<500x40xi32, #tpu.memory_space<vmem>> -> memref<1x40xi32, #tpu.memory_space<vmem>>
        %dma_wait3A_149 = tpu.memref_squeeze %dma_wait3A_148 : memref<1x40xi32, #tpu.memory_space<vmem>> -> memref<40xi32, #tpu.memory_space<vmem>>
        %dma_wait3A_150 = arith.constant 0 : i32
        %dma_wait3A_151 = arith.constant 0 : i32
        %dma_wait3A_152 = tpu.memref_slice %arg2[%dma_wait3A_150, %dma_wait3A_151] : memref<10000x64xf32, #tpu.memory_space<hbm>> -> memref<10000x64xf32, #tpu.memory_space<hbm>>
        tpu.wait_indirect_dma semaphore(%arg10 : memref<!tpu.dma_semaphore, #tpu.memory_space<semaphore_mem>>) src(%dma_wait3A_152 : memref<10000x64xf32, #tpu.memory_space<hbm>>) dst(%arg20 : memref<40x64xf32, #tpu.memory_space<vmem>>)
        %add3A_153 = arith.constant 1 : i32
        %add3A_154 = arith.addi %mul3A_54, %add3A_153 : i32
        %dma_start3A_155 = arith.constant 0 : i32
        %dma_start3A_156 = tpu.memref_slice %arg8[%add3A_154, %dma_start3A_155] : memref<500x40xi32, #tpu.memory_space<vmem>> -> memref<1x40xi32, #tpu.memory_space<vmem>>
        %dma_start3A_157 = tpu.memref_squeeze %dma_start3A_156 : memref<1x40xi32, #tpu.memory_space<vmem>> -> memref<40xi32, #tpu.memory_space<vmem>>
        %dma_start3A_158 = arith.constant 0 : i32
        %dma_start3A_159 = arith.constant 0 : i32
        %dma_start3A_160 = tpu.memref_slice %arg7[%dma_start3A_158, %dma_start3A_159] : memref<10000x64xf32, #tpu.memory_space<vmem_shared>> -> memref<10000x64xf32, #tpu.memory_space<vmem_shared>>
        tpu.enqueue_indirect_dma source(%arg20 : memref<40x64xf32, #tpu.memory_space<vmem>>) target(%dma_start3A_160 : memref<10000x64xf32, #tpu.memory_space<vmem_shared>>) offsets(%dma_start3A_157 : memref<40xi32, #tpu.memory_space<vmem>>) semaphore(%arg31 : memref<!tpu.dma_semaphore, #tpu.memory_space<semaphore_mem>>) {add = true}
        %dma_wait3A_161 = arith.constant 0 : i32
        %dma_wait3A_162 = tpu.memref_slice %arg29[%add3A_71, %dma_wait3A_161] : memref<500x40xi32, #tpu.memory_space<vmem>> -> memref<1x40xi32, #tpu.memory_space<vmem>>
        %dma_wait3A_163 = tpu.memref_squeeze %dma_wait3A_162 : memref<1x40xi32, #tpu.memory_space<vmem>> -> memref<40xi32, #tpu.memory_space<vmem>>
        %dma_wait3A_164 = arith.constant 0 : i32
        %dma_wait3A_165 = arith.constant 0 : i32
        %dma_wait3A_166 = tpu.memref_slice %arg2[%dma_wait3A_164, %dma_wait3A_165] : memref<10000x64xf32, #tpu.memory_space<hbm>> -> memref<10000x64xf32, #tpu.memory_space<hbm>>
        tpu.wait_indirect_dma semaphore(%arg11 : memref<!tpu.dma_semaphore, #tpu.memory_space<semaphore_mem>>) src(%dma_wait3A_166 : memref<10000x64xf32, #tpu.memory_space<hbm>>) dst(%arg21 : memref<40x64xf32, #tpu.memory_space<vmem>>)
        %add3A_167 = arith.constant 2 : i32
        %add3A_168 = arith.addi %mul3A_54, %add3A_167 : i32
        %dma_start3A_169 = arith.constant 0 : i32
        %dma_start3A_170 = tpu.memref_slice %arg8[%add3A_168, %dma_start3A_169] : memref<500x40xi32, #tpu.memory_space<vmem>> -> memref<1x40xi32, #tpu.memory_space<vmem>>
        %dma_start3A_171 = tpu.memref_squeeze %dma_start3A_170 : memref<1x40xi32, #tpu.memory_space<vmem>> -> memref<40xi32, #tpu.memory_space<vmem>>
        %dma_start3A_172 = arith.constant 0 : i32
        %dma_start3A_173 = arith.constant 0 : i32
        %dma_start3A_174 = tpu.memref_slice %arg7[%dma_start3A_172, %dma_start3A_173] : memref<10000x64xf32, #tpu.memory_space<vmem_shared>> -> memref<10000x64xf32, #tpu.memory_space<vmem_shared>>
        tpu.enqueue_indirect_dma source(%arg21 : memref<40x64xf32, #tpu.memory_space<vmem>>) target(%dma_start3A_174 : memref<10000x64xf32, #tpu.memory_space<vmem_shared>>) offsets(%dma_start3A_171 : memref<40xi32, #tpu.memory_space<vmem>>) semaphore(%arg32 : memref<!tpu.dma_semaphore, #tpu.memory_space<semaphore_mem>>) {add = true}
        %dma_wait3A_175 = arith.constant 0 : i32
        %dma_wait3A_176 = tpu.memref_slice %arg29[%add3A_79, %dma_wait3A_175] : memref<500x40xi32, #tpu.memory_space<vmem>> -> memref<1x40xi32, #tpu.memory_space<vmem>>
        %dma_wait3A_177 = tpu.memref_squeeze %dma_wait3A_176 : memref<1x40xi32, #tpu.memory_space<vmem>> -> memref<40xi32, #tpu.memory_space<vmem>>
        %dma_wait3A_178 = arith.constant 0 : i32
        %dma_wait3A_179 = arith.constant 0 : i32
        %dma_wait3A_180 = tpu.memref_slice %arg2[%dma_wait3A_178, %dma_wait3A_179] : memref<10000x64xf32, #tpu.memory_space<hbm>> -> memref<10000x64xf32, #tpu.memory_space<hbm>>
        tpu.wait_indirect_dma semaphore(%arg12 : memref<!tpu.dma_semaphore, #tpu.memory_space<semaphore_mem>>) src(%dma_wait3A_180 : memref<10000x64xf32, #tpu.memory_space<hbm>>) dst(%arg22 : memref<40x64xf32, #tpu.memory_space<vmem>>)
        %add3A_181 = arith.constant 3 : i32
        %add3A_182 = arith.addi %mul3A_54, %add3A_181 : i32
        %dma_start3A_183 = arith.constant 0 : i32
        %dma_start3A_184 = tpu.memref_slice %arg8[%add3A_182, %dma_start3A_183] : memref<500x40xi32, #tpu.memory_space<vmem>> -> memref<1x40xi32, #tpu.memory_space<vmem>>
        %dma_start3A_185 = tpu.memref_squeeze %dma_start3A_184 : memref<1x40xi32, #tpu.memory_space<vmem>> -> memref<40xi32, #tpu.memory_space<vmem>>
        %dma_start3A_186 = arith.constant 0 : i32
        %dma_start3A_187 = arith.constant 0 : i32
        %dma_start3A_188 = tpu.memref_slice %arg7[%dma_start3A_186, %dma_start3A_187] : memref<10000x64xf32, #tpu.memory_space<vmem_shared>> -> memref<10000x64xf32, #tpu.memory_space<vmem_shared>>
        tpu.enqueue_indirect_dma source(%arg22 : memref<40x64xf32, #tpu.memory_space<vmem>>) target(%dma_start3A_188 : memref<10000x64xf32, #tpu.memory_space<vmem_shared>>) offsets(%dma_start3A_185 : memref<40xi32, #tpu.memory_space<vmem>>) semaphore(%arg33 : memref<!tpu.dma_semaphore, #tpu.memory_space<semaphore_mem>>) {add = true}
        %dma_wait3A_189 = arith.constant 0 : i32
        %dma_wait3A_190 = tpu.memref_slice %arg29[%add3A_87, %dma_wait3A_189] : memref<500x40xi32, #tpu.memory_space<vmem>> -> memref<1x40xi32, #tpu.memory_space<vmem>>
        %dma_wait3A_191 = tpu.memref_squeeze %dma_wait3A_190 : memref<1x40xi32, #tpu.memory_space<vmem>> -> memref<40xi32, #tpu.memory_space<vmem>>
        %dma_wait3A_192 = arith.constant 0 : i32
        %dma_wait3A_193 = arith.constant 0 : i32
        %dma_wait3A_194 = tpu.memref_slice %arg2[%dma_wait3A_192, %dma_wait3A_193] : memref<10000x64xf32, #tpu.memory_space<hbm>> -> memref<10000x64xf32, #tpu.memory_space<hbm>>
        tpu.wait_indirect_dma semaphore(%arg13 : memref<!tpu.dma_semaphore, #tpu.memory_space<semaphore_mem>>) src(%dma_wait3A_194 : memref<10000x64xf32, #tpu.memory_space<hbm>>) dst(%arg23 : memref<40x64xf32, #tpu.memory_space<vmem>>)
        %add3A_195 = arith.constant 4 : i32
        %add3A_196 = arith.addi %mul3A_54, %add3A_195 : i32
        %dma_start3A_197 = arith.constant 0 : i32
        %dma_start3A_198 = tpu.memref_slice %arg8[%add3A_196, %dma_start3A_197] : memref<500x40xi32, #tpu.memory_space<vmem>> -> memref<1x40xi32, #tpu.memory_space<vmem>>
        %dma_start3A_199 = tpu.memref_squeeze %dma_start3A_198 : memref<1x40xi32, #tpu.memory_space<vmem>> -> memref<40xi32, #tpu.memory_space<vmem>>
        %dma_start3A_200 = arith.constant 0 : i32
        %dma_start3A_201 = arith.constant 0 : i32
        %dma_start3A_202 = tpu.memref_slice %arg7[%dma_start3A_200, %dma_start3A_201] : memref<10000x64xf32, #tpu.memory_space<vmem_shared>> -> memref<10000x64xf32, #tpu.memory_space<vmem_shared>>
        tpu.enqueue_indirect_dma source(%arg23 : memref<40x64xf32, #tpu.memory_space<vmem>>) target(%dma_start3A_202 : memref<10000x64xf32, #tpu.memory_space<vmem_shared>>) offsets(%dma_start3A_199 : memref<40xi32, #tpu.memory_space<vmem>>) semaphore(%arg34 : memref<!tpu.dma_semaphore, #tpu.memory_space<semaphore_mem>>) {add = true}
        %dma_wait3A_203 = arith.constant 0 : i32
        %dma_wait3A_204 = tpu.memref_slice %arg29[%add3A_95, %dma_wait3A_203] : memref<500x40xi32, #tpu.memory_space<vmem>> -> memref<1x40xi32, #tpu.memory_space<vmem>>
        %dma_wait3A_205 = tpu.memref_squeeze %dma_wait3A_204 : memref<1x40xi32, #tpu.memory_space<vmem>> -> memref<40xi32, #tpu.memory_space<vmem>>
        %dma_wait3A_206 = arith.constant 0 : i32
        %dma_wait3A_207 = arith.constant 0 : i32
        %dma_wait3A_208 = tpu.memref_slice %arg2[%dma_wait3A_206, %dma_wait3A_207] : memref<10000x64xf32, #tpu.memory_space<hbm>> -> memref<10000x64xf32, #tpu.memory_space<hbm>>
        tpu.wait_indirect_dma semaphore(%arg14 : memref<!tpu.dma_semaphore, #tpu.memory_space<semaphore_mem>>) src(%dma_wait3A_208 : memref<10000x64xf32, #tpu.memory_space<hbm>>) dst(%arg24 : memref<40x64xf32, #tpu.memory_space<vmem>>)
        %add3A_209 = arith.constant 5 : i32
        %add3A_210 = arith.addi %mul3A_54, %add3A_209 : i32
        %dma_start3A_211 = arith.constant 0 : i32
        %dma_start3A_212 = tpu.memref_slice %arg8[%add3A_210, %dma_start3A_211] : memref<500x40xi32, #tpu.memory_space<vmem>> -> memref<1x40xi32, #tpu.memory_space<vmem>>
        %dma_start3A_213 = tpu.memref_squeeze %dma_start3A_212 : memref<1x40xi32, #tpu.memory_space<vmem>> -> memref<40xi32, #tpu.memory_space<vmem>>
        %dma_start3A_214 = arith.constant 0 : i32
        %dma_start3A_215 = arith.constant 0 : i32
        %dma_start3A_216 = tpu.memref_slice %arg7[%dma_start3A_214, %dma_start3A_215] : memref<10000x64xf32, #tpu.memory_space<vmem_shared>> -> memref<10000x64xf32, #tpu.memory_space<vmem_shared>>
        tpu.enqueue_indirect_dma source(%arg24 : memref<40x64xf32, #tpu.memory_space<vmem>>) target(%dma_start3A_216 : memref<10000x64xf32, #tpu.memory_space<vmem_shared>>) offsets(%dma_start3A_213 : memref<40xi32, #tpu.memory_space<vmem>>) semaphore(%arg35 : memref<!tpu.dma_semaphore, #tpu.memory_space<semaphore_mem>>) {add = true}
        %dma_wait3A_217 = arith.constant 0 : i32
        %dma_wait3A_218 = tpu.memref_slice %arg29[%add3A_103, %dma_wait3A_217] : memref<500x40xi32, #tpu.memory_space<vmem>> -> memref<1x40xi32, #tpu.memory_space<vmem>>
        %dma_wait3A_219 = tpu.memref_squeeze %dma_wait3A_218 : memref<1x40xi32, #tpu.memory_space<vmem>> -> memref<40xi32, #tpu.memory_space<vmem>>
        %dma_wait3A_220 = arith.constant 0 : i32
        %dma_wait3A_221 = arith.constant 0 : i32
        %dma_wait3A_222 = tpu.memref_slice %arg2[%dma_wait3A_220, %dma_wait3A_221] : memref<10000x64xf32, #tpu.memory_space<hbm>> -> memref<10000x64xf32, #tpu.memory_space<hbm>>
        tpu.wait_indirect_dma semaphore(%arg15 : memref<!tpu.dma_semaphore, #tpu.memory_space<semaphore_mem>>) src(%dma_wait3A_222 : memref<10000x64xf32, #tpu.memory_space<hbm>>) dst(%arg25 : memref<40x64xf32, #tpu.memory_space<vmem>>)
        %add3A_223 = arith.constant 6 : i32
        %add3A_224 = arith.addi %mul3A_54, %add3A_223 : i32
        %dma_start3A_225 = arith.constant 0 : i32
        %dma_start3A_226 = tpu.memref_slice %arg8[%add3A_224, %dma_start3A_225] : memref<500x40xi32, #tpu.memory_space<vmem>> -> memref<1x40xi32, #tpu.memory_space<vmem>>
        %dma_start3A_227 = tpu.memref_squeeze %dma_start3A_226 : memref<1x40xi32, #tpu.memory_space<vmem>> -> memref<40xi32, #tpu.memory_space<vmem>>
        %dma_start3A_228 = arith.constant 0 : i32
        %dma_start3A_229 = arith.constant 0 : i32
        %dma_start3A_230 = tpu.memref_slice %arg7[%dma_start3A_228, %dma_start3A_229] : memref<10000x64xf32, #tpu.memory_space<vmem_shared>> -> memref<10000x64xf32, #tpu.memory_space<vmem_shared>>
        tpu.enqueue_indirect_dma source(%arg25 : memref<40x64xf32, #tpu.memory_space<vmem>>) target(%dma_start3A_230 : memref<10000x64xf32, #tpu.memory_space<vmem_shared>>) offsets(%dma_start3A_227 : memref<40xi32, #tpu.memory_space<vmem>>) semaphore(%arg36 : memref<!tpu.dma_semaphore, #tpu.memory_space<semaphore_mem>>) {add = true}
        %dma_wait3A_231 = arith.constant 0 : i32
        %dma_wait3A_232 = tpu.memref_slice %arg29[%add3A_111, %dma_wait3A_231] : memref<500x40xi32, #tpu.memory_space<vmem>> -> memref<1x40xi32, #tpu.memory_space<vmem>>
        %dma_wait3A_233 = tpu.memref_squeeze %dma_wait3A_232 : memref<1x40xi32, #tpu.memory_space<vmem>> -> memref<40xi32, #tpu.memory_space<vmem>>
        %dma_wait3A_234 = arith.constant 0 : i32
        %dma_wait3A_235 = arith.constant 0 : i32
        %dma_wait3A_236 = tpu.memref_slice %arg2[%dma_wait3A_234, %dma_wait3A_235] : memref<10000x64xf32, #tpu.memory_space<hbm>> -> memref<10000x64xf32, #tpu.memory_space<hbm>>
        tpu.wait_indirect_dma semaphore(%arg16 : memref<!tpu.dma_semaphore, #tpu.memory_space<semaphore_mem>>) src(%dma_wait3A_236 : memref<10000x64xf32, #tpu.memory_space<hbm>>) dst(%arg26 : memref<40x64xf32, #tpu.memory_space<vmem>>)
        %add3A_237 = arith.constant 7 : i32
        %add3A_238 = arith.addi %mul3A_54, %add3A_237 : i32
        %dma_start3A_239 = arith.constant 0 : i32
        %dma_start3A_240 = tpu.memref_slice %arg8[%add3A_238, %dma_start3A_239] : memref<500x40xi32, #tpu.memory_space<vmem>> -> memref<1x40xi32, #tpu.memory_space<vmem>>
        %dma_start3A_241 = tpu.memref_squeeze %dma_start3A_240 : memref<1x40xi32, #tpu.memory_space<vmem>> -> memref<40xi32, #tpu.memory_space<vmem>>
        %dma_start3A_242 = arith.constant 0 : i32
        %dma_start3A_243 = arith.constant 0 : i32
        %dma_start3A_244 = tpu.memref_slice %arg7[%dma_start3A_242, %dma_start3A_243] : memref<10000x64xf32, #tpu.memory_space<vmem_shared>> -> memref<10000x64xf32, #tpu.memory_space<vmem_shared>>
        tpu.enqueue_indirect_dma source(%arg26 : memref<40x64xf32, #tpu.memory_space<vmem>>) target(%dma_start3A_244 : memref<10000x64xf32, #tpu.memory_space<vmem_shared>>) offsets(%dma_start3A_241 : memref<40xi32, #tpu.memory_space<vmem>>) semaphore(%arg37 : memref<!tpu.dma_semaphore, #tpu.memory_space<semaphore_mem>>) {add = true}
        %dma_wait3A_245 = arith.constant 0 : i32
        %dma_wait3A_246 = tpu.memref_slice %arg29[%add3A_119, %dma_wait3A_245] : memref<500x40xi32, #tpu.memory_space<vmem>> -> memref<1x40xi32, #tpu.memory_space<vmem>>
        %dma_wait3A_247 = tpu.memref_squeeze %dma_wait3A_246 : memref<1x40xi32, #tpu.memory_space<vmem>> -> memref<40xi32, #tpu.memory_space<vmem>>
        %dma_wait3A_248 = arith.constant 0 : i32
        %dma_wait3A_249 = arith.constant 0 : i32
        %dma_wait3A_250 = tpu.memref_slice %arg2[%dma_wait3A_248, %dma_wait3A_249] : memref<10000x64xf32, #tpu.memory_space<hbm>> -> memref<10000x64xf32, #tpu.memory_space<hbm>>
        tpu.wait_indirect_dma semaphore(%arg17 : memref<!tpu.dma_semaphore, #tpu.memory_space<semaphore_mem>>) src(%dma_wait3A_250 : memref<10000x64xf32, #tpu.memory_space<hbm>>) dst(%arg27 : memref<40x64xf32, #tpu.memory_space<vmem>>)
        %add3A_251 = arith.constant 8 : i32
        %add3A_252 = arith.addi %mul3A_54, %add3A_251 : i32
        %dma_start3A_253 = arith.constant 0 : i32
        %dma_start3A_254 = tpu.memref_slice %arg8[%add3A_252, %dma_start3A_253] : memref<500x40xi32, #tpu.memory_space<vmem>> -> memref<1x40xi32, #tpu.memory_space<vmem>>
        %dma_start3A_255 = tpu.memref_squeeze %dma_start3A_254 : memref<1x40xi32, #tpu.memory_space<vmem>> -> memref<40xi32, #tpu.memory_space<vmem>>
        %dma_start3A_256 = arith.constant 0 : i32
        %dma_start3A_257 = arith.constant 0 : i32
        %dma_start3A_258 = tpu.memref_slice %arg7[%dma_start3A_256, %dma_start3A_257] : memref<10000x64xf32, #tpu.memory_space<vmem_shared>> -> memref<10000x64xf32, #tpu.memory_space<vmem_shared>>
        tpu.enqueue_indirect_dma source(%arg27 : memref<40x64xf32, #tpu.memory_space<vmem>>) target(%dma_start3A_258 : memref<10000x64xf32, #tpu.memory_space<vmem_shared>>) offsets(%dma_start3A_255 : memref<40xi32, #tpu.memory_space<vmem>>) semaphore(%arg38 : memref<!tpu.dma_semaphore, #tpu.memory_space<semaphore_mem>>) {add = true}
        %dma_wait3A_259 = arith.constant 0 : i32
        %dma_wait3A_260 = tpu.memref_slice %arg29[%add3A_127, %dma_wait3A_259] : memref<500x40xi32, #tpu.memory_space<vmem>> -> memref<1x40xi32, #tpu.memory_space<vmem>>
        %dma_wait3A_261 = tpu.memref_squeeze %dma_wait3A_260 : memref<1x40xi32, #tpu.memory_space<vmem>> -> memref<40xi32, #tpu.memory_space<vmem>>
        %dma_wait3A_262 = arith.constant 0 : i32
        %dma_wait3A_263 = arith.constant 0 : i32
        %dma_wait3A_264 = tpu.memref_slice %arg2[%dma_wait3A_262, %dma_wait3A_263] : memref<10000x64xf32, #tpu.memory_space<hbm>> -> memref<10000x64xf32, #tpu.memory_space<hbm>>
        tpu.wait_indirect_dma semaphore(%arg18 : memref<!tpu.dma_semaphore, #tpu.memory_space<semaphore_mem>>) src(%dma_wait3A_264 : memref<10000x64xf32, #tpu.memory_space<hbm>>) dst(%arg28 : memref<40x64xf32, #tpu.memory_space<vmem>>)
        %add3A_265 = arith.constant 9 : i32
        %add3A_266 = arith.addi %mul3A_54, %add3A_265 : i32
        %dma_start3A_267 = arith.constant 0 : i32
        %dma_start3A_268 = tpu.memref_slice %arg8[%add3A_266, %dma_start3A_267] : memref<500x40xi32, #tpu.memory_space<vmem>> -> memref<1x40xi32, #tpu.memory_space<vmem>>
        %dma_start3A_269 = tpu.memref_squeeze %dma_start3A_268 : memref<1x40xi32, #tpu.memory_space<vmem>> -> memref<40xi32, #tpu.memory_space<vmem>>
        %dma_start3A_270 = arith.constant 0 : i32
        %dma_start3A_271 = arith.constant 0 : i32
        %dma_start3A_272 = tpu.memref_slice %arg7[%dma_start3A_270, %dma_start3A_271] : memref<10000x64xf32, #tpu.memory_space<vmem_shared>> -> memref<10000x64xf32, #tpu.memory_space<vmem_shared>>
        tpu.enqueue_indirect_dma source(%arg28 : memref<40x64xf32, #tpu.memory_space<vmem>>) target(%dma_start3A_272 : memref<10000x64xf32, #tpu.memory_space<vmem_shared>>) offsets(%dma_start3A_269 : memref<40xi32, #tpu.memory_space<vmem>>) semaphore(%arg39 : memref<!tpu.dma_semaphore, #tpu.memory_space<semaphore_mem>>) {add = true}
        %dma_wait3A_273 = arith.constant 0 : i32
        %dma_wait3A_274 = tpu.memref_slice %arg8[%add3A_140, %dma_wait3A_273] : memref<500x40xi32, #tpu.memory_space<vmem>> -> memref<1x40xi32, #tpu.memory_space<vmem>>
        %dma_wait3A_275 = tpu.memref_squeeze %dma_wait3A_274 : memref<1x40xi32, #tpu.memory_space<vmem>> -> memref<40xi32, #tpu.memory_space<vmem>>
        %dma_wait3A_276 = arith.constant 0 : i32
        %dma_wait3A_277 = arith.constant 0 : i32
        %dma_wait3A_278 = tpu.memref_slice %arg7[%dma_wait3A_276, %dma_wait3A_277] : memref<10000x64xf32, #tpu.memory_space<vmem_shared>> -> memref<10000x64xf32, #tpu.memory_space<vmem_shared>>
        tpu.wait_indirect_dma semaphore(%arg30 : memref<!tpu.dma_semaphore, #tpu.memory_space<semaphore_mem>>) src(%arg19 : memref<40x64xf32, #tpu.memory_space<vmem>>) dst(%dma_wait3A_278 : memref<10000x64xf32, #tpu.memory_space<vmem_shared>>)
        %dma_wait3A_279 = arith.constant 0 : i32
        %dma_wait3A_280 = tpu.memref_slice %arg8[%add3A_154, %dma_wait3A_279] : memref<500x40xi32, #tpu.memory_space<vmem>> -> memref<1x40xi32, #tpu.memory_space<vmem>>
        %dma_wait3A_281 = tpu.memref_squeeze %dma_wait3A_280 : memref<1x40xi32, #tpu.memory_space<vmem>> -> memref<40xi32, #tpu.memory_space<vmem>>
        %dma_wait3A_282 = arith.constant 0 : i32
        %dma_wait3A_283 = arith.constant 0 : i32
        %dma_wait3A_284 = tpu.memref_slice %arg7[%dma_wait3A_282, %dma_wait3A_283] : memref<10000x64xf32, #tpu.memory_space<vmem_shared>> -> memref<10000x64xf32, #tpu.memory_space<vmem_shared>>
        tpu.wait_indirect_dma semaphore(%arg31 : memref<!tpu.dma_semaphore, #tpu.memory_space<semaphore_mem>>) src(%arg20 : memref<40x64xf32, #tpu.memory_space<vmem>>) dst(%dma_wait3A_284 : memref<10000x64xf32, #tpu.memory_space<vmem_shared>>)
        %dma_wait3A_285 = arith.constant 0 : i32
        %dma_wait3A_286 = tpu.memref_slice %arg8[%add3A_168, %dma_wait3A_285] : memref<500x40xi32, #tpu.memory_space<vmem>> -> memref<1x40xi32, #tpu.memory_space<vmem>>
        %dma_wait3A_287 = tpu.memref_squeeze %dma_wait3A_286 : memref<1x40xi32, #tpu.memory_space<vmem>> -> memref<40xi32, #tpu.memory_space<vmem>>
        %dma_wait3A_288 = arith.constant 0 : i32
        %dma_wait3A_289 = arith.constant 0 : i32
        %dma_wait3A_290 = tpu.memref_slice %arg7[%dma_wait3A_288, %dma_wait3A_289] : memref<10000x64xf32, #tpu.memory_space<vmem_shared>> -> memref<10000x64xf32, #tpu.memory_space<vmem_shared>>
        tpu.wait_indirect_dma semaphore(%arg32 : memref<!tpu.dma_semaphore, #tpu.memory_space<semaphore_mem>>) src(%arg21 : memref<40x64xf32, #tpu.memory_space<vmem>>) dst(%dma_wait3A_290 : memref<10000x64xf32, #tpu.memory_space<vmem_shared>>)
        %dma_wait3A_291 = arith.constant 0 : i32
        %dma_wait3A_292 = tpu.memref_slice %arg8[%add3A_182, %dma_wait3A_291] : memref<500x40xi32, #tpu.memory_space<vmem>> -> memref<1x40xi32, #tpu.memory_space<vmem>>
        %dma_wait3A_293 = tpu.memref_squeeze %dma_wait3A_292 : memref<1x40xi32, #tpu.memory_space<vmem>> -> memref<40xi32, #tpu.memory_space<vmem>>
        %dma_wait3A_294 = arith.constant 0 : i32
        %dma_wait3A_295 = arith.constant 0 : i32
        %dma_wait3A_296 = tpu.memref_slice %arg7[%dma_wait3A_294, %dma_wait3A_295] : memref<10000x64xf32, #tpu.memory_space<vmem_shared>> -> memref<10000x64xf32, #tpu.memory_space<vmem_shared>>
        tpu.wait_indirect_dma semaphore(%arg33 : memref<!tpu.dma_semaphore, #tpu.memory_space<semaphore_mem>>) src(%arg22 : memref<40x64xf32, #tpu.memory_space<vmem>>) dst(%dma_wait3A_296 : memref<10000x64xf32, #tpu.memory_space<vmem_shared>>)
        %dma_wait3A_297 = arith.constant 0 : i32
        %dma_wait3A_298 = tpu.memref_slice %arg8[%add3A_196, %dma_wait3A_297] : memref<500x40xi32, #tpu.memory_space<vmem>> -> memref<1x40xi32, #tpu.memory_space<vmem>>
        %dma_wait3A_299 = tpu.memref_squeeze %dma_wait3A_298 : memref<1x40xi32, #tpu.memory_space<vmem>> -> memref<40xi32, #tpu.memory_space<vmem>>
        %dma_wait3A_300 = arith.constant 0 : i32
        %dma_wait3A_301 = arith.constant 0 : i32
        %dma_wait3A_302 = tpu.memref_slice %arg7[%dma_wait3A_300, %dma_wait3A_301] : memref<10000x64xf32, #tpu.memory_space<vmem_shared>> -> memref<10000x64xf32, #tpu.memory_space<vmem_shared>>
        tpu.wait_indirect_dma semaphore(%arg34 : memref<!tpu.dma_semaphore, #tpu.memory_space<semaphore_mem>>) src(%arg23 : memref<40x64xf32, #tpu.memory_space<vmem>>) dst(%dma_wait3A_302 : memref<10000x64xf32, #tpu.memory_space<vmem_shared>>)
        %dma_wait3A_303 = arith.constant 0 : i32
        %dma_wait3A_304 = tpu.memref_slice %arg8[%add3A_210, %dma_wait3A_303] : memref<500x40xi32, #tpu.memory_space<vmem>> -> memref<1x40xi32, #tpu.memory_space<vmem>>
        %dma_wait3A_305 = tpu.memref_squeeze %dma_wait3A_304 : memref<1x40xi32, #tpu.memory_space<vmem>> -> memref<40xi32, #tpu.memory_space<vmem>>
        %dma_wait3A_306 = arith.constant 0 : i32
        %dma_wait3A_307 = arith.constant 0 : i32
        %dma_wait3A_308 = tpu.memref_slice %arg7[%dma_wait3A_306, %dma_wait3A_307] : memref<10000x64xf32, #tpu.memory_space<vmem_shared>> -> memref<10000x64xf32, #tpu.memory_space<vmem_shared>>
        tpu.wait_indirect_dma semaphore(%arg35 : memref<!tpu.dma_semaphore, #tpu.memory_space<semaphore_mem>>) src(%arg24 : memref<40x64xf32, #tpu.memory_space<vmem>>) dst(%dma_wait3A_308 : memref<10000x64xf32, #tpu.memory_space<vmem_shared>>)
        %dma_wait3A_309 = arith.constant 0 : i32
        %dma_wait3A_310 = tpu.memref_slice %arg8[%add3A_224, %dma_wait3A_309] : memref<500x40xi32, #tpu.memory_space<vmem>> -> memref<1x40xi32, #tpu.memory_space<vmem>>
        %dma_wait3A_311 = tpu.memref_squeeze %dma_wait3A_310 : memref<1x40xi32, #tpu.memory_space<vmem>> -> memref<40xi32, #tpu.memory_space<vmem>>
        %dma_wait3A_312 = arith.constant 0 : i32
        %dma_wait3A_313 = arith.constant 0 : i32
        %dma_wait3A_314 = tpu.memref_slice %arg7[%dma_wait3A_312, %dma_wait3A_313] : memref<10000x64xf32, #tpu.memory_space<vmem_shared>> -> memref<10000x64xf32, #tpu.memory_space<vmem_shared>>
        tpu.wait_indirect_dma semaphore(%arg36 : memref<!tpu.dma_semaphore, #tpu.memory_space<semaphore_mem>>) src(%arg25 : memref<40x64xf32, #tpu.memory_space<vmem>>) dst(%dma_wait3A_314 : memref<10000x64xf32, #tpu.memory_space<vmem_shared>>)
        %dma_wait3A_315 = arith.constant 0 : i32
        %dma_wait3A_316 = tpu.memref_slice %arg8[%add3A_238, %dma_wait3A_315] : memref<500x40xi32, #tpu.memory_space<vmem>> -> memref<1x40xi32, #tpu.memory_space<vmem>>
        %dma_wait3A_317 = tpu.memref_squeeze %dma_wait3A_316 : memref<1x40xi32, #tpu.memory_space<vmem>> -> memref<40xi32, #tpu.memory_space<vmem>>
        %dma_wait3A_318 = arith.constant 0 : i32
        %dma_wait3A_319 = arith.constant 0 : i32
        %dma_wait3A_320 = tpu.memref_slice %arg7[%dma_wait3A_318, %dma_wait3A_319] : memref<10000x64xf32, #tpu.memory_space<vmem_shared>> -> memref<10000x64xf32, #tpu.memory_space<vmem_shared>>
        tpu.wait_indirect_dma semaphore(%arg37 : memref<!tpu.dma_semaphore, #tpu.memory_space<semaphore_mem>>) src(%arg26 : memref<40x64xf32, #tpu.memory_space<vmem>>) dst(%dma_wait3A_320 : memref<10000x64xf32, #tpu.memory_space<vmem_shared>>)
        %dma_wait3A_321 = arith.constant 0 : i32
        %dma_wait3A_322 = tpu.memref_slice %arg8[%add3A_252, %dma_wait3A_321] : memref<500x40xi32, #tpu.memory_space<vmem>> -> memref<1x40xi32, #tpu.memory_space<vmem>>
        %dma_wait3A_323 = tpu.memref_squeeze %dma_wait3A_322 : memref<1x40xi32, #tpu.memory_space<vmem>> -> memref<40xi32, #tpu.memory_space<vmem>>
        %dma_wait3A_324 = arith.constant 0 : i32
        %dma_wait3A_325 = arith.constant 0 : i32
        %dma_wait3A_326 = tpu.memref_slice %arg7[%dma_wait3A_324, %dma_wait3A_325] : memref<10000x64xf32, #tpu.memory_space<vmem_shared>> -> memref<10000x64xf32, #tpu.memory_space<vmem_shared>>
        tpu.wait_indirect_dma semaphore(%arg38 : memref<!tpu.dma_semaphore, #tpu.memory_space<semaphore_mem>>) src(%arg27 : memref<40x64xf32, #tpu.memory_space<vmem>>) dst(%dma_wait3A_326 : memref<10000x64xf32, #tpu.memory_space<vmem_shared>>)
        %dma_wait3A_327 = arith.constant 0 : i32
        %dma_wait3A_328 = tpu.memref_slice %arg8[%add3A_266, %dma_wait3A_327] : memref<500x40xi32, #tpu.memory_space<vmem>> -> memref<1x40xi32, #tpu.memory_space<vmem>>
        %dma_wait3A_329 = tpu.memref_squeeze %dma_wait3A_328 : memref<1x40xi32, #tpu.memory_space<vmem>> -> memref<40xi32, #tpu.memory_space<vmem>>
        %dma_wait3A_330 = arith.constant 0 : i32
        %dma_wait3A_331 = arith.constant 0 : i32
        %dma_wait3A_332 = tpu.memref_slice %arg7[%dma_wait3A_330, %dma_wait3A_331] : memref<10000x64xf32, #tpu.memory_space<vmem_shared>> -> memref<10000x64xf32, #tpu.memory_space<vmem_shared>>
        tpu.wait_indirect_dma semaphore(%arg39 : memref<!tpu.dma_semaphore, #tpu.memory_space<semaphore_mem>>) src(%arg28 : memref<40x64xf32, #tpu.memory_space<vmem>>) dst(%dma_wait3A_332 : memref<10000x64xf32, #tpu.memory_space<vmem_shared>>)
        %scan3A_333 = arith.constant 0 : i32
        scf.yield %scan3A_333 : i32
      }
      %scan3A_50 = arith.constant 50 : i32
    } else {
    }
    %eq3A_18 = arith.constant 1 : i32
    %eq3A_19 = arith.cmpi eq, %arg0, %eq3A_18 : i32
    %convert_element_type3A_20 = arith.extui %eq3A_19 : i1 to i32
    %cond3A_21 = arith.constant 0 : i32
    %cond3A_22 = arith.cmpi ne, %convert_element_type3A_20, %cond3A_21 : i32
    scf.if %cond3A_22 {
      %scan3A_44 = arith.constant 0 : i32
      %scan3A_45 = arith.constant 0 : i32
      %scan3A_46 = arith.constant 50 : i32
      %scan3A_47 = arith.addi %scan3A_45, %scan3A_46 : i32
      %scan3A_48 = arith.constant 1 : i32
      %scan3A_49 = scf.for %scan3A_51 = %scan3A_45 to %scan3A_47 step %scan3A_48 iter_args(%scan3A_52 = %scan3A_44) -> (i32)  : i32 {
        %mul3A_53 = arith.constant 10 : i32
        %mul3A_54 = arith.muli %scan3A_51, %mul3A_53 : i32
        %add3A_55 = arith.constant 0 : i32
        %add3A_56 = arith.addi %mul3A_54, %add3A_55 : i32
        %dma_start3A = arith.constant 0 : i32
        %dma_start3A_57 = tpu.memref_slice %arg29[%add3A_56, %dma_start3A] : memref<500x40xi32, #tpu.memory_space<vmem>> -> memref<1x40xi32, #tpu.memory_space<vmem>>
        %dma_start3A_58 = tpu.memref_squeeze %dma_start3A_57 : memref<1x40xi32, #tpu.memory_space<vmem>> -> memref<40xi32, #tpu.memory_space<vmem>>
        %dma_start3A_59 = arith.constant 0 : i32
        %dma_start3A_60 = arith.constant 0 : i32
        %dma_start3A_61 = tpu.memref_slice %arg3[%dma_start3A_59, %dma_start3A_60] : memref<10000x64xf32, #tpu.memory_space<hbm>> -> memref<10000x64xf32, #tpu.memory_space<hbm>>
        tpu.enqueue_indirect_dma source(%dma_start3A_61 : memref<10000x64xf32, #tpu.memory_space<hbm>>) target(%arg19 : memref<40x64xf32, #tpu.memory_space<vmem>>) offsets(%dma_start3A_58 : memref<40xi32, #tpu.memory_space<vmem>>) semaphore(%arg9 : memref<!tpu.dma_semaphore, #tpu.memory_space<semaphore_mem>>)
        %add3A_62 = arith.constant 1 : i32
        %add3A_63 = arith.addi %mul3A_54, %add3A_62 : i32
        %dma_start3A_64 = arith.constant 0 : i32
        %dma_start3A_65 = tpu.memref_slice %arg29[%add3A_63, %dma_start3A_64] : memref<500x40xi32, #tpu.memory_space<vmem>> -> memref<1x40xi32, #tpu.memory_space<vmem>>
        %dma_start3A_66 = tpu.memref_squeeze %dma_start3A_65 : memref<1x40xi32, #tpu.memory_space<vmem>> -> memref<40xi32, #tpu.memory_space<vmem>>
        %dma_start3A_67 = arith.constant 0 : i32
        %dma_start3A_68 = arith.constant 0 : i32
        %dma_start3A_69 = tpu.memref_slice %arg3[%dma_start3A_67, %dma_start3A_68] : memref<10000x64xf32, #tpu.memory_space<hbm>> -> memref<10000x64xf32, #tpu.memory_space<hbm>>
        tpu.enqueue_indirect_dma source(%dma_start3A_69 : memref<10000x64xf32, #tpu.memory_space<hbm>>) target(%arg20 : memref<40x64xf32, #tpu.memory_space<vmem>>) offsets(%dma_start3A_66 : memref<40xi32, #tpu.memory_space<vmem>>) semaphore(%arg10 : memref<!tpu.dma_semaphore, #tpu.memory_space<semaphore_mem>>)
        %add3A_70 = arith.constant 2 : i32
        %add3A_71 = arith.addi %mul3A_54, %add3A_70 : i32
        %dma_start3A_72 = arith.constant 0 : i32
        %dma_start3A_73 = tpu.memref_slice %arg29[%add3A_71, %dma_start3A_72] : memref<500x40xi32, #tpu.memory_space<vmem>> -> memref<1x40xi32, #tpu.memory_space<vmem>>
        %dma_start3A_74 = tpu.memref_squeeze %dma_start3A_73 : memref<1x40xi32, #tpu.memory_space<vmem>> -> memref<40xi32, #tpu.memory_space<vmem>>
        %dma_start3A_75 = arith.constant 0 : i32
        %dma_start3A_76 = arith.constant 0 : i32
        %dma_start3A_77 = tpu.memref_slice %arg3[%dma_start3A_75, %dma_start3A_76] : memref<10000x64xf32, #tpu.memory_space<hbm>> -> memref<10000x64xf32, #tpu.memory_space<hbm>>
        tpu.enqueue_indirect_dma source(%dma_start3A_77 : memref<10000x64xf32, #tpu.memory_space<hbm>>) target(%arg21 : memref<40x64xf32, #tpu.memory_space<vmem>>) offsets(%dma_start3A_74 : memref<40xi32, #tpu.memory_space<vmem>>) semaphore(%arg11 : memref<!tpu.dma_semaphore, #tpu.memory_space<semaphore_mem>>)
        %add3A_78 = arith.constant 3 : i32
        %add3A_79 = arith.addi %mul3A_54, %add3A_78 : i32
        %dma_start3A_80 = arith.constant 0 : i32
        %dma_start3A_81 = tpu.memref_slice %arg29[%add3A_79, %dma_start3A_80] : memref<500x40xi32, #tpu.memory_space<vmem>> -> memref<1x40xi32, #tpu.memory_space<vmem>>
        %dma_start3A_82 = tpu.memref_squeeze %dma_start3A_81 : memref<1x40xi32, #tpu.memory_space<vmem>> -> memref<40xi32, #tpu.memory_space<vmem>>
        %dma_start3A_83 = arith.constant 0 : i32
        %dma_start3A_84 = arith.constant 0 : i32
        %dma_start3A_85 = tpu.memref_slice %arg3[%dma_start3A_83, %dma_start3A_84] : memref<10000x64xf32, #tpu.memory_space<hbm>> -> memref<10000x64xf32, #tpu.memory_space<hbm>>
        tpu.enqueue_indirect_dma source(%dma_start3A_85 : memref<10000x64xf32, #tpu.memory_space<hbm>>) target(%arg22 : memref<40x64xf32, #tpu.memory_space<vmem>>) offsets(%dma_start3A_82 : memref<40xi32, #tpu.memory_space<vmem>>) semaphore(%arg12 : memref<!tpu.dma_semaphore, #tpu.memory_space<semaphore_mem>>)
        %add3A_86 = arith.constant 4 : i32
        %add3A_87 = arith.addi %mul3A_54, %add3A_86 : i32
        %dma_start3A_88 = arith.constant 0 : i32
        %dma_start3A_89 = tpu.memref_slice %arg29[%add3A_87, %dma_start3A_88] : memref<500x40xi32, #tpu.memory_space<vmem>> -> memref<1x40xi32, #tpu.memory_space<vmem>>
        %dma_start3A_90 = tpu.memref_squeeze %dma_start3A_89 : memref<1x40xi32, #tpu.memory_space<vmem>> -> memref<40xi32, #tpu.memory_space<vmem>>
        %dma_start3A_91 = arith.constant 0 : i32
        %dma_start3A_92 = arith.constant 0 : i32
        %dma_start3A_93 = tpu.memref_slice %arg3[%dma_start3A_91, %dma_start3A_92] : memref<10000x64xf32, #tpu.memory_space<hbm>> -> memref<10000x64xf32, #tpu.memory_space<hbm>>
        tpu.enqueue_indirect_dma source(%dma_start3A_93 : memref<10000x64xf32, #tpu.memory_space<hbm>>) target(%arg23 : memref<40x64xf32, #tpu.memory_space<vmem>>) offsets(%dma_start3A_90 : memref<40xi32, #tpu.memory_space<vmem>>) semaphore(%arg13 : memref<!tpu.dma_semaphore, #tpu.memory_space<semaphore_mem>>)
        %add3A_94 = arith.constant 5 : i32
        %add3A_95 = arith.addi %mul3A_54, %add3A_94 : i32
        %dma_start3A_96 = arith.constant 0 : i32
        %dma_start3A_97 = tpu.memref_slice %arg29[%add3A_95, %dma_start3A_96] : memref<500x40xi32, #tpu.memory_space<vmem>> -> memref<1x40xi32, #tpu.memory_space<vmem>>
        %dma_start3A_98 = tpu.memref_squeeze %dma_start3A_97 : memref<1x40xi32, #tpu.memory_space<vmem>> -> memref<40xi32, #tpu.memory_space<vmem>>
        %dma_start3A_99 = arith.constant 0 : i32
        %dma_start3A_100 = arith.constant 0 : i32
        %dma_start3A_101 = tpu.memref_slice %arg3[%dma_start3A_99, %dma_start3A_100] : memref<10000x64xf32, #tpu.memory_space<hbm>> -> memref<10000x64xf32, #tpu.memory_space<hbm>>
        tpu.enqueue_indirect_dma source(%dma_start3A_101 : memref<10000x64xf32, #tpu.memory_space<hbm>>) target(%arg24 : memref<40x64xf32, #tpu.memory_space<vmem>>) offsets(%dma_start3A_98 : memref<40xi32, #tpu.memory_space<vmem>>) semaphore(%arg14 : memref<!tpu.dma_semaphore, #tpu.memory_space<semaphore_mem>>)
        %add3A_102 = arith.constant 6 : i32
        %add3A_103 = arith.addi %mul3A_54, %add3A_102 : i32
        %dma_start3A_104 = arith.constant 0 : i32
        %dma_start3A_105 = tpu.memref_slice %arg29[%add3A_103, %dma_start3A_104] : memref<500x40xi32, #tpu.memory_space<vmem>> -> memref<1x40xi32, #tpu.memory_space<vmem>>
        %dma_start3A_106 = tpu.memref_squeeze %dma_start3A_105 : memref<1x40xi32, #tpu.memory_space<vmem>> -> memref<40xi32, #tpu.memory_space<vmem>>
        %dma_start3A_107 = arith.constant 0 : i32
        %dma_start3A_108 = arith.constant 0 : i32
        %dma_start3A_109 = tpu.memref_slice %arg3[%dma_start3A_107, %dma_start3A_108] : memref<10000x64xf32, #tpu.memory_space<hbm>> -> memref<10000x64xf32, #tpu.memory_space<hbm>>
        tpu.enqueue_indirect_dma source(%dma_start3A_109 : memref<10000x64xf32, #tpu.memory_space<hbm>>) target(%arg25 : memref<40x64xf32, #tpu.memory_space<vmem>>) offsets(%dma_start3A_106 : memref<40xi32, #tpu.memory_space<vmem>>) semaphore(%arg15 : memref<!tpu.dma_semaphore, #tpu.memory_space<semaphore_mem>>)
        %add3A_110 = arith.constant 7 : i32
        %add3A_111 = arith.addi %mul3A_54, %add3A_110 : i32
        %dma_start3A_112 = arith.constant 0 : i32
        %dma_start3A_113 = tpu.memref_slice %arg29[%add3A_111, %dma_start3A_112] : memref<500x40xi32, #tpu.memory_space<vmem>> -> memref<1x40xi32, #tpu.memory_space<vmem>>
        %dma_start3A_114 = tpu.memref_squeeze %dma_start3A_113 : memref<1x40xi32, #tpu.memory_space<vmem>> -> memref<40xi32, #tpu.memory_space<vmem>>
        %dma_start3A_115 = arith.constant 0 : i32
        %dma_start3A_116 = arith.constant 0 : i32
        %dma_start3A_117 = tpu.memref_slice %arg3[%dma_start3A_115, %dma_start3A_116] : memref<10000x64xf32, #tpu.memory_space<hbm>> -> memref<10000x64xf32, #tpu.memory_space<hbm>>
        tpu.enqueue_indirect_dma source(%dma_start3A_117 : memref<10000x64xf32, #tpu.memory_space<hbm>>) target(%arg26 : memref<40x64xf32, #tpu.memory_space<vmem>>) offsets(%dma_start3A_114 : memref<40xi32, #tpu.memory_space<vmem>>) semaphore(%arg16 : memref<!tpu.dma_semaphore, #tpu.memory_space<semaphore_mem>>)
        %add3A_118 = arith.constant 8 : i32
        %add3A_119 = arith.addi %mul3A_54, %add3A_118 : i32
        %dma_start3A_120 = arith.constant 0 : i32
        %dma_start3A_121 = tpu.memref_slice %arg29[%add3A_119, %dma_start3A_120] : memref<500x40xi32, #tpu.memory_space<vmem>> -> memref<1x40xi32, #tpu.memory_space<vmem>>
        %dma_start3A_122 = tpu.memref_squeeze %dma_start3A_121 : memref<1x40xi32, #tpu.memory_space<vmem>> -> memref<40xi32, #tpu.memory_space<vmem>>
        %dma_start3A_123 = arith.constant 0 : i32
        %dma_start3A_124 = arith.constant 0 : i32
        %dma_start3A_125 = tpu.memref_slice %arg3[%dma_start3A_123, %dma_start3A_124] : memref<10000x64xf32, #tpu.memory_space<hbm>> -> memref<10000x64xf32, #tpu.memory_space<hbm>>
        tpu.enqueue_indirect_dma source(%dma_start3A_125 : memref<10000x64xf32, #tpu.memory_space<hbm>>) target(%arg27 : memref<40x64xf32, #tpu.memory_space<vmem>>) offsets(%dma_start3A_122 : memref<40xi32, #tpu.memory_space<vmem>>) semaphore(%arg17 : memref<!tpu.dma_semaphore, #tpu.memory_space<semaphore_mem>>)
        %add3A_126 = arith.constant 9 : i32
        %add3A_127 = arith.addi %mul3A_54, %add3A_126 : i32
        %dma_start3A_128 = arith.constant 0 : i32
        %dma_start3A_129 = tpu.memref_slice %arg29[%add3A_127, %dma_start3A_128] : memref<500x40xi32, #tpu.memory_space<vmem>> -> memref<1x40xi32, #tpu.memory_space<vmem>>
        %dma_start3A_130 = tpu.memref_squeeze %dma_start3A_129 : memref<1x40xi32, #tpu.memory_space<vmem>> -> memref<40xi32, #tpu.memory_space<vmem>>
        %dma_start3A_131 = arith.constant 0 : i32
        %dma_start3A_132 = arith.constant 0 : i32
        %dma_start3A_133 = tpu.memref_slice %arg3[%dma_start3A_131, %dma_start3A_132] : memref<10000x64xf32, #tpu.memory_space<hbm>> -> memref<10000x64xf32, #tpu.memory_space<hbm>>
        tpu.enqueue_indirect_dma source(%dma_start3A_133 : memref<10000x64xf32, #tpu.memory_space<hbm>>) target(%arg28 : memref<40x64xf32, #tpu.memory_space<vmem>>) offsets(%dma_start3A_130 : memref<40xi32, #tpu.memory_space<vmem>>) semaphore(%arg18 : memref<!tpu.dma_semaphore, #tpu.memory_space<semaphore_mem>>)
        %dma_wait3A = arith.constant 0 : i32
        %dma_wait3A_134 = tpu.memref_slice %arg29[%add3A_56, %dma_wait3A] : memref<500x40xi32, #tpu.memory_space<vmem>> -> memref<1x40xi32, #tpu.memory_space<vmem>>
        %dma_wait3A_135 = tpu.memref_squeeze %dma_wait3A_134 : memref<1x40xi32, #tpu.memory_space<vmem>> -> memref<40xi32, #tpu.memory_space<vmem>>
        %dma_wait3A_136 = arith.constant 0 : i32
        %dma_wait3A_137 = arith.constant 0 : i32
        %dma_wait3A_138 = tpu.memref_slice %arg3[%dma_wait3A_136, %dma_wait3A_137] : memref<10000x64xf32, #tpu.memory_space<hbm>> -> memref<10000x64xf32, #tpu.memory_space<hbm>>
        tpu.wait_indirect_dma semaphore(%arg9 : memref<!tpu.dma_semaphore, #tpu.memory_space<semaphore_mem>>) src(%dma_wait3A_138 : memref<10000x64xf32, #tpu.memory_space<hbm>>) dst(%arg19 : memref<40x64xf32, #tpu.memory_space<vmem>>)
        %add3A_139 = arith.constant 0 : i32
        %add3A_140 = arith.addi %mul3A_54, %add3A_139 : i32
        %dma_start3A_141 = arith.constant 0 : i32
        %dma_start3A_142 = tpu.memref_slice %arg8[%add3A_140, %dma_start3A_141] : memref<500x40xi32, #tpu.memory_space<vmem>> -> memref<1x40xi32, #tpu.memory_space<vmem>>
        %dma_start3A_143 = tpu.memref_squeeze %dma_start3A_142 : memref<1x40xi32, #tpu.memory_space<vmem>> -> memref<40xi32, #tpu.memory_space<vmem>>
        %dma_start3A_144 = arith.constant 0 : i32
        %dma_start3A_145 = arith.constant 0 : i32
        %dma_start3A_146 = tpu.memref_slice %arg7[%dma_start3A_144, %dma_start3A_145] : memref<10000x64xf32, #tpu.memory_space<vmem_shared>> -> memref<10000x64xf32, #tpu.memory_space<vmem_shared>>
        tpu.enqueue_indirect_dma source(%arg19 : memref<40x64xf32, #tpu.memory_space<vmem>>) target(%dma_start3A_146 : memref<10000x64xf32, #tpu.memory_space<vmem_shared>>) offsets(%dma_start3A_143 : memref<40xi32, #tpu.memory_space<vmem>>) semaphore(%arg30 : memref<!tpu.dma_semaphore, #tpu.memory_space<semaphore_mem>>) {add = true}
        %dma_wait3A_147 = arith.constant 0 : i32
        %dma_wait3A_148 = tpu.memref_slice %arg29[%add3A_63, %dma_wait3A_147] : memref<500x40xi32, #tpu.memory_space<vmem>> -> memref<1x40xi32, #tpu.memory_space<vmem>>
        %dma_wait3A_149 = tpu.memref_squeeze %dma_wait3A_148 : memref<1x40xi32, #tpu.memory_space<vmem>> -> memref<40xi32, #tpu.memory_space<vmem>>
        %dma_wait3A_150 = arith.constant 0 : i32
        %dma_wait3A_151 = arith.constant 0 : i32
        %dma_wait3A_152 = tpu.memref_slice %arg3[%dma_wait3A_150, %dma_wait3A_151] : memref<10000x64xf32, #tpu.memory_space<hbm>> -> memref<10000x64xf32, #tpu.memory_space<hbm>>
        tpu.wait_indirect_dma semaphore(%arg10 : memref<!tpu.dma_semaphore, #tpu.memory_space<semaphore_mem>>) src(%dma_wait3A_152 : memref<10000x64xf32, #tpu.memory_space<hbm>>) dst(%arg20 : memref<40x64xf32, #tpu.memory_space<vmem>>)
        %add3A_153 = arith.constant 1 : i32
        %add3A_154 = arith.addi %mul3A_54, %add3A_153 : i32
        %dma_start3A_155 = arith.constant 0 : i32
        %dma_start3A_156 = tpu.memref_slice %arg8[%add3A_154, %dma_start3A_155] : memref<500x40xi32, #tpu.memory_space<vmem>> -> memref<1x40xi32, #tpu.memory_space<vmem>>
        %dma_start3A_157 = tpu.memref_squeeze %dma_start3A_156 : memref<1x40xi32, #tpu.memory_space<vmem>> -> memref<40xi32, #tpu.memory_space<vmem>>
        %dma_start3A_158 = arith.constant 0 : i32
        %dma_start3A_159 = arith.constant 0 : i32
        %dma_start3A_160 = tpu.memref_slice %arg7[%dma_start3A_158, %dma_start3A_159] : memref<10000x64xf32, #tpu.memory_space<vmem_shared>> -> memref<10000x64xf32, #tpu.memory_space<vmem_shared>>
        tpu.enqueue_indirect_dma source(%arg20 : memref<40x64xf32, #tpu.memory_space<vmem>>) target(%dma_start3A_160 : memref<10000x64xf32, #tpu.memory_space<vmem_shared>>) offsets(%dma_start3A_157 : memref<40xi32, #tpu.memory_space<vmem>>) semaphore(%arg31 : memref<!tpu.dma_semaphore, #tpu.memory_space<semaphore_mem>>) {add = true}
        %dma_wait3A_161 = arith.constant 0 : i32
        %dma_wait3A_162 = tpu.memref_slice %arg29[%add3A_71, %dma_wait3A_161] : memref<500x40xi32, #tpu.memory_space<vmem>> -> memref<1x40xi32, #tpu.memory_space<vmem>>
        %dma_wait3A_163 = tpu.memref_squeeze %dma_wait3A_162 : memref<1x40xi32, #tpu.memory_space<vmem>> -> memref<40xi32, #tpu.memory_space<vmem>>
        %dma_wait3A_164 = arith.constant 0 : i32
        %dma_wait3A_165 = arith.constant 0 : i32
        %dma_wait3A_166 = tpu.memref_slice %arg3[%dma_wait3A_164, %dma_wait3A_165] : memref<10000x64xf32, #tpu.memory_space<hbm>> -> memref<10000x64xf32, #tpu.memory_space<hbm>>
        tpu.wait_indirect_dma semaphore(%arg11 : memref<!tpu.dma_semaphore, #tpu.memory_space<semaphore_mem>>) src(%dma_wait3A_166 : memref<10000x64xf32, #tpu.memory_space<hbm>>) dst(%arg21 : memref<40x64xf32, #tpu.memory_space<vmem>>)
        %add3A_167 = arith.constant 2 : i32
        %add3A_168 = arith.addi %mul3A_54, %add3A_167 : i32
        %dma_start3A_169 = arith.constant 0 : i32
        %dma_start3A_170 = tpu.memref_slice %arg8[%add3A_168, %dma_start3A_169] : memref<500x40xi32, #tpu.memory_space<vmem>> -> memref<1x40xi32, #tpu.memory_space<vmem>>
        %dma_start3A_171 = tpu.memref_squeeze %dma_start3A_170 : memref<1x40xi32, #tpu.memory_space<vmem>> -> memref<40xi32, #tpu.memory_space<vmem>>
        %dma_start3A_172 = arith.constant 0 : i32
        %dma_start3A_173 = arith.constant 0 : i32
        %dma_start3A_174 = tpu.memref_slice %arg7[%dma_start3A_172, %dma_start3A_173] : memref<10000x64xf32, #tpu.memory_space<vmem_shared>> -> memref<10000x64xf32, #tpu.memory_space<vmem_shared>>
        tpu.enqueue_indirect_dma source(%arg21 : memref<40x64xf32, #tpu.memory_space<vmem>>) target(%dma_start3A_174 : memref<10000x64xf32, #tpu.memory_space<vmem_shared>>) offsets(%dma_start3A_171 : memref<40xi32, #tpu.memory_space<vmem>>) semaphore(%arg32 : memref<!tpu.dma_semaphore, #tpu.memory_space<semaphore_mem>>) {add = true}
        %dma_wait3A_175 = arith.constant 0 : i32
        %dma_wait3A_176 = tpu.memref_slice %arg29[%add3A_79, %dma_wait3A_175] : memref<500x40xi32, #tpu.memory_space<vmem>> -> memref<1x40xi32, #tpu.memory_space<vmem>>
        %dma_wait3A_177 = tpu.memref_squeeze %dma_wait3A_176 : memref<1x40xi32, #tpu.memory_space<vmem>> -> memref<40xi32, #tpu.memory_space<vmem>>
        %dma_wait3A_178 = arith.constant 0 : i32
        %dma_wait3A_179 = arith.constant 0 : i32
        %dma_wait3A_180 = tpu.memref_slice %arg3[%dma_wait3A_178, %dma_wait3A_179] : memref<10000x64xf32, #tpu.memory_space<hbm>> -> memref<10000x64xf32, #tpu.memory_space<hbm>>
        tpu.wait_indirect_dma semaphore(%arg12 : memref<!tpu.dma_semaphore, #tpu.memory_space<semaphore_mem>>) src(%dma_wait3A_180 : memref<10000x64xf32, #tpu.memory_space<hbm>>) dst(%arg22 : memref<40x64xf32, #tpu.memory_space<vmem>>)
        %add3A_181 = arith.constant 3 : i32
        %add3A_182 = arith.addi %mul3A_54, %add3A_181 : i32
        %dma_start3A_183 = arith.constant 0 : i32
        %dma_start3A_184 = tpu.memref_slice %arg8[%add3A_182, %dma_start3A_183] : memref<500x40xi32, #tpu.memory_space<vmem>> -> memref<1x40xi32, #tpu.memory_space<vmem>>
        %dma_start3A_185 = tpu.memref_squeeze %dma_start3A_184 : memref<1x40xi32, #tpu.memory_space<vmem>> -> memref<40xi32, #tpu.memory_space<vmem>>
        %dma_start3A_186 = arith.constant 0 : i32
        %dma_start3A_187 = arith.constant 0 : i32
        %dma_start3A_188 = tpu.memref_slice %arg7[%dma_start3A_186, %dma_start3A_187] : memref<10000x64xf32, #tpu.memory_space<vmem_shared>> -> memref<10000x64xf32, #tpu.memory_space<vmem_shared>>
        tpu.enqueue_indirect_dma source(%arg22 : memref<40x64xf32, #tpu.memory_space<vmem>>) target(%dma_start3A_188 : memref<10000x64xf32, #tpu.memory_space<vmem_shared>>) offsets(%dma_start3A_185 : memref<40xi32, #tpu.memory_space<vmem>>) semaphore(%arg33 : memref<!tpu.dma_semaphore, #tpu.memory_space<semaphore_mem>>) {add = true}
        %dma_wait3A_189 = arith.constant 0 : i32
        %dma_wait3A_190 = tpu.memref_slice %arg29[%add3A_87, %dma_wait3A_189] : memref<500x40xi32, #tpu.memory_space<vmem>> -> memref<1x40xi32, #tpu.memory_space<vmem>>
        %dma_wait3A_191 = tpu.memref_squeeze %dma_wait3A_190 : memref<1x40xi32, #tpu.memory_space<vmem>> -> memref<40xi32, #tpu.memory_space<vmem>>
        %dma_wait3A_192 = arith.constant 0 : i32
        %dma_wait3A_193 = arith.constant 0 : i32
        %dma_wait3A_194 = tpu.memref_slice %arg3[%dma_wait3A_192, %dma_wait3A_193] : memref<10000x64xf32, #tpu.memory_space<hbm>> -> memref<10000x64xf32, #tpu.memory_space<hbm>>
        tpu.wait_indirect_dma semaphore(%arg13 : memref<!tpu.dma_semaphore, #tpu.memory_space<semaphore_mem>>) src(%dma_wait3A_194 : memref<10000x64xf32, #tpu.memory_space<hbm>>) dst(%arg23 : memref<40x64xf32, #tpu.memory_space<vmem>>)
        %add3A_195 = arith.constant 4 : i32
        %add3A_196 = arith.addi %mul3A_54, %add3A_195 : i32
        %dma_start3A_197 = arith.constant 0 : i32
        %dma_start3A_198 = tpu.memref_slice %arg8[%add3A_196, %dma_start3A_197] : memref<500x40xi32, #tpu.memory_space<vmem>> -> memref<1x40xi32, #tpu.memory_space<vmem>>
        %dma_start3A_199 = tpu.memref_squeeze %dma_start3A_198 : memref<1x40xi32, #tpu.memory_space<vmem>> -> memref<40xi32, #tpu.memory_space<vmem>>
        %dma_start3A_200 = arith.constant 0 : i32
        %dma_start3A_201 = arith.constant 0 : i32
        %dma_start3A_202 = tpu.memref_slice %arg7[%dma_start3A_200, %dma_start3A_201] : memref<10000x64xf32, #tpu.memory_space<vmem_shared>> -> memref<10000x64xf32, #tpu.memory_space<vmem_shared>>
        tpu.enqueue_indirect_dma source(%arg23 : memref<40x64xf32, #tpu.memory_space<vmem>>) target(%dma_start3A_202 : memref<10000x64xf32, #tpu.memory_space<vmem_shared>>) offsets(%dma_start3A_199 : memref<40xi32, #tpu.memory_space<vmem>>) semaphore(%arg34 : memref<!tpu.dma_semaphore, #tpu.memory_space<semaphore_mem>>) {add = true}
        %dma_wait3A_203 = arith.constant 0 : i32
        %dma_wait3A_204 = tpu.memref_slice %arg29[%add3A_95, %dma_wait3A_203] : memref<500x40xi32, #tpu.memory_space<vmem>> -> memref<1x40xi32, #tpu.memory_space<vmem>>
        %dma_wait3A_205 = tpu.memref_squeeze %dma_wait3A_204 : memref<1x40xi32, #tpu.memory_space<vmem>> -> memref<40xi32, #tpu.memory_space<vmem>>
        %dma_wait3A_206 = arith.constant 0 : i32
        %dma_wait3A_207 = arith.constant 0 : i32
        %dma_wait3A_208 = tpu.memref_slice %arg3[%dma_wait3A_206, %dma_wait3A_207] : memref<10000x64xf32, #tpu.memory_space<hbm>> -> memref<10000x64xf32, #tpu.memory_space<hbm>>
        tpu.wait_indirect_dma semaphore(%arg14 : memref<!tpu.dma_semaphore, #tpu.memory_space<semaphore_mem>>) src(%dma_wait3A_208 : memref<10000x64xf32, #tpu.memory_space<hbm>>) dst(%arg24 : memref<40x64xf32, #tpu.memory_space<vmem>>)
        %add3A_209 = arith.constant 5 : i32
        %add3A_210 = arith.addi %mul3A_54, %add3A_209 : i32
        %dma_start3A_211 = arith.constant 0 : i32
        %dma_start3A_212 = tpu.memref_slice %arg8[%add3A_210, %dma_start3A_211] : memref<500x40xi32, #tpu.memory_space<vmem>> -> memref<1x40xi32, #tpu.memory_space<vmem>>
        %dma_start3A_213 = tpu.memref_squeeze %dma_start3A_212 : memref<1x40xi32, #tpu.memory_space<vmem>> -> memref<40xi32, #tpu.memory_space<vmem>>
        %dma_start3A_214 = arith.constant 0 : i32
        %dma_start3A_215 = arith.constant 0 : i32
        %dma_start3A_216 = tpu.memref_slice %arg7[%dma_start3A_214, %dma_start3A_215] : memref<10000x64xf32, #tpu.memory_space<vmem_shared>> -> memref<10000x64xf32, #tpu.memory_space<vmem_shared>>
        tpu.enqueue_indirect_dma source(%arg24 : memref<40x64xf32, #tpu.memory_space<vmem>>) target(%dma_start3A_216 : memref<10000x64xf32, #tpu.memory_space<vmem_shared>>) offsets(%dma_start3A_213 : memref<40xi32, #tpu.memory_space<vmem>>) semaphore(%arg35 : memref<!tpu.dma_semaphore, #tpu.memory_space<semaphore_mem>>) {add = true}
        %dma_wait3A_217 = arith.constant 0 : i32
        %dma_wait3A_218 = tpu.memref_slice %arg29[%add3A_103, %dma_wait3A_217] : memref<500x40xi32, #tpu.memory_space<vmem>> -> memref<1x40xi32, #tpu.memory_space<vmem>>
        %dma_wait3A_219 = tpu.memref_squeeze %dma_wait3A_218 : memref<1x40xi32, #tpu.memory_space<vmem>> -> memref<40xi32, #tpu.memory_space<vmem>>
        %dma_wait3A_220 = arith.constant 0 : i32
        %dma_wait3A_221 = arith.constant 0 : i32
        %dma_wait3A_222 = tpu.memref_slice %arg3[%dma_wait3A_220, %dma_wait3A_221] : memref<10000x64xf32, #tpu.memory_space<hbm>> -> memref<10000x64xf32, #tpu.memory_space<hbm>>
        tpu.wait_indirect_dma semaphore(%arg15 : memref<!tpu.dma_semaphore, #tpu.memory_space<semaphore_mem>>) src(%dma_wait3A_222 : memref<10000x64xf32, #tpu.memory_space<hbm>>) dst(%arg25 : memref<40x64xf32, #tpu.memory_space<vmem>>)
        %add3A_223 = arith.constant 6 : i32
        %add3A_224 = arith.addi %mul3A_54, %add3A_223 : i32
        %dma_start3A_225 = arith.constant 0 : i32
        %dma_start3A_226 = tpu.memref_slice %arg8[%add3A_224, %dma_start3A_225] : memref<500x40xi32, #tpu.memory_space<vmem>> -> memref<1x40xi32, #tpu.memory_space<vmem>>
        %dma_start3A_227 = tpu.memref_squeeze %dma_start3A_226 : memref<1x40xi32, #tpu.memory_space<vmem>> -> memref<40xi32, #tpu.memory_space<vmem>>
        %dma_start3A_228 = arith.constant 0 : i32
        %dma_start3A_229 = arith.constant 0 : i32
        %dma_start3A_230 = tpu.memref_slice %arg7[%dma_start3A_228, %dma_start3A_229] : memref<10000x64xf32, #tpu.memory_space<vmem_shared>> -> memref<10000x64xf32, #tpu.memory_space<vmem_shared>>
        tpu.enqueue_indirect_dma source(%arg25 : memref<40x64xf32, #tpu.memory_space<vmem>>) target(%dma_start3A_230 : memref<10000x64xf32, #tpu.memory_space<vmem_shared>>) offsets(%dma_start3A_227 : memref<40xi32, #tpu.memory_space<vmem>>) semaphore(%arg36 : memref<!tpu.dma_semaphore, #tpu.memory_space<semaphore_mem>>) {add = true}
        %dma_wait3A_231 = arith.constant 0 : i32
        %dma_wait3A_232 = tpu.memref_slice %arg29[%add3A_111, %dma_wait3A_231] : memref<500x40xi32, #tpu.memory_space<vmem>> -> memref<1x40xi32, #tpu.memory_space<vmem>>
        %dma_wait3A_233 = tpu.memref_squeeze %dma_wait3A_232 : memref<1x40xi32, #tpu.memory_space<vmem>> -> memref<40xi32, #tpu.memory_space<vmem>>
        %dma_wait3A_234 = arith.constant 0 : i32
        %dma_wait3A_235 = arith.constant 0 : i32
        %dma_wait3A_236 = tpu.memref_slice %arg3[%dma_wait3A_234, %dma_wait3A_235] : memref<10000x64xf32, #tpu.memory_space<hbm>> -> memref<10000x64xf32, #tpu.memory_space<hbm>>
        tpu.wait_indirect_dma semaphore(%arg16 : memref<!tpu.dma_semaphore, #tpu.memory_space<semaphore_mem>>) src(%dma_wait3A_236 : memref<10000x64xf32, #tpu.memory_space<hbm>>) dst(%arg26 : memref<40x64xf32, #tpu.memory_space<vmem>>)
        %add3A_237 = arith.constant 7 : i32
        %add3A_238 = arith.addi %mul3A_54, %add3A_237 : i32
        %dma_start3A_239 = arith.constant 0 : i32
        %dma_start3A_240 = tpu.memref_slice %arg8[%add3A_238, %dma_start3A_239] : memref<500x40xi32, #tpu.memory_space<vmem>> -> memref<1x40xi32, #tpu.memory_space<vmem>>
        %dma_start3A_241 = tpu.memref_squeeze %dma_start3A_240 : memref<1x40xi32, #tpu.memory_space<vmem>> -> memref<40xi32, #tpu.memory_space<vmem>>
        %dma_start3A_242 = arith.constant 0 : i32
        %dma_start3A_243 = arith.constant 0 : i32
        %dma_start3A_244 = tpu.memref_slice %arg7[%dma_start3A_242, %dma_start3A_243] : memref<10000x64xf32, #tpu.memory_space<vmem_shared>> -> memref<10000x64xf32, #tpu.memory_space<vmem_shared>>
        tpu.enqueue_indirect_dma source(%arg26 : memref<40x64xf32, #tpu.memory_space<vmem>>) target(%dma_start3A_244 : memref<10000x64xf32, #tpu.memory_space<vmem_shared>>) offsets(%dma_start3A_241 : memref<40xi32, #tpu.memory_space<vmem>>) semaphore(%arg37 : memref<!tpu.dma_semaphore, #tpu.memory_space<semaphore_mem>>) {add = true}
        %dma_wait3A_245 = arith.constant 0 : i32
        %dma_wait3A_246 = tpu.memref_slice %arg29[%add3A_119, %dma_wait3A_245] : memref<500x40xi32, #tpu.memory_space<vmem>> -> memref<1x40xi32, #tpu.memory_space<vmem>>
        %dma_wait3A_247 = tpu.memref_squeeze %dma_wait3A_246 : memref<1x40xi32, #tpu.memory_space<vmem>> -> memref<40xi32, #tpu.memory_space<vmem>>
        %dma_wait3A_248 = arith.constant 0 : i32
        %dma_wait3A_249 = arith.constant 0 : i32
        %dma_wait3A_250 = tpu.memref_slice %arg3[%dma_wait3A_248, %dma_wait3A_249] : memref<10000x64xf32, #tpu.memory_space<hbm>> -> memref<10000x64xf32, #tpu.memory_space<hbm>>
        tpu.wait_indirect_dma semaphore(%arg17 : memref<!tpu.dma_semaphore, #tpu.memory_space<semaphore_mem>>) src(%dma_wait3A_250 : memref<10000x64xf32, #tpu.memory_space<hbm>>) dst(%arg27 : memref<40x64xf32, #tpu.memory_space<vmem>>)
        %add3A_251 = arith.constant 8 : i32
        %add3A_252 = arith.addi %mul3A_54, %add3A_251 : i32
        %dma_start3A_253 = arith.constant 0 : i32
        %dma_start3A_254 = tpu.memref_slice %arg8[%add3A_252, %dma_start3A_253] : memref<500x40xi32, #tpu.memory_space<vmem>> -> memref<1x40xi32, #tpu.memory_space<vmem>>
        %dma_start3A_255 = tpu.memref_squeeze %dma_start3A_254 : memref<1x40xi32, #tpu.memory_space<vmem>> -> memref<40xi32, #tpu.memory_space<vmem>>
        %dma_start3A_256 = arith.constant 0 : i32
        %dma_start3A_257 = arith.constant 0 : i32
        %dma_start3A_258 = tpu.memref_slice %arg7[%dma_start3A_256, %dma_start3A_257] : memref<10000x64xf32, #tpu.memory_space<vmem_shared>> -> memref<10000x64xf32, #tpu.memory_space<vmem_shared>>
        tpu.enqueue_indirect_dma source(%arg27 : memref<40x64xf32, #tpu.memory_space<vmem>>) target(%dma_start3A_258 : memref<10000x64xf32, #tpu.memory_space<vmem_shared>>) offsets(%dma_start3A_255 : memref<40xi32, #tpu.memory_space<vmem>>) semaphore(%arg38 : memref<!tpu.dma_semaphore, #tpu.memory_space<semaphore_mem>>) {add = true}
        %dma_wait3A_259 = arith.constant 0 : i32
        %dma_wait3A_260 = tpu.memref_slice %arg29[%add3A_127, %dma_wait3A_259] : memref<500x40xi32, #tpu.memory_space<vmem>> -> memref<1x40xi32, #tpu.memory_space<vmem>>
        %dma_wait3A_261 = tpu.memref_squeeze %dma_wait3A_260 : memref<1x40xi32, #tpu.memory_space<vmem>> -> memref<40xi32, #tpu.memory_space<vmem>>
        %dma_wait3A_262 = arith.constant 0 : i32
        %dma_wait3A_263 = arith.constant 0 : i32
        %dma_wait3A_264 = tpu.memref_slice %arg3[%dma_wait3A_262, %dma_wait3A_263] : memref<10000x64xf32, #tpu.memory_space<hbm>> -> memref<10000x64xf32, #tpu.memory_space<hbm>>
        tpu.wait_indirect_dma semaphore(%arg18 : memref<!tpu.dma_semaphore, #tpu.memory_space<semaphore_mem>>) src(%dma_wait3A_264 : memref<10000x64xf32, #tpu.memory_space<hbm>>) dst(%arg28 : memref<40x64xf32, #tpu.memory_space<vmem>>)
        %add3A_265 = arith.constant 9 : i32
        %add3A_266 = arith.addi %mul3A_54, %add3A_265 : i32
        %dma_start3A_267 = arith.constant 0 : i32
        %dma_start3A_268 = tpu.memref_slice %arg8[%add3A_266, %dma_start3A_267] : memref<500x40xi32, #tpu.memory_space<vmem>> -> memref<1x40xi32, #tpu.memory_space<vmem>>
        %dma_start3A_269 = tpu.memref_squeeze %dma_start3A_268 : memref<1x40xi32, #tpu.memory_space<vmem>> -> memref<40xi32, #tpu.memory_space<vmem>>
        %dma_start3A_270 = arith.constant 0 : i32
        %dma_start3A_271 = arith.constant 0 : i32
        %dma_start3A_272 = tpu.memref_slice %arg7[%dma_start3A_270, %dma_start3A_271] : memref<10000x64xf32, #tpu.memory_space<vmem_shared>> -> memref<10000x64xf32, #tpu.memory_space<vmem_shared>>
        tpu.enqueue_indirect_dma source(%arg28 : memref<40x64xf32, #tpu.memory_space<vmem>>) target(%dma_start3A_272 : memref<10000x64xf32, #tpu.memory_space<vmem_shared>>) offsets(%dma_start3A_269 : memref<40xi32, #tpu.memory_space<vmem>>) semaphore(%arg39 : memref<!tpu.dma_semaphore, #tpu.memory_space<semaphore_mem>>) {add = true}
        %dma_wait3A_273 = arith.constant 0 : i32
        %dma_wait3A_274 = tpu.memref_slice %arg8[%add3A_140, %dma_wait3A_273] : memref<500x40xi32, #tpu.memory_space<vmem>> -> memref<1x40xi32, #tpu.memory_space<vmem>>
        %dma_wait3A_275 = tpu.memref_squeeze %dma_wait3A_274 : memref<1x40xi32, #tpu.memory_space<vmem>> -> memref<40xi32, #tpu.memory_space<vmem>>
        %dma_wait3A_276 = arith.constant 0 : i32
        %dma_wait3A_277 = arith.constant 0 : i32
        %dma_wait3A_278 = tpu.memref_slice %arg7[%dma_wait3A_276, %dma_wait3A_277] : memref<10000x64xf32, #tpu.memory_space<vmem_shared>> -> memref<10000x64xf32, #tpu.memory_space<vmem_shared>>
        tpu.wait_indirect_dma semaphore(%arg30 : memref<!tpu.dma_semaphore, #tpu.memory_space<semaphore_mem>>) src(%arg19 : memref<40x64xf32, #tpu.memory_space<vmem>>) dst(%dma_wait3A_278 : memref<10000x64xf32, #tpu.memory_space<vmem_shared>>)
        %dma_wait3A_279 = arith.constant 0 : i32
        %dma_wait3A_280 = tpu.memref_slice %arg8[%add3A_154, %dma_wait3A_279] : memref<500x40xi32, #tpu.memory_space<vmem>> -> memref<1x40xi32, #tpu.memory_space<vmem>>
        %dma_wait3A_281 = tpu.memref_squeeze %dma_wait3A_280 : memref<1x40xi32, #tpu.memory_space<vmem>> -> memref<40xi32, #tpu.memory_space<vmem>>
        %dma_wait3A_282 = arith.constant 0 : i32
        %dma_wait3A_283 = arith.constant 0 : i32
        %dma_wait3A_284 = tpu.memref_slice %arg7[%dma_wait3A_282, %dma_wait3A_283] : memref<10000x64xf32, #tpu.memory_space<vmem_shared>> -> memref<10000x64xf32, #tpu.memory_space<vmem_shared>>
        tpu.wait_indirect_dma semaphore(%arg31 : memref<!tpu.dma_semaphore, #tpu.memory_space<semaphore_mem>>) src(%arg20 : memref<40x64xf32, #tpu.memory_space<vmem>>) dst(%dma_wait3A_284 : memref<10000x64xf32, #tpu.memory_space<vmem_shared>>)
        %dma_wait3A_285 = arith.constant 0 : i32
        %dma_wait3A_286 = tpu.memref_slice %arg8[%add3A_168, %dma_wait3A_285] : memref<500x40xi32, #tpu.memory_space<vmem>> -> memref<1x40xi32, #tpu.memory_space<vmem>>
        %dma_wait3A_287 = tpu.memref_squeeze %dma_wait3A_286 : memref<1x40xi32, #tpu.memory_space<vmem>> -> memref<40xi32, #tpu.memory_space<vmem>>
        %dma_wait3A_288 = arith.constant 0 : i32
        %dma_wait3A_289 = arith.constant 0 : i32
        %dma_wait3A_290 = tpu.memref_slice %arg7[%dma_wait3A_288, %dma_wait3A_289] : memref<10000x64xf32, #tpu.memory_space<vmem_shared>> -> memref<10000x64xf32, #tpu.memory_space<vmem_shared>>
        tpu.wait_indirect_dma semaphore(%arg32 : memref<!tpu.dma_semaphore, #tpu.memory_space<semaphore_mem>>) src(%arg21 : memref<40x64xf32, #tpu.memory_space<vmem>>) dst(%dma_wait3A_290 : memref<10000x64xf32, #tpu.memory_space<vmem_shared>>)
        %dma_wait3A_291 = arith.constant 0 : i32
        %dma_wait3A_292 = tpu.memref_slice %arg8[%add3A_182, %dma_wait3A_291] : memref<500x40xi32, #tpu.memory_space<vmem>> -> memref<1x40xi32, #tpu.memory_space<vmem>>
        %dma_wait3A_293 = tpu.memref_squeeze %dma_wait3A_292 : memref<1x40xi32, #tpu.memory_space<vmem>> -> memref<40xi32, #tpu.memory_space<vmem>>
        %dma_wait3A_294 = arith.constant 0 : i32
        %dma_wait3A_295 = arith.constant 0 : i32
        %dma_wait3A_296 = tpu.memref_slice %arg7[%dma_wait3A_294, %dma_wait3A_295] : memref<10000x64xf32, #tpu.memory_space<vmem_shared>> -> memref<10000x64xf32, #tpu.memory_space<vmem_shared>>
        tpu.wait_indirect_dma semaphore(%arg33 : memref<!tpu.dma_semaphore, #tpu.memory_space<semaphore_mem>>) src(%arg22 : memref<40x64xf32, #tpu.memory_space<vmem>>) dst(%dma_wait3A_296 : memref<10000x64xf32, #tpu.memory_space<vmem_shared>>)
        %dma_wait3A_297 = arith.constant 0 : i32
        %dma_wait3A_298 = tpu.memref_slice %arg8[%add3A_196, %dma_wait3A_297] : memref<500x40xi32, #tpu.memory_space<vmem>> -> memref<1x40xi32, #tpu.memory_space<vmem>>
        %dma_wait3A_299 = tpu.memref_squeeze %dma_wait3A_298 : memref<1x40xi32, #tpu.memory_space<vmem>> -> memref<40xi32, #tpu.memory_space<vmem>>
        %dma_wait3A_300 = arith.constant 0 : i32
        %dma_wait3A_301 = arith.constant 0 : i32
        %dma_wait3A_302 = tpu.memref_slice %arg7[%dma_wait3A_300, %dma_wait3A_301] : memref<10000x64xf32, #tpu.memory_space<vmem_shared>> -> memref<10000x64xf32, #tpu.memory_space<vmem_shared>>
        tpu.wait_indirect_dma semaphore(%arg34 : memref<!tpu.dma_semaphore, #tpu.memory_space<semaphore_mem>>) src(%arg23 : memref<40x64xf32, #tpu.memory_space<vmem>>) dst(%dma_wait3A_302 : memref<10000x64xf32, #tpu.memory_space<vmem_shared>>)
        %dma_wait3A_303 = arith.constant 0 : i32
        %dma_wait3A_304 = tpu.memref_slice %arg8[%add3A_210, %dma_wait3A_303] : memref<500x40xi32, #tpu.memory_space<vmem>> -> memref<1x40xi32, #tpu.memory_space<vmem>>
        %dma_wait3A_305 = tpu.memref_squeeze %dma_wait3A_304 : memref<1x40xi32, #tpu.memory_space<vmem>> -> memref<40xi32, #tpu.memory_space<vmem>>
        %dma_wait3A_306 = arith.constant 0 : i32
        %dma_wait3A_307 = arith.constant 0 : i32
        %dma_wait3A_308 = tpu.memref_slice %arg7[%dma_wait3A_306, %dma_wait3A_307] : memref<10000x64xf32, #tpu.memory_space<vmem_shared>> -> memref<10000x64xf32, #tpu.memory_space<vmem_shared>>
        tpu.wait_indirect_dma semaphore(%arg35 : memref<!tpu.dma_semaphore, #tpu.memory_space<semaphore_mem>>) src(%arg24 : memref<40x64xf32, #tpu.memory_space<vmem>>) dst(%dma_wait3A_308 : memref<10000x64xf32, #tpu.memory_space<vmem_shared>>)
        %dma_wait3A_309 = arith.constant 0 : i32
        %dma_wait3A_310 = tpu.memref_slice %arg8[%add3A_224, %dma_wait3A_309] : memref<500x40xi32, #tpu.memory_space<vmem>> -> memref<1x40xi32, #tpu.memory_space<vmem>>
        %dma_wait3A_311 = tpu.memref_squeeze %dma_wait3A_310 : memref<1x40xi32, #tpu.memory_space<vmem>> -> memref<40xi32, #tpu.memory_space<vmem>>
        %dma_wait3A_312 = arith.constant 0 : i32
        %dma_wait3A_313 = arith.constant 0 : i32
        %dma_wait3A_314 = tpu.memref_slice %arg7[%dma_wait3A_312, %dma_wait3A_313] : memref<10000x64xf32, #tpu.memory_space<vmem_shared>> -> memref<10000x64xf32, #tpu.memory_space<vmem_shared>>
        tpu.wait_indirect_dma semaphore(%arg36 : memref<!tpu.dma_semaphore, #tpu.memory_space<semaphore_mem>>) src(%arg25 : memref<40x64xf32, #tpu.memory_space<vmem>>) dst(%dma_wait3A_314 : memref<10000x64xf32, #tpu.memory_space<vmem_shared>>)
        %dma_wait3A_315 = arith.constant 0 : i32
        %dma_wait3A_316 = tpu.memref_slice %arg8[%add3A_238, %dma_wait3A_315] : memref<500x40xi32, #tpu.memory_space<vmem>> -> memref<1x40xi32, #tpu.memory_space<vmem>>
        %dma_wait3A_317 = tpu.memref_squeeze %dma_wait3A_316 : memref<1x40xi32, #tpu.memory_space<vmem>> -> memref<40xi32, #tpu.memory_space<vmem>>
        %dma_wait3A_318 = arith.constant 0 : i32
        %dma_wait3A_319 = arith.constant 0 : i32
        %dma_wait3A_320 = tpu.memref_slice %arg7[%dma_wait3A_318, %dma_wait3A_319] : memref<10000x64xf32, #tpu.memory_space<vmem_shared>> -> memref<10000x64xf32, #tpu.memory_space<vmem_shared>>
        tpu.wait_indirect_dma semaphore(%arg37 : memref<!tpu.dma_semaphore, #tpu.memory_space<semaphore_mem>>) src(%arg26 : memref<40x64xf32, #tpu.memory_space<vmem>>) dst(%dma_wait3A_320 : memref<10000x64xf32, #tpu.memory_space<vmem_shared>>)
        %dma_wait3A_321 = arith.constant 0 : i32
        %dma_wait3A_322 = tpu.memref_slice %arg8[%add3A_252, %dma_wait3A_321] : memref<500x40xi32, #tpu.memory_space<vmem>> -> memref<1x40xi32, #tpu.memory_space<vmem>>
        %dma_wait3A_323 = tpu.memref_squeeze %dma_wait3A_322 : memref<1x40xi32, #tpu.memory_space<vmem>> -> memref<40xi32, #tpu.memory_space<vmem>>
        %dma_wait3A_324 = arith.constant 0 : i32
        %dma_wait3A_325 = arith.constant 0 : i32
        %dma_wait3A_326 = tpu.memref_slice %arg7[%dma_wait3A_324, %dma_wait3A_325] : memref<10000x64xf32, #tpu.memory_space<vmem_shared>> -> memref<10000x64xf32, #tpu.memory_space<vmem_shared>>
        tpu.wait_indirect_dma semaphore(%arg38 : memref<!tpu.dma_semaphore, #tpu.memory_space<semaphore_mem>>) src(%arg27 : memref<40x64xf32, #tpu.memory_space<vmem>>) dst(%dma_wait3A_326 : memref<10000x64xf32, #tpu.memory_space<vmem_shared>>)
        %dma_wait3A_327 = arith.constant 0 : i32
        %dma_wait3A_328 = tpu.memref_slice %arg8[%add3A_266, %dma_wait3A_327] : memref<500x40xi32, #tpu.memory_space<vmem>> -> memref<1x40xi32, #tpu.memory_space<vmem>>
        %dma_wait3A_329 = tpu.memref_squeeze %dma_wait3A_328 : memref<1x40xi32, #tpu.memory_space<vmem>> -> memref<40xi32, #tpu.memory_space<vmem>>
        %dma_wait3A_330 = arith.constant 0 : i32
        %dma_wait3A_331 = arith.constant 0 : i32
        %dma_wait3A_332 = tpu.memref_slice %arg7[%dma_wait3A_330, %dma_wait3A_331] : memref<10000x64xf32, #tpu.memory_space<vmem_shared>> -> memref<10000x64xf32, #tpu.memory_space<vmem_shared>>
        tpu.wait_indirect_dma semaphore(%arg39 : memref<!tpu.dma_semaphore, #tpu.memory_space<semaphore_mem>>) src(%arg28 : memref<40x64xf32, #tpu.memory_space<vmem>>) dst(%dma_wait3A_332 : memref<10000x64xf32, #tpu.memory_space<vmem_shared>>)
        %scan3A_333 = arith.constant 0 : i32
        scf.yield %scan3A_333 : i32
      }
      %scan3A_50 = arith.constant 50 : i32
    } else {
    }
    %barrier3A_23 = arith.constant 0 : index
    tpu.barrier barrier_id(%barrier3A_23)
    %add3A_24 = arith.constant 0 : i32
    %add3A_25 = arith.addi %mul3A_0, %add3A_24 : i32
    %mul3A_26 = arith.constant 64 : i32
    %mul3A_27 = arith.muli %arg0, %mul3A_26 : i32
    "tpu.region"() ({
      %run_scoped3A = tpu.sem_alloc : memref<!tpu.dma_semaphore, #tpu.memory_space<semaphore_mem>>
      %dma_start3A = tpu.memref_slice %arg6[%add3A_25, %mul3A_27] : memref<10000x128xf32, #tpu.memory_space<hbm>> -> memref<125x64xf32, #tpu.memory_space<hbm>>
      %dma_start3A_44 = arith.constant 0 : i32
      %dma_start3A_45 = tpu.memref_slice %arg7[%add3A_25, %dma_start3A_44] : memref<10000x64xf32, #tpu.memory_space<vmem_shared>> -> memref<125x64xf32, #tpu.memory_space<vmem_shared>>
      tpu.enqueue_dma source(%dma_start3A_45 : memref<125x64xf32, #tpu.memory_space<vmem_shared>>) target(%dma_start3A : memref<125x64xf32, #tpu.memory_space<hbm>>) target_semaphore(%run_scoped3A : memref<!tpu.dma_semaphore, #tpu.memory_space<semaphore_mem>>)
      %dma_wait3A = tpu.memref_slice %arg6[%add3A_25, %mul3A_27] : memref<10000x128xf32, #tpu.memory_space<hbm>> -> memref<125x64xf32, #tpu.memory_space<hbm>>
      %dma_wait3A_46 = arith.constant 0 : i32
      %dma_wait3A_47 = tpu.memref_slice %arg7[%add3A_25, %dma_wait3A_46] : memref<10000x64xf32, #tpu.memory_space<vmem_shared>> -> memref<125x64xf32, #tpu.memory_space<vmem_shared>>
      tpu.wait_dma2 semaphore(%run_scoped3A : memref<!tpu.dma_semaphore, #tpu.memory_space<semaphore_mem>>) src(%dma_wait3A_47 : memref<125x64xf32, #tpu.memory_space<vmem_shared>>) dst(%dma_wait3A : memref<125x64xf32, #tpu.memory_space<hbm>>)
      tpu.yield
    }) : () -> ()
    %add3A_28 = arith.constant 125 : i32
    %add3A_29 = arith.addi %mul3A_0, %add3A_28 : i32
    %mul3A_30 = arith.constant 64 : i32
    %mul3A_31 = arith.muli %arg0, %mul3A_30 : i32
    "tpu.region"() ({
      %run_scoped3A = tpu.sem_alloc : memref<!tpu.dma_semaphore, #tpu.memory_space<semaphore_mem>>
      %dma_start3A = tpu.memref_slice %arg6[%add3A_29, %mul3A_31] : memref<10000x128xf32, #tpu.memory_space<hbm>> -> memref<125x64xf32, #tpu.memory_space<hbm>>
      %dma_start3A_44 = arith.constant 0 : i32
      %dma_start3A_45 = tpu.memref_slice %arg7[%add3A_29, %dma_start3A_44] : memref<10000x64xf32, #tpu.memory_space<vmem_shared>> -> memref<125x64xf32, #tpu.memory_space<vmem_shared>>
      tpu.enqueue_dma source(%dma_start3A_45 : memref<125x64xf32, #tpu.memory_space<vmem_shared>>) target(%dma_start3A : memref<125x64xf32, #tpu.memory_space<hbm>>) target_semaphore(%run_scoped3A : memref<!tpu.dma_semaphore, #tpu.memory_space<semaphore_mem>>)
      %dma_wait3A = tpu.memref_slice %arg6[%add3A_29, %mul3A_31] : memref<10000x128xf32, #tpu.memory_space<hbm>> -> memref<125x64xf32, #tpu.memory_space<hbm>>
      %dma_wait3A_46 = arith.constant 0 : i32
      %dma_wait3A_47 = tpu.memref_slice %arg7[%add3A_29, %dma_wait3A_46] : memref<10000x64xf32, #tpu.memory_space<vmem_shared>> -> memref<125x64xf32, #tpu.memory_space<vmem_shared>>
      tpu.wait_dma2 semaphore(%run_scoped3A : memref<!tpu.dma_semaphore, #tpu.memory_space<semaphore_mem>>) src(%dma_wait3A_47 : memref<125x64xf32, #tpu.memory_space<vmem_shared>>) dst(%dma_wait3A : memref<125x64xf32, #tpu.memory_space<hbm>>)
      tpu.yield
    }) : () -> ()
    %add3A_32 = arith.constant 250 : i32
    %add3A_33 = arith.addi %mul3A_0, %add3A_32 : i32
    %mul3A_34 = arith.constant 64 : i32
    %mul3A_35 = arith.muli %arg0, %mul3A_34 : i32
    "tpu.region"() ({
      %run_scoped3A = tpu.sem_alloc : memref<!tpu.dma_semaphore, #tpu.memory_space<semaphore_mem>>
      %dma_start3A = tpu.memref_slice %arg6[%add3A_33, %mul3A_35] : memref<10000x128xf32, #tpu.memory_space<hbm>> -> memref<125x64xf32, #tpu.memory_space<hbm>>
      %dma_start3A_44 = arith.constant 0 : i32
      %dma_start3A_45 = tpu.memref_slice %arg7[%add3A_33, %dma_start3A_44] : memref<10000x64xf32, #tpu.memory_space<vmem_shared>> -> memref<125x64xf32, #tpu.memory_space<vmem_shared>>
      tpu.enqueue_dma source(%dma_start3A_45 : memref<125x64xf32, #tpu.memory_space<vmem_shared>>) target(%dma_start3A : memref<125x64xf32, #tpu.memory_space<hbm>>) target_semaphore(%run_scoped3A : memref<!tpu.dma_semaphore, #tpu.memory_space<semaphore_mem>>)
      %dma_wait3A = tpu.memref_slice %arg6[%add3A_33, %mul3A_35] : memref<10000x128xf32, #tpu.memory_space<hbm>> -> memref<125x64xf32, #tpu.memory_space<hbm>>
      %dma_wait3A_46 = arith.constant 0 : i32
      %dma_wait3A_47 = tpu.memref_slice %arg7[%add3A_33, %dma_wait3A_46] : memref<10000x64xf32, #tpu.memory_space<vmem_shared>> -> memref<125x64xf32, #tpu.memory_space<vmem_shared>>
      tpu.wait_dma2 semaphore(%run_scoped3A : memref<!tpu.dma_semaphore, #tpu.memory_space<semaphore_mem>>) src(%dma_wait3A_47 : memref<125x64xf32, #tpu.memory_space<vmem_shared>>) dst(%dma_wait3A : memref<125x64xf32, #tpu.memory_space<hbm>>)
      tpu.yield
    }) : () -> ()
    %add3A_36 = arith.constant 375 : i32
    %add3A_37 = arith.addi %mul3A_0, %add3A_36 : i32
    %mul3A_38 = arith.constant 64 : i32
    %mul3A_39 = arith.muli %arg0, %mul3A_38 : i32
    "tpu.region"() ({
      %run_scoped3A = tpu.sem_alloc : memref<!tpu.dma_semaphore, #tpu.memory_space<semaphore_mem>>
      %dma_start3A = tpu.memref_slice %arg6[%add3A_37, %mul3A_39] : memref<10000x128xf32, #tpu.memory_space<hbm>> -> memref<125x64xf32, #tpu.memory_space<hbm>>
      %dma_start3A_44 = arith.constant 0 : i32
      %dma_start3A_45 = tpu.memref_slice %arg7[%add3A_37, %dma_start3A_44] : memref<10000x64xf32, #tpu.memory_space<vmem_shared>> -> memref<125x64xf32, #tpu.memory_space<vmem_shared>>
      tpu.enqueue_dma source(%dma_start3A_45 : memref<125x64xf32, #tpu.memory_space<vmem_shared>>) target(%dma_start3A : memref<125x64xf32, #tpu.memory_space<hbm>>) target_semaphore(%run_scoped3A : memref<!tpu.dma_semaphore, #tpu.memory_space<semaphore_mem>>)
      %dma_wait3A = tpu.memref_slice %arg6[%add3A_37, %mul3A_39] : memref<10000x128xf32, #tpu.memory_space<hbm>> -> memref<125x64xf32, #tpu.memory_space<hbm>>
      %dma_wait3A_46 = arith.constant 0 : i32
      %dma_wait3A_47 = tpu.memref_slice %arg7[%add3A_37, %dma_wait3A_46] : memref<10000x64xf32, #tpu.memory_space<vmem_shared>> -> memref<125x64xf32, #tpu.memory_space<vmem_shared>>
      tpu.wait_dma2 semaphore(%run_scoped3A : memref<!tpu.dma_semaphore, #tpu.memory_space<semaphore_mem>>) src(%dma_wait3A_47 : memref<125x64xf32, #tpu.memory_space<vmem_shared>>) dst(%dma_wait3A : memref<125x64xf32, #tpu.memory_space<hbm>>)
      tpu.yield
    }) : () -> ()
    %add3A_40 = arith.constant 500 : i32
    %add3A_41 = arith.addi %mul3A_0, %add3A_40 : i32
    %mul3A_42 = arith.constant 64 : i32
    %mul3A_43 = arith.muli %arg0, %mul3A_42 : i32
    "tpu.region"() ({
      %run_scoped3A = tpu.sem_alloc : memref<!tpu.dma_semaphore, #tpu.memory_space<semaphore_mem>>
      %dma_start3A = tpu.memref_slice %arg6[%add3A_41, %mul3A_43] : memref<10000x128xf32, #tpu.memory_space<hbm>> -> memref<125x64xf32, #tpu.memory_space<hbm>>
      %dma_start3A_44 = arith.constant 0 : i32
      %dma_start3A_45 = tpu.memref_slice %arg7[%add3A_41, %dma_start3A_44] : memref<10000x64xf32, #tpu.memory_space<vmem_shared>> -> memref<125x64xf32, #tpu.memory_space<vmem_shared>>
      tpu.enqueue_dma source(%dma_start3A_45 : memref<125x64xf32, #tpu.memory_space<vmem_shared>>) target(%dma_start3A : memref<125x64xf32, #tpu.memory_space<hbm>>) target_semaphore(%run_scoped3A : memref<!tpu.dma_semaphore, #tpu.memory_space<semaphore_mem>>)
      %dma_wait3A = tpu.memref_slice %arg6[%add3A_41, %mul3A_43] : memref<10000x128xf32, #tpu.memory_space<hbm>> -> memref<125x64xf32, #tpu.memory_space<hbm>>
      %dma_wait3A_46 = arith.constant 0 : i32
      %dma_wait3A_47 = tpu.memref_slice %arg7[%add3A_41, %dma_wait3A_46] : memref<10000x64xf32, #tpu.memory_space<vmem_shared>> -> memref<125x64xf32, #tpu.memory_space<vmem_shared>>
      tpu.wait_dma2 semaphore(%run_scoped3A : memref<!tpu.dma_semaphore, #tpu.memory_space<semaphore_mem>>) src(%dma_wait3A_47 : memref<125x64xf32, #tpu.memory_space<vmem_shared>>) dst(%dma_wait3A : memref<125x64xf32, #tpu.memory_space<hbm>>)
      tpu.yield
    }) : () -> ()
    return
  }
}

#map = affine_map<(d0, d1) -> (0, 0)>
#map1 = affine_map<(d0, d1) -> (0, 0, 0)>
module attributes {stable_mosaic.version = 14 : i64} {
  func.func @body(%arg0: i32, %arg1: i32, %arg2: memref<10000x64xf32, #tpu.memory_space<hbm>>, %arg3: memref<10000x64xf32, #tpu.memory_space<hbm>>, %arg4: memref<16x500x40xi32, #tpu.memory_space<hbm>>, %arg5: memref<16x500x40xi32, #tpu.memory_space<hbm>>, %arg6: memref<10000x128xf32, #tpu.memory_space<hbm>>, %arg7: memref<10000x64xf32, #tpu.memory_space<vmem_shared>>, %arg8: memref<500x40xi32, #tpu.memory_space<vmem>>, %arg9: memref<!tpu.dma_semaphore, #tpu.memory_space<semaphore_mem>>, %arg10: memref<!tpu.dma_semaphore, #tpu.memory_space<semaphore_mem>>, %arg11: memref<!tpu.dma_semaphore, #tpu.memory_space<semaphore_mem>>, %arg12: memref<!tpu.dma_semaphore, #tpu.memory_space<semaphore_mem>>, %arg13: memref<!tpu.dma_semaphore, #tpu.memory_space<semaphore_mem>>, %arg14: memref<!tpu.dma_semaphore, #tpu.memory_space<semaphore_mem>>, %arg15: memref<!tpu.dma_semaphore, #tpu.memory_space<semaphore_mem>>, %arg16: memref<!tpu.dma_semaphore, #tpu.memory_space<semaphore_mem>>, %arg17: memref<!tpu.dma_semaphore, #tpu.memory_space<semaphore_mem>>, %arg18: memref<!tpu.dma_semaphore, #tpu.memory_space<semaphore_mem>>, %arg19: memref<40x64xf32, #tpu.memory_space<vmem>>, %arg20: memref<40x64xf32, #tpu.memory_space<vmem>>, %arg21: memref<40x64xf32, #tpu.memory_space<vmem>>, %arg22: memref<40x64xf32, #tpu.memory_space<vmem>>, %arg23: memref<40x64xf32, #tpu.memory_space<vmem>>, %arg24: memref<40x64xf32, #tpu.memory_space<vmem>>, %arg25: memref<40x64xf32, #tpu.memory_space<vmem>>, %arg26: memref<40x64xf32, #tpu.memory_space<vmem>>, %arg27: memref<40x64xf32, #tpu.memory_space<vmem>>, %arg28: memref<40x64xf32, #tpu.memory_space<vmem>>, %arg29: memref<500x40xi32, #tpu.memory_space<vmem>>, %arg30: memref<!tpu.dma_semaphore, #tpu.memory_space<semaphore_mem>>, %arg31: memref<!tpu.dma_semaphore, #tpu.memory_space<semaphore_mem>>, %arg32: memref<!tpu.dma_semaphore, #tpu.memory_space<semaphore_mem>>, %arg33: memref<!tpu.dma_semaphore, #tpu.memory_space<semaphore_mem>>, %arg34: memref<!tpu.dma_semaphore, #tpu.memory_space<semaphore_mem>>, %arg35: memref<!tpu.dma_semaphore, #tpu.memory_space<semaphore_mem>>, %arg36: memref<!tpu.dma_semaphore, #tpu.memory_space<semaphore_mem>>, %arg37: memref<!tpu.dma_semaphore, #tpu.memory_space<semaphore_mem>>, %arg38: memref<!tpu.dma_semaphore, #tpu.memory_space<semaphore_mem>>, %arg39: memref<!tpu.dma_semaphore, #tpu.memory_space<semaphore_mem>>, %arg40: memref<125x64xf32, #tpu.memory_space<vmem>>) attributes {dimension_semantics = [#tpu.dimension_semantics<core_parallel>, #tpu.dimension_semantics<subcore_parallel>], iteration_bounds = array<i64: 2, 16>, scalar_prefetch = 0 : i64, scratch_operands = 34 : i64, tpu.core_type = #tpu.core_type<sc_vector_subcore>, window_params = [{transform_indices = #map}, {transform_indices = #map}, {transform_indices = #map1}, {transform_indices = #map1}, {transform_indices = #map}]} {
    "tpu.region"() ({
      %run_scoped3A = tpu.sem_alloc : memref<!tpu.dma_semaphore, #tpu.memory_space<semaphore_mem>>
      %dma_start3A = arith.constant 0 : i32
      %dma_start3A_44 = arith.constant 0 : i32
      %dma_start3A_45 = tpu.memref_slice %arg4[%arg1, %dma_start3A, %dma_start3A_44] : memref<16x500x40xi32, #tpu.memory_space<hbm>> -> memref<1x500x40xi32, #tpu.memory_space<hbm>>
      %dma_start3A_46 = tpu.memref_squeeze %dma_start3A_45 : memref<1x500x40xi32, #tpu.memory_space<hbm>> -> memref<500x40xi32, #tpu.memory_space<hbm>>
      %dma_start3A_47 = arith.constant 0 : i32
      %dma_start3A_48 = arith.constant 0 : i32
      %dma_start3A_49 = tpu.memref_slice %arg4[%arg1, %dma_start3A_47, %dma_start3A_48] : memref<16x500x40xi32, #tpu.memory_space<hbm>> -> memref<1x500x40xi32, #tpu.memory_space<hbm>>
      %dma_start3A_50 = tpu.memref_squeeze %dma_start3A_49 : memref<1x500x40xi32, #tpu.memory_space<hbm>> -> memref<500x40xi32, #tpu.memory_space<hbm>>
      tpu.enqueue_dma source(%dma_start3A_50 : memref<500x40xi32, #tpu.memory_space<hbm>>) target(%arg29 : memref<500x40xi32, #tpu.memory_space<vmem>>) target_semaphore(%run_scoped3A : memref<!tpu.dma_semaphore, #tpu.memory_space<semaphore_mem>>)
      %dma_wait3A = arith.constant 0 : i32
      %dma_wait3A_51 = arith.constant 0 : i32
      %dma_wait3A_52 = tpu.memref_slice %arg4[%arg1, %dma_wait3A, %dma_wait3A_51] : memref<16x500x40xi32, #tpu.memory_space<hbm>> -> memref<1x500x40xi32, #tpu.memory_space<hbm>>
      %dma_wait3A_53 = tpu.memref_squeeze %dma_wait3A_52 : memref<1x500x40xi32, #tpu.memory_space<hbm>> -> memref<500x40xi32, #tpu.memory_space<hbm>>
      %dma_wait3A_54 = arith.constant 0 : i32
      %dma_wait3A_55 = arith.constant 0 : i32
      %dma_wait3A_56 = tpu.memref_slice %arg4[%arg1, %dma_wait3A_54, %dma_wait3A_55] : memref<16x500x40xi32, #tpu.memory_space<hbm>> -> memref<1x500x40xi32, #tpu.memory_space<hbm>>
      %dma_wait3A_57 = tpu.memref_squeeze %dma_wait3A_56 : memref<1x500x40xi32, #tpu.memory_space<hbm>> -> memref<500x40xi32, #tpu.memory_space<hbm>>
      tpu.wait_dma2 semaphore(%run_scoped3A : memref<!tpu.dma_semaphore, #tpu.memory_space<semaphore_mem>>) src(%dma_wait3A_57 : memref<500x40xi32, #tpu.memory_space<hbm>>) dst(%arg29 : memref<500x40xi32, #tpu.memory_space<vmem>>)
      tpu.yield
    }) : () -> ()
    "tpu.region"() ({
      %run_scoped3A = tpu.sem_alloc : memref<!tpu.dma_semaphore, #tpu.memory_space<semaphore_mem>>
      %dma_start3A = arith.constant 0 : i32
      %dma_start3A_44 = arith.constant 0 : i32
      %dma_start3A_45 = tpu.memref_slice %arg5[%arg1, %dma_start3A, %dma_start3A_44] : memref<16x500x40xi32, #tpu.memory_space<hbm>> -> memref<1x500x40xi32, #tpu.memory_space<hbm>>
      %dma_start3A_46 = tpu.memref_squeeze %dma_start3A_45 : memref<1x500x40xi32, #tpu.memory_space<hbm>> -> memref<500x40xi32, #tpu.memory_space<hbm>>
      %dma_start3A_47 = arith.constant 0 : i32
      %dma_start3A_48 = arith.constant 0 : i32
      %dma_start3A_49 = tpu.memref_slice %arg5[%arg1, %dma_start3A_47, %dma_start3A_48] : memref<16x500x40xi32, #tpu.memory_space<hbm>> -> memref<1x500x40xi32, #tpu.memory_space<hbm>>
      %dma_start3A_50 = tpu.memref_squeeze %dma_start3A_49 : memref<1x500x40xi32, #tpu.memory_space<hbm>> -> memref<500x40xi32, #tpu.memory_space<hbm>>
      tpu.enqueue_dma source(%dma_start3A_50 : memref<500x40xi32, #tpu.memory_space<hbm>>) target(%arg8 : memref<500x40xi32, #tpu.memory_space<vmem>>) target_semaphore(%run_scoped3A : memref<!tpu.dma_semaphore, #tpu.memory_space<semaphore_mem>>)
      %dma_wait3A = arith.constant 0 : i32
      %dma_wait3A_51 = arith.constant 0 : i32
      %dma_wait3A_52 = tpu.memref_slice %arg5[%arg1, %dma_wait3A, %dma_wait3A_51] : memref<16x500x40xi32, #tpu.memory_space<hbm>> -> memref<1x500x40xi32, #tpu.memory_space<hbm>>
      %dma_wait3A_53 = tpu.memref_squeeze %dma_wait3A_52 : memref<1x500x40xi32, #tpu.memory_space<hbm>> -> memref<500x40xi32, #tpu.memory_space<hbm>>
      %dma_wait3A_54 = arith.constant 0 : i32
      %dma_wait3A_55 = arith.constant 0 : i32
      %dma_wait3A_56 = tpu.memref_slice %arg5[%arg1, %dma_wait3A_54, %dma_wait3A_55] : memref<16x500x40xi32, #tpu.memory_space<hbm>> -> memref<1x500x40xi32, #tpu.memory_space<hbm>>
      %dma_wait3A_57 = tpu.memref_squeeze %dma_wait3A_56 : memref<1x500x40xi32, #tpu.memory_space<hbm>> -> memref<500x40xi32, #tpu.memory_space<hbm>>
      tpu.wait_dma2 semaphore(%run_scoped3A : memref<!tpu.dma_semaphore, #tpu.memory_space<semaphore_mem>>) src(%dma_wait3A_57 : memref<500x40xi32, #tpu.memory_space<hbm>>) dst(%arg8 : memref<500x40xi32, #tpu.memory_space<vmem>>)
      tpu.yield
    }) : () -> ()
    %mul3A = arith.constant 625 : i32
    %mul3A_0 = arith.muli %arg1, %mul3A : i32
    %scan3A = arith.constant 0 : i32
    %scan3A_1 = arith.constant 0 : i32
    %scan3A_2 = arith.constant 125 : i32
    %scan3A_3 = arith.addi %scan3A_1, %scan3A_2 : i32
    %scan3A_4 = arith.constant 1 : i32
    %scan3A_5 = scf.for %scan3A_44 = %scan3A_1 to %scan3A_3 step %scan3A_4 iter_args(%scan3A_45 = %scan3A) -> (i32)  : i32 {
      %scan3A_46 = arith.constant 0 : i32
      %scan3A_47 = arith.constant 0 : i32
      %scan3A_48 = arith.constant 4 : i32
      %scan3A_49 = arith.addi %scan3A_47, %scan3A_48 : i32
      %scan3A_50 = arith.constant 1 : i32
      %scan3A_51 = scf.for %scan3A_54 = %scan3A_47 to %scan3A_49 step %scan3A_50 iter_args(%scan3A_55 = %scan3A_46) -> (i32)  : i32 {
        %broadcast_in_dim3A = arith.constant 0.000000e+00 : f32
        %broadcast_in_dim3A_56 = vector.broadcast %broadcast_in_dim3A : f32 to vector<16xf32>
        %mul3A_57 = arith.constant 16 : i32
        %mul3A_58 = arith.muli %scan3A_54, %mul3A_57 : i32
        %swap3A = arith.index_cast %scan3A_44 : i32 to index
        %swap3A_59 = arith.index_cast %mul3A_58 : i32 to index
        %swap3A_60 = tpu.vector_load %arg40[%swap3A, %swap3A_59] {strides = array<i32>} : memref<125x64xf32, #tpu.memory_space<vmem>>, vector<1x16xf32>,
        %swap3A_61 = vector.shape_cast %swap3A_60 : vector<1x16xf32> to vector<16xf32>
        %swap3A_62 = vector.shape_cast %broadcast_in_dim3A_56 : vector<16xf32> to vector<1x16xf32>
        tpu.vector_store %arg40[%swap3A, %swap3A_59], %swap3A_62 {strides = array<i32>} : memref<125x64xf32, #tpu.memory_space<vmem>>, vector<1x16xf32>,
        %scan3A_63 = arith.constant 0 : i32
        scf.yield %scan3A_63 : i32
      }
      %scan3A_52 = arith.constant 4 : i32
      %scan3A_53 = arith.constant 0 : i32
      scf.yield %scan3A_53 : i32
    }
    %scan3A_6 = arith.constant 125 : i32
    %add3A = arith.constant 0 : i32
    %add3A_7 = arith.addi %mul3A_0, %add3A : i32
    "tpu.region"() ({
      %run_scoped3A = tpu.sem_alloc : memref<!tpu.dma_semaphore, #tpu.memory_space<semaphore_mem>>
      %dma_start3A = arith.constant 0 : i32
      %dma_start3A_44 = tpu.memref_slice %arg7[%add3A_7, %dma_start3A] : memref<10000x64xf32, #tpu.memory_space<vmem_shared>> -> memref<125x64xf32, #tpu.memory_space<vmem_shared>>
      %dma_start3A_45 = arith.constant 0 : i32
      %dma_start3A_46 = tpu.memref_slice %arg7[%add3A_7, %dma_start3A_45] : memref<10000x64xf32, #tpu.memory_space<vmem_shared>> -> memref<125x64xf32, #tpu.memory_space<vmem_shared>>
      tpu.enqueue_dma source(%arg40 : memref<125x64xf32, #tpu.memory_space<vmem>>) target(%dma_start3A_46 : memref<125x64xf32, #tpu.memory_space<vmem_shared>>) target_semaphore(%run_scoped3A : memref<!tpu.dma_semaphore, #tpu.memory_space<semaphore_mem>>)
      %dma_wait3A = arith.constant 0 : i32
      %dma_wait3A_47 = tpu.memref_slice %arg7[%add3A_7, %dma_wait3A] : memref<10000x64xf32, #tpu.memory_space<vmem_shared>> -> memref<125x64xf32, #tpu.memory_space<vmem_shared>>
      %dma_wait3A_48 = arith.constant 0 : i32
      %dma_wait3A_49 = tpu.memref_slice %arg7[%add3A_7, %dma_wait3A_48] : memref<10000x64xf32, #tpu.memory_space<vmem_shared>> -> memref<125x64xf32, #tpu.memory_space<vmem_shared>>
      tpu.wait_dma2 semaphore(%run_scoped3A : memref<!tpu.dma_semaphore, #tpu.memory_space<semaphore_mem>>) src(%arg40 : memref<125x64xf32, #tpu.memory_space<vmem>>) dst(%dma_wait3A_49 : memref<125x64xf32, #tpu.memory_space<vmem_shared>>)
      tpu.yield
    }) : () -> ()
    %add3A_8 = arith.constant 125 : i32
    %add3A_9 = arith.addi %mul3A_0, %add3A_8 : i32
    "tpu.region"() ({
      %run_scoped3A = tpu.sem_alloc : memref<!tpu.dma_semaphore, #tpu.memory_space<semaphore_mem>>
      %dma_start3A = arith.constant 0 : i32
      %dma_start3A_44 = tpu.memref_slice %arg7[%add3A_9, %dma_start3A] : memref<10000x64xf32, #tpu.memory_space<vmem_shared>> -> memref<125x64xf32, #tpu.memory_space<vmem_shared>>
      %dma_start3A_45 = arith.constant 0 : i32
      %dma_start3A_46 = tpu.memref_slice %arg7[%add3A_9, %dma_start3A_45] : memref<10000x64xf32, #tpu.memory_space<vmem_shared>> -> memref<125x64xf32, #tpu.memory_space<vmem_shared>>
      tpu.enqueue_dma source(%arg40 : memref<125x64xf32, #tpu.memory_space<vmem>>) target(%dma_start3A_46 : memref<125x64xf32, #tpu.memory_space<vmem_shared>>) target_semaphore(%run_scoped3A : memref<!tpu.dma_semaphore, #tpu.memory_space<semaphore_mem>>)
      %dma_wait3A = arith.constant 0 : i32
      %dma_wait3A_47 = tpu.memref_slice %arg7[%add3A_9, %dma_wait3A] : memref<10000x64xf32, #tpu.memory_space<vmem_shared>> -> memref<125x64xf32, #tpu.memory_space<vmem_shared>>
      %dma_wait3A_48 = arith.constant 0 : i32
      %dma_wait3A_49 = tpu.memref_slice %arg7[%add3A_9, %dma_wait3A_48] : memref<10000x64xf32, #tpu.memory_space<vmem_shared>> -> memref<125x64xf32, #tpu.memory_space<vmem_shared>>
      tpu.wait_dma2 semaphore(%run_scoped3A : memref<!tpu.dma_semaphore, #tpu.memory_space<semaphore_mem>>) src(%arg40 : memref<125x64xf32, #tpu.memory_space<vmem>>) dst(%dma_wait3A_49 : memref<125x64xf32, #tpu.memory_space<vmem_shared>>)
      tpu.yield
    }) : () -> ()
    %add3A_10 = arith.constant 250 : i32
    %add3A_11 = arith.addi %mul3A_0, %add3A_10 : i32
    "tpu.region"() ({
      %run_scoped3A = tpu.sem_alloc : memref<!tpu.dma_semaphore, #tpu.memory_space<semaphore_mem>>
      %dma_start3A = arith.constant 0 : i32
      %dma_start3A_44 = tpu.memref_slice %arg7[%add3A_11, %dma_start3A] : memref<10000x64xf32, #tpu.memory_space<vmem_shared>> -> memref<125x64xf32, #tpu.memory_space<vmem_shared>>
      %dma_start3A_45 = arith.constant 0 : i32
      %dma_start3A_46 = tpu.memref_slice %arg7[%add3A_11, %dma_start3A_45] : memref<10000x64xf32, #tpu.memory_space<vmem_shared>> -> memref<125x64xf32, #tpu.memory_space<vmem_shared>>
      tpu.enqueue_dma source(%arg40 : memref<125x64xf32, #tpu.memory_space<vmem>>) target(%dma_start3A_46 : memref<125x64xf32, #tpu.memory_space<vmem_shared>>) target_semaphore(%run_scoped3A : memref<!tpu.dma_semaphore, #tpu.memory_space<semaphore_mem>>)
      %dma_wait3A = arith.constant 0 : i32
      %dma_wait3A_47 = tpu.memref_slice %arg7[%add3A_11, %dma_wait3A] : memref<10000x64xf32, #tpu.memory_space<vmem_shared>> -> memref<125x64xf32, #tpu.memory_space<vmem_shared>>
      %dma_wait3A_48 = arith.constant 0 : i32
      %dma_wait3A_49 = tpu.memref_slice %arg7[%add3A_11, %dma_wait3A_48] : memref<10000x64xf32, #tpu.memory_space<vmem_shared>> -> memref<125x64xf32, #tpu.memory_space<vmem_shared>>
      tpu.wait_dma2 semaphore(%run_scoped3A : memref<!tpu.dma_semaphore, #tpu.memory_space<semaphore_mem>>) src(%arg40 : memref<125x64xf32, #tpu.memory_space<vmem>>) dst(%dma_wait3A_49 : memref<125x64xf32, #tpu.memory_space<vmem_shared>>)
      tpu.yield
    }) : () -> ()
    %add3A_12 = arith.constant 375 : i32
    %add3A_13 = arith.addi %mul3A_0, %add3A_12 : i32
    "tpu.region"() ({
      %run_scoped3A = tpu.sem_alloc : memref<!tpu.dma_semaphore, #tpu.memory_space<semaphore_mem>>
      %dma_start3A = arith.constant 0 : i32
      %dma_start3A_44 = tpu.memref_slice %arg7[%add3A_13, %dma_start3A] : memref<10000x64xf32, #tpu.memory_space<vmem_shared>> -> memref<125x64xf32, #tpu.memory_space<vmem_shared>>
      %dma_start3A_45 = arith.constant 0 : i32
      %dma_start3A_46 = tpu.memref_slice %arg7[%add3A_13, %dma_start3A_45] : memref<10000x64xf32, #tpu.memory_space<vmem_shared>> -> memref<125x64xf32, #tpu.memory_space<vmem_shared>>
      tpu.enqueue_dma source(%arg40 : memref<125x64xf32, #tpu.memory_space<vmem>>) target(%dma_start3A_46 : memref<125x64xf32, #tpu.memory_space<vmem_shared>>) target_semaphore(%run_scoped3A : memref<!tpu.dma_semaphore, #tpu.memory_space<semaphore_mem>>)
      %dma_wait3A = arith.constant 0 : i32
      %dma_wait3A_47 = tpu.memref_slice %arg7[%add3A_13, %dma_wait3A] : memref<10000x64xf32, #tpu.memory_space<vmem_shared>> -> memref<125x64xf32, #tpu.memory_space<vmem_shared>>
      %dma_wait3A_48 = arith.constant 0 : i32
      %dma_wait3A_49 = tpu.memref_slice %arg7[%add3A_13, %dma_wait3A_48] : memref<10000x64xf32, #tpu.memory_space<vmem_shared>> -> memref<125x64xf32, #tpu.memory_space<vmem_shared>>
      tpu.wait_dma2 semaphore(%run_scoped3A : memref<!tpu.dma_semaphore, #tpu.memory_space<semaphore_mem>>) src(%arg40 : memref<125x64xf32, #tpu.memory_space<vmem>>) dst(%dma_wait3A_49 : memref<125x64xf32, #tpu.memory_space<vmem_shared>>)
      tpu.yield
    }) : () -> ()
    %add3A_14 = arith.constant 500 : i32
    %add3A_15 = arith.addi %mul3A_0, %add3A_14 : i32
    "tpu.region"() ({
      %run_scoped3A = tpu.sem_alloc : memref<!tpu.dma_semaphore, #tpu.memory_space<semaphore_mem>>
      %dma_start3A = arith.constant 0 : i32
      %dma_start3A_44 = tpu.memref_slice %arg7[%add3A_15, %dma_start3A] : memref<10000x64xf32, #tpu.memory_space<vmem_shared>> -> memref<125x64xf32, #tpu.memory_space<vmem_shared>>
      %dma_start3A_45 = arith.constant 0 : i32
      %dma_start3A_46 = tpu.memref_slice %arg7[%add3A_15, %dma_start3A_45] : memref<10000x64xf32, #tpu.memory_space<vmem_shared>> -> memref<125x64xf32, #tpu.memory_space<vmem_shared>>
      tpu.enqueue_dma source(%arg40 : memref<125x64xf32, #tpu.memory_space<vmem>>) target(%dma_start3A_46 : memref<125x64xf32, #tpu.memory_space<vmem_shared>>) target_semaphore(%run_scoped3A : memref<!tpu.dma_semaphore, #tpu.memory_space<semaphore_mem>>)
      %dma_wait3A = arith.constant 0 : i32
      %dma_wait3A_47 = tpu.memref_slice %arg7[%add3A_15, %dma_wait3A] : memref<10000x64xf32, #tpu.memory_space<vmem_shared>> -> memref<125x64xf32, #tpu.memory_space<vmem_shared>>
      %dma_wait3A_48 = arith.constant 0 : i32
      %dma_wait3A_49 = tpu.memref_slice %arg7[%add3A_15, %dma_wait3A_48] : memref<10000x64xf32, #tpu.memory_space<vmem_shared>> -> memref<125x64xf32, #tpu.memory_space<vmem_shared>>
      tpu.wait_dma2 semaphore(%run_scoped3A : memref<!tpu.dma_semaphore, #tpu.memory_space<semaphore_mem>>) src(%arg40 : memref<125x64xf32, #tpu.memory_space<vmem>>) dst(%dma_wait3A_49 : memref<125x64xf32, #tpu.memory_space<vmem_shared>>)
      tpu.yield
    }) : () -> ()
    %barrier3A = arith.constant 0 : index
    tpu.barrier barrier_id(%barrier3A)
    %eq3A = arith.constant 0 : i32
    %eq3A_16 = arith.cmpi eq, %arg0, %eq3A : i32
    %convert_element_type3A = arith.extui %eq3A_16 : i1 to i32
    %cond3A = arith.constant 0 : i32
    %cond3A_17 = arith.cmpi ne, %convert_element_type3A, %cond3A : i32
    scf.if %cond3A_17 {
      %scan3A_44 = arith.constant 0 : i32
      %scan3A_45 = arith.constant 0 : i32
      %scan3A_46 = arith.constant 50 : i32
      %scan3A_47 = arith.addi %scan3A_45, %scan3A_46 : i32
      %scan3A_48 = arith.constant 1 : i32
      %scan3A_49 = scf.for %scan3A_51 = %scan3A_45 to %scan3A_47 step %scan3A_48 iter_args(%scan3A_52 = %scan3A_44) -> (i32)  : i32 {
        %mul3A_53 = arith.constant 10 : i32
        %mul3A_54 = arith.muli %scan3A_51, %mul3A_53 : i32
        %add3A_55 = arith.constant 0 : i32
        %add3A_56 = arith.addi %mul3A_54, %add3A_55 : i32
        %dma_start3A = arith.constant 0 : i32
        %dma_start3A_57 = tpu.memref_slice %arg29[%add3A_56, %dma_start3A] : memref<500x40xi32, #tpu.memory_space<vmem>> -> memref<1x40xi32, #tpu.memory_space<vmem>>
        %dma_start3A_58 = tpu.memref_squeeze %dma_start3A_57 : memref<1x40xi32, #tpu.memory_space<vmem>> -> memref<40xi32, #tpu.memory_space<vmem>>
        %dma_start3A_59 = arith.constant 0 : i32
        %dma_start3A_60 = arith.constant 0 : i32
        %dma_start3A_61 = tpu.memref_slice %arg2[%dma_start3A_59, %dma_start3A_60] : memref<10000x64xf32, #tpu.memory_space<hbm>> -> memref<10000x64xf32, #tpu.memory_space<hbm>>
        tpu.enqueue_indirect_dma source(%dma_start3A_61 : memref<10000x64xf32, #tpu.memory_space<hbm>>) target(%arg19 : memref<40x64xf32, #tpu.memory_space<vmem>>) offsets(%dma_start3A_58 : memref<40xi32, #tpu.memory_space<vmem>>) semaphore(%arg9 : memref<!tpu.dma_semaphore, #tpu.memory_space<semaphore_mem>>)
        %add3A_62 = arith.constant 1 : i32
        %add3A_63 = arith.addi %mul3A_54, %add3A_62 : i32
        %dma_start3A_64 = arith.constant 0 : i32
        %dma_start3A_65 = tpu.memref_slice %arg29[%add3A_63, %dma_start3A_64] : memref<500x40xi32, #tpu.memory_space<vmem>> -> memref<1x40xi32, #tpu.memory_space<vmem>>
        %dma_start3A_66 = tpu.memref_squeeze %dma_start3A_65 : memref<1x40xi32, #tpu.memory_space<vmem>> -> memref<40xi32, #tpu.memory_space<vmem>>
        %dma_start3A_67 = arith.constant 0 : i32
        %dma_start3A_68 = arith.constant 0 : i32
        %dma_start3A_69 = tpu.memref_slice %arg2[%dma_start3A_67, %dma_start3A_68] : memref<10000x64xf32, #tpu.memory_space<hbm>> -> memref<10000x64xf32, #tpu.memory_space<hbm>>
        tpu.enqueue_indirect_dma source(%dma_start3A_69 : memref<10000x64xf32, #tpu.memory_space<hbm>>) target(%arg20 : memref<40x64xf32, #tpu.memory_space<vmem>>) offsets(%dma_start3A_66 : memref<40xi32, #tpu.memory_space<vmem>>) semaphore(%arg10 : memref<!tpu.dma_semaphore, #tpu.memory_space<semaphore_mem>>)
        %add3A_70 = arith.constant 2 : i32
        %add3A_71 = arith.addi %mul3A_54, %add3A_70 : i32
        %dma_start3A_72 = arith.constant 0 : i32
        %dma_start3A_73 = tpu.memref_slice %arg29[%add3A_71, %dma_start3A_72] : memref<500x40xi32, #tpu.memory_space<vmem>> -> memref<1x40xi32, #tpu.memory_space<vmem>>
        %dma_start3A_74 = tpu.memref_squeeze %dma_start3A_73 : memref<1x40xi32, #tpu.memory_space<vmem>> -> memref<40xi32, #tpu.memory_space<vmem>>
        %dma_start3A_75 = arith.constant 0 : i32
        %dma_start3A_76 = arith.constant 0 : i32
        %dma_start3A_77 = tpu.memref_slice %arg2[%dma_start3A_75, %dma_start3A_76] : memref<10000x64xf32, #tpu.memory_space<hbm>> -> memref<10000x64xf32, #tpu.memory_space<hbm>>
        tpu.enqueue_indirect_dma source(%dma_start3A_77 : memref<10000x64xf32, #tpu.memory_space<hbm>>) target(%arg21 : memref<40x64xf32, #tpu.memory_space<vmem>>) offsets(%dma_start3A_74 : memref<40xi32, #tpu.memory_space<vmem>>) semaphore(%arg11 : memref<!tpu.dma_semaphore, #tpu.memory_space<semaphore_mem>>)
        %add3A_78 = arith.constant 3 : i32
        %add3A_79 = arith.addi %mul3A_54, %add3A_78 : i32
        %dma_start3A_80 = arith.constant 0 : i32
        %dma_start3A_81 = tpu.memref_slice %arg29[%add3A_79, %dma_start3A_80] : memref<500x40xi32, #tpu.memory_space<vmem>> -> memref<1x40xi32, #tpu.memory_space<vmem>>
        %dma_start3A_82 = tpu.memref_squeeze %dma_start3A_81 : memref<1x40xi32, #tpu.memory_space<vmem>> -> memref<40xi32, #tpu.memory_space<vmem>>
        %dma_start3A_83 = arith.constant 0 : i32
        %dma_start3A_84 = arith.constant 0 : i32
        %dma_start3A_85 = tpu.memref_slice %arg2[%dma_start3A_83, %dma_start3A_84] : memref<10000x64xf32, #tpu.memory_space<hbm>> -> memref<10000x64xf32, #tpu.memory_space<hbm>>
        tpu.enqueue_indirect_dma source(%dma_start3A_85 : memref<10000x64xf32, #tpu.memory_space<hbm>>) target(%arg22 : memref<40x64xf32, #tpu.memory_space<vmem>>) offsets(%dma_start3A_82 : memref<40xi32, #tpu.memory_space<vmem>>) semaphore(%arg12 : memref<!tpu.dma_semaphore, #tpu.memory_space<semaphore_mem>>)
        %add3A_86 = arith.constant 4 : i32
        %add3A_87 = arith.addi %mul3A_54, %add3A_86 : i32
        %dma_start3A_88 = arith.constant 0 : i32
        %dma_start3A_89 = tpu.memref_slice %arg29[%add3A_87, %dma_start3A_88] : memref<500x40xi32, #tpu.memory_space<vmem>> -> memref<1x40xi32, #tpu.memory_space<vmem>>
        %dma_start3A_90 = tpu.memref_squeeze %dma_start3A_89 : memref<1x40xi32, #tpu.memory_space<vmem>> -> memref<40xi32, #tpu.memory_space<vmem>>
        %dma_start3A_91 = arith.constant 0 : i32
        %dma_start3A_92 = arith.constant 0 : i32
        %dma_start3A_93 = tpu.memref_slice %arg2[%dma_start3A_91, %dma_start3A_92] : memref<10000x64xf32, #tpu.memory_space<hbm>> -> memref<10000x64xf32, #tpu.memory_space<hbm>>
        tpu.enqueue_indirect_dma source(%dma_start3A_93 : memref<10000x64xf32, #tpu.memory_space<hbm>>) target(%arg23 : memref<40x64xf32, #tpu.memory_space<vmem>>) offsets(%dma_start3A_90 : memref<40xi32, #tpu.memory_space<vmem>>) semaphore(%arg13 : memref<!tpu.dma_semaphore, #tpu.memory_space<semaphore_mem>>)
        %add3A_94 = arith.constant 5 : i32
        %add3A_95 = arith.addi %mul3A_54, %add3A_94 : i32
        %dma_start3A_96 = arith.constant 0 : i32
        %dma_start3A_97 = tpu.memref_slice %arg29[%add3A_95, %dma_start3A_96] : memref<500x40xi32, #tpu.memory_space<vmem>> -> memref<1x40xi32, #tpu.memory_space<vmem>>
        %dma_start3A_98 = tpu.memref_squeeze %dma_start3A_97 : memref<1x40xi32, #tpu.memory_space<vmem>> -> memref<40xi32, #tpu.memory_space<vmem>>
        %dma_start3A_99 = arith.constant 0 : i32
        %dma_start3A_100 = arith.constant 0 : i32
        %dma_start3A_101 = tpu.memref_slice %arg2[%dma_start3A_99, %dma_start3A_100] : memref<10000x64xf32, #tpu.memory_space<hbm>> -> memref<10000x64xf32, #tpu.memory_space<hbm>>
        tpu.enqueue_indirect_dma source(%dma_start3A_101 : memref<10000x64xf32, #tpu.memory_space<hbm>>) target(%arg24 : memref<40x64xf32, #tpu.memory_space<vmem>>) offsets(%dma_start3A_98 : memref<40xi32, #tpu.memory_space<vmem>>) semaphore(%arg14 : memref<!tpu.dma_semaphore, #tpu.memory_space<semaphore_mem>>)
        %add3A_102 = arith.constant 6 : i32
        %add3A_103 = arith.addi %mul3A_54, %add3A_102 : i32
        %dma_start3A_104 = arith.constant 0 : i32
        %dma_start3A_105 = tpu.memref_slice %arg29[%add3A_103, %dma_start3A_104] : memref<500x40xi32, #tpu.memory_space<vmem>> -> memref<1x40xi32, #tpu.memory_space<vmem>>
        %dma_start3A_106 = tpu.memref_squeeze %dma_start3A_105 : memref<1x40xi32, #tpu.memory_space<vmem>> -> memref<40xi32, #tpu.memory_space<vmem>>
        %dma_start3A_107 = arith.constant 0 : i32
        %dma_start3A_108 = arith.constant 0 : i32
        %dma_start3A_109 = tpu.memref_slice %arg2[%dma_start3A_107, %dma_start3A_108] : memref<10000x64xf32, #tpu.memory_space<hbm>> -> memref<10000x64xf32, #tpu.memory_space<hbm>>
        tpu.enqueue_indirect_dma source(%dma_start3A_109 : memref<10000x64xf32, #tpu.memory_space<hbm>>) target(%arg25 : memref<40x64xf32, #tpu.memory_space<vmem>>) offsets(%dma_start3A_106 : memref<40xi32, #tpu.memory_space<vmem>>) semaphore(%arg15 : memref<!tpu.dma_semaphore, #tpu.memory_space<semaphore_mem>>)
        %add3A_110 = arith.constant 7 : i32
        %add3A_111 = arith.addi %mul3A_54, %add3A_110 : i32
        %dma_start3A_112 = arith.constant 0 : i32
        %dma_start3A_113 = tpu.memref_slice %arg29[%add3A_111, %dma_start3A_112] : memref<500x40xi32, #tpu.memory_space<vmem>> -> memref<1x40xi32, #tpu.memory_space<vmem>>
        %dma_start3A_114 = tpu.memref_squeeze %dma_start3A_113 : memref<1x40xi32, #tpu.memory_space<vmem>> -> memref<40xi32, #tpu.memory_space<vmem>>
        %dma_start3A_115 = arith.constant 0 : i32
        %dma_start3A_116 = arith.constant 0 : i32
        %dma_start3A_117 = tpu.memref_slice %arg2[%dma_start3A_115, %dma_start3A_116] : memref<10000x64xf32, #tpu.memory_space<hbm>> -> memref<10000x64xf32, #tpu.memory_space<hbm>>
        tpu.enqueue_indirect_dma source(%dma_start3A_117 : memref<10000x64xf32, #tpu.memory_space<hbm>>) target(%arg26 : memref<40x64xf32, #tpu.memory_space<vmem>>) offsets(%dma_start3A_114 : memref<40xi32, #tpu.memory_space<vmem>>) semaphore(%arg16 : memref<!tpu.dma_semaphore, #tpu.memory_space<semaphore_mem>>)
        %add3A_118 = arith.constant 8 : i32
        %add3A_119 = arith.addi %mul3A_54, %add3A_118 : i32
        %dma_start3A_120 = arith.constant 0 : i32
        %dma_start3A_121 = tpu.memref_slice %arg29[%add3A_119, %dma_start3A_120] : memref<500x40xi32, #tpu.memory_space<vmem>> -> memref<1x40xi32, #tpu.memory_space<vmem>>
        %dma_start3A_122 = tpu.memref_squeeze %dma_start3A_121 : memref<1x40xi32, #tpu.memory_space<vmem>> -> memref<40xi32, #tpu.memory_space<vmem>>
        %dma_start3A_123 = arith.constant 0 : i32
        %dma_start3A_124 = arith.constant 0 : i32
        %dma_start3A_125 = tpu.memref_slice %arg2[%dma_start3A_123, %dma_start3A_124] : memref<10000x64xf32, #tpu.memory_space<hbm>> -> memref<10000x64xf32, #tpu.memory_space<hbm>>
        tpu.enqueue_indirect_dma source(%dma_start3A_125 : memref<10000x64xf32, #tpu.memory_space<hbm>>) target(%arg27 : memref<40x64xf32, #tpu.memory_space<vmem>>) offsets(%dma_start3A_122 : memref<40xi32, #tpu.memory_space<vmem>>) semaphore(%arg17 : memref<!tpu.dma_semaphore, #tpu.memory_space<semaphore_mem>>)
        %add3A_126 = arith.constant 9 : i32
        %add3A_127 = arith.addi %mul3A_54, %add3A_126 : i32
        %dma_start3A_128 = arith.constant 0 : i32
        %dma_start3A_129 = tpu.memref_slice %arg29[%add3A_127, %dma_start3A_128] : memref<500x40xi32, #tpu.memory_space<vmem>> -> memref<1x40xi32, #tpu.memory_space<vmem>>
        %dma_start3A_130 = tpu.memref_squeeze %dma_start3A_129 : memref<1x40xi32, #tpu.memory_space<vmem>> -> memref<40xi32, #tpu.memory_space<vmem>>
        %dma_start3A_131 = arith.constant 0 : i32
        %dma_start3A_132 = arith.constant 0 : i32
        %dma_start3A_133 = tpu.memref_slice %arg2[%dma_start3A_131, %dma_start3A_132] : memref<10000x64xf32, #tpu.memory_space<hbm>> -> memref<10000x64xf32, #tpu.memory_space<hbm>>
        tpu.enqueue_indirect_dma source(%dma_start3A_133 : memref<10000x64xf32, #tpu.memory_space<hbm>>) target(%arg28 : memref<40x64xf32, #tpu.memory_space<vmem>>) offsets(%dma_start3A_130 : memref<40xi32, #tpu.memory_space<vmem>>) semaphore(%arg18 : memref<!tpu.dma_semaphore, #tpu.memory_space<semaphore_mem>>)
        %dma_wait3A = arith.constant 0 : i32
        %dma_wait3A_134 = tpu.memref_slice %arg29[%add3A_56, %dma_wait3A] : memref<500x40xi32, #tpu.memory_space<vmem>> -> memref<1x40xi32, #tpu.memory_space<vmem>>
        %dma_wait3A_135 = tpu.memref_squeeze %dma_wait3A_134 : memref<1x40xi32, #tpu.memory_space<vmem>> -> memref<40xi32, #tpu.memory_space<vmem>>
        %dma_wait3A_136 = arith.constant 0 : i32
        %dma_wait3A_137 = arith.constant 0 : i32
        %dma_wait3A_138 = tpu.memref_slice %arg2[%dma_wait3A_136, %dma_wait3A_137] : memref<10000x64xf32, #tpu.memory_space<hbm>> -> memref<10000x64xf32, #tpu.memory_space<hbm>>
        tpu.wait_indirect_dma semaphore(%arg9 : memref<!tpu.dma_semaphore, #tpu.memory_space<semaphore_mem>>) src(%dma_wait3A_138 : memref<10000x64xf32, #tpu.memory_space<hbm>>) dst(%arg19 : memref<40x64xf32, #tpu.memory_space<vmem>>)
        %add3A_139 = arith.constant 0 : i32
        %add3A_140 = arith.addi %mul3A_54, %add3A_139 : i32
        %dma_start3A_141 = arith.constant 0 : i32
        %dma_start3A_142 = tpu.memref_slice %arg8[%add3A_140, %dma_start3A_141] : memref<500x40xi32, #tpu.memory_space<vmem>> -> memref<1x40xi32, #tpu.memory_space<vmem>>
        %dma_start3A_143 = tpu.memref_squeeze %dma_start3A_142 : memref<1x40xi32, #tpu.memory_space<vmem>> -> memref<40xi32, #tpu.memory_space<vmem>>
        %dma_start3A_144 = arith.constant 0 : i32
        %dma_start3A_145 = arith.constant 0 : i32
        %dma_start3A_146 = tpu.memref_slice %arg7[%dma_start3A_144, %dma_start3A_145] : memref<10000x64xf32, #tpu.memory_space<vmem_shared>> -> memref<10000x64xf32, #tpu.memory_space<vmem_shared>>
        tpu.enqueue_indirect_dma source(%arg19 : memref<40x64xf32, #tpu.memory_space<vmem>>) target(%dma_start3A_146 : memref<10000x64xf32, #tpu.memory_space<vmem_shared>>) offsets(%dma_start3A_143 : memref<40xi32, #tpu.memory_space<vmem>>) semaphore(%arg30 : memref<!tpu.dma_semaphore, #tpu.memory_space<semaphore_mem>>) {add = true}
        %dma_wait3A_147 = arith.constant 0 : i32
        %dma_wait3A_148 = tpu.memref_slice %arg29[%add3A_63, %dma_wait3A_147] : memref<500x40xi32, #tpu.memory_space<vmem>> -> memref<1x40xi32, #tpu.memory_space<vmem>>
        %dma_wait3A_149 = tpu.memref_squeeze %dma_wait3A_148 : memref<1x40xi32, #tpu.memory_space<vmem>> -> memref<40xi32, #tpu.memory_space<vmem>>
        %dma_wait3A_150 = arith.constant 0 : i32
        %dma_wait3A_151 = arith.constant 0 : i32
        %dma_wait3A_152 = tpu.memref_slice %arg2[%dma_wait3A_150, %dma_wait3A_151] : memref<10000x64xf32, #tpu.memory_space<hbm>> -> memref<10000x64xf32, #tpu.memory_space<hbm>>
        tpu.wait_indirect_dma semaphore(%arg10 : memref<!tpu.dma_semaphore, #tpu.memory_space<semaphore_mem>>) src(%dma_wait3A_152 : memref<10000x64xf32, #tpu.memory_space<hbm>>) dst(%arg20 : memref<40x64xf32, #tpu.memory_space<vmem>>)
        %add3A_153 = arith.constant 1 : i32
        %add3A_154 = arith.addi %mul3A_54, %add3A_153 : i32
        %dma_start3A_155 = arith.constant 0 : i32
        %dma_start3A_156 = tpu.memref_slice %arg8[%add3A_154, %dma_start3A_155] : memref<500x40xi32, #tpu.memory_space<vmem>> -> memref<1x40xi32, #tpu.memory_space<vmem>>
        %dma_start3A_157 = tpu.memref_squeeze %dma_start3A_156 : memref<1x40xi32, #tpu.memory_space<vmem>> -> memref<40xi32, #tpu.memory_space<vmem>>
        %dma_start3A_158 = arith.constant 0 : i32
        %dma_start3A_159 = arith.constant 0 : i32
        %dma_start3A_160 = tpu.memref_slice %arg7[%dma_start3A_158, %dma_start3A_159] : memref<10000x64xf32, #tpu.memory_space<vmem_shared>> -> memref<10000x64xf32, #tpu.memory_space<vmem_shared>>
        tpu.enqueue_indirect_dma source(%arg20 : memref<40x64xf32, #tpu.memory_space<vmem>>) target(%dma_start3A_160 : memref<10000x64xf32, #tpu.memory_space<vmem_shared>>) offsets(%dma_start3A_157 : memref<40xi32, #tpu.memory_space<vmem>>) semaphore(%arg31 : memref<!tpu.dma_semaphore, #tpu.memory_space<semaphore_mem>>) {add = true}
        %dma_wait3A_161 = arith.constant 0 : i32
        %dma_wait3A_162 = tpu.memref_slice %arg29[%add3A_71, %dma_wait3A_161] : memref<500x40xi32, #tpu.memory_space<vmem>> -> memref<1x40xi32, #tpu.memory_space<vmem>>
        %dma_wait3A_163 = tpu.memref_squeeze %dma_wait3A_162 : memref<1x40xi32, #tpu.memory_space<vmem>> -> memref<40xi32, #tpu.memory_space<vmem>>
        %dma_wait3A_164 = arith.constant 0 : i32
        %dma_wait3A_165 = arith.constant 0 : i32
        %dma_wait3A_166 = tpu.memref_slice %arg2[%dma_wait3A_164, %dma_wait3A_165] : memref<10000x64xf32, #tpu.memory_space<hbm>> -> memref<10000x64xf32, #tpu.memory_space<hbm>>
        tpu.wait_indirect_dma semaphore(%arg11 : memref<!tpu.dma_semaphore, #tpu.memory_space<semaphore_mem>>) src(%dma_wait3A_166 : memref<10000x64xf32, #tpu.memory_space<hbm>>) dst(%arg21 : memref<40x64xf32, #tpu.memory_space<vmem>>)
        %add3A_167 = arith.constant 2 : i32
        %add3A_168 = arith.addi %mul3A_54, %add3A_167 : i32
        %dma_start3A_169 = arith.constant 0 : i32
        %dma_start3A_170 = tpu.memref_slice %arg8[%add3A_168, %dma_start3A_169] : memref<500x40xi32, #tpu.memory_space<vmem>> -> memref<1x40xi32, #tpu.memory_space<vmem>>
        %dma_start3A_171 = tpu.memref_squeeze %dma_start3A_170 : memref<1x40xi32, #tpu.memory_space<vmem>> -> memref<40xi32, #tpu.memory_space<vmem>>
        %dma_start3A_172 = arith.constant 0 : i32
        %dma_start3A_173 = arith.constant 0 : i32
        %dma_start3A_174 = tpu.memref_slice %arg7[%dma_start3A_172, %dma_start3A_173] : memref<10000x64xf32, #tpu.memory_space<vmem_shared>> -> memref<10000x64xf32, #tpu.memory_space<vmem_shared>>
        tpu.enqueue_indirect_dma source(%arg21 : memref<40x64xf32, #tpu.memory_space<vmem>>) target(%dma_start3A_174 : memref<10000x64xf32, #tpu.memory_space<vmem_shared>>) offsets(%dma_start3A_171 : memref<40xi32, #tpu.memory_space<vmem>>) semaphore(%arg32 : memref<!tpu.dma_semaphore, #tpu.memory_space<semaphore_mem>>) {add = true}
        %dma_wait3A_175 = arith.constant 0 : i32
        %dma_wait3A_176 = tpu.memref_slice %arg29[%add3A_79, %dma_wait3A_175] : memref<500x40xi32, #tpu.memory_space<vmem>> -> memref<1x40xi32, #tpu.memory_space<vmem>>
        %dma_wait3A_177 = tpu.memref_squeeze %dma_wait3A_176 : memref<1x40xi32, #tpu.memory_space<vmem>> -> memref<40xi32, #tpu.memory_space<vmem>>
        %dma_wait3A_178 = arith.constant 0 : i32
        %dma_wait3A_179 = arith.constant 0 : i32
        %dma_wait3A_180 = tpu.memref_slice %arg2[%dma_wait3A_178, %dma_wait3A_179] : memref<10000x64xf32, #tpu.memory_space<hbm>> -> memref<10000x64xf32, #tpu.memory_space<hbm>>
        tpu.wait_indirect_dma semaphore(%arg12 : memref<!tpu.dma_semaphore, #tpu.memory_space<semaphore_mem>>) src(%dma_wait3A_180 : memref<10000x64xf32, #tpu.memory_space<hbm>>) dst(%arg22 : memref<40x64xf32, #tpu.memory_space<vmem>>)
        %add3A_181 = arith.constant 3 : i32
        %add3A_182 = arith.addi %mul3A_54, %add3A_181 : i32
        %dma_start3A_183 = arith.constant 0 : i32
        %dma_start3A_184 = tpu.memref_slice %arg8[%add3A_182, %dma_start3A_183] : memref<500x40xi32, #tpu.memory_space<vmem>> -> memref<1x40xi32, #tpu.memory_space<vmem>>
        %dma_start3A_185 = tpu.memref_squeeze %dma_start3A_184 : memref<1x40xi32, #tpu.memory_space<vmem>> -> memref<40xi32, #tpu.memory_space<vmem>>
        %dma_start3A_186 = arith.constant 0 : i32
        %dma_start3A_187 = arith.constant 0 : i32
        %dma_start3A_188 = tpu.memref_slice %arg7[%dma_start3A_186, %dma_start3A_187] : memref<10000x64xf32, #tpu.memory_space<vmem_shared>> -> memref<10000x64xf32, #tpu.memory_space<vmem_shared>>
        tpu.enqueue_indirect_dma source(%arg22 : memref<40x64xf32, #tpu.memory_space<vmem>>) target(%dma_start3A_188 : memref<10000x64xf32, #tpu.memory_space<vmem_shared>>) offsets(%dma_start3A_185 : memref<40xi32, #tpu.memory_space<vmem>>) semaphore(%arg33 : memref<!tpu.dma_semaphore, #tpu.memory_space<semaphore_mem>>) {add = true}
        %dma_wait3A_189 = arith.constant 0 : i32
        %dma_wait3A_190 = tpu.memref_slice %arg29[%add3A_87, %dma_wait3A_189] : memref<500x40xi32, #tpu.memory_space<vmem>> -> memref<1x40xi32, #tpu.memory_space<vmem>>
        %dma_wait3A_191 = tpu.memref_squeeze %dma_wait3A_190 : memref<1x40xi32, #tpu.memory_space<vmem>> -> memref<40xi32, #tpu.memory_space<vmem>>
        %dma_wait3A_192 = arith.constant 0 : i32
        %dma_wait3A_193 = arith.constant 0 : i32
        %dma_wait3A_194 = tpu.memref_slice %arg2[%dma_wait3A_192, %dma_wait3A_193] : memref<10000x64xf32, #tpu.memory_space<hbm>> -> memref<10000x64xf32, #tpu.memory_space<hbm>>
        tpu.wait_indirect_dma semaphore(%arg13 : memref<!tpu.dma_semaphore, #tpu.memory_space<semaphore_mem>>) src(%dma_wait3A_194 : memref<10000x64xf32, #tpu.memory_space<hbm>>) dst(%arg23 : memref<40x64xf32, #tpu.memory_space<vmem>>)
        %add3A_195 = arith.constant 4 : i32
        %add3A_196 = arith.addi %mul3A_54, %add3A_195 : i32
        %dma_start3A_197 = arith.constant 0 : i32
        %dma_start3A_198 = tpu.memref_slice %arg8[%add3A_196, %dma_start3A_197] : memref<500x40xi32, #tpu.memory_space<vmem>> -> memref<1x40xi32, #tpu.memory_space<vmem>>
        %dma_start3A_199 = tpu.memref_squeeze %dma_start3A_198 : memref<1x40xi32, #tpu.memory_space<vmem>> -> memref<40xi32, #tpu.memory_space<vmem>>
        %dma_start3A_200 = arith.constant 0 : i32
        %dma_start3A_201 = arith.constant 0 : i32
        %dma_start3A_202 = tpu.memref_slice %arg7[%dma_start3A_200, %dma_start3A_201] : memref<10000x64xf32, #tpu.memory_space<vmem_shared>> -> memref<10000x64xf32, #tpu.memory_space<vmem_shared>>
        tpu.enqueue_indirect_dma source(%arg23 : memref<40x64xf32, #tpu.memory_space<vmem>>) target(%dma_start3A_202 : memref<10000x64xf32, #tpu.memory_space<vmem_shared>>) offsets(%dma_start3A_199 : memref<40xi32, #tpu.memory_space<vmem>>) semaphore(%arg34 : memref<!tpu.dma_semaphore, #tpu.memory_space<semaphore_mem>>) {add = true}
        %dma_wait3A_203 = arith.constant 0 : i32
        %dma_wait3A_204 = tpu.memref_slice %arg29[%add3A_95, %dma_wait3A_203] : memref<500x40xi32, #tpu.memory_space<vmem>> -> memref<1x40xi32, #tpu.memory_space<vmem>>
        %dma_wait3A_205 = tpu.memref_squeeze %dma_wait3A_204 : memref<1x40xi32, #tpu.memory_space<vmem>> -> memref<40xi32, #tpu.memory_space<vmem>>
        %dma_wait3A_206 = arith.constant 0 : i32
        %dma_wait3A_207 = arith.constant 0 : i32
        %dma_wait3A_208 = tpu.memref_slice %arg2[%dma_wait3A_206, %dma_wait3A_207] : memref<10000x64xf32, #tpu.memory_space<hbm>> -> memref<10000x64xf32, #tpu.memory_space<hbm>>
        tpu.wait_indirect_dma semaphore(%arg14 : memref<!tpu.dma_semaphore, #tpu.memory_space<semaphore_mem>>) src(%dma_wait3A_208 : memref<10000x64xf32, #tpu.memory_space<hbm>>) dst(%arg24 : memref<40x64xf32, #tpu.memory_space<vmem>>)
        %add3A_209 = arith.constant 5 : i32
        %add3A_210 = arith.addi %mul3A_54, %add3A_209 : i32
        %dma_start3A_211 = arith.constant 0 : i32
        %dma_start3A_212 = tpu.memref_slice %arg8[%add3A_210, %dma_start3A_211] : memref<500x40xi32, #tpu.memory_space<vmem>> -> memref<1x40xi32, #tpu.memory_space<vmem>>
        %dma_start3A_213 = tpu.memref_squeeze %dma_start3A_212 : memref<1x40xi32, #tpu.memory_space<vmem>> -> memref<40xi32, #tpu.memory_space<vmem>>
        %dma_start3A_214 = arith.constant 0 : i32
        %dma_start3A_215 = arith.constant 0 : i32
        %dma_start3A_216 = tpu.memref_slice %arg7[%dma_start3A_214, %dma_start3A_215] : memref<10000x64xf32, #tpu.memory_space<vmem_shared>> -> memref<10000x64xf32, #tpu.memory_space<vmem_shared>>
        tpu.enqueue_indirect_dma source(%arg24 : memref<40x64xf32, #tpu.memory_space<vmem>>) target(%dma_start3A_216 : memref<10000x64xf32, #tpu.memory_space<vmem_shared>>) offsets(%dma_start3A_213 : memref<40xi32, #tpu.memory_space<vmem>>) semaphore(%arg35 : memref<!tpu.dma_semaphore, #tpu.memory_space<semaphore_mem>>) {add = true}
        %dma_wait3A_217 = arith.constant 0 : i32
        %dma_wait3A_218 = tpu.memref_slice %arg29[%add3A_103, %dma_wait3A_217] : memref<500x40xi32, #tpu.memory_space<vmem>> -> memref<1x40xi32, #tpu.memory_space<vmem>>
        %dma_wait3A_219 = tpu.memref_squeeze %dma_wait3A_218 : memref<1x40xi32, #tpu.memory_space<vmem>> -> memref<40xi32, #tpu.memory_space<vmem>>
        %dma_wait3A_220 = arith.constant 0 : i32
        %dma_wait3A_221 = arith.constant 0 : i32
        %dma_wait3A_222 = tpu.memref_slice %arg2[%dma_wait3A_220, %dma_wait3A_221] : memref<10000x64xf32, #tpu.memory_space<hbm>> -> memref<10000x64xf32, #tpu.memory_space<hbm>>
        tpu.wait_indirect_dma semaphore(%arg15 : memref<!tpu.dma_semaphore, #tpu.memory_space<semaphore_mem>>) src(%dma_wait3A_222 : memref<10000x64xf32, #tpu.memory_space<hbm>>) dst(%arg25 : memref<40x64xf32, #tpu.memory_space<vmem>>)
        %add3A_223 = arith.constant 6 : i32
        %add3A_224 = arith.addi %mul3A_54, %add3A_223 : i32
        %dma_start3A_225 = arith.constant 0 : i32
        %dma_start3A_226 = tpu.memref_slice %arg8[%add3A_224, %dma_start3A_225] : memref<500x40xi32, #tpu.memory_space<vmem>> -> memref<1x40xi32, #tpu.memory_space<vmem>>
        %dma_start3A_227 = tpu.memref_squeeze %dma_start3A_226 : memref<1x40xi32, #tpu.memory_space<vmem>> -> memref<40xi32, #tpu.memory_space<vmem>>
        %dma_start3A_228 = arith.constant 0 : i32
        %dma_start3A_229 = arith.constant 0 : i32
        %dma_start3A_230 = tpu.memref_slice %arg7[%dma_start3A_228, %dma_start3A_229] : memref<10000x64xf32, #tpu.memory_space<vmem_shared>> -> memref<10000x64xf32, #tpu.memory_space<vmem_shared>>
        tpu.enqueue_indirect_dma source(%arg25 : memref<40x64xf32, #tpu.memory_space<vmem>>) target(%dma_start3A_230 : memref<10000x64xf32, #tpu.memory_space<vmem_shared>>) offsets(%dma_start3A_227 : memref<40xi32, #tpu.memory_space<vmem>>) semaphore(%arg36 : memref<!tpu.dma_semaphore, #tpu.memory_space<semaphore_mem>>) {add = true}
        %dma_wait3A_231 = arith.constant 0 : i32
        %dma_wait3A_232 = tpu.memref_slice %arg29[%add3A_111, %dma_wait3A_231] : memref<500x40xi32, #tpu.memory_space<vmem>> -> memref<1x40xi32, #tpu.memory_space<vmem>>
        %dma_wait3A_233 = tpu.memref_squeeze %dma_wait3A_232 : memref<1x40xi32, #tpu.memory_space<vmem>> -> memref<40xi32, #tpu.memory_space<vmem>>
        %dma_wait3A_234 = arith.constant 0 : i32
        %dma_wait3A_235 = arith.constant 0 : i32
        %dma_wait3A_236 = tpu.memref_slice %arg2[%dma_wait3A_234, %dma_wait3A_235] : memref<10000x64xf32, #tpu.memory_space<hbm>> -> memref<10000x64xf32, #tpu.memory_space<hbm>>
        tpu.wait_indirect_dma semaphore(%arg16 : memref<!tpu.dma_semaphore, #tpu.memory_space<semaphore_mem>>) src(%dma_wait3A_236 : memref<10000x64xf32, #tpu.memory_space<hbm>>) dst(%arg26 : memref<40x64xf32, #tpu.memory_space<vmem>>)
        %add3A_237 = arith.constant 7 : i32
        %add3A_238 = arith.addi %mul3A_54, %add3A_237 : i32
        %dma_start3A_239 = arith.constant 0 : i32
        %dma_start3A_240 = tpu.memref_slice %arg8[%add3A_238, %dma_start3A_239] : memref<500x40xi32, #tpu.memory_space<vmem>> -> memref<1x40xi32, #tpu.memory_space<vmem>>
        %dma_start3A_241 = tpu.memref_squeeze %dma_start3A_240 : memref<1x40xi32, #tpu.memory_space<vmem>> -> memref<40xi32, #tpu.memory_space<vmem>>
        %dma_start3A_242 = arith.constant 0 : i32
        %dma_start3A_243 = arith.constant 0 : i32
        %dma_start3A_244 = tpu.memref_slice %arg7[%dma_start3A_242, %dma_start3A_243] : memref<10000x64xf32, #tpu.memory_space<vmem_shared>> -> memref<10000x64xf32, #tpu.memory_space<vmem_shared>>
        tpu.enqueue_indirect_dma source(%arg26 : memref<40x64xf32, #tpu.memory_space<vmem>>) target(%dma_start3A_244 : memref<10000x64xf32, #tpu.memory_space<vmem_shared>>) offsets(%dma_start3A_241 : memref<40xi32, #tpu.memory_space<vmem>>) semaphore(%arg37 : memref<!tpu.dma_semaphore, #tpu.memory_space<semaphore_mem>>) {add = true}
        %dma_wait3A_245 = arith.constant 0 : i32
        %dma_wait3A_246 = tpu.memref_slice %arg29[%add3A_119, %dma_wait3A_245] : memref<500x40xi32, #tpu.memory_space<vmem>> -> memref<1x40xi32, #tpu.memory_space<vmem>>
        %dma_wait3A_247 = tpu.memref_squeeze %dma_wait3A_246 : memref<1x40xi32, #tpu.memory_space<vmem>> -> memref<40xi32, #tpu.memory_space<vmem>>
        %dma_wait3A_248 = arith.constant 0 : i32
        %dma_wait3A_249 = arith.constant 0 : i32
        %dma_wait3A_250 = tpu.memref_slice %arg2[%dma_wait3A_248, %dma_wait3A_249] : memref<10000x64xf32, #tpu.memory_space<hbm>> -> memref<10000x64xf32, #tpu.memory_space<hbm>>
        tpu.wait_indirect_dma semaphore(%arg17 : memref<!tpu.dma_semaphore, #tpu.memory_space<semaphore_mem>>) src(%dma_wait3A_250 : memref<10000x64xf32, #tpu.memory_space<hbm>>) dst(%arg27 : memref<40x64xf32, #tpu.memory_space<vmem>>)
        %add3A_251 = arith.constant 8 : i32
        %add3A_252 = arith.addi %mul3A_54, %add3A_251 : i32
        %dma_start3A_253 = arith.constant 0 : i32
        %dma_start3A_254 = tpu.memref_slice %arg8[%add3A_252, %dma_start3A_253] : memref<500x40xi32, #tpu.memory_space<vmem>> -> memref<1x40xi32, #tpu.memory_space<vmem>>
        %dma_start3A_255 = tpu.memref_squeeze %dma_start3A_254 : memref<1x40xi32, #tpu.memory_space<vmem>> -> memref<40xi32, #tpu.memory_space<vmem>>
        %dma_start3A_256 = arith.constant 0 : i32
        %dma_start3A_257 = arith.constant 0 : i32
        %dma_start3A_258 = tpu.memref_slice %arg7[%dma_start3A_256, %dma_start3A_257] : memref<10000x64xf32, #tpu.memory_space<vmem_shared>> -> memref<10000x64xf32, #tpu.memory_space<vmem_shared>>
        tpu.enqueue_indirect_dma source(%arg27 : memref<40x64xf32, #tpu.memory_space<vmem>>) target(%dma_start3A_258 : memref<10000x64xf32, #tpu.memory_space<vmem_shared>>) offsets(%dma_start3A_255 : memref<40xi32, #tpu.memory_space<vmem>>) semaphore(%arg38 : memref<!tpu.dma_semaphore, #tpu.memory_space<semaphore_mem>>) {add = true}
        %dma_wait3A_259 = arith.constant 0 : i32
        %dma_wait3A_260 = tpu.memref_slice %arg29[%add3A_127, %dma_wait3A_259] : memref<500x40xi32, #tpu.memory_space<vmem>> -> memref<1x40xi32, #tpu.memory_space<vmem>>
        %dma_wait3A_261 = tpu.memref_squeeze %dma_wait3A_260 : memref<1x40xi32, #tpu.memory_space<vmem>> -> memref<40xi32, #tpu.memory_space<vmem>>
        %dma_wait3A_262 = arith.constant 0 : i32
        %dma_wait3A_263 = arith.constant 0 : i32
        %dma_wait3A_264 = tpu.memref_slice %arg2[%dma_wait3A_262, %dma_wait3A_263] : memref<10000x64xf32, #tpu.memory_space<hbm>> -> memref<10000x64xf32, #tpu.memory_space<hbm>>
        tpu.wait_indirect_dma semaphore(%arg18 : memref<!tpu.dma_semaphore, #tpu.memory_space<semaphore_mem>>) src(%dma_wait3A_264 : memref<10000x64xf32, #tpu.memory_space<hbm>>) dst(%arg28 : memref<40x64xf32, #tpu.memory_space<vmem>>)
        %add3A_265 = arith.constant 9 : i32
        %add3A_266 = arith.addi %mul3A_54, %add3A_265 : i32
        %dma_start3A_267 = arith.constant 0 : i32
        %dma_start3A_268 = tpu.memref_slice %arg8[%add3A_266, %dma_start3A_267] : memref<500x40xi32, #tpu.memory_space<vmem>> -> memref<1x40xi32, #tpu.memory_space<vmem>>
        %dma_start3A_269 = tpu.memref_squeeze %dma_start3A_268 : memref<1x40xi32, #tpu.memory_space<vmem>> -> memref<40xi32, #tpu.memory_space<vmem>>
        %dma_start3A_270 = arith.constant 0 : i32
        %dma_start3A_271 = arith.constant 0 : i32
        %dma_start3A_272 = tpu.memref_slice %arg7[%dma_start3A_270, %dma_start3A_271] : memref<10000x64xf32, #tpu.memory_space<vmem_shared>> -> memref<10000x64xf32, #tpu.memory_space<vmem_shared>>
        tpu.enqueue_indirect_dma source(%arg28 : memref<40x64xf32, #tpu.memory_space<vmem>>) target(%dma_start3A_272 : memref<10000x64xf32, #tpu.memory_space<vmem_shared>>) offsets(%dma_start3A_269 : memref<40xi32, #tpu.memory_space<vmem>>) semaphore(%arg39 : memref<!tpu.dma_semaphore, #tpu.memory_space<semaphore_mem>>) {add = true}
        %dma_wait3A_273 = arith.constant 0 : i32
        %dma_wait3A_274 = tpu.memref_slice %arg8[%add3A_140, %dma_wait3A_273] : memref<500x40xi32, #tpu.memory_space<vmem>> -> memref<1x40xi32, #tpu.memory_space<vmem>>
        %dma_wait3A_275 = tpu.memref_squeeze %dma_wait3A_274 : memref<1x40xi32, #tpu.memory_space<vmem>> -> memref<40xi32, #tpu.memory_space<vmem>>
        %dma_wait3A_276 = arith.constant 0 : i32
        %dma_wait3A_277 = arith.constant 0 : i32
        %dma_wait3A_278 = tpu.memref_slice %arg7[%dma_wait3A_276, %dma_wait3A_277] : memref<10000x64xf32, #tpu.memory_space<vmem_shared>> -> memref<10000x64xf32, #tpu.memory_space<vmem_shared>>
        tpu.wait_indirect_dma semaphore(%arg30 : memref<!tpu.dma_semaphore, #tpu.memory_space<semaphore_mem>>) src(%arg19 : memref<40x64xf32, #tpu.memory_space<vmem>>) dst(%dma_wait3A_278 : memref<10000x64xf32, #tpu.memory_space<vmem_shared>>)
        %dma_wait3A_279 = arith.constant 0 : i32
        %dma_wait3A_280 = tpu.memref_slice %arg8[%add3A_154, %dma_wait3A_279] : memref<500x40xi32, #tpu.memory_space<vmem>> -> memref<1x40xi32, #tpu.memory_space<vmem>>
        %dma_wait3A_281 = tpu.memref_squeeze %dma_wait3A_280 : memref<1x40xi32, #tpu.memory_space<vmem>> -> memref<40xi32, #tpu.memory_space<vmem>>
        %dma_wait3A_282 = arith.constant 0 : i32
        %dma_wait3A_283 = arith.constant 0 : i32
        %dma_wait3A_284 = tpu.memref_slice %arg7[%dma_wait3A_282, %dma_wait3A_283] : memref<10000x64xf32, #tpu.memory_space<vmem_shared>> -> memref<10000x64xf32, #tpu.memory_space<vmem_shared>>
        tpu.wait_indirect_dma semaphore(%arg31 : memref<!tpu.dma_semaphore, #tpu.memory_space<semaphore_mem>>) src(%arg20 : memref<40x64xf32, #tpu.memory_space<vmem>>) dst(%dma_wait3A_284 : memref<10000x64xf32, #tpu.memory_space<vmem_shared>>)
        %dma_wait3A_285 = arith.constant 0 : i32
        %dma_wait3A_286 = tpu.memref_slice %arg8[%add3A_168, %dma_wait3A_285] : memref<500x40xi32, #tpu.memory_space<vmem>> -> memref<1x40xi32, #tpu.memory_space<vmem>>
        %dma_wait3A_287 = tpu.memref_squeeze %dma_wait3A_286 : memref<1x40xi32, #tpu.memory_space<vmem>> -> memref<40xi32, #tpu.memory_space<vmem>>
        %dma_wait3A_288 = arith.constant 0 : i32
        %dma_wait3A_289 = arith.constant 0 : i32
        %dma_wait3A_290 = tpu.memref_slice %arg7[%dma_wait3A_288, %dma_wait3A_289] : memref<10000x64xf32, #tpu.memory_space<vmem_shared>> -> memref<10000x64xf32, #tpu.memory_space<vmem_shared>>
        tpu.wait_indirect_dma semaphore(%arg32 : memref<!tpu.dma_semaphore, #tpu.memory_space<semaphore_mem>>) src(%arg21 : memref<40x64xf32, #tpu.memory_space<vmem>>) dst(%dma_wait3A_290 : memref<10000x64xf32, #tpu.memory_space<vmem_shared>>)
        %dma_wait3A_291 = arith.constant 0 : i32
        %dma_wait3A_292 = tpu.memref_slice %arg8[%add3A_182, %dma_wait3A_291] : memref<500x40xi32, #tpu.memory_space<vmem>> -> memref<1x40xi32, #tpu.memory_space<vmem>>
        %dma_wait3A_293 = tpu.memref_squeeze %dma_wait3A_292 : memref<1x40xi32, #tpu.memory_space<vmem>> -> memref<40xi32, #tpu.memory_space<vmem>>
        %dma_wait3A_294 = arith.constant 0 : i32
        %dma_wait3A_295 = arith.constant 0 : i32
        %dma_wait3A_296 = tpu.memref_slice %arg7[%dma_wait3A_294, %dma_wait3A_295] : memref<10000x64xf32, #tpu.memory_space<vmem_shared>> -> memref<10000x64xf32, #tpu.memory_space<vmem_shared>>
        tpu.wait_indirect_dma semaphore(%arg33 : memref<!tpu.dma_semaphore, #tpu.memory_space<semaphore_mem>>) src(%arg22 : memref<40x64xf32, #tpu.memory_space<vmem>>) dst(%dma_wait3A_296 : memref<10000x64xf32, #tpu.memory_space<vmem_shared>>)
        %dma_wait3A_297 = arith.constant 0 : i32
        %dma_wait3A_298 = tpu.memref_slice %arg8[%add3A_196, %dma_wait3A_297] : memref<500x40xi32, #tpu.memory_space<vmem>> -> memref<1x40xi32, #tpu.memory_space<vmem>>
        %dma_wait3A_299 = tpu.memref_squeeze %dma_wait3A_298 : memref<1x40xi32, #tpu.memory_space<vmem>> -> memref<40xi32, #tpu.memory_space<vmem>>
        %dma_wait3A_300 = arith.constant 0 : i32
        %dma_wait3A_301 = arith.constant 0 : i32
        %dma_wait3A_302 = tpu.memref_slice %arg7[%dma_wait3A_300, %dma_wait3A_301] : memref<10000x64xf32, #tpu.memory_space<vmem_shared>> -> memref<10000x64xf32, #tpu.memory_space<vmem_shared>>
        tpu.wait_indirect_dma semaphore(%arg34 : memref<!tpu.dma_semaphore, #tpu.memory_space<semaphore_mem>>) src(%arg23 : memref<40x64xf32, #tpu.memory_space<vmem>>) dst(%dma_wait3A_302 : memref<10000x64xf32, #tpu.memory_space<vmem_shared>>)
        %dma_wait3A_303 = arith.constant 0 : i32
        %dma_wait3A_304 = tpu.memref_slice %arg8[%add3A_210, %dma_wait3A_303] : memref<500x40xi32, #tpu.memory_space<vmem>> -> memref<1x40xi32, #tpu.memory_space<vmem>>
        %dma_wait3A_305 = tpu.memref_squeeze %dma_wait3A_304 : memref<1x40xi32, #tpu.memory_space<vmem>> -> memref<40xi32, #tpu.memory_space<vmem>>
        %dma_wait3A_306 = arith.constant 0 : i32
        %dma_wait3A_307 = arith.constant 0 : i32
        %dma_wait3A_308 = tpu.memref_slice %arg7[%dma_wait3A_306, %dma_wait3A_307] : memref<10000x64xf32, #tpu.memory_space<vmem_shared>> -> memref<10000x64xf32, #tpu.memory_space<vmem_shared>>
        tpu.wait_indirect_dma semaphore(%arg35 : memref<!tpu.dma_semaphore, #tpu.memory_space<semaphore_mem>>) src(%arg24 : memref<40x64xf32, #tpu.memory_space<vmem>>) dst(%dma_wait3A_308 : memref<10000x64xf32, #tpu.memory_space<vmem_shared>>)
        %dma_wait3A_309 = arith.constant 0 : i32
        %dma_wait3A_310 = tpu.memref_slice %arg8[%add3A_224, %dma_wait3A_309] : memref<500x40xi32, #tpu.memory_space<vmem>> -> memref<1x40xi32, #tpu.memory_space<vmem>>
        %dma_wait3A_311 = tpu.memref_squeeze %dma_wait3A_310 : memref<1x40xi32, #tpu.memory_space<vmem>> -> memref<40xi32, #tpu.memory_space<vmem>>
        %dma_wait3A_312 = arith.constant 0 : i32
        %dma_wait3A_313 = arith.constant 0 : i32
        %dma_wait3A_314 = tpu.memref_slice %arg7[%dma_wait3A_312, %dma_wait3A_313] : memref<10000x64xf32, #tpu.memory_space<vmem_shared>> -> memref<10000x64xf32, #tpu.memory_space<vmem_shared>>
        tpu.wait_indirect_dma semaphore(%arg36 : memref<!tpu.dma_semaphore, #tpu.memory_space<semaphore_mem>>) src(%arg25 : memref<40x64xf32, #tpu.memory_space<vmem>>) dst(%dma_wait3A_314 : memref<10000x64xf32, #tpu.memory_space<vmem_shared>>)
        %dma_wait3A_315 = arith.constant 0 : i32
        %dma_wait3A_316 = tpu.memref_slice %arg8[%add3A_238, %dma_wait3A_315] : memref<500x40xi32, #tpu.memory_space<vmem>> -> memref<1x40xi32, #tpu.memory_space<vmem>>
        %dma_wait3A_317 = tpu.memref_squeeze %dma_wait3A_316 : memref<1x40xi32, #tpu.memory_space<vmem>> -> memref<40xi32, #tpu.memory_space<vmem>>
        %dma_wait3A_318 = arith.constant 0 : i32
        %dma_wait3A_319 = arith.constant 0 : i32
        %dma_wait3A_320 = tpu.memref_slice %arg7[%dma_wait3A_318, %dma_wait3A_319] : memref<10000x64xf32, #tpu.memory_space<vmem_shared>> -> memref<10000x64xf32, #tpu.memory_space<vmem_shared>>
        tpu.wait_indirect_dma semaphore(%arg37 : memref<!tpu.dma_semaphore, #tpu.memory_space<semaphore_mem>>) src(%arg26 : memref<40x64xf32, #tpu.memory_space<vmem>>) dst(%dma_wait3A_320 : memref<10000x64xf32, #tpu.memory_space<vmem_shared>>)
        %dma_wait3A_321 = arith.constant 0 : i32
        %dma_wait3A_322 = tpu.memref_slice %arg8[%add3A_252, %dma_wait3A_321] : memref<500x40xi32, #tpu.memory_space<vmem>> -> memref<1x40xi32, #tpu.memory_space<vmem>>
        %dma_wait3A_323 = tpu.memref_squeeze %dma_wait3A_322 : memref<1x40xi32, #tpu.memory_space<vmem>> -> memref<40xi32, #tpu.memory_space<vmem>>
        %dma_wait3A_324 = arith.constant 0 : i32
        %dma_wait3A_325 = arith.constant 0 : i32
        %dma_wait3A_326 = tpu.memref_slice %arg7[%dma_wait3A_324, %dma_wait3A_325] : memref<10000x64xf32, #tpu.memory_space<vmem_shared>> -> memref<10000x64xf32, #tpu.memory_space<vmem_shared>>
        tpu.wait_indirect_dma semaphore(%arg38 : memref<!tpu.dma_semaphore, #tpu.memory_space<semaphore_mem>>) src(%arg27 : memref<40x64xf32, #tpu.memory_space<vmem>>) dst(%dma_wait3A_326 : memref<10000x64xf32, #tpu.memory_space<vmem_shared>>)
        %dma_wait3A_327 = arith.constant 0 : i32
        %dma_wait3A_328 = tpu.memref_slice %arg8[%add3A_266, %dma_wait3A_327] : memref<500x40xi32, #tpu.memory_space<vmem>> -> memref<1x40xi32, #tpu.memory_space<vmem>>
        %dma_wait3A_329 = tpu.memref_squeeze %dma_wait3A_328 : memref<1x40xi32, #tpu.memory_space<vmem>> -> memref<40xi32, #tpu.memory_space<vmem>>
        %dma_wait3A_330 = arith.constant 0 : i32
        %dma_wait3A_331 = arith.constant 0 : i32
        %dma_wait3A_332 = tpu.memref_slice %arg7[%dma_wait3A_330, %dma_wait3A_331] : memref<10000x64xf32, #tpu.memory_space<vmem_shared>> -> memref<10000x64xf32, #tpu.memory_space<vmem_shared>>
        tpu.wait_indirect_dma semaphore(%arg39 : memref<!tpu.dma_semaphore, #tpu.memory_space<semaphore_mem>>) src(%arg28 : memref<40x64xf32, #tpu.memory_space<vmem>>) dst(%dma_wait3A_332 : memref<10000x64xf32, #tpu.memory_space<vmem_shared>>)
        %scan3A_333 = arith.constant 0 : i32
        scf.yield %scan3A_333 : i32
      }
      %scan3A_50 = arith.constant 50 : i32
    } else {
    }
    %eq3A_18 = arith.constant 1 : i32
    %eq3A_19 = arith.cmpi eq, %arg0, %eq3A_18 : i32
    %convert_element_type3A_20 = arith.extui %eq3A_19 : i1 to i32
    %cond3A_21 = arith.constant 0 : i32
    %cond3A_22 = arith.cmpi ne, %convert_element_type3A_20, %cond3A_21 : i32
    scf.if %cond3A_22 {
      %scan3A_44 = arith.constant 0 : i32
      %scan3A_45 = arith.constant 0 : i32
      %scan3A_46 = arith.constant 50 : i32
      %scan3A_47 = arith.addi %scan3A_45, %scan3A_46 : i32
      %scan3A_48 = arith.constant 1 : i32
      %scan3A_49 = scf.for %scan3A_51 = %scan3A_45 to %scan3A_47 step %scan3A_48 iter_args(%scan3A_52 = %scan3A_44) -> (i32)  : i32 {
        %mul3A_53 = arith.constant 10 : i32
        %mul3A_54 = arith.muli %scan3A_51, %mul3A_53 : i32
        %add3A_55 = arith.constant 0 : i32
        %add3A_56 = arith.addi %mul3A_54, %add3A_55 : i32
        %dma_start3A = arith.constant 0 : i32
        %dma_start3A_57 = tpu.memref_slice %arg29[%add3A_56, %dma_start3A] : memref<500x40xi32, #tpu.memory_space<vmem>> -> memref<1x40xi32, #tpu.memory_space<vmem>>
        %dma_start3A_58 = tpu.memref_squeeze %dma_start3A_57 : memref<1x40xi32, #tpu.memory_space<vmem>> -> memref<40xi32, #tpu.memory_space<vmem>>
        %dma_start3A_59 = arith.constant 0 : i32
        %dma_start3A_60 = arith.constant 0 : i32
        %dma_start3A_61 = tpu.memref_slice %arg3[%dma_start3A_59, %dma_start3A_60] : memref<10000x64xf32, #tpu.memory_space<hbm>> -> memref<10000x64xf32, #tpu.memory_space<hbm>>
        tpu.enqueue_indirect_dma source(%dma_start3A_61 : memref<10000x64xf32, #tpu.memory_space<hbm>>) target(%arg19 : memref<40x64xf32, #tpu.memory_space<vmem>>) offsets(%dma_start3A_58 : memref<40xi32, #tpu.memory_space<vmem>>) semaphore(%arg9 : memref<!tpu.dma_semaphore, #tpu.memory_space<semaphore_mem>>)
        %add3A_62 = arith.constant 1 : i32
        %add3A_63 = arith.addi %mul3A_54, %add3A_62 : i32
        %dma_start3A_64 = arith.constant 0 : i32
        %dma_start3A_65 = tpu.memref_slice %arg29[%add3A_63, %dma_start3A_64] : memref<500x40xi32, #tpu.memory_space<vmem>> -> memref<1x40xi32, #tpu.memory_space<vmem>>
        %dma_start3A_66 = tpu.memref_squeeze %dma_start3A_65 : memref<1x40xi32, #tpu.memory_space<vmem>> -> memref<40xi32, #tpu.memory_space<vmem>>
        %dma_start3A_67 = arith.constant 0 : i32
        %dma_start3A_68 = arith.constant 0 : i32
        %dma_start3A_69 = tpu.memref_slice %arg3[%dma_start3A_67, %dma_start3A_68] : memref<10000x64xf32, #tpu.memory_space<hbm>> -> memref<10000x64xf32, #tpu.memory_space<hbm>>
        tpu.enqueue_indirect_dma source(%dma_start3A_69 : memref<10000x64xf32, #tpu.memory_space<hbm>>) target(%arg20 : memref<40x64xf32, #tpu.memory_space<vmem>>) offsets(%dma_start3A_66 : memref<40xi32, #tpu.memory_space<vmem>>) semaphore(%arg10 : memref<!tpu.dma_semaphore, #tpu.memory_space<semaphore_mem>>)
        %add3A_70 = arith.constant 2 : i32
        %add3A_71 = arith.addi %mul3A_54, %add3A_70 : i32
        %dma_start3A_72 = arith.constant 0 : i32
        %dma_start3A_73 = tpu.memref_slice %arg29[%add3A_71, %dma_start3A_72] : memref<500x40xi32, #tpu.memory_space<vmem>> -> memref<1x40xi32, #tpu.memory_space<vmem>>
        %dma_start3A_74 = tpu.memref_squeeze %dma_start3A_73 : memref<1x40xi32, #tpu.memory_space<vmem>> -> memref<40xi32, #tpu.memory_space<vmem>>
        %dma_start3A_75 = arith.constant 0 : i32
        %dma_start3A_76 = arith.constant 0 : i32
        %dma_start3A_77 = tpu.memref_slice %arg3[%dma_start3A_75, %dma_start3A_76] : memref<10000x64xf32, #tpu.memory_space<hbm>> -> memref<10000x64xf32, #tpu.memory_space<hbm>>
        tpu.enqueue_indirect_dma source(%dma_start3A_77 : memref<10000x64xf32, #tpu.memory_space<hbm>>) target(%arg21 : memref<40x64xf32, #tpu.memory_space<vmem>>) offsets(%dma_start3A_74 : memref<40xi32, #tpu.memory_space<vmem>>) semaphore(%arg11 : memref<!tpu.dma_semaphore, #tpu.memory_space<semaphore_mem>>)
        %add3A_78 = arith.constant 3 : i32
        %add3A_79 = arith.addi %mul3A_54, %add3A_78 : i32
        %dma_start3A_80 = arith.constant 0 : i32
        %dma_start3A_81 = tpu.memref_slice %arg29[%add3A_79, %dma_start3A_80] : memref<500x40xi32, #tpu.memory_space<vmem>> -> memref<1x40xi32, #tpu.memory_space<vmem>>
        %dma_start3A_82 = tpu.memref_squeeze %dma_start3A_81 : memref<1x40xi32, #tpu.memory_space<vmem>> -> memref<40xi32, #tpu.memory_space<vmem>>
        %dma_start3A_83 = arith.constant 0 : i32
        %dma_start3A_84 = arith.constant 0 : i32
        %dma_start3A_85 = tpu.memref_slice %arg3[%dma_start3A_83, %dma_start3A_84] : memref<10000x64xf32, #tpu.memory_space<hbm>> -> memref<10000x64xf32, #tpu.memory_space<hbm>>
        tpu.enqueue_indirect_dma source(%dma_start3A_85 : memref<10000x64xf32, #tpu.memory_space<hbm>>) target(%arg22 : memref<40x64xf32, #tpu.memory_space<vmem>>) offsets(%dma_start3A_82 : memref<40xi32, #tpu.memory_space<vmem>>) semaphore(%arg12 : memref<!tpu.dma_semaphore, #tpu.memory_space<semaphore_mem>>)
        %add3A_86 = arith.constant 4 : i32
        %add3A_87 = arith.addi %mul3A_54, %add3A_86 : i32
        %dma_start3A_88 = arith.constant 0 : i32
        %dma_start3A_89 = tpu.memref_slice %arg29[%add3A_87, %dma_start3A_88] : memref<500x40xi32, #tpu.memory_space<vmem>> -> memref<1x40xi32, #tpu.memory_space<vmem>>
        %dma_start3A_90 = tpu.memref_squeeze %dma_start3A_89 : memref<1x40xi32, #tpu.memory_space<vmem>> -> memref<40xi32, #tpu.memory_space<vmem>>
        %dma_start3A_91 = arith.constant 0 : i32
        %dma_start3A_92 = arith.constant 0 : i32
        %dma_start3A_93 = tpu.memref_slice %arg3[%dma_start3A_91, %dma_start3A_92] : memref<10000x64xf32, #tpu.memory_space<hbm>> -> memref<10000x64xf32, #tpu.memory_space<hbm>>
        tpu.enqueue_indirect_dma source(%dma_start3A_93 : memref<10000x64xf32, #tpu.memory_space<hbm>>) target(%arg23 : memref<40x64xf32, #tpu.memory_space<vmem>>) offsets(%dma_start3A_90 : memref<40xi32, #tpu.memory_space<vmem>>) semaphore(%arg13 : memref<!tpu.dma_semaphore, #tpu.memory_space<semaphore_mem>>)
        %add3A_94 = arith.constant 5 : i32
        %add3A_95 = arith.addi %mul3A_54, %add3A_94 : i32
        %dma_start3A_96 = arith.constant 0 : i32
        %dma_start3A_97 = tpu.memref_slice %arg29[%add3A_95, %dma_start3A_96] : memref<500x40xi32, #tpu.memory_space<vmem>> -> memref<1x40xi32, #tpu.memory_space<vmem>>
        %dma_start3A_98 = tpu.memref_squeeze %dma_start3A_97 : memref<1x40xi32, #tpu.memory_space<vmem>> -> memref<40xi32, #tpu.memory_space<vmem>>
        %dma_start3A_99 = arith.constant 0 : i32
        %dma_start3A_100 = arith.constant 0 : i32
        %dma_start3A_101 = tpu.memref_slice %arg3[%dma_start3A_99, %dma_start3A_100] : memref<10000x64xf32, #tpu.memory_space<hbm>> -> memref<10000x64xf32, #tpu.memory_space<hbm>>
        tpu.enqueue_indirect_dma source(%dma_start3A_101 : memref<10000x64xf32, #tpu.memory_space<hbm>>) target(%arg24 : memref<40x64xf32, #tpu.memory_space<vmem>>) offsets(%dma_start3A_98 : memref<40xi32, #tpu.memory_space<vmem>>) semaphore(%arg14 : memref<!tpu.dma_semaphore, #tpu.memory_space<semaphore_mem>>)
        %add3A_102 = arith.constant 6 : i32
        %add3A_103 = arith.addi %mul3A_54, %add3A_102 : i32
        %dma_start3A_104 = arith.constant 0 : i32
        %dma_start3A_105 = tpu.memref_slice %arg29[%add3A_103, %dma_start3A_104] : memref<500x40xi32, #tpu.memory_space<vmem>> -> memref<1x40xi32, #tpu.memory_space<vmem>>
        %dma_start3A_106 = tpu.memref_squeeze %dma_start3A_105 : memref<1x40xi32, #tpu.memory_space<vmem>> -> memref<40xi32, #tpu.memory_space<vmem>>
        %dma_start3A_107 = arith.constant 0 : i32
        %dma_start3A_108 = arith.constant 0 : i32
        %dma_start3A_109 = tpu.memref_slice %arg3[%dma_start3A_107, %dma_start3A_108] : memref<10000x64xf32, #tpu.memory_space<hbm>> -> memref<10000x64xf32, #tpu.memory_space<hbm>>
        tpu.enqueue_indirect_dma source(%dma_start3A_109 : memref<10000x64xf32, #tpu.memory_space<hbm>>) target(%arg25 : memref<40x64xf32, #tpu.memory_space<vmem>>) offsets(%dma_start3A_106 : memref<40xi32, #tpu.memory_space<vmem>>) semaphore(%arg15 : memref<!tpu.dma_semaphore, #tpu.memory_space<semaphore_mem>>)
        %add3A_110 = arith.constant 7 : i32
        %add3A_111 = arith.addi %mul3A_54, %add3A_110 : i32
        %dma_start3A_112 = arith.constant 0 : i32
        %dma_start3A_113 = tpu.memref_slice %arg29[%add3A_111, %dma_start3A_112] : memref<500x40xi32, #tpu.memory_space<vmem>> -> memref<1x40xi32, #tpu.memory_space<vmem>>
        %dma_start3A_114 = tpu.memref_squeeze %dma_start3A_113 : memref<1x40xi32, #tpu.memory_space<vmem>> -> memref<40xi32, #tpu.memory_space<vmem>>
        %dma_start3A_115 = arith.constant 0 : i32
        %dma_start3A_116 = arith.constant 0 : i32
        %dma_start3A_117 = tpu.memref_slice %arg3[%dma_start3A_115, %dma_start3A_116] : memref<10000x64xf32, #tpu.memory_space<hbm>> -> memref<10000x64xf32, #tpu.memory_space<hbm>>
        tpu.enqueue_indirect_dma source(%dma_start3A_117 : memref<10000x64xf32, #tpu.memory_space<hbm>>) target(%arg26 : memref<40x64xf32, #tpu.memory_space<vmem>>) offsets(%dma_start3A_114 : memref<40xi32, #tpu.memory_space<vmem>>) semaphore(%arg16 : memref<!tpu.dma_semaphore, #tpu.memory_space<semaphore_mem>>)
        %add3A_118 = arith.constant 8 : i32
        %add3A_119 = arith.addi %mul3A_54, %add3A_118 : i32
        %dma_start3A_120 = arith.constant 0 : i32
        %dma_start3A_121 = tpu.memref_slice %arg29[%add3A_119, %dma_start3A_120] : memref<500x40xi32, #tpu.memory_space<vmem>> -> memref<1x40xi32, #tpu.memory_space<vmem>>
        %dma_start3A_122 = tpu.memref_squeeze %dma_start3A_121 : memref<1x40xi32, #tpu.memory_space<vmem>> -> memref<40xi32, #tpu.memory_space<vmem>>
        %dma_start3A_123 = arith.constant 0 : i32
        %dma_start3A_124 = arith.constant 0 : i32
        %dma_start3A_125 = tpu.memref_slice %arg3[%dma_start3A_123, %dma_start3A_124] : memref<10000x64xf32, #tpu.memory_space<hbm>> -> memref<10000x64xf32, #tpu.memory_space<hbm>>
        tpu.enqueue_indirect_dma source(%dma_start3A_125 : memref<10000x64xf32, #tpu.memory_space<hbm>>) target(%arg27 : memref<40x64xf32, #tpu.memory_space<vmem>>) offsets(%dma_start3A_122 : memref<40xi32, #tpu.memory_space<vmem>>) semaphore(%arg17 : memref<!tpu.dma_semaphore, #tpu.memory_space<semaphore_mem>>)
        %add3A_126 = arith.constant 9 : i32
        %add3A_127 = arith.addi %mul3A_54, %add3A_126 : i32
        %dma_start3A_128 = arith.constant 0 : i32
        %dma_start3A_129 = tpu.memref_slice %arg29[%add3A_127, %dma_start3A_128] : memref<500x40xi32, #tpu.memory_space<vmem>> -> memref<1x40xi32, #tpu.memory_space<vmem>>
        %dma_start3A_130 = tpu.memref_squeeze %dma_start3A_129 : memref<1x40xi32, #tpu.memory_space<vmem>> -> memref<40xi32, #tpu.memory_space<vmem>>
        %dma_start3A_131 = arith.constant 0 : i32
        %dma_start3A_132 = arith.constant 0 : i32
        %dma_start3A_133 = tpu.memref_slice %arg3[%dma_start3A_131, %dma_start3A_132] : memref<10000x64xf32, #tpu.memory_space<hbm>> -> memref<10000x64xf32, #tpu.memory_space<hbm>>
        tpu.enqueue_indirect_dma source(%dma_start3A_133 : memref<10000x64xf32, #tpu.memory_space<hbm>>) target(%arg28 : memref<40x64xf32, #tpu.memory_space<vmem>>) offsets(%dma_start3A_130 : memref<40xi32, #tpu.memory_space<vmem>>) semaphore(%arg18 : memref<!tpu.dma_semaphore, #tpu.memory_space<semaphore_mem>>)
        %dma_wait3A = arith.constant 0 : i32
        %dma_wait3A_134 = tpu.memref_slice %arg29[%add3A_56, %dma_wait3A] : memref<500x40xi32, #tpu.memory_space<vmem>> -> memref<1x40xi32, #tpu.memory_space<vmem>>
        %dma_wait3A_135 = tpu.memref_squeeze %dma_wait3A_134 : memref<1x40xi32, #tpu.memory_space<vmem>> -> memref<40xi32, #tpu.memory_space<vmem>>
        %dma_wait3A_136 = arith.constant 0 : i32
        %dma_wait3A_137 = arith.constant 0 : i32
        %dma_wait3A_138 = tpu.memref_slice %arg3[%dma_wait3A_136, %dma_wait3A_137] : memref<10000x64xf32, #tpu.memory_space<hbm>> -> memref<10000x64xf32, #tpu.memory_space<hbm>>
        tpu.wait_indirect_dma semaphore(%arg9 : memref<!tpu.dma_semaphore, #tpu.memory_space<semaphore_mem>>) src(%dma_wait3A_138 : memref<10000x64xf32, #tpu.memory_space<hbm>>) dst(%arg19 : memref<40x64xf32, #tpu.memory_space<vmem>>)
        %add3A_139 = arith.constant 0 : i32
        %add3A_140 = arith.addi %mul3A_54, %add3A_139 : i32
        %dma_start3A_141 = arith.constant 0 : i32
        %dma_start3A_142 = tpu.memref_slice %arg8[%add3A_140, %dma_start3A_141] : memref<500x40xi32, #tpu.memory_space<vmem>> -> memref<1x40xi32, #tpu.memory_space<vmem>>
        %dma_start3A_143 = tpu.memref_squeeze %dma_start3A_142 : memref<1x40xi32, #tpu.memory_space<vmem>> -> memref<40xi32, #tpu.memory_space<vmem>>
        %dma_start3A_144 = arith.constant 0 : i32
        %dma_start3A_145 = arith.constant 0 : i32
        %dma_start3A_146 = tpu.memref_slice %arg7[%dma_start3A_144, %dma_start3A_145] : memref<10000x64xf32, #tpu.memory_space<vmem_shared>> -> memref<10000x64xf32, #tpu.memory_space<vmem_shared>>
        tpu.enqueue_indirect_dma source(%arg19 : memref<40x64xf32, #tpu.memory_space<vmem>>) target(%dma_start3A_146 : memref<10000x64xf32, #tpu.memory_space<vmem_shared>>) offsets(%dma_start3A_143 : memref<40xi32, #tpu.memory_space<vmem>>) semaphore(%arg30 : memref<!tpu.dma_semaphore, #tpu.memory_space<semaphore_mem>>) {add = true}
        %dma_wait3A_147 = arith.constant 0 : i32
        %dma_wait3A_148 = tpu.memref_slice %arg29[%add3A_63, %dma_wait3A_147] : memref<500x40xi32, #tpu.memory_space<vmem>> -> memref<1x40xi32, #tpu.memory_space<vmem>>
        %dma_wait3A_149 = tpu.memref_squeeze %dma_wait3A_148 : memref<1x40xi32, #tpu.memory_space<vmem>> -> memref<40xi32, #tpu.memory_space<vmem>>
        %dma_wait3A_150 = arith.constant 0 : i32
        %dma_wait3A_151 = arith.constant 0 : i32
        %dma_wait3A_152 = tpu.memref_slice %arg3[%dma_wait3A_150, %dma_wait3A_151] : memref<10000x64xf32, #tpu.memory_space<hbm>> -> memref<10000x64xf32, #tpu.memory_space<hbm>>
        tpu.wait_indirect_dma semaphore(%arg10 : memref<!tpu.dma_semaphore, #tpu.memory_space<semaphore_mem>>) src(%dma_wait3A_152 : memref<10000x64xf32, #tpu.memory_space<hbm>>) dst(%arg20 : memref<40x64xf32, #tpu.memory_space<vmem>>)
        %add3A_153 = arith.constant 1 : i32
        %add3A_154 = arith.addi %mul3A_54, %add3A_153 : i32
        %dma_start3A_155 = arith.constant 0 : i32
        %dma_start3A_156 = tpu.memref_slice %arg8[%add3A_154, %dma_start3A_155] : memref<500x40xi32, #tpu.memory_space<vmem>> -> memref<1x40xi32, #tpu.memory_space<vmem>>
        %dma_start3A_157 = tpu.memref_squeeze %dma_start3A_156 : memref<1x40xi32, #tpu.memory_space<vmem>> -> memref<40xi32, #tpu.memory_space<vmem>>
        %dma_start3A_158 = arith.constant 0 : i32
        %dma_start3A_159 = arith.constant 0 : i32
        %dma_start3A_160 = tpu.memref_slice %arg7[%dma_start3A_158, %dma_start3A_159] : memref<10000x64xf32, #tpu.memory_space<vmem_shared>> -> memref<10000x64xf32, #tpu.memory_space<vmem_shared>>
        tpu.enqueue_indirect_dma source(%arg20 : memref<40x64xf32, #tpu.memory_space<vmem>>) target(%dma_start3A_160 : memref<10000x64xf32, #tpu.memory_space<vmem_shared>>) offsets(%dma_start3A_157 : memref<40xi32, #tpu.memory_space<vmem>>) semaphore(%arg31 : memref<!tpu.dma_semaphore, #tpu.memory_space<semaphore_mem>>) {add = true}
        %dma_wait3A_161 = arith.constant 0 : i32
        %dma_wait3A_162 = tpu.memref_slice %arg29[%add3A_71, %dma_wait3A_161] : memref<500x40xi32, #tpu.memory_space<vmem>> -> memref<1x40xi32, #tpu.memory_space<vmem>>
        %dma_wait3A_163 = tpu.memref_squeeze %dma_wait3A_162 : memref<1x40xi32, #tpu.memory_space<vmem>> -> memref<40xi32, #tpu.memory_space<vmem>>
        %dma_wait3A_164 = arith.constant 0 : i32
        %dma_wait3A_165 = arith.constant 0 : i32
        %dma_wait3A_166 = tpu.memref_slice %arg3[%dma_wait3A_164, %dma_wait3A_165] : memref<10000x64xf32, #tpu.memory_space<hbm>> -> memref<10000x64xf32, #tpu.memory_space<hbm>>
        tpu.wait_indirect_dma semaphore(%arg11 : memref<!tpu.dma_semaphore, #tpu.memory_space<semaphore_mem>>) src(%dma_wait3A_166 : memref<10000x64xf32, #tpu.memory_space<hbm>>) dst(%arg21 : memref<40x64xf32, #tpu.memory_space<vmem>>)
        %add3A_167 = arith.constant 2 : i32
        %add3A_168 = arith.addi %mul3A_54, %add3A_167 : i32
        %dma_start3A_169 = arith.constant 0 : i32
        %dma_start3A_170 = tpu.memref_slice %arg8[%add3A_168, %dma_start3A_169] : memref<500x40xi32, #tpu.memory_space<vmem>> -> memref<1x40xi32, #tpu.memory_space<vmem>>
        %dma_start3A_171 = tpu.memref_squeeze %dma_start3A_170 : memref<1x40xi32, #tpu.memory_space<vmem>> -> memref<40xi32, #tpu.memory_space<vmem>>
        %dma_start3A_172 = arith.constant 0 : i32
        %dma_start3A_173 = arith.constant 0 : i32
        %dma_start3A_174 = tpu.memref_slice %arg7[%dma_start3A_172, %dma_start3A_173] : memref<10000x64xf32, #tpu.memory_space<vmem_shared>> -> memref<10000x64xf32, #tpu.memory_space<vmem_shared>>
        tpu.enqueue_indirect_dma source(%arg21 : memref<40x64xf32, #tpu.memory_space<vmem>>) target(%dma_start3A_174 : memref<10000x64xf32, #tpu.memory_space<vmem_shared>>) offsets(%dma_start3A_171 : memref<40xi32, #tpu.memory_space<vmem>>) semaphore(%arg32 : memref<!tpu.dma_semaphore, #tpu.memory_space<semaphore_mem>>) {add = true}
        %dma_wait3A_175 = arith.constant 0 : i32
        %dma_wait3A_176 = tpu.memref_slice %arg29[%add3A_79, %dma_wait3A_175] : memref<500x40xi32, #tpu.memory_space<vmem>> -> memref<1x40xi32, #tpu.memory_space<vmem>>
        %dma_wait3A_177 = tpu.memref_squeeze %dma_wait3A_176 : memref<1x40xi32, #tpu.memory_space<vmem>> -> memref<40xi32, #tpu.memory_space<vmem>>
        %dma_wait3A_178 = arith.constant 0 : i32
        %dma_wait3A_179 = arith.constant 0 : i32
        %dma_wait3A_180 = tpu.memref_slice %arg3[%dma_wait3A_178, %dma_wait3A_179] : memref<10000x64xf32, #tpu.memory_space<hbm>> -> memref<10000x64xf32, #tpu.memory_space<hbm>>
        tpu.wait_indirect_dma semaphore(%arg12 : memref<!tpu.dma_semaphore, #tpu.memory_space<semaphore_mem>>) src(%dma_wait3A_180 : memref<10000x64xf32, #tpu.memory_space<hbm>>) dst(%arg22 : memref<40x64xf32, #tpu.memory_space<vmem>>)
        %add3A_181 = arith.constant 3 : i32
        %add3A_182 = arith.addi %mul3A_54, %add3A_181 : i32
        %dma_start3A_183 = arith.constant 0 : i32
        %dma_start3A_184 = tpu.memref_slice %arg8[%add3A_182, %dma_start3A_183] : memref<500x40xi32, #tpu.memory_space<vmem>> -> memref<1x40xi32, #tpu.memory_space<vmem>>
        %dma_start3A_185 = tpu.memref_squeeze %dma_start3A_184 : memref<1x40xi32, #tpu.memory_space<vmem>> -> memref<40xi32, #tpu.memory_space<vmem>>
        %dma_start3A_186 = arith.constant 0 : i32
        %dma_start3A_187 = arith.constant 0 : i32
        %dma_start3A_188 = tpu.memref_slice %arg7[%dma_start3A_186, %dma_start3A_187] : memref<10000x64xf32, #tpu.memory_space<vmem_shared>> -> memref<10000x64xf32, #tpu.memory_space<vmem_shared>>
        tpu.enqueue_indirect_dma source(%arg22 : memref<40x64xf32, #tpu.memory_space<vmem>>) target(%dma_start3A_188 : memref<10000x64xf32, #tpu.memory_space<vmem_shared>>) offsets(%dma_start3A_185 : memref<40xi32, #tpu.memory_space<vmem>>) semaphore(%arg33 : memref<!tpu.dma_semaphore, #tpu.memory_space<semaphore_mem>>) {add = true}
        %dma_wait3A_189 = arith.constant 0 : i32
        %dma_wait3A_190 = tpu.memref_slice %arg29[%add3A_87, %dma_wait3A_189] : memref<500x40xi32, #tpu.memory_space<vmem>> -> memref<1x40xi32, #tpu.memory_space<vmem>>
        %dma_wait3A_191 = tpu.memref_squeeze %dma_wait3A_190 : memref<1x40xi32, #tpu.memory_space<vmem>> -> memref<40xi32, #tpu.memory_space<vmem>>
        %dma_wait3A_192 = arith.constant 0 : i32
        %dma_wait3A_193 = arith.constant 0 : i32
        %dma_wait3A_194 = tpu.memref_slice %arg3[%dma_wait3A_192, %dma_wait3A_193] : memref<10000x64xf32, #tpu.memory_space<hbm>> -> memref<10000x64xf32, #tpu.memory_space<hbm>>
        tpu.wait_indirect_dma semaphore(%arg13 : memref<!tpu.dma_semaphore, #tpu.memory_space<semaphore_mem>>) src(%dma_wait3A_194 : memref<10000x64xf32, #tpu.memory_space<hbm>>) dst(%arg23 : memref<40x64xf32, #tpu.memory_space<vmem>>)
        %add3A_195 = arith.constant 4 : i32
        %add3A_196 = arith.addi %mul3A_54, %add3A_195 : i32
        %dma_start3A_197 = arith.constant 0 : i32
        %dma_start3A_198 = tpu.memref_slice %arg8[%add3A_196, %dma_start3A_197] : memref<500x40xi32, #tpu.memory_space<vmem>> -> memref<1x40xi32, #tpu.memory_space<vmem>>
        %dma_start3A_199 = tpu.memref_squeeze %dma_start3A_198 : memref<1x40xi32, #tpu.memory_space<vmem>> -> memref<40xi32, #tpu.memory_space<vmem>>
        %dma_start3A_200 = arith.constant 0 : i32
        %dma_start3A_201 = arith.constant 0 : i32
        %dma_start3A_202 = tpu.memref_slice %arg7[%dma_start3A_200, %dma_start3A_201] : memref<10000x64xf32, #tpu.memory_space<vmem_shared>> -> memref<10000x64xf32, #tpu.memory_space<vmem_shared>>
        tpu.enqueue_indirect_dma source(%arg23 : memref<40x64xf32, #tpu.memory_space<vmem>>) target(%dma_start3A_202 : memref<10000x64xf32, #tpu.memory_space<vmem_shared>>) offsets(%dma_start3A_199 : memref<40xi32, #tpu.memory_space<vmem>>) semaphore(%arg34 : memref<!tpu.dma_semaphore, #tpu.memory_space<semaphore_mem>>) {add = true}
        %dma_wait3A_203 = arith.constant 0 : i32
        %dma_wait3A_204 = tpu.memref_slice %arg29[%add3A_95, %dma_wait3A_203] : memref<500x40xi32, #tpu.memory_space<vmem>> -> memref<1x40xi32, #tpu.memory_space<vmem>>
        %dma_wait3A_205 = tpu.memref_squeeze %dma_wait3A_204 : memref<1x40xi32, #tpu.memory_space<vmem>> -> memref<40xi32, #tpu.memory_space<vmem>>
        %dma_wait3A_206 = arith.constant 0 : i32
        %dma_wait3A_207 = arith.constant 0 : i32
        %dma_wait3A_208 = tpu.memref_slice %arg3[%dma_wait3A_206, %dma_wait3A_207] : memref<10000x64xf32, #tpu.memory_space<hbm>> -> memref<10000x64xf32, #tpu.memory_space<hbm>>
        tpu.wait_indirect_dma semaphore(%arg14 : memref<!tpu.dma_semaphore, #tpu.memory_space<semaphore_mem>>) src(%dma_wait3A_208 : memref<10000x64xf32, #tpu.memory_space<hbm>>) dst(%arg24 : memref<40x64xf32, #tpu.memory_space<vmem>>)
        %add3A_209 = arith.constant 5 : i32
        %add3A_210 = arith.addi %mul3A_54, %add3A_209 : i32
        %dma_start3A_211 = arith.constant 0 : i32
        %dma_start3A_212 = tpu.memref_slice %arg8[%add3A_210, %dma_start3A_211] : memref<500x40xi32, #tpu.memory_space<vmem>> -> memref<1x40xi32, #tpu.memory_space<vmem>>
        %dma_start3A_213 = tpu.memref_squeeze %dma_start3A_212 : memref<1x40xi32, #tpu.memory_space<vmem>> -> memref<40xi32, #tpu.memory_space<vmem>>
        %dma_start3A_214 = arith.constant 0 : i32
        %dma_start3A_215 = arith.constant 0 : i32
        %dma_start3A_216 = tpu.memref_slice %arg7[%dma_start3A_214, %dma_start3A_215] : memref<10000x64xf32, #tpu.memory_space<vmem_shared>> -> memref<10000x64xf32, #tpu.memory_space<vmem_shared>>
        tpu.enqueue_indirect_dma source(%arg24 : memref<40x64xf32, #tpu.memory_space<vmem>>) target(%dma_start3A_216 : memref<10000x64xf32, #tpu.memory_space<vmem_shared>>) offsets(%dma_start3A_213 : memref<40xi32, #tpu.memory_space<vmem>>) semaphore(%arg35 : memref<!tpu.dma_semaphore, #tpu.memory_space<semaphore_mem>>) {add = true}
        %dma_wait3A_217 = arith.constant 0 : i32
        %dma_wait3A_218 = tpu.memref_slice %arg29[%add3A_103, %dma_wait3A_217] : memref<500x40xi32, #tpu.memory_space<vmem>> -> memref<1x40xi32, #tpu.memory_space<vmem>>
        %dma_wait3A_219 = tpu.memref_squeeze %dma_wait3A_218 : memref<1x40xi32, #tpu.memory_space<vmem>> -> memref<40xi32, #tpu.memory_space<vmem>>
        %dma_wait3A_220 = arith.constant 0 : i32
        %dma_wait3A_221 = arith.constant 0 : i32
        %dma_wait3A_222 = tpu.memref_slice %arg3[%dma_wait3A_220, %dma_wait3A_221] : memref<10000x64xf32, #tpu.memory_space<hbm>> -> memref<10000x64xf32, #tpu.memory_space<hbm>>
        tpu.wait_indirect_dma semaphore(%arg15 : memref<!tpu.dma_semaphore, #tpu.memory_space<semaphore_mem>>) src(%dma_wait3A_222 : memref<10000x64xf32, #tpu.memory_space<hbm>>) dst(%arg25 : memref<40x64xf32, #tpu.memory_space<vmem>>)
        %add3A_223 = arith.constant 6 : i32
        %add3A_224 = arith.addi %mul3A_54, %add3A_223 : i32
        %dma_start3A_225 = arith.constant 0 : i32
        %dma_start3A_226 = tpu.memref_slice %arg8[%add3A_224, %dma_start3A_225] : memref<500x40xi32, #tpu.memory_space<vmem>> -> memref<1x40xi32, #tpu.memory_space<vmem>>
        %dma_start3A_227 = tpu.memref_squeeze %dma_start3A_226 : memref<1x40xi32, #tpu.memory_space<vmem>> -> memref<40xi32, #tpu.memory_space<vmem>>
        %dma_start3A_228 = arith.constant 0 : i32
        %dma_start3A_229 = arith.constant 0 : i32
        %dma_start3A_230 = tpu.memref_slice %arg7[%dma_start3A_228, %dma_start3A_229] : memref<10000x64xf32, #tpu.memory_space<vmem_shared>> -> memref<10000x64xf32, #tpu.memory_space<vmem_shared>>
        tpu.enqueue_indirect_dma source(%arg25 : memref<40x64xf32, #tpu.memory_space<vmem>>) target(%dma_start3A_230 : memref<10000x64xf32, #tpu.memory_space<vmem_shared>>) offsets(%dma_start3A_227 : memref<40xi32, #tpu.memory_space<vmem>>) semaphore(%arg36 : memref<!tpu.dma_semaphore, #tpu.memory_space<semaphore_mem>>) {add = true}
        %dma_wait3A_231 = arith.constant 0 : i32
        %dma_wait3A_232 = tpu.memref_slice %arg29[%add3A_111, %dma_wait3A_231] : memref<500x40xi32, #tpu.memory_space<vmem>> -> memref<1x40xi32, #tpu.memory_space<vmem>>
        %dma_wait3A_233 = tpu.memref_squeeze %dma_wait3A_232 : memref<1x40xi32, #tpu.memory_space<vmem>> -> memref<40xi32, #tpu.memory_space<vmem>>
        %dma_wait3A_234 = arith.constant 0 : i32
        %dma_wait3A_235 = arith.constant 0 : i32
        %dma_wait3A_236 = tpu.memref_slice %arg3[%dma_wait3A_234, %dma_wait3A_235] : memref<10000x64xf32, #tpu.memory_space<hbm>> -> memref<10000x64xf32, #tpu.memory_space<hbm>>
        tpu.wait_indirect_dma semaphore(%arg16 : memref<!tpu.dma_semaphore, #tpu.memory_space<semaphore_mem>>) src(%dma_wait3A_236 : memref<10000x64xf32, #tpu.memory_space<hbm>>) dst(%arg26 : memref<40x64xf32, #tpu.memory_space<vmem>>)
        %add3A_237 = arith.constant 7 : i32
        %add3A_238 = arith.addi %mul3A_54, %add3A_237 : i32
        %dma_start3A_239 = arith.constant 0 : i32
        %dma_start3A_240 = tpu.memref_slice %arg8[%add3A_238, %dma_start3A_239] : memref<500x40xi32, #tpu.memory_space<vmem>> -> memref<1x40xi32, #tpu.memory_space<vmem>>
        %dma_start3A_241 = tpu.memref_squeeze %dma_start3A_240 : memref<1x40xi32, #tpu.memory_space<vmem>> -> memref<40xi32, #tpu.memory_space<vmem>>
        %dma_start3A_242 = arith.constant 0 : i32
        %dma_start3A_243 = arith.constant 0 : i32
        %dma_start3A_244 = tpu.memref_slice %arg7[%dma_start3A_242, %dma_start3A_243] : memref<10000x64xf32, #tpu.memory_space<vmem_shared>> -> memref<10000x64xf32, #tpu.memory_space<vmem_shared>>
        tpu.enqueue_indirect_dma source(%arg26 : memref<40x64xf32, #tpu.memory_space<vmem>>) target(%dma_start3A_244 : memref<10000x64xf32, #tpu.memory_space<vmem_shared>>) offsets(%dma_start3A_241 : memref<40xi32, #tpu.memory_space<vmem>>) semaphore(%arg37 : memref<!tpu.dma_semaphore, #tpu.memory_space<semaphore_mem>>) {add = true}
        %dma_wait3A_245 = arith.constant 0 : i32
        %dma_wait3A_246 = tpu.memref_slice %arg29[%add3A_119, %dma_wait3A_245] : memref<500x40xi32, #tpu.memory_space<vmem>> -> memref<1x40xi32, #tpu.memory_space<vmem>>
        %dma_wait3A_247 = tpu.memref_squeeze %dma_wait3A_246 : memref<1x40xi32, #tpu.memory_space<vmem>> -> memref<40xi32, #tpu.memory_space<vmem>>
        %dma_wait3A_248 = arith.constant 0 : i32
        %dma_wait3A_249 = arith.constant 0 : i32
        %dma_wait3A_250 = tpu.memref_slice %arg3[%dma_wait3A_248, %dma_wait3A_249] : memref<10000x64xf32, #tpu.memory_space<hbm>> -> memref<10000x64xf32, #tpu.memory_space<hbm>>
        tpu.wait_indirect_dma semaphore(%arg17 : memref<!tpu.dma_semaphore, #tpu.memory_space<semaphore_mem>>) src(%dma_wait3A_250 : memref<10000x64xf32, #tpu.memory_space<hbm>>) dst(%arg27 : memref<40x64xf32, #tpu.memory_space<vmem>>)
        %add3A_251 = arith.constant 8 : i32
        %add3A_252 = arith.addi %mul3A_54, %add3A_251 : i32
        %dma_start3A_253 = arith.constant 0 : i32
        %dma_start3A_254 = tpu.memref_slice %arg8[%add3A_252, %dma_start3A_253] : memref<500x40xi32, #tpu.memory_space<vmem>> -> memref<1x40xi32, #tpu.memory_space<vmem>>
        %dma_start3A_255 = tpu.memref_squeeze %dma_start3A_254 : memref<1x40xi32, #tpu.memory_space<vmem>> -> memref<40xi32, #tpu.memory_space<vmem>>
        %dma_start3A_256 = arith.constant 0 : i32
        %dma_start3A_257 = arith.constant 0 : i32
        %dma_start3A_258 = tpu.memref_slice %arg7[%dma_start3A_256, %dma_start3A_257] : memref<10000x64xf32, #tpu.memory_space<vmem_shared>> -> memref<10000x64xf32, #tpu.memory_space<vmem_shared>>
        tpu.enqueue_indirect_dma source(%arg27 : memref<40x64xf32, #tpu.memory_space<vmem>>) target(%dma_start3A_258 : memref<10000x64xf32, #tpu.memory_space<vmem_shared>>) offsets(%dma_start3A_255 : memref<40xi32, #tpu.memory_space<vmem>>) semaphore(%arg38 : memref<!tpu.dma_semaphore, #tpu.memory_space<semaphore_mem>>) {add = true}
        %dma_wait3A_259 = arith.constant 0 : i32
        %dma_wait3A_260 = tpu.memref_slice %arg29[%add3A_127, %dma_wait3A_259] : memref<500x40xi32, #tpu.memory_space<vmem>> -> memref<1x40xi32, #tpu.memory_space<vmem>>
        %dma_wait3A_261 = tpu.memref_squeeze %dma_wait3A_260 : memref<1x40xi32, #tpu.memory_space<vmem>> -> memref<40xi32, #tpu.memory_space<vmem>>
        %dma_wait3A_262 = arith.constant 0 : i32
        %dma_wait3A_263 = arith.constant 0 : i32
        %dma_wait3A_264 = tpu.memref_slice %arg3[%dma_wait3A_262, %dma_wait3A_263] : memref<10000x64xf32, #tpu.memory_space<hbm>> -> memref<10000x64xf32, #tpu.memory_space<hbm>>
        tpu.wait_indirect_dma semaphore(%arg18 : memref<!tpu.dma_semaphore, #tpu.memory_space<semaphore_mem>>) src(%dma_wait3A_264 : memref<10000x64xf32, #tpu.memory_space<hbm>>) dst(%arg28 : memref<40x64xf32, #tpu.memory_space<vmem>>)
        %add3A_265 = arith.constant 9 : i32
        %add3A_266 = arith.addi %mul3A_54, %add3A_265 : i32
        %dma_start3A_267 = arith.constant 0 : i32
        %dma_start3A_268 = tpu.memref_slice %arg8[%add3A_266, %dma_start3A_267] : memref<500x40xi32, #tpu.memory_space<vmem>> -> memref<1x40xi32, #tpu.memory_space<vmem>>
        %dma_start3A_269 = tpu.memref_squeeze %dma_start3A_268 : memref<1x40xi32, #tpu.memory_space<vmem>> -> memref<40xi32, #tpu.memory_space<vmem>>
        %dma_start3A_270 = arith.constant 0 : i32
        %dma_start3A_271 = arith.constant 0 : i32
        %dma_start3A_272 = tpu.memref_slice %arg7[%dma_start3A_270, %dma_start3A_271] : memref<10000x64xf32, #tpu.memory_space<vmem_shared>> -> memref<10000x64xf32, #tpu.memory_space<vmem_shared>>
        tpu.enqueue_indirect_dma source(%arg28 : memref<40x64xf32, #tpu.memory_space<vmem>>) target(%dma_start3A_272 : memref<10000x64xf32, #tpu.memory_space<vmem_shared>>) offsets(%dma_start3A_269 : memref<40xi32, #tpu.memory_space<vmem>>) semaphore(%arg39 : memref<!tpu.dma_semaphore, #tpu.memory_space<semaphore_mem>>) {add = true}
        %dma_wait3A_273 = arith.constant 0 : i32
        %dma_wait3A_274 = tpu.memref_slice %arg8[%add3A_140, %dma_wait3A_273] : memref<500x40xi32, #tpu.memory_space<vmem>> -> memref<1x40xi32, #tpu.memory_space<vmem>>
        %dma_wait3A_275 = tpu.memref_squeeze %dma_wait3A_274 : memref<1x40xi32, #tpu.memory_space<vmem>> -> memref<40xi32, #tpu.memory_space<vmem>>
        %dma_wait3A_276 = arith.constant 0 : i32
        %dma_wait3A_277 = arith.constant 0 : i32
        %dma_wait3A_278 = tpu.memref_slice %arg7[%dma_wait3A_276, %dma_wait3A_277] : memref<10000x64xf32, #tpu.memory_space<vmem_shared>> -> memref<10000x64xf32, #tpu.memory_space<vmem_shared>>
        tpu.wait_indirect_dma semaphore(%arg30 : memref<!tpu.dma_semaphore, #tpu.memory_space<semaphore_mem>>) src(%arg19 : memref<40x64xf32, #tpu.memory_space<vmem>>) dst(%dma_wait3A_278 : memref<10000x64xf32, #tpu.memory_space<vmem_shared>>)
        %dma_wait3A_279 = arith.constant 0 : i32
        %dma_wait3A_280 = tpu.memref_slice %arg8[%add3A_154, %dma_wait3A_279] : memref<500x40xi32, #tpu.memory_space<vmem>> -> memref<1x40xi32, #tpu.memory_space<vmem>>
        %dma_wait3A_281 = tpu.memref_squeeze %dma_wait3A_280 : memref<1x40xi32, #tpu.memory_space<vmem>> -> memref<40xi32, #tpu.memory_space<vmem>>
        %dma_wait3A_282 = arith.constant 0 : i32
        %dma_wait3A_283 = arith.constant 0 : i32
        %dma_wait3A_284 = tpu.memref_slice %arg7[%dma_wait3A_282, %dma_wait3A_283] : memref<10000x64xf32, #tpu.memory_space<vmem_shared>> -> memref<10000x64xf32, #tpu.memory_space<vmem_shared>>
        tpu.wait_indirect_dma semaphore(%arg31 : memref<!tpu.dma_semaphore, #tpu.memory_space<semaphore_mem>>) src(%arg20 : memref<40x64xf32, #tpu.memory_space<vmem>>) dst(%dma_wait3A_284 : memref<10000x64xf32, #tpu.memory_space<vmem_shared>>)
        %dma_wait3A_285 = arith.constant 0 : i32
        %dma_wait3A_286 = tpu.memref_slice %arg8[%add3A_168, %dma_wait3A_285] : memref<500x40xi32, #tpu.memory_space<vmem>> -> memref<1x40xi32, #tpu.memory_space<vmem>>
        %dma_wait3A_287 = tpu.memref_squeeze %dma_wait3A_286 : memref<1x40xi32, #tpu.memory_space<vmem>> -> memref<40xi32, #tpu.memory_space<vmem>>
        %dma_wait3A_288 = arith.constant 0 : i32
        %dma_wait3A_289 = arith.constant 0 : i32
        %dma_wait3A_290 = tpu.memref_slice %arg7[%dma_wait3A_288, %dma_wait3A_289] : memref<10000x64xf32, #tpu.memory_space<vmem_shared>> -> memref<10000x64xf32, #tpu.memory_space<vmem_shared>>
        tpu.wait_indirect_dma semaphore(%arg32 : memref<!tpu.dma_semaphore, #tpu.memory_space<semaphore_mem>>) src(%arg21 : memref<40x64xf32, #tpu.memory_space<vmem>>) dst(%dma_wait3A_290 : memref<10000x64xf32, #tpu.memory_space<vmem_shared>>)
        %dma_wait3A_291 = arith.constant 0 : i32
        %dma_wait3A_292 = tpu.memref_slice %arg8[%add3A_182, %dma_wait3A_291] : memref<500x40xi32, #tpu.memory_space<vmem>> -> memref<1x40xi32, #tpu.memory_space<vmem>>
        %dma_wait3A_293 = tpu.memref_squeeze %dma_wait3A_292 : memref<1x40xi32, #tpu.memory_space<vmem>> -> memref<40xi32, #tpu.memory_space<vmem>>
        %dma_wait3A_294 = arith.constant 0 : i32
        %dma_wait3A_295 = arith.constant 0 : i32
        %dma_wait3A_296 = tpu.memref_slice %arg7[%dma_wait3A_294, %dma_wait3A_295] : memref<10000x64xf32, #tpu.memory_space<vmem_shared>> -> memref<10000x64xf32, #tpu.memory_space<vmem_shared>>
        tpu.wait_indirect_dma semaphore(%arg33 : memref<!tpu.dma_semaphore, #tpu.memory_space<semaphore_mem>>) src(%arg22 : memref<40x64xf32, #tpu.memory_space<vmem>>) dst(%dma_wait3A_296 : memref<10000x64xf32, #tpu.memory_space<vmem_shared>>)
        %dma_wait3A_297 = arith.constant 0 : i32
        %dma_wait3A_298 = tpu.memref_slice %arg8[%add3A_196, %dma_wait3A_297] : memref<500x40xi32, #tpu.memory_space<vmem>> -> memref<1x40xi32, #tpu.memory_space<vmem>>
        %dma_wait3A_299 = tpu.memref_squeeze %dma_wait3A_298 : memref<1x40xi32, #tpu.memory_space<vmem>> -> memref<40xi32, #tpu.memory_space<vmem>>
        %dma_wait3A_300 = arith.constant 0 : i32
        %dma_wait3A_301 = arith.constant 0 : i32
        %dma_wait3A_302 = tpu.memref_slice %arg7[%dma_wait3A_300, %dma_wait3A_301] : memref<10000x64xf32, #tpu.memory_space<vmem_shared>> -> memref<10000x64xf32, #tpu.memory_space<vmem_shared>>
        tpu.wait_indirect_dma semaphore(%arg34 : memref<!tpu.dma_semaphore, #tpu.memory_space<semaphore_mem>>) src(%arg23 : memref<40x64xf32, #tpu.memory_space<vmem>>) dst(%dma_wait3A_302 : memref<10000x64xf32, #tpu.memory_space<vmem_shared>>)
        %dma_wait3A_303 = arith.constant 0 : i32
        %dma_wait3A_304 = tpu.memref_slice %arg8[%add3A_210, %dma_wait3A_303] : memref<500x40xi32, #tpu.memory_space<vmem>> -> memref<1x40xi32, #tpu.memory_space<vmem>>
        %dma_wait3A_305 = tpu.memref_squeeze %dma_wait3A_304 : memref<1x40xi32, #tpu.memory_space<vmem>> -> memref<40xi32, #tpu.memory_space<vmem>>
        %dma_wait3A_306 = arith.constant 0 : i32
        %dma_wait3A_307 = arith.constant 0 : i32
        %dma_wait3A_308 = tpu.memref_slice %arg7[%dma_wait3A_306, %dma_wait3A_307] : memref<10000x64xf32, #tpu.memory_space<vmem_shared>> -> memref<10000x64xf32, #tpu.memory_space<vmem_shared>>
        tpu.wait_indirect_dma semaphore(%arg35 : memref<!tpu.dma_semaphore, #tpu.memory_space<semaphore_mem>>) src(%arg24 : memref<40x64xf32, #tpu.memory_space<vmem>>) dst(%dma_wait3A_308 : memref<10000x64xf32, #tpu.memory_space<vmem_shared>>)
        %dma_wait3A_309 = arith.constant 0 : i32
        %dma_wait3A_310 = tpu.memref_slice %arg8[%add3A_224, %dma_wait3A_309] : memref<500x40xi32, #tpu.memory_space<vmem>> -> memref<1x40xi32, #tpu.memory_space<vmem>>
        %dma_wait3A_311 = tpu.memref_squeeze %dma_wait3A_310 : memref<1x40xi32, #tpu.memory_space<vmem>> -> memref<40xi32, #tpu.memory_space<vmem>>
        %dma_wait3A_312 = arith.constant 0 : i32
        %dma_wait3A_313 = arith.constant 0 : i32
        %dma_wait3A_314 = tpu.memref_slice %arg7[%dma_wait3A_312, %dma_wait3A_313] : memref<10000x64xf32, #tpu.memory_space<vmem_shared>> -> memref<10000x64xf32, #tpu.memory_space<vmem_shared>>
        tpu.wait_indirect_dma semaphore(%arg36 : memref<!tpu.dma_semaphore, #tpu.memory_space<semaphore_mem>>) src(%arg25 : memref<40x64xf32, #tpu.memory_space<vmem>>) dst(%dma_wait3A_314 : memref<10000x64xf32, #tpu.memory_space<vmem_shared>>)
        %dma_wait3A_315 = arith.constant 0 : i32
        %dma_wait3A_316 = tpu.memref_slice %arg8[%add3A_238, %dma_wait3A_315] : memref<500x40xi32, #tpu.memory_space<vmem>> -> memref<1x40xi32, #tpu.memory_space<vmem>>
        %dma_wait3A_317 = tpu.memref_squeeze %dma_wait3A_316 : memref<1x40xi32, #tpu.memory_space<vmem>> -> memref<40xi32, #tpu.memory_space<vmem>>
        %dma_wait3A_318 = arith.constant 0 : i32
        %dma_wait3A_319 = arith.constant 0 : i32
        %dma_wait3A_320 = tpu.memref_slice %arg7[%dma_wait3A_318, %dma_wait3A_319] : memref<10000x64xf32, #tpu.memory_space<vmem_shared>> -> memref<10000x64xf32, #tpu.memory_space<vmem_shared>>
        tpu.wait_indirect_dma semaphore(%arg37 : memref<!tpu.dma_semaphore, #tpu.memory_space<semaphore_mem>>) src(%arg26 : memref<40x64xf32, #tpu.memory_space<vmem>>) dst(%dma_wait3A_320 : memref<10000x64xf32, #tpu.memory_space<vmem_shared>>)
        %dma_wait3A_321 = arith.constant 0 : i32
        %dma_wait3A_322 = tpu.memref_slice %arg8[%add3A_252, %dma_wait3A_321] : memref<500x40xi32, #tpu.memory_space<vmem>> -> memref<1x40xi32, #tpu.memory_space<vmem>>
        %dma_wait3A_323 = tpu.memref_squeeze %dma_wait3A_322 : memref<1x40xi32, #tpu.memory_space<vmem>> -> memref<40xi32, #tpu.memory_space<vmem>>
        %dma_wait3A_324 = arith.constant 0 : i32
        %dma_wait3A_325 = arith.constant 0 : i32
        %dma_wait3A_326 = tpu.memref_slice %arg7[%dma_wait3A_324, %dma_wait3A_325] : memref<10000x64xf32, #tpu.memory_space<vmem_shared>> -> memref<10000x64xf32, #tpu.memory_space<vmem_shared>>
        tpu.wait_indirect_dma semaphore(%arg38 : memref<!tpu.dma_semaphore, #tpu.memory_space<semaphore_mem>>) src(%arg27 : memref<40x64xf32, #tpu.memory_space<vmem>>) dst(%dma_wait3A_326 : memref<10000x64xf32, #tpu.memory_space<vmem_shared>>)
        %dma_wait3A_327 = arith.constant 0 : i32
        %dma_wait3A_328 = tpu.memref_slice %arg8[%add3A_266, %dma_wait3A_327] : memref<500x40xi32, #tpu.memory_space<vmem>> -> memref<1x40xi32, #tpu.memory_space<vmem>>
        %dma_wait3A_329 = tpu.memref_squeeze %dma_wait3A_328 : memref<1x40xi32, #tpu.memory_space<vmem>> -> memref<40xi32, #tpu.memory_space<vmem>>
        %dma_wait3A_330 = arith.constant 0 : i32
        %dma_wait3A_331 = arith.constant 0 : i32
        %dma_wait3A_332 = tpu.memref_slice %arg7[%dma_wait3A_330, %dma_wait3A_331] : memref<10000x64xf32, #tpu.memory_space<vmem_shared>> -> memref<10000x64xf32, #tpu.memory_space<vmem_shared>>
        tpu.wait_indirect_dma semaphore(%arg39 : memref<!tpu.dma_semaphore, #tpu.memory_space<semaphore_mem>>) src(%arg28 : memref<40x64xf32, #tpu.memory_space<vmem>>) dst(%dma_wait3A_332 : memref<10000x64xf32, #tpu.memory_space<vmem_shared>>)
        %scan3A_333 = arith.constant 0 : i32
        scf.yield %scan3A_333 : i32
      }
      %scan3A_50 = arith.constant 50 : i32
    } else {
    }
    %barrier3A_23 = arith.constant 0 : index
    tpu.barrier barrier_id(%barrier3A_23)
    %add3A_24 = arith.constant 0 : i32
    %add3A_25 = arith.addi %mul3A_0, %add3A_24 : i32
    %mul3A_26 = arith.constant 64 : i32
    %mul3A_27 = arith.muli %arg0, %mul3A_26 : i32
    "tpu.region"() ({
      %run_scoped3A = tpu.sem_alloc : memref<!tpu.dma_semaphore, #tpu.memory_space<semaphore_mem>>
      %dma_start3A = tpu.memref_slice %arg6[%add3A_25, %mul3A_27] : memref<10000x128xf32, #tpu.memory_space<hbm>> -> memref<125x64xf32, #tpu.memory_space<hbm>>
      %dma_start3A_44 = arith.constant 0 : i32
      %dma_start3A_45 = tpu.memref_slice %arg7[%add3A_25, %dma_start3A_44] : memref<10000x64xf32, #tpu.memory_space<vmem_shared>> -> memref<125x64xf32, #tpu.memory_space<vmem_shared>>
      tpu.enqueue_dma source(%dma_start3A_45 : memref<125x64xf32, #tpu.memory_space<vmem_shared>>) target(%dma_start3A : memref<125x64xf32, #tpu.memory_space<hbm>>) target_semaphore(%run_scoped3A : memref<!tpu.dma_semaphore, #tpu.memory_space<semaphore_mem>>)
      %dma_wait3A = tpu.memref_slice %arg6[%add3A_25, %mul3A_27] : memref<10000x128xf32, #tpu.memory_space<hbm>> -> memref<125x64xf32, #tpu.memory_space<hbm>>
      %dma_wait3A_46 = arith.constant 0 : i32
      %dma_wait3A_47 = tpu.memref_slice %arg7[%add3A_25, %dma_wait3A_46] : memref<10000x64xf32, #tpu.memory_space<vmem_shared>> -> memref<125x64xf32, #tpu.memory_space<vmem_shared>>
      tpu.wait_dma2 semaphore(%run_scoped3A : memref<!tpu.dma_semaphore, #tpu.memory_space<semaphore_mem>>) src(%dma_wait3A_47 : memref<125x64xf32, #tpu.memory_space<vmem_shared>>) dst(%dma_wait3A : memref<125x64xf32, #tpu.memory_space<hbm>>)
      tpu.yield
    }) : () -> ()
    %add3A_28 = arith.constant 125 : i32
    %add3A_29 = arith.addi %mul3A_0, %add3A_28 : i32
    %mul3A_30 = arith.constant 64 : i32
    %mul3A_31 = arith.muli %arg0, %mul3A_30 : i32
    "tpu.region"() ({
      %run_scoped3A = tpu.sem_alloc : memref<!tpu.dma_semaphore, #tpu.memory_space<semaphore_mem>>
      %dma_start3A = tpu.memref_slice %arg6[%add3A_29, %mul3A_31] : memref<10000x128xf32, #tpu.memory_space<hbm>> -> memref<125x64xf32, #tpu.memory_space<hbm>>
      %dma_start3A_44 = arith.constant 0 : i32
      %dma_start3A_45 = tpu.memref_slice %arg7[%add3A_29, %dma_start3A_44] : memref<10000x64xf32, #tpu.memory_space<vmem_shared>> -> memref<125x64xf32, #tpu.memory_space<vmem_shared>>
      tpu.enqueue_dma source(%dma_start3A_45 : memref<125x64xf32, #tpu.memory_space<vmem_shared>>) target(%dma_start3A : memref<125x64xf32, #tpu.memory_space<hbm>>) target_semaphore(%run_scoped3A : memref<!tpu.dma_semaphore, #tpu.memory_space<semaphore_mem>>)
      %dma_wait3A = tpu.memref_slice %arg6[%add3A_29, %mul3A_31] : memref<10000x128xf32, #tpu.memory_space<hbm>> -> memref<125x64xf32, #tpu.memory_space<hbm>>
      %dma_wait3A_46 = arith.constant 0 : i32
      %dma_wait3A_47 = tpu.memref_slice %arg7[%add3A_29, %dma_wait3A_46] : memref<10000x64xf32, #tpu.memory_space<vmem_shared>> -> memref<125x64xf32, #tpu.memory_space<vmem_shared>>
      tpu.wait_dma2 semaphore(%run_scoped3A : memref<!tpu.dma_semaphore, #tpu.memory_space<semaphore_mem>>) src(%dma_wait3A_47 : memref<125x64xf32, #tpu.memory_space<vmem_shared>>) dst(%dma_wait3A : memref<125x64xf32, #tpu.memory_space<hbm>>)
      tpu.yield
    }) : () -> ()
    %add3A_32 = arith.constant 250 : i32
    %add3A_33 = arith.addi %mul3A_0, %add3A_32 : i32
    %mul3A_34 = arith.constant 64 : i32
    %mul3A_35 = arith.muli %arg0, %mul3A_34 : i32
    "tpu.region"() ({
      %run_scoped3A = tpu.sem_alloc : memref<!tpu.dma_semaphore, #tpu.memory_space<semaphore_mem>>
      %dma_start3A = tpu.memref_slice %arg6[%add3A_33, %mul3A_35] : memref<10000x128xf32, #tpu.memory_space<hbm>> -> memref<125x64xf32, #tpu.memory_space<hbm>>
      %dma_start3A_44 = arith.constant 0 : i32
      %dma_start3A_45 = tpu.memref_slice %arg7[%add3A_33, %dma_start3A_44] : memref<10000x64xf32, #tpu.memory_space<vmem_shared>> -> memref<125x64xf32, #tpu.memory_space<vmem_shared>>
      tpu.enqueue_dma source(%dma_start3A_45 : memref<125x64xf32, #tpu.memory_space<vmem_shared>>) target(%dma_start3A : memref<125x64xf32, #tpu.memory_space<hbm>>) target_semaphore(%run_scoped3A : memref<!tpu.dma_semaphore, #tpu.memory_space<semaphore_mem>>)
      %dma_wait3A = tpu.memref_slice %arg6[%add3A_33, %mul3A_35] : memref<10000x128xf32, #tpu.memory_space<hbm>> -> memref<125x64xf32, #tpu.memory_space<hbm>>
      %dma_wait3A_46 = arith.constant 0 : i32
      %dma_wait3A_47 = tpu.memref_slice %arg7[%add3A_33, %dma_wait3A_46] : memref<10000x64xf32, #tpu.memory_space<vmem_shared>> -> memref<125x64xf32, #tpu.memory_space<vmem_shared>>
      tpu.wait_dma2 semaphore(%run_scoped3A : memref<!tpu.dma_semaphore, #tpu.memory_space<semaphore_mem>>) src(%dma_wait3A_47 : memref<125x64xf32, #tpu.memory_space<vmem_shared>>) dst(%dma_wait3A : memref<125x64xf32, #tpu.memory_space<hbm>>)
      tpu.yield
    }) : () -> ()
    %add3A_36 = arith.constant 375 : i32
    %add3A_37 = arith.addi %mul3A_0, %add3A_36 : i32
    %mul3A_38 = arith.constant 64 : i32
    %mul3A_39 = arith.muli %arg0, %mul3A_38 : i32
    "tpu.region"() ({
      %run_scoped3A = tpu.sem_alloc : memref<!tpu.dma_semaphore, #tpu.memory_space<semaphore_mem>>
      %dma_start3A = tpu.memref_slice %arg6[%add3A_37, %mul3A_39] : memref<10000x128xf32, #tpu.memory_space<hbm>> -> memref<125x64xf32, #tpu.memory_space<hbm>>
      %dma_start3A_44 = arith.constant 0 : i32
      %dma_start3A_45 = tpu.memref_slice %arg7[%add3A_37, %dma_start3A_44] : memref<10000x64xf32, #tpu.memory_space<vmem_shared>> -> memref<125x64xf32, #tpu.memory_space<vmem_shared>>
      tpu.enqueue_dma source(%dma_start3A_45 : memref<125x64xf32, #tpu.memory_space<vmem_shared>>) target(%dma_start3A : memref<125x64xf32, #tpu.memory_space<hbm>>) target_semaphore(%run_scoped3A : memref<!tpu.dma_semaphore, #tpu.memory_space<semaphore_mem>>)
      %dma_wait3A = tpu.memref_slice %arg6[%add3A_37, %mul3A_39] : memref<10000x128xf32, #tpu.memory_space<hbm>> -> memref<125x64xf32, #tpu.memory_space<hbm>>
      %dma_wait3A_46 = arith.constant 0 : i32
      %dma_wait3A_47 = tpu.memref_slice %arg7[%add3A_37, %dma_wait3A_46] : memref<10000x64xf32, #tpu.memory_space<vmem_shared>> -> memref<125x64xf32, #tpu.memory_space<vmem_shared>>
      tpu.wait_dma2 semaphore(%run_scoped3A : memref<!tpu.dma_semaphore, #tpu.memory_space<semaphore_mem>>) src(%dma_wait3A_47 : memref<125x64xf32, #tpu.memory_space<vmem_shared>>) dst(%dma_wait3A : memref<125x64xf32, #tpu.memory_space<hbm>>)
      tpu.yield
    }) : () -> ()
    %add3A_40 = arith.constant 500 : i32
    %add3A_41 = arith.addi %mul3A_0, %add3A_40 : i32
    %mul3A_42 = arith.constant 64 : i32
    %mul3A_43 = arith.muli %arg0, %mul3A_42 : i32
    "tpu.region"() ({
      %run_scoped3A = tpu.sem_alloc : memref<!tpu.dma_semaphore, #tpu.memory_space<semaphore_mem>>
      %dma_start3A = tpu.memref_slice %arg6[%add3A_41, %mul3A_43] : memref<10000x128xf32, #tpu.memory_space<hbm>> -> memref<125x64xf32, #tpu.memory_space<hbm>>
      %dma_start3A_44 = arith.constant 0 : i32
      %dma_start3A_45 = tpu.memref_slice %arg7[%add3A_41, %dma_start3A_44] : memref<10000x64xf32, #tpu.memory_space<vmem_shared>> -> memref<125x64xf32, #tpu.memory_space<vmem_shared>>
      tpu.enqueue_dma source(%dma_start3A_45 : memref<125x64xf32, #tpu.memory_space<vmem_shared>>) target(%dma_start3A : memref<125x64xf32, #tpu.memory_space<hbm>>) target_semaphore(%run_scoped3A : memref<!tpu.dma_semaphore, #tpu.memory_space<semaphore_mem>>)
      %dma_wait3A = tpu.memref_slice %arg6[%add3A_41, %mul3A_43] : memref<10000x128xf32, #tpu.memory_space<hbm>> -> memref<125x64xf32, #tpu.memory_space<hbm>>
      %dma_wait3A_46 = arith.constant 0 : i32
      %dma_wait3A_47 = tpu.memref_slice %arg7[%add3A_41, %dma_wait3A_46] : memref<10000x64xf32, #tpu.memory_space<vmem_shared>> -> memref<125x64xf32, #tpu.memory_space<vmem_shared>>
      tpu.wait_dma2 semaphore(%run_scoped3A : memref<!tpu.dma_semaphore, #tpu.memory_space<semaphore_mem>>) src(%dma_wait3A_47 : memref<125x64xf32, #tpu.memory_space<vmem_shared>>) dst(%dma_wait3A : memref<125x64xf32, #tpu.memory_space<hbm>>)
      tpu.yield
    }) : () -> ()
    return
  }
}

#map = affine_map<(d0, d1) -> (0, 0)>
#map1 = affine_map<(d0, d1) -> (0, 0, 0, 0)>
#map2 = affine_map<(d0, d1) -> (0, 0, 0)>
module attributes {stable_mosaic.version = 14 : i64} {
  func.func @body(%arg0: i32, %arg1: i32, %arg2: memref<10000x16xf32, #tpu.memory_space<hbm>>, %arg3: memref<2x32x125x80xi32, #tpu.memory_space<hbm>>, %arg4: memref<2x10000x8xf32, #tpu.memory_space<hbm>>, %arg5: memref<10000x16xf32, #tpu.memory_space<vmem_shared>>, %arg6: memref<125x80xi32, #tpu.memory_space<vmem>>, %arg7: memref<!tpu.dma_semaphore, #tpu.memory_space<semaphore_mem>>, %arg8: memref<!tpu.dma_semaphore, #tpu.memory_space<semaphore_mem>>, %arg9: memref<!tpu.dma_semaphore, #tpu.memory_space<semaphore_mem>>, %arg10: memref<!tpu.dma_semaphore, #tpu.memory_space<semaphore_mem>>, %arg11: memref<!tpu.dma_semaphore, #tpu.memory_space<semaphore_mem>>, %arg12: memref<80x16xf32, #tpu.memory_space<vmem>>, %arg13: memref<80x16xf32, #tpu.memory_space<vmem>>, %arg14: memref<80x16xf32, #tpu.memory_space<vmem>>, %arg15: memref<80x16xf32, #tpu.memory_space<vmem>>, %arg16: memref<80x16xf32, #tpu.memory_space<vmem>>, %arg17: memref<125x80xi32, #tpu.memory_space<vmem>>, %arg18: memref<!tpu.dma_semaphore, #tpu.memory_space<semaphore_mem>>, %arg19: memref<!tpu.dma_semaphore, #tpu.memory_space<semaphore_mem>>, %arg20: memref<!tpu.dma_semaphore, #tpu.memory_space<semaphore_mem>>, %arg21: memref<!tpu.dma_semaphore, #tpu.memory_space<semaphore_mem>>, %arg22: memref<!tpu.dma_semaphore, #tpu.memory_space<semaphore_mem>>, %arg23: memref<625x16xf32, #tpu.memory_space<vmem>>) attributes {dimension_semantics = [#tpu.dimension_semantics<core_parallel>, #tpu.dimension_semantics<subcore_parallel>], iteration_bounds = array<i64: 2, 16>, scalar_prefetch = 0 : i64, scratch_operands = 19 : i64, tpu.core_type = #tpu.core_type<sc_vector_subcore>, window_params = [{transform_indices = #map}, {transform_indices = #map1}, {transform_indices = #map2}]} {
    %mul3A = arith.constant 16 : i32
    %mul3A_0 = arith.muli %arg0, %mul3A : i32
    %add3A = arith.addi %mul3A_0, %arg1 : i32
    %run_scoped3A = arith.constant 0 : i32
    "tpu.region"() ({
      %run_scoped3A_22 = tpu.sem_alloc : memref<!tpu.dma_semaphore, #tpu.memory_space<semaphore_mem>>
      %dma_start3A = arith.constant 0 : i32
      %dma_start3A_23 = arith.constant 0 : i32
      %dma_start3A_24 = tpu.memref_slice %arg3[%run_scoped3A, %add3A, %dma_start3A, %dma_start3A_23] : memref<2x32x125x80xi32, #tpu.memory_space<hbm>> -> memref<1x1x125x80xi32, #tpu.memory_space<hbm>>
      %dma_start3A_25 = tpu.memref_squeeze %dma_start3A_24 : memref<1x1x125x80xi32, #tpu.memory_space<hbm>> -> memref<125x80xi32, #tpu.memory_space<hbm>>
      %dma_start3A_26 = arith.constant 0 : i32
      %dma_start3A_27 = arith.constant 0 : i32
      %dma_start3A_28 = tpu.memref_slice %arg3[%run_scoped3A, %add3A, %dma_start3A_26, %dma_start3A_27] : memref<2x32x125x80xi32, #tpu.memory_space<hbm>> -> memref<1x1x125x80xi32, #tpu.memory_space<hbm>>
      %dma_start3A_29 = tpu.memref_squeeze %dma_start3A_28 : memref<1x1x125x80xi32, #tpu.memory_space<hbm>> -> memref<125x80xi32, #tpu.memory_space<hbm>>
      tpu.enqueue_dma source(%dma_start3A_29 : memref<125x80xi32, #tpu.memory_space<hbm>>) target(%arg17 : memref<125x80xi32, #tpu.memory_space<vmem>>) target_semaphore(%run_scoped3A_22 : memref<!tpu.dma_semaphore, #tpu.memory_space<semaphore_mem>>)
      %dma_wait3A = arith.constant 0 : i32
      %dma_wait3A_30 = arith.constant 0 : i32
      %dma_wait3A_31 = tpu.memref_slice %arg3[%run_scoped3A, %add3A, %dma_wait3A, %dma_wait3A_30] : memref<2x32x125x80xi32, #tpu.memory_space<hbm>> -> memref<1x1x125x80xi32, #tpu.memory_space<hbm>>
      %dma_wait3A_32 = tpu.memref_squeeze %dma_wait3A_31 : memref<1x1x125x80xi32, #tpu.memory_space<hbm>> -> memref<125x80xi32, #tpu.memory_space<hbm>>
      %dma_wait3A_33 = arith.constant 0 : i32
      %dma_wait3A_34 = arith.constant 0 : i32
      %dma_wait3A_35 = tpu.memref_slice %arg3[%run_scoped3A, %add3A, %dma_wait3A_33, %dma_wait3A_34] : memref<2x32x125x80xi32, #tpu.memory_space<hbm>> -> memref<1x1x125x80xi32, #tpu.memory_space<hbm>>
      %dma_wait3A_36 = tpu.memref_squeeze %dma_wait3A_35 : memref<1x1x125x80xi32, #tpu.memory_space<hbm>> -> memref<125x80xi32, #tpu.memory_space<hbm>>
      tpu.wait_dma2 semaphore(%run_scoped3A_22 : memref<!tpu.dma_semaphore, #tpu.memory_space<semaphore_mem>>) src(%dma_wait3A_36 : memref<125x80xi32, #tpu.memory_space<hbm>>) dst(%arg17 : memref<125x80xi32, #tpu.memory_space<vmem>>)
      tpu.yield
    }) : () -> ()
    %run_scoped3A_1 = arith.constant 1 : i32
    "tpu.region"() ({
      %run_scoped3A_22 = tpu.sem_alloc : memref<!tpu.dma_semaphore, #tpu.memory_space<semaphore_mem>>
      %dma_start3A = arith.constant 0 : i32
      %dma_start3A_23 = arith.constant 0 : i32
      %dma_start3A_24 = tpu.memref_slice %arg3[%run_scoped3A_1, %add3A, %dma_start3A, %dma_start3A_23] : memref<2x32x125x80xi32, #tpu.memory_space<hbm>> -> memref<1x1x125x80xi32, #tpu.memory_space<hbm>>
      %dma_start3A_25 = tpu.memref_squeeze %dma_start3A_24 : memref<1x1x125x80xi32, #tpu.memory_space<hbm>> -> memref<125x80xi32, #tpu.memory_space<hbm>>
      %dma_start3A_26 = arith.constant 0 : i32
      %dma_start3A_27 = arith.constant 0 : i32
      %dma_start3A_28 = tpu.memref_slice %arg3[%run_scoped3A_1, %add3A, %dma_start3A_26, %dma_start3A_27] : memref<2x32x125x80xi32, #tpu.memory_space<hbm>> -> memref<1x1x125x80xi32, #tpu.memory_space<hbm>>
      %dma_start3A_29 = tpu.memref_squeeze %dma_start3A_28 : memref<1x1x125x80xi32, #tpu.memory_space<hbm>> -> memref<125x80xi32, #tpu.memory_space<hbm>>
      tpu.enqueue_dma source(%dma_start3A_29 : memref<125x80xi32, #tpu.memory_space<hbm>>) target(%arg6 : memref<125x80xi32, #tpu.memory_space<vmem>>) target_semaphore(%run_scoped3A_22 : memref<!tpu.dma_semaphore, #tpu.memory_space<semaphore_mem>>)
      %dma_wait3A = arith.constant 0 : i32
      %dma_wait3A_30 = arith.constant 0 : i32
      %dma_wait3A_31 = tpu.memref_slice %arg3[%run_scoped3A_1, %add3A, %dma_wait3A, %dma_wait3A_30] : memref<2x32x125x80xi32, #tpu.memory_space<hbm>> -> memref<1x1x125x80xi32, #tpu.memory_space<hbm>>
      %dma_wait3A_32 = tpu.memref_squeeze %dma_wait3A_31 : memref<1x1x125x80xi32, #tpu.memory_space<hbm>> -> memref<125x80xi32, #tpu.memory_space<hbm>>
      %dma_wait3A_33 = arith.constant 0 : i32
      %dma_wait3A_34 = arith.constant 0 : i32
      %dma_wait3A_35 = tpu.memref_slice %arg3[%run_scoped3A_1, %add3A, %dma_wait3A_33, %dma_wait3A_34] : memref<2x32x125x80xi32, #tpu.memory_space<hbm>> -> memref<1x1x125x80xi32, #tpu.memory_space<hbm>>
      %dma_wait3A_36 = tpu.memref_squeeze %dma_wait3A_35 : memref<1x1x125x80xi32, #tpu.memory_space<hbm>> -> memref<125x80xi32, #tpu.memory_space<hbm>>
      tpu.wait_dma2 semaphore(%run_scoped3A_22 : memref<!tpu.dma_semaphore, #tpu.memory_space<semaphore_mem>>) src(%dma_wait3A_36 : memref<125x80xi32, #tpu.memory_space<hbm>>) dst(%arg6 : memref<125x80xi32, #tpu.memory_space<vmem>>)
      tpu.yield
    }) : () -> ()
    %mul3A_2 = arith.constant 625 : i32
    %mul3A_3 = arith.muli %arg1, %mul3A_2 : i32
    %scan3A = arith.constant 0 : i32
    %scan3A_4 = arith.constant 0 : i32
    %scan3A_5 = arith.constant 625 : i32
    %scan3A_6 = arith.addi %scan3A_4, %scan3A_5 : i32
    %scan3A_7 = arith.constant 1 : i32
    %scan3A_8 = scf.for %scan3A_22 = %scan3A_4 to %scan3A_6 step %scan3A_7 iter_args(%scan3A_23 = %scan3A) -> (i32)  : i32 {
      %scan3A_24 = arith.constant 0 : i32
      %scan3A_25 = arith.constant 0 : i32
      %broadcast_in_dim3A = arith.constant 0.000000e+00 : f32
      %broadcast_in_dim3A_26 = vector.broadcast %broadcast_in_dim3A : f32 to vector<16xf32>
      %mul3A_27 = arith.constant 16 : i32
      %mul3A_28 = arith.muli %scan3A_25, %mul3A_27 : i32
      %swap3A = arith.index_cast %scan3A_22 : i32 to index
      %swap3A_29 = arith.index_cast %mul3A_28 : i32 to index
      %swap3A_30 = tpu.vector_load %arg23[%swap3A, %swap3A_29] {strides = array<i32>} : memref<625x16xf32, #tpu.memory_space<vmem>>, vector<1x16xf32>,
      %swap3A_31 = vector.shape_cast %swap3A_30 : vector<1x16xf32> to vector<16xf32>
      %swap3A_32 = vector.shape_cast %broadcast_in_dim3A_26 : vector<16xf32> to vector<1x16xf32>
      tpu.vector_store %arg23[%swap3A, %swap3A_29], %swap3A_32 {strides = array<i32>} : memref<625x16xf32, #tpu.memory_space<vmem>>, vector<1x16xf32>,
      %scan3A_33 = arith.constant 0 : i32
      %scan3A_34 = arith.constant 1 : i32
      %scan3A_35 = arith.constant 0 : i32
      scf.yield %scan3A_35 : i32
    }
    %scan3A_9 = arith.constant 625 : i32
    %add3A_10 = arith.constant 0 : i32
    %add3A_11 = arith.addi %mul3A_3, %add3A_10 : i32
    "tpu.region"() ({
      %run_scoped3A_22 = tpu.sem_alloc : memref<!tpu.dma_semaphore, #tpu.memory_space<semaphore_mem>>
      %dma_start3A = arith.constant 0 : i32
      %dma_start3A_23 = tpu.memref_slice %arg5[%add3A_11, %dma_start3A] : memref<10000x16xf32, #tpu.memory_space<vmem_shared>> -> memref<625x16xf32, #tpu.memory_space<vmem_shared>>
      %dma_start3A_24 = arith.constant 0 : i32
      %dma_start3A_25 = tpu.memref_slice %arg5[%add3A_11, %dma_start3A_24] : memref<10000x16xf32, #tpu.memory_space<vmem_shared>> -> memref<625x16xf32, #tpu.memory_space<vmem_shared>>
      tpu.enqueue_dma source(%arg23 : memref<625x16xf32, #tpu.memory_space<vmem>>) target(%dma_start3A_25 : memref<625x16xf32, #tpu.memory_space<vmem_shared>>) target_semaphore(%run_scoped3A_22 : memref<!tpu.dma_semaphore, #tpu.memory_space<semaphore_mem>>)
      %dma_wait3A = arith.constant 0 : i32
      %dma_wait3A_26 = tpu.memref_slice %arg5[%add3A_11, %dma_wait3A] : memref<10000x16xf32, #tpu.memory_space<vmem_shared>> -> memref<625x16xf32, #tpu.memory_space<vmem_shared>>
      %dma_wait3A_27 = arith.constant 0 : i32
      %dma_wait3A_28 = tpu.memref_slice %arg5[%add3A_11, %dma_wait3A_27] : memref<10000x16xf32, #tpu.memory_space<vmem_shared>> -> memref<625x16xf32, #tpu.memory_space<vmem_shared>>
      tpu.wait_dma2 semaphore(%run_scoped3A_22 : memref<!tpu.dma_semaphore, #tpu.memory_space<semaphore_mem>>) src(%arg23 : memref<625x16xf32, #tpu.memory_space<vmem>>) dst(%dma_wait3A_28 : memref<625x16xf32, #tpu.memory_space<vmem_shared>>)
      tpu.yield
    }) : () -> ()
    %barrier3A = arith.constant 0 : index
    tpu.barrier barrier_id(%barrier3A)
    %scan3A_12 = arith.constant 0 : i32
    %scan3A_13 = arith.constant 0 : i32
    %scan3A_14 = arith.constant 25 : i32
    %scan3A_15 = arith.addi %scan3A_13, %scan3A_14 : i32
    %scan3A_16 = arith.constant 1 : i32
    %scan3A_17 = scf.for %scan3A_22 = %scan3A_13 to %scan3A_15 step %scan3A_16 iter_args(%scan3A_23 = %scan3A_12) -> (i32)  : i32 {
      %mul3A_24 = arith.constant 5 : i32
      %mul3A_25 = arith.muli %scan3A_22, %mul3A_24 : i32
      %add3A_26 = arith.constant 0 : i32
      %add3A_27 = arith.addi %mul3A_25, %add3A_26 : i32
      %dma_start3A = arith.constant 0 : i32
      %dma_start3A_28 = tpu.memref_slice %arg17[%add3A_27, %dma_start3A] : memref<125x80xi32, #tpu.memory_space<vmem>> -> memref<1x80xi32, #tpu.memory_space<vmem>>
      %dma_start3A_29 = tpu.memref_squeeze %dma_start3A_28 : memref<1x80xi32, #tpu.memory_space<vmem>> -> memref<80xi32, #tpu.memory_space<vmem>>
      %dma_start3A_30 = arith.constant 0 : i32
      %dma_start3A_31 = arith.constant 0 : i32
      %dma_start3A_32 = tpu.memref_slice %arg2[%dma_start3A_30, %dma_start3A_31] : memref<10000x16xf32, #tpu.memory_space<hbm>> -> memref<10000x16xf32, #tpu.memory_space<hbm>>
      tpu.enqueue_indirect_dma source(%dma_start3A_32 : memref<10000x16xf32, #tpu.memory_space<hbm>>) target(%arg12 : memref<80x16xf32, #tpu.memory_space<vmem>>) offsets(%dma_start3A_29 : memref<80xi32, #tpu.memory_space<vmem>>) semaphore(%arg7 : memref<!tpu.dma_semaphore, #tpu.memory_space<semaphore_mem>>)
      %add3A_33 = arith.constant 1 : i32
      %add3A_34 = arith.addi %mul3A_25, %add3A_33 : i32
      %dma_start3A_35 = arith.constant 0 : i32
      %dma_start3A_36 = tpu.memref_slice %arg17[%add3A_34, %dma_start3A_35] : memref<125x80xi32, #tpu.memory_space<vmem>> -> memref<1x80xi32, #tpu.memory_space<vmem>>
      %dma_start3A_37 = tpu.memref_squeeze %dma_start3A_36 : memref<1x80xi32, #tpu.memory_space<vmem>> -> memref<80xi32, #tpu.memory_space<vmem>>
      %dma_start3A_38 = arith.constant 0 : i32
      %dma_start3A_39 = arith.constant 0 : i32
      %dma_start3A_40 = tpu.memref_slice %arg2[%dma_start3A_38, %dma_start3A_39] : memref<10000x16xf32, #tpu.memory_space<hbm>> -> memref<10000x16xf32, #tpu.memory_space<hbm>>
      tpu.enqueue_indirect_dma source(%dma_start3A_40 : memref<10000x16xf32, #tpu.memory_space<hbm>>) target(%arg13 : memref<80x16xf32, #tpu.memory_space<vmem>>) offsets(%dma_start3A_37 : memref<80xi32, #tpu.memory_space<vmem>>) semaphore(%arg8 : memref<!tpu.dma_semaphore, #tpu.memory_space<semaphore_mem>>)
      %add3A_41 = arith.constant 2 : i32
      %add3A_42 = arith.addi %mul3A_25, %add3A_41 : i32
      %dma_start3A_43 = arith.constant 0 : i32
      %dma_start3A_44 = tpu.memref_slice %arg17[%add3A_42, %dma_start3A_43] : memref<125x80xi32, #tpu.memory_space<vmem>> -> memref<1x80xi32, #tpu.memory_space<vmem>>
      %dma_start3A_45 = tpu.memref_squeeze %dma_start3A_44 : memref<1x80xi32, #tpu.memory_space<vmem>> -> memref<80xi32, #tpu.memory_space<vmem>>
      %dma_start3A_46 = arith.constant 0 : i32
      %dma_start3A_47 = arith.constant 0 : i32
      %dma_start3A_48 = tpu.memref_slice %arg2[%dma_start3A_46, %dma_start3A_47] : memref<10000x16xf32, #tpu.memory_space<hbm>> -> memref<10000x16xf32, #tpu.memory_space<hbm>>
      tpu.enqueue_indirect_dma source(%dma_start3A_48 : memref<10000x16xf32, #tpu.memory_space<hbm>>) target(%arg14 : memref<80x16xf32, #tpu.memory_space<vmem>>) offsets(%dma_start3A_45 : memref<80xi32, #tpu.memory_space<vmem>>) semaphore(%arg9 : memref<!tpu.dma_semaphore, #tpu.memory_space<semaphore_mem>>)
      %add3A_49 = arith.constant 3 : i32
      %add3A_50 = arith.addi %mul3A_25, %add3A_49 : i32
      %dma_start3A_51 = arith.constant 0 : i32
      %dma_start3A_52 = tpu.memref_slice %arg17[%add3A_50, %dma_start3A_51] : memref<125x80xi32, #tpu.memory_space<vmem>> -> memref<1x80xi32, #tpu.memory_space<vmem>>
      %dma_start3A_53 = tpu.memref_squeeze %dma_start3A_52 : memref<1x80xi32, #tpu.memory_space<vmem>> -> memref<80xi32, #tpu.memory_space<vmem>>
      %dma_start3A_54 = arith.constant 0 : i32
      %dma_start3A_55 = arith.constant 0 : i32
      %dma_start3A_56 = tpu.memref_slice %arg2[%dma_start3A_54, %dma_start3A_55] : memref<10000x16xf32, #tpu.memory_space<hbm>> -> memref<10000x16xf32, #tpu.memory_space<hbm>>
      tpu.enqueue_indirect_dma source(%dma_start3A_56 : memref<10000x16xf32, #tpu.memory_space<hbm>>) target(%arg15 : memref<80x16xf32, #tpu.memory_space<vmem>>) offsets(%dma_start3A_53 : memref<80xi32, #tpu.memory_space<vmem>>) semaphore(%arg10 : memref<!tpu.dma_semaphore, #tpu.memory_space<semaphore_mem>>)
      %add3A_57 = arith.constant 4 : i32
      %add3A_58 = arith.addi %mul3A_25, %add3A_57 : i32
      %dma_start3A_59 = arith.constant 0 : i32
      %dma_start3A_60 = tpu.memref_slice %arg17[%add3A_58, %dma_start3A_59] : memref<125x80xi32, #tpu.memory_space<vmem>> -> memref<1x80xi32, #tpu.memory_space<vmem>>
      %dma_start3A_61 = tpu.memref_squeeze %dma_start3A_60 : memref<1x80xi32, #tpu.memory_space<vmem>> -> memref<80xi32, #tpu.memory_space<vmem>>
      %dma_start3A_62 = arith.constant 0 : i32
      %dma_start3A_63 = arith.constant 0 : i32
      %dma_start3A_64 = tpu.memref_slice %arg2[%dma_start3A_62, %dma_start3A_63] : memref<10000x16xf32, #tpu.memory_space<hbm>> -> memref<10000x16xf32, #tpu.memory_space<hbm>>
      tpu.enqueue_indirect_dma source(%dma_start3A_64 : memref<10000x16xf32, #tpu.memory_space<hbm>>) target(%arg16 : memref<80x16xf32, #tpu.memory_space<vmem>>) offsets(%dma_start3A_61 : memref<80xi32, #tpu.memory_space<vmem>>) semaphore(%arg11 : memref<!tpu.dma_semaphore, #tpu.memory_space<semaphore_mem>>)
      %dma_wait3A = arith.constant 0 : i32
      %dma_wait3A_65 = tpu.memref_slice %arg17[%add3A_27, %dma_wait3A] : memref<125x80xi32, #tpu.memory_space<vmem>> -> memref<1x80xi32, #tpu.memory_space<vmem>>
      %dma_wait3A_66 = tpu.memref_squeeze %dma_wait3A_65 : memref<1x80xi32, #tpu.memory_space<vmem>> -> memref<80xi32, #tpu.memory_space<vmem>>
      %dma_wait3A_67 = arith.constant 0 : i32
      %dma_wait3A_68 = arith.constant 0 : i32
      %dma_wait3A_69 = tpu.memref_slice %arg2[%dma_wait3A_67, %dma_wait3A_68] : memref<10000x16xf32, #tpu.memory_space<hbm>> -> memref<10000x16xf32, #tpu.memory_space<hbm>>
      tpu.wait_indirect_dma semaphore(%arg7 : memref<!tpu.dma_semaphore, #tpu.memory_space<semaphore_mem>>) src(%dma_wait3A_69 : memref<10000x16xf32, #tpu.memory_space<hbm>>) dst(%arg12 : memref<80x16xf32, #tpu.memory_space<vmem>>)
      %add3A_70 = arith.constant 0 : i32
      %add3A_71 = arith.addi %mul3A_25, %add3A_70 : i32
      %dma_start3A_72 = arith.constant 0 : i32
      %dma_start3A_73 = tpu.memref_slice %arg6[%add3A_71, %dma_start3A_72] : memref<125x80xi32, #tpu.memory_space<vmem>> -> memref<1x80xi32, #tpu.memory_space<vmem>>
      %dma_start3A_74 = tpu.memref_squeeze %dma_start3A_73 : memref<1x80xi32, #tpu.memory_space<vmem>> -> memref<80xi32, #tpu.memory_space<vmem>>
      %dma_start3A_75 = arith.constant 0 : i32
      %dma_start3A_76 = arith.constant 0 : i32
      %dma_start3A_77 = tpu.memref_slice %arg5[%dma_start3A_75, %dma_start3A_76] : memref<10000x16xf32, #tpu.memory_space<vmem_shared>> -> memref<10000x16xf32, #tpu.memory_space<vmem_shared>>
      tpu.enqueue_indirect_dma source(%arg12 : memref<80x16xf32, #tpu.memory_space<vmem>>) target(%dma_start3A_77 : memref<10000x16xf32, #tpu.memory_space<vmem_shared>>) offsets(%dma_start3A_74 : memref<80xi32, #tpu.memory_space<vmem>>) semaphore(%arg18 : memref<!tpu.dma_semaphore, #tpu.memory_space<semaphore_mem>>) {add = true}
      %dma_wait3A_78 = arith.constant 0 : i32
      %dma_wait3A_79 = tpu.memref_slice %arg17[%add3A_34, %dma_wait3A_78] : memref<125x80xi32, #tpu.memory_space<vmem>> -> memref<1x80xi32, #tpu.memory_space<vmem>>
      %dma_wait3A_80 = tpu.memref_squeeze %dma_wait3A_79 : memref<1x80xi32, #tpu.memory_space<vmem>> -> memref<80xi32, #tpu.memory_space<vmem>>
      %dma_wait3A_81 = arith.constant 0 : i32
      %dma_wait3A_82 = arith.constant 0 : i32
      %dma_wait3A_83 = tpu.memref_slice %arg2[%dma_wait3A_81, %dma_wait3A_82] : memref<10000x16xf32, #tpu.memory_space<hbm>> -> memref<10000x16xf32, #tpu.memory_space<hbm>>
      tpu.wait_indirect_dma semaphore(%arg8 : memref<!tpu.dma_semaphore, #tpu.memory_space<semaphore_mem>>) src(%dma_wait3A_83 : memref<10000x16xf32, #tpu.memory_space<hbm>>) dst(%arg13 : memref<80x16xf32, #tpu.memory_space<vmem>>)
      %add3A_84 = arith.constant 1 : i32
      %add3A_85 = arith.addi %mul3A_25, %add3A_84 : i32
      %dma_start3A_86 = arith.constant 0 : i32
      %dma_start3A_87 = tpu.memref_slice %arg6[%add3A_85, %dma_start3A_86] : memref<125x80xi32, #tpu.memory_space<vmem>> -> memref<1x80xi32, #tpu.memory_space<vmem>>
      %dma_start3A_88 = tpu.memref_squeeze %dma_start3A_87 : memref<1x80xi32, #tpu.memory_space<vmem>> -> memref<80xi32, #tpu.memory_space<vmem>>
      %dma_start3A_89 = arith.constant 0 : i32
      %dma_start3A_90 = arith.constant 0 : i32
      %dma_start3A_91 = tpu.memref_slice %arg5[%dma_start3A_89, %dma_start3A_90] : memref<10000x16xf32, #tpu.memory_space<vmem_shared>> -> memref<10000x16xf32, #tpu.memory_space<vmem_shared>>
      tpu.enqueue_indirect_dma source(%arg13 : memref<80x16xf32, #tpu.memory_space<vmem>>) target(%dma_start3A_91 : memref<10000x16xf32, #tpu.memory_space<vmem_shared>>) offsets(%dma_start3A_88 : memref<80xi32, #tpu.memory_space<vmem>>) semaphore(%arg19 : memref<!tpu.dma_semaphore, #tpu.memory_space<semaphore_mem>>) {add = true}
      %dma_wait3A_92 = arith.constant 0 : i32
      %dma_wait3A_93 = tpu.memref_slice %arg17[%add3A_42, %dma_wait3A_92] : memref<125x80xi32, #tpu.memory_space<vmem>> -> memref<1x80xi32, #tpu.memory_space<vmem>>
      %dma_wait3A_94 = tpu.memref_squeeze %dma_wait3A_93 : memref<1x80xi32, #tpu.memory_space<vmem>> -> memref<80xi32, #tpu.memory_space<vmem>>
      %dma_wait3A_95 = arith.constant 0 : i32
      %dma_wait3A_96 = arith.constant 0 : i32
      %dma_wait3A_97 = tpu.memref_slice %arg2[%dma_wait3A_95, %dma_wait3A_96] : memref<10000x16xf32, #tpu.memory_space<hbm>> -> memref<10000x16xf32, #tpu.memory_space<hbm>>
      tpu.wait_indirect_dma semaphore(%arg9 : memref<!tpu.dma_semaphore, #tpu.memory_space<semaphore_mem>>) src(%dma_wait3A_97 : memref<10000x16xf32, #tpu.memory_space<hbm>>) dst(%arg14 : memref<80x16xf32, #tpu.memory_space<vmem>>)
      %add3A_98 = arith.constant 2 : i32
      %add3A_99 = arith.addi %mul3A_25, %add3A_98 : i32
      %dma_start3A_100 = arith.constant 0 : i32
      %dma_start3A_101 = tpu.memref_slice %arg6[%add3A_99, %dma_start3A_100] : memref<125x80xi32, #tpu.memory_space<vmem>> -> memref<1x80xi32, #tpu.memory_space<vmem>>
      %dma_start3A_102 = tpu.memref_squeeze %dma_start3A_101 : memref<1x80xi32, #tpu.memory_space<vmem>> -> memref<80xi32, #tpu.memory_space<vmem>>
      %dma_start3A_103 = arith.constant 0 : i32
      %dma_start3A_104 = arith.constant 0 : i32
      %dma_start3A_105 = tpu.memref_slice %arg5[%dma_start3A_103, %dma_start3A_104] : memref<10000x16xf32, #tpu.memory_space<vmem_shared>> -> memref<10000x16xf32, #tpu.memory_space<vmem_shared>>
      tpu.enqueue_indirect_dma source(%arg14 : memref<80x16xf32, #tpu.memory_space<vmem>>) target(%dma_start3A_105 : memref<10000x16xf32, #tpu.memory_space<vmem_shared>>) offsets(%dma_start3A_102 : memref<80xi32, #tpu.memory_space<vmem>>) semaphore(%arg20 : memref<!tpu.dma_semaphore, #tpu.memory_space<semaphore_mem>>) {add = true}
      %dma_wait3A_106 = arith.constant 0 : i32
      %dma_wait3A_107 = tpu.memref_slice %arg17[%add3A_50, %dma_wait3A_106] : memref<125x80xi32, #tpu.memory_space<vmem>> -> memref<1x80xi32, #tpu.memory_space<vmem>>
      %dma_wait3A_108 = tpu.memref_squeeze %dma_wait3A_107 : memref<1x80xi32, #tpu.memory_space<vmem>> -> memref<80xi32, #tpu.memory_space<vmem>>
      %dma_wait3A_109 = arith.constant 0 : i32
      %dma_wait3A_110 = arith.constant 0 : i32
      %dma_wait3A_111 = tpu.memref_slice %arg2[%dma_wait3A_109, %dma_wait3A_110] : memref<10000x16xf32, #tpu.memory_space<hbm>> -> memref<10000x16xf32, #tpu.memory_space<hbm>>
      tpu.wait_indirect_dma semaphore(%arg10 : memref<!tpu.dma_semaphore, #tpu.memory_space<semaphore_mem>>) src(%dma_wait3A_111 : memref<10000x16xf32, #tpu.memory_space<hbm>>) dst(%arg15 : memref<80x16xf32, #tpu.memory_space<vmem>>)
      %add3A_112 = arith.constant 3 : i32
      %add3A_113 = arith.addi %mul3A_25, %add3A_112 : i32
      %dma_start3A_114 = arith.constant 0 : i32
      %dma_start3A_115 = tpu.memref_slice %arg6[%add3A_113, %dma_start3A_114] : memref<125x80xi32, #tpu.memory_space<vmem>> -> memref<1x80xi32, #tpu.memory_space<vmem>>
      %dma_start3A_116 = tpu.memref_squeeze %dma_start3A_115 : memref<1x80xi32, #tpu.memory_space<vmem>> -> memref<80xi32, #tpu.memory_space<vmem>>
      %dma_start3A_117 = arith.constant 0 : i32
      %dma_start3A_118 = arith.constant 0 : i32
      %dma_start3A_119 = tpu.memref_slice %arg5[%dma_start3A_117, %dma_start3A_118] : memref<10000x16xf32, #tpu.memory_space<vmem_shared>> -> memref<10000x16xf32, #tpu.memory_space<vmem_shared>>
      tpu.enqueue_indirect_dma source(%arg15 : memref<80x16xf32, #tpu.memory_space<vmem>>) target(%dma_start3A_119 : memref<10000x16xf32, #tpu.memory_space<vmem_shared>>) offsets(%dma_start3A_116 : memref<80xi32, #tpu.memory_space<vmem>>) semaphore(%arg21 : memref<!tpu.dma_semaphore, #tpu.memory_space<semaphore_mem>>) {add = true}
      %dma_wait3A_120 = arith.constant 0 : i32
      %dma_wait3A_121 = tpu.memref_slice %arg17[%add3A_58, %dma_wait3A_120] : memref<125x80xi32, #tpu.memory_space<vmem>> -> memref<1x80xi32, #tpu.memory_space<vmem>>
      %dma_wait3A_122 = tpu.memref_squeeze %dma_wait3A_121 : memref<1x80xi32, #tpu.memory_space<vmem>> -> memref<80xi32, #tpu.memory_space<vmem>>
      %dma_wait3A_123 = arith.constant 0 : i32
      %dma_wait3A_124 = arith.constant 0 : i32
      %dma_wait3A_125 = tpu.memref_slice %arg2[%dma_wait3A_123, %dma_wait3A_124] : memref<10000x16xf32, #tpu.memory_space<hbm>> -> memref<10000x16xf32, #tpu.memory_space<hbm>>
      tpu.wait_indirect_dma semaphore(%arg11 : memref<!tpu.dma_semaphore, #tpu.memory_space<semaphore_mem>>) src(%dma_wait3A_125 : memref<10000x16xf32, #tpu.memory_space<hbm>>) dst(%arg16 : memref<80x16xf32, #tpu.memory_space<vmem>>)
      %add3A_126 = arith.constant 4 : i32
      %add3A_127 = arith.addi %mul3A_25, %add3A_126 : i32
      %dma_start3A_128 = arith.constant 0 : i32
      %dma_start3A_129 = tpu.memref_slice %arg6[%add3A_127, %dma_start3A_128] : memref<125x80xi32, #tpu.memory_space<vmem>> -> memref<1x80xi32, #tpu.memory_space<vmem>>
      %dma_start3A_130 = tpu.memref_squeeze %dma_start3A_129 : memref<1x80xi32, #tpu.memory_space<vmem>> -> memref<80xi32, #tpu.memory_space<vmem>>
      %dma_start3A_131 = arith.constant 0 : i32
      %dma_start3A_132 = arith.constant 0 : i32
      %dma_start3A_133 = tpu.memref_slice %arg5[%dma_start3A_131, %dma_start3A_132] : memref<10000x16xf32, #tpu.memory_space<vmem_shared>> -> memref<10000x16xf32, #tpu.memory_space<vmem_shared>>
      tpu.enqueue_indirect_dma source(%arg16 : memref<80x16xf32, #tpu.memory_space<vmem>>) target(%dma_start3A_133 : memref<10000x16xf32, #tpu.memory_space<vmem_shared>>) offsets(%dma_start3A_130 : memref<80xi32, #tpu.memory_space<vmem>>) semaphore(%arg22 : memref<!tpu.dma_semaphore, #tpu.memory_space<semaphore_mem>>) {add = true}
      %dma_wait3A_134 = arith.constant 0 : i32
      %dma_wait3A_135 = tpu.memref_slice %arg6[%add3A_71, %dma_wait3A_134] : memref<125x80xi32, #tpu.memory_space<vmem>> -> memref<1x80xi32, #tpu.memory_space<vmem>>
      %dma_wait3A_136 = tpu.memref_squeeze %dma_wait3A_135 : memref<1x80xi32, #tpu.memory_space<vmem>> -> memref<80xi32, #tpu.memory_space<vmem>>
      %dma_wait3A_137 = arith.constant 0 : i32
      %dma_wait3A_138 = arith.constant 0 : i32
      %dma_wait3A_139 = tpu.memref_slice %arg5[%dma_wait3A_137, %dma_wait3A_138] : memref<10000x16xf32, #tpu.memory_space<vmem_shared>> -> memref<10000x16xf32, #tpu.memory_space<vmem_shared>>
      tpu.wait_indirect_dma semaphore(%arg18 : memref<!tpu.dma_semaphore, #tpu.memory_space<semaphore_mem>>) src(%arg12 : memref<80x16xf32, #tpu.memory_space<vmem>>) dst(%dma_wait3A_139 : memref<10000x16xf32, #tpu.memory_space<vmem_shared>>)
      %dma_wait3A_140 = arith.constant 0 : i32
      %dma_wait3A_141 = tpu.memref_slice %arg6[%add3A_85, %dma_wait3A_140] : memref<125x80xi32, #tpu.memory_space<vmem>> -> memref<1x80xi32, #tpu.memory_space<vmem>>
      %dma_wait3A_142 = tpu.memref_squeeze %dma_wait3A_141 : memref<1x80xi32, #tpu.memory_space<vmem>> -> memref<80xi32, #tpu.memory_space<vmem>>
      %dma_wait3A_143 = arith.constant 0 : i32
      %dma_wait3A_144 = arith.constant 0 : i32
      %dma_wait3A_145 = tpu.memref_slice %arg5[%dma_wait3A_143, %dma_wait3A_144] : memref<10000x16xf32, #tpu.memory_space<vmem_shared>> -> memref<10000x16xf32, #tpu.memory_space<vmem_shared>>
      tpu.wait_indirect_dma semaphore(%arg19 : memref<!tpu.dma_semaphore, #tpu.memory_space<semaphore_mem>>) src(%arg13 : memref<80x16xf32, #tpu.memory_space<vmem>>) dst(%dma_wait3A_145 : memref<10000x16xf32, #tpu.memory_space<vmem_shared>>)
      %dma_wait3A_146 = arith.constant 0 : i32
      %dma_wait3A_147 = tpu.memref_slice %arg6[%add3A_99, %dma_wait3A_146] : memref<125x80xi32, #tpu.memory_space<vmem>> -> memref<1x80xi32, #tpu.memory_space<vmem>>
      %dma_wait3A_148 = tpu.memref_squeeze %dma_wait3A_147 : memref<1x80xi32, #tpu.memory_space<vmem>> -> memref<80xi32, #tpu.memory_space<vmem>>
      %dma_wait3A_149 = arith.constant 0 : i32
      %dma_wait3A_150 = arith.constant 0 : i32
      %dma_wait3A_151 = tpu.memref_slice %arg5[%dma_wait3A_149, %dma_wait3A_150] : memref<10000x16xf32, #tpu.memory_space<vmem_shared>> -> memref<10000x16xf32, #tpu.memory_space<vmem_shared>>
      tpu.wait_indirect_dma semaphore(%arg20 : memref<!tpu.dma_semaphore, #tpu.memory_space<semaphore_mem>>) src(%arg14 : memref<80x16xf32, #tpu.memory_space<vmem>>) dst(%dma_wait3A_151 : memref<10000x16xf32, #tpu.memory_space<vmem_shared>>)
      %dma_wait3A_152 = arith.constant 0 : i32
      %dma_wait3A_153 = tpu.memref_slice %arg6[%add3A_113, %dma_wait3A_152] : memref<125x80xi32, #tpu.memory_space<vmem>> -> memref<1x80xi32, #tpu.memory_space<vmem>>
      %dma_wait3A_154 = tpu.memref_squeeze %dma_wait3A_153 : memref<1x80xi32, #tpu.memory_space<vmem>> -> memref<80xi32, #tpu.memory_space<vmem>>
      %dma_wait3A_155 = arith.constant 0 : i32
      %dma_wait3A_156 = arith.constant 0 : i32
      %dma_wait3A_157 = tpu.memref_slice %arg5[%dma_wait3A_155, %dma_wait3A_156] : memref<10000x16xf32, #tpu.memory_space<vmem_shared>> -> memref<10000x16xf32, #tpu.memory_space<vmem_shared>>
      tpu.wait_indirect_dma semaphore(%arg21 : memref<!tpu.dma_semaphore, #tpu.memory_space<semaphore_mem>>) src(%arg15 : memref<80x16xf32, #tpu.memory_space<vmem>>) dst(%dma_wait3A_157 : memref<10000x16xf32, #tpu.memory_space<vmem_shared>>)
      %dma_wait3A_158 = arith.constant 0 : i32
      %dma_wait3A_159 = tpu.memref_slice %arg6[%add3A_127, %dma_wait3A_158] : memref<125x80xi32, #tpu.memory_space<vmem>> -> memref<1x80xi32, #tpu.memory_space<vmem>>
      %dma_wait3A_160 = tpu.memref_squeeze %dma_wait3A_159 : memref<1x80xi32, #tpu.memory_space<vmem>> -> memref<80xi32, #tpu.memory_space<vmem>>
      %dma_wait3A_161 = arith.constant 0 : i32
      %dma_wait3A_162 = arith.constant 0 : i32
      %dma_wait3A_163 = tpu.memref_slice %arg5[%dma_wait3A_161, %dma_wait3A_162] : memref<10000x16xf32, #tpu.memory_space<vmem_shared>> -> memref<10000x16xf32, #tpu.memory_space<vmem_shared>>
      tpu.wait_indirect_dma semaphore(%arg22 : memref<!tpu.dma_semaphore, #tpu.memory_space<semaphore_mem>>) src(%arg16 : memref<80x16xf32, #tpu.memory_space<vmem>>) dst(%dma_wait3A_163 : memref<10000x16xf32, #tpu.memory_space<vmem_shared>>)
      %scan3A_164 = arith.constant 0 : i32
      scf.yield %scan3A_164 : i32
    }
    %scan3A_18 = arith.constant 25 : i32
    %barrier3A_19 = arith.constant 0 : index
    tpu.barrier barrier_id(%barrier3A_19)
    %add3A_20 = arith.constant 0 : i32
    %add3A_21 = arith.addi %mul3A_3, %add3A_20 : i32
    "tpu.region"() ({
      %run_scoped3A_22 = tpu.sem_alloc : memref<!tpu.dma_semaphore, #tpu.memory_space<semaphore_mem>>
      %dma_start3A = arith.constant 0 : i32
      %dma_start3A_23 = tpu.memref_slice %arg4[%arg0, %add3A_21, %dma_start3A] : memref<2x10000x8xf32, #tpu.memory_space<hbm>> -> memref<1x625x8xf32, #tpu.memory_space<hbm>>
      %dma_start3A_24 = tpu.memref_squeeze %dma_start3A_23 : memref<1x625x8xf32, #tpu.memory_space<hbm>> -> memref<625x8xf32, #tpu.memory_space<hbm>>
      %dma_start3A_25 = arith.constant 0 : i32
      %dma_start3A_26 = tpu.memref_slice %arg5[%add3A_21, %dma_start3A_25] : memref<10000x16xf32, #tpu.memory_space<vmem_shared>> -> memref<625x8xf32, #tpu.memory_space<vmem_shared>>
      tpu.enqueue_dma source(%dma_start3A_26 : memref<625x8xf32, #tpu.memory_space<vmem_shared>>) target(%dma_start3A_24 : memref<625x8xf32, #tpu.memory_space<hbm>>) target_semaphore(%run_scoped3A_22 : memref<!tpu.dma_semaphore, #tpu.memory_space<semaphore_mem>>)
      %dma_wait3A = arith.constant 0 : i32
      %dma_wait3A_27 = tpu.memref_slice %arg4[%arg0, %add3A_21, %dma_wait3A] : memref<2x10000x8xf32, #tpu.memory_space<hbm>> -> memref<1x625x8xf32, #tpu.memory_space<hbm>>
      %dma_wait3A_28 = tpu.memref_squeeze %dma_wait3A_27 : memref<1x625x8xf32, #tpu.memory_space<hbm>> -> memref<625x8xf32, #tpu.memory_space<hbm>>
      %dma_wait3A_29 = arith.constant 0 : i32
      %dma_wait3A_30 = tpu.memref_slice %arg5[%add3A_21, %dma_wait3A_29] : memref<10000x16xf32, #tpu.memory_space<vmem_shared>> -> memref<625x8xf32, #tpu.memory_space<vmem_shared>>
      tpu.wait_dma2 semaphore(%run_scoped3A_22 : memref<!tpu.dma_semaphore, #tpu.memory_space<semaphore_mem>>) src(%dma_wait3A_30 : memref<625x8xf32, #tpu.memory_space<vmem_shared>>) dst(%dma_wait3A_28 : memref<625x8xf32, #tpu.memory_space<hbm>>)
      tpu.yield
    }) : () -> ()
    return
  }
}

module attributes {stable_mosaic.version = 14 : i64} {
  func.func @_prescale_body(%arg0: i32, %arg1: memref<2x1000x8xf32, #tpu.memory_space<vmem>>, %arg2: memref<1000x128xf32, #tpu.memory_space<vmem>>, %arg3: memref<1000x128xf32, #tpu.memory_space<vmem>>, %arg4: memref<1000x1xf32, #tpu.memory_space<vmem>>) attributes {dimension_semantics = [#tpu.dimension_semantics<arbitrary>], iteration_bounds = array<i64: 10>, scalar_prefetch = 0 : i64, scratch_operands = 0 : i64, tpu.core_type = #tpu.core_type<tc>, window_params = [{transform_indices = @transform_0, window_bounds = array<i64: 2, 1000, 8>}, {transform_indices = @transform_1, window_bounds = array<i64: 1000, 128>}, {transform_indices = @transform_2, window_bounds = array<i64: 1000, 128>}, {transform_indices = @transform_3, window_bounds = array<i64: 1000, 1>}]} {
    %get3A = arith.constant 0 : index
    %get3A_0 = arith.constant 0 : index
    %get3A_1 = arith.constant 0 : index
    %get3A_2 = vector.load %arg1[%get3A, %get3A_0, %get3A_1] : memref<2x1000x8xf32, #tpu.memory_space<vmem>>, vector<2x1000x8xf32>
    %slice3A = vector.extract_strided_slice %get3A_2 {offsets = [0, 0, 0], sizes = [1, 1000, 1], strides = [1, 1, 1]} : vector<2x1000x8xf32> to vector<1x1000x1xf32>
    %squeeze3A = vector.shape_cast %slice3A : vector<1x1000x1xf32> to vector<1000x1xf32>
    %slice3A_3 = vector.extract_strided_slice %get3A_2 {offsets = [1, 0, 0], sizes = [1, 1000, 1], strides = [1, 1, 1]} : vector<2x1000x8xf32> to vector<1x1000x1xf32>
    %squeeze3A_4 = vector.shape_cast %slice3A_3 : vector<1x1000x1xf32> to vector<1000x1xf32>
    %add3A = arith.addf %squeeze3A, %squeeze3A_4 : vector<1000x1xf32>
    %add3A_5 = arith.constant 1.000000e+00 : f32
    %add3A_6 = vector.broadcast %add3A_5 : f32 to vector<1000x1xf32>
    %add3A_7 = arith.addf %add3A, %add3A_6 : vector<1000x1xf32>
    %rsqrt3A = math.rsqrt %add3A_7 : vector<1000x1xf32>
    %get3A_8 = arith.constant 0 : index
    %get3A_9 = arith.constant 0 : index
    %get3A_10 = vector.load %arg2[%get3A_8, %get3A_9] : memref<1000x128xf32, #tpu.memory_space<vmem>>, vector<1000x128xf32>
    %mul3A = vector.broadcast %rsqrt3A : vector<1000x1xf32> to vector<1000x128xf32>
    %mul3A_11 = arith.mulf %get3A_10, %mul3A : vector<1000x128xf32>
    %swap3A = arith.constant 0 : index
    %swap3A_12 = arith.constant 0 : index
    %swap3A_13 = vector.load %arg3[%swap3A, %swap3A_12] : memref<1000x128xf32, #tpu.memory_space<vmem>>, vector<1000x128xf32>
    tpu.vector_store %arg3[%swap3A, %swap3A_12], %mul3A_11 {strides = array<i32>} : memref<1000x128xf32, #tpu.memory_space<vmem>>, vector<1000x128xf32>,
    %swap3A_14 = arith.constant 0 : index
    %swap3A_15 = arith.constant 0 : index
    %swap3A_16 = vector.load %arg4[%swap3A_14, %swap3A_15] : memref<1000x1xf32, #tpu.memory_space<vmem>>, vector<1000x1xf32>
    tpu.vector_store %arg4[%swap3A_14, %swap3A_15], %rsqrt3A {strides = array<i32>} : memref<1000x1xf32, #tpu.memory_space<vmem>>, vector<1000x1xf32>,
    return
  }
  func.func @transform_0(%arg0: i32) -> (i32, i32, i32) {
    %c0_i32 = arith.constant 0 : i32
    %c0_i32_0 = arith.constant 0 : i32
    %c0_i32_1 = arith.constant 0 : i32
    return %c0_i32, %arg0, %c0_i32_0 : i32, i32, i32
  }
  func.func @transform_1(%arg0: i32) -> (i32, i32) {
    %c0_i32 = arith.constant 0 : i32
    %c0_i32_0 = arith.constant 0 : i32
    return %arg0, %c0_i32 : i32, i32
  }
  func.func @transform_2(%arg0: i32) -> (i32, i32) {
    %c0_i32 = arith.constant 0 : i32
    %c0_i32_0 = arith.constant 0 : i32
    return %arg0, %c0_i32 : i32, i32
  }
  func.func @transform_3(%arg0: i32) -> (i32, i32) {
    %c0_i32 = arith.constant 0 : i32
    %c0_i32_0 = arith.constant 0 : i32
    return %arg0, %c0_i32 : i32, i32
  }
}

module attributes {stable_mosaic.version = 14 : i64} {
  func.func @_conv_mm_body(%arg0: i32, %arg1: memref<1000x128xf32, #tpu.memory_space<vmem>>, %arg2: memref<1000x128xf32, #tpu.memory_space<vmem>>, %arg3: memref<1000x1xf32, #tpu.memory_space<vmem>>, %arg4: memref<128x256xf32, #tpu.memory_space<vmem>>, %arg5: memref<1x256xf32, #tpu.memory_space<vmem>>, %arg6: memref<256x1xf32, #tpu.memory_space<vmem>>, %arg7: memref<1000x256xf32, #tpu.memory_space<vmem>>, %arg8: memref<1000x1xf32, #tpu.memory_space<vmem>>, %arg9: memref<1x1x1000xf32, #tpu.memory_space<vmem>>) attributes {dimension_semantics = [#tpu.dimension_semantics<arbitrary>], iteration_bounds = array<i64: 10>, scalar_prefetch = 0 : i64, scratch_operands = 0 : i64, tpu.core_type = #tpu.core_type<tc>, window_params = [{transform_indices = @transform_0, window_bounds = array<i64: 1000, 128>}, {transform_indices = @transform_1, window_bounds = array<i64: 1000, 128>}, {transform_indices = @transform_2, window_bounds = array<i64: 1000, 1>}, {pipeline_mode = #tpu.pipeline_mode<synchronous>, transform_indices = @transform_3, window_bounds = array<i64: 128, 256>}, {pipeline_mode = #tpu.pipeline_mode<synchronous>, transform_indices = @transform_4, window_bounds = array<i64: 1, 256>}, {pipeline_mode = #tpu.pipeline_mode<synchronous>, transform_indices = @transform_5, window_bounds = array<i64: 256, 1>}, {transform_indices = @transform_6, window_bounds = array<i64: 1000, 256>}, {transform_indices = @transform_7, window_bounds = array<i64: 1000, 1>}, {transform_indices = @transform_8, window_bounds = array<i64: 1, 1, 1000>}]} {
    %get3A = arith.constant 0 : index
    %get3A_0 = arith.constant 0 : index
    %get3A_1 = vector.load %arg3[%get3A, %get3A_0] : memref<1000x1xf32, #tpu.memory_space<vmem>>, vector<1000x1xf32>
    %get3A_2 = arith.constant 0 : index
    %get3A_3 = arith.constant 0 : index
    %get3A_4 = vector.load %arg1[%get3A_2, %get3A_3] : memref<1000x128xf32, #tpu.memory_space<vmem>>, vector<1000x128xf32>
    %mul3A = vector.broadcast %get3A_1 : vector<1000x1xf32> to vector<1000x128xf32>
    %mul3A_5 = arith.mulf %mul3A, %get3A_4 : vector<1000x128xf32>
    %mul3A_6 = arith.mulf %get3A_1, %get3A_1 : vector<1000x1xf32>
    %get3A_7 = arith.constant 0 : index
    %get3A_8 = arith.constant 0 : index
    %get3A_9 = vector.load %arg2[%get3A_7, %get3A_8] : memref<1000x128xf32, #tpu.memory_space<vmem>>, vector<1000x128xf32>
    %mul3A_10 = vector.broadcast %mul3A_6 : vector<1000x1xf32> to vector<1000x128xf32>
    %mul3A_11 = arith.mulf %mul3A_10, %get3A_9 : vector<1000x128xf32>
    %add3A = arith.addf %mul3A_5, %mul3A_11 : vector<1000x128xf32>
    %get3A_12 = arith.constant 0 : index
    %get3A_13 = arith.constant 0 : index
    %get3A_14 = vector.load %arg4[%get3A_12, %get3A_13] : memref<128x256xf32, #tpu.memory_space<vmem>>, vector<128x256xf32>
    %dot_general3A = arith.constant dense<0.000000e+00> : vector<1000x256xf32>
    %dot_general3A_15 = tpu.matmul %add3A, %get3A_14, %dot_general3A {dimension_numbers = #tpu.dot_dimension_numbers<[1], [0], [0], [1], [0, 0, 1, 1], [], []>, transpose_lhs_hint = false} : vector<1000x128xf32>, vector<128x256xf32>, vector<1000x256xf32> -> vector<1000x256xf32>
    %get3A_16 = arith.constant 0 : index
    %get3A_17 = arith.constant 0 : index
    %get3A_18 = vector.load %arg5[%get3A_16, %get3A_17] : memref<1x256xf32, #tpu.memory_space<vmem>>, vector<1x256xf32>
    %add3A_19 = vector.broadcast %get3A_18 : vector<1x256xf32> to vector<1000x256xf32>
    %add3A_20 = arith.addf %dot_general3A_15, %add3A_19 : vector<1000x256xf32>
    %max3A = arith.constant 0.000000e+00 : f32
    %max3A_21 = vector.broadcast %max3A : f32 to vector<1000x256xf32>
    %max3A_22 = arith.maximumf %add3A_20, %max3A_21 : vector<1000x256xf32>
    %swap3A = arith.constant 0 : index
    %swap3A_23 = arith.constant 0 : index
    %swap3A_24 = vector.load %arg7[%swap3A, %swap3A_23] : memref<1000x256xf32, #tpu.memory_space<vmem>>, vector<1000x256xf32>
    tpu.vector_store %arg7[%swap3A, %swap3A_23], %max3A_22 {strides = array<i32>} : memref<1000x256xf32, #tpu.memory_space<vmem>>, vector<1000x256xf32>,
    %get3A_25 = arith.constant 0 : index
    %get3A_26 = arith.constant 0 : index
    %get3A_27 = vector.load %arg6[%get3A_25, %get3A_26] : memref<256x1xf32, #tpu.memory_space<vmem>>, vector<256x1xf32>
    %dot_general3A_28 = arith.constant dense<0.000000e+00> : vector<1000x1xf32>
    %dot_general3A_29 = tpu.matmul %max3A_22, %get3A_27, %dot_general3A_28 {dimension_numbers = #tpu.dot_dimension_numbers<[1], [0], [0], [1], [0, 0, 1, 1], [], []>, transpose_lhs_hint = false} : vector<1000x256xf32>, vector<256x1xf32>, vector<1000x1xf32> -> vector<1000x1xf32>
    %mul3A_30 = arith.mulf %get3A_27, %get3A_27 : vector<256x1xf32>
    %reduce_sum3A = vector.shape_cast %mul3A_30 : vector<256x1xf32> to vector<1x256x1xf32>
    %reduce_sum3A_31 = arith.constant dense<0.000000e+00> : vector<1xf32>
    %reduce_sum3A_32 = vector.multi_reduction <add>, %reduce_sum3A, %reduce_sum3A_31 [1, 2] : vector<1x256x1xf32> to vector<1xf32>
    %reduce_sum3A_33 = vector.shape_cast %reduce_sum3A_32 : vector<1xf32> to vector<1x1x1xf32>
    %reduce_sum3A_34 = vector.extract %reduce_sum3A_33[0, 0, 0] : f32 from vector<1x1x1xf32>
    %rsqrt3A = math.rsqrt %reduce_sum3A_34 : f32
    %mul3A_35 = vector.broadcast %rsqrt3A : f32 to vector<1000x1xf32>
    %mul3A_36 = arith.mulf %dot_general3A_29, %mul3A_35 : vector<1000x1xf32>
    %swap3A_37 = arith.constant 0 : index
    %swap3A_38 = arith.constant 0 : index
    %swap3A_39 = vector.load %arg8[%swap3A_37, %swap3A_38] : memref<1000x1xf32, #tpu.memory_space<vmem>>, vector<1000x1xf32>
    tpu.vector_store %arg8[%swap3A_37, %swap3A_38], %mul3A_36 {strides = array<i32>} : memref<1000x1xf32, #tpu.memory_space<vmem>>, vector<1000x1xf32>,
    %transpose3A = tpu.transpose %mul3A_36, [1, 0] : vector<1000x1xf32> -> vector<1x1000xf32>
    %broadcast_in_dim3A = vector.shape_cast %transpose3A : vector<1x1000xf32> to vector<1x1x1000xf32>
    %swap3A_40 = arith.constant 0 : index
    %swap3A_41 = arith.constant 0 : index
    %swap3A_42 = arith.constant 0 : index
    %swap3A_43 = vector.load %arg9[%swap3A_40, %swap3A_41, %swap3A_42] : memref<1x1x1000xf32, #tpu.memory_space<vmem>>, vector<1x1x1000xf32>
    tpu.vector_store %arg9[%swap3A_40, %swap3A_41, %swap3A_42], %broadcast_in_dim3A {strides = array<i32>} : memref<1x1x1000xf32, #tpu.memory_space<vmem>>, vector<1x1x1000xf32>,
    return
  }
  func.func @transform_0(%arg0: i32) -> (i32, i32) {
    %c0_i32 = arith.constant 0 : i32
    %c0_i32_0 = arith.constant 0 : i32
    return %arg0, %c0_i32 : i32, i32
  }
  func.func @transform_1(%arg0: i32) -> (i32, i32) {
    %c0_i32 = arith.constant 0 : i32
    %c0_i32_0 = arith.constant 0 : i32
    return %arg0, %c0_i32 : i32, i32
  }
  func.func @transform_2(%arg0: i32) -> (i32, i32) {
    %c0_i32 = arith.constant 0 : i32
    %c0_i32_0 = arith.constant 0 : i32
    return %arg0, %c0_i32 : i32, i32
  }
  func.func @transform_3(%arg0: i32) -> (i32, i32) {
    %c0_i32 = arith.constant 0 : i32
    %c0_i32_0 = arith.constant 0 : i32
    %c0_i32_1 = arith.constant 0 : i32
    return %c0_i32, %c0_i32_0 : i32, i32
  }
  func.func @transform_4(%arg0: i32) -> (i32, i32) {
    %c0_i32 = arith.constant 0 : i32
    %c0_i32_0 = arith.constant 0 : i32
    %c0_i32_1 = arith.constant 0 : i32
    return %c0_i32, %c0_i32_0 : i32, i32
  }
  func.func @transform_5(%arg0: i32) -> (i32, i32) {
    %c0_i32 = arith.constant 0 : i32
    %c0_i32_0 = arith.constant 0 : i32
    %c0_i32_1 = arith.constant 0 : i32
    return %c0_i32, %c0_i32_0 : i32, i32
  }
  func.func @transform_6(%arg0: i32) -> (i32, i32) {
    %c0_i32 = arith.constant 0 : i32
    %c0_i32_0 = arith.constant 0 : i32
    return %arg0, %c0_i32 : i32, i32
  }
  func.func @transform_7(%arg0: i32) -> (i32, i32) {
    %c0_i32 = arith.constant 0 : i32
    %c0_i32_0 = arith.constant 0 : i32
    return %arg0, %c0_i32 : i32, i32
  }
  func.func @transform_8(%arg0: i32) -> (i32, i32, i32) {
    %c0_i32 = arith.constant 0 : i32
    %c0_i32_0 = arith.constant 0 : i32
    %c0_i32_1 = arith.constant 0 : i32
    return %arg0, %c0_i32, %c0_i32_0 : i32, i32, i32
  }
}

module attributes {stable_mosaic.version = 14 : i64} {
  func.func @_topk1_body(%arg0: memref<10x1x1000xf32, #tpu.memory_space<vmem>>, %arg1: memref<10x1x1000xf32, #tpu.memory_space<vmem>>) attributes {dimension_semantics = [], scalar_prefetch = 0 : i64, scratch_operands = 0 : i64, tpu.core_type = #tpu.core_type<tc>} {
    %get3A = arith.constant 0 : index
    %get3A_0 = arith.constant 0 : index
    %get3A_1 = arith.constant 0 : index
    %get3A_2 = vector.load %arg0[%get3A, %get3A_0, %get3A_1] : memref<10x1x1000xf32, #tpu.memory_space<vmem>>, vector<10x1x1000xf32>
    %bitcast_convert_type3A = tpu.bitcast %get3A_2 : vector<10x1x1000xf32> -> vector<10x1x1000xi32>
    %ge3A = arith.constant -2147483648 : i32
    %ge3A_3 = vector.broadcast %ge3A : i32 to vector<10x1x1000xi32>
    %ge3A_4 = arith.cmpi uge, %bitcast_convert_type3A, %ge3A_3 : vector<10x1x1000xi32>
    %not3A = arith.constant dense<-1> : vector<10x1x1000xi32>
    %not3A_5 = arith.xori %bitcast_convert_type3A, %not3A : vector<10x1x1000xi32>
    %xor3A = arith.constant -2147483648 : i32
    %xor3A_6 = vector.broadcast %xor3A : i32 to vector<10x1x1000xi32>
    %xor3A_7 = arith.xori %bitcast_convert_type3A, %xor3A_6 : vector<10x1x1000xi32>
    %select_n3A = arith.select %ge3A_4, %not3A_5, %xor3A_7 : vector<10x1x1000xi1>, vector<10x1x1000xi32>
    %scan3A = arith.constant 0 : i32
    %scan3A_8 = arith.constant -1 : i32
    %scan3A_9 = arith.constant 0 : i32
    %scan3A_10 = arith.constant 32 : i32
    %scan3A_11 = arith.addi %scan3A_9, %scan3A_10 : i32
    %scan3A_12 = arith.constant 1 : i32
    %scan3A_13:2 = scf.for %scan3A_39 = %scan3A_9 to %scan3A_11 step %scan3A_12 iter_args(%scan3A_40 = %scan3A, %scan3A_41 = %scan3A_8) -> (i32, i32)  : i32 {
      %sub3A_42 = arith.subi %scan3A_41, %scan3A_40 : i32
      %shift_right_logical3A = arith.constant 1 : i32
      %shift_right_logical3A_43 = arith.shrui %sub3A_42, %shift_right_logical3A : i32
      %add3A_44 = arith.addi %scan3A_40, %shift_right_logical3A_43 : i32
      %add3A_45 = arith.constant 1 : i32
      %add3A_46 = arith.addi %add3A_44, %add3A_45 : i32
      %ge3A_47 = vector.broadcast %add3A_46 : i32 to vector<10x1x1000xi32>
      %ge3A_48 = arith.cmpi uge, %select_n3A, %ge3A_47 : vector<10x1x1000xi32>
      %convert_element_type3A_49 = arith.extui %ge3A_48 : vector<10x1x1000xi1> to vector<10x1x1000xi32>
      %reduce_sum3A_50 = vector.shape_cast %convert_element_type3A_49 : vector<10x1x1000xi32> to vector<1x10x1x1000xi32>
      %reduce_sum3A_51 = arith.constant dense<0> : vector<1xi32>
      %reduce_sum3A_52 = vector.multi_reduction <add>, %reduce_sum3A_50, %reduce_sum3A_51 [1, 2, 3] : vector<1x10x1x1000xi32> to vector<1xi32>
      %reduce_sum3A_53 = vector.shape_cast %reduce_sum3A_52 : vector<1xi32> to vector<1x1x1x1xi32>
      %reduce_sum3A_54 = vector.extract %reduce_sum3A_53[0, 0, 0, 0] : i32 from vector<1x1x1x1xi32>
      %ge3A_55 = arith.constant 8000 : i32
      %ge3A_56 = arith.cmpi sge, %reduce_sum3A_54, %ge3A_55 : i32
      %select_n3A_57 = arith.select %ge3A_56, %add3A_46, %scan3A_40 : i32
      %sub3A_58 = arith.constant 1 : i32
      %sub3A_59 = arith.subi %add3A_46, %sub3A_58 : i32
      %select_n3A_60 = arith.select %ge3A_56, %scan3A_41, %sub3A_59 : i32
      scf.yield %select_n3A_57, %select_n3A_60 : i32, i32
    }
    %gt3A = vector.broadcast %scan3A_13#0 : i32 to vector<10x1x1000xi32>
    %gt3A_14 = arith.cmpi ugt, %select_n3A, %gt3A : vector<10x1x1000xi32>
    %convert_element_type3A = arith.extui %gt3A_14 : vector<10x1x1000xi1> to vector<10x1x1000xi32>
    %reduce_sum3A = vector.shape_cast %convert_element_type3A : vector<10x1x1000xi32> to vector<1x10x1x1000xi32>
    %reduce_sum3A_15 = arith.constant dense<0> : vector<1xi32>
    %reduce_sum3A_16 = vector.multi_reduction <add>, %reduce_sum3A, %reduce_sum3A_15 [1, 2, 3] : vector<1x10x1x1000xi32> to vector<1xi32>
    %reduce_sum3A_17 = vector.shape_cast %reduce_sum3A_16 : vector<1xi32> to vector<1x1x1x1xi32>
    %reduce_sum3A_18 = vector.extract %reduce_sum3A_17[0, 0, 0, 0] : i32 from vector<1x1x1x1xi32>
    %sub3A = arith.constant 8000 : i32
    %sub3A_19 = arith.subi %sub3A, %reduce_sum3A_18 : i32
    %iota3A = tpu.iota {dimensions = array<i32: 0>} : vector<10x1x1000xi32>
    %mul3A = arith.constant 1000 : i32
    %mul3A_20 = vector.broadcast %mul3A : i32 to vector<10x1x1000xi32>
    %mul3A_21 = arith.muli %iota3A, %mul3A_20 : vector<10x1x1000xi32>
    %iota3A_22 = tpu.iota {dimensions = array<i32: 2>} : vector<10x1x1000xi32>
    %add3A = arith.addi %mul3A_21, %iota3A_22 : vector<10x1x1000xi32>
    %eq3A = vector.broadcast %scan3A_13#0 : i32 to vector<10x1x1000xi32>
    %eq3A_23 = arith.cmpi eq, %select_n3A, %eq3A : vector<10x1x1000xi32>
    %scan3A_24 = arith.constant 0 : i32
    %scan3A_25 = arith.constant 9999 : i32
    %scan3A_26 = arith.constant 0 : i32
    %scan3A_27 = arith.constant 14 : i32
    %scan3A_28 = arith.addi %scan3A_26, %scan3A_27 : i32
    %scan3A_29 = arith.constant 1 : i32
    %scan3A_30:2 = scf.for %scan3A_39 = %scan3A_26 to %scan3A_28 step %scan3A_29 iter_args(%scan3A_40 = %scan3A_24, %scan3A_41 = %scan3A_25) -> (i32, i32)  : i32 {
      %add3A_42 = arith.addi %scan3A_40, %scan3A_41 : i32
      %shift_right_arithmetic3A = arith.constant 1 : i32
      %shift_right_arithmetic3A_43 = arith.shrsi %add3A_42, %shift_right_arithmetic3A : i32
      %le3A_44 = vector.broadcast %shift_right_arithmetic3A_43 : i32 to vector<10x1x1000xi32>
      %le3A_45 = arith.cmpi sle, %add3A, %le3A_44 : vector<10x1x1000xi32>
      %and3A_46 = arith.andi %eq3A_23, %le3A_45 : vector<10x1x1000xi1>
      %convert_element_type3A_47 = arith.extui %and3A_46 : vector<10x1x1000xi1> to vector<10x1x1000xi32>
      %reduce_sum3A_48 = vector.shape_cast %convert_element_type3A_47 : vector<10x1x1000xi32> to vector<1x10x1x1000xi32>
      %reduce_sum3A_49 = arith.constant dense<0> : vector<1xi32>
      %reduce_sum3A_50 = vector.multi_reduction <add>, %reduce_sum3A_48, %reduce_sum3A_49 [1, 2, 3] : vector<1x10x1x1000xi32> to vector<1xi32>
      %reduce_sum3A_51 = vector.shape_cast %reduce_sum3A_50 : vector<1xi32> to vector<1x1x1x1xi32>
      %reduce_sum3A_52 = vector.extract %reduce_sum3A_51[0, 0, 0, 0] : i32 from vector<1x1x1x1xi32>
      %ge3A_53 = arith.cmpi sge, %reduce_sum3A_52, %sub3A_19 : i32
      %add3A_54 = arith.constant 1 : i32
      %add3A_55 = arith.addi %shift_right_arithmetic3A_43, %add3A_54 : i32
      %select_n3A_56 = arith.select %ge3A_53, %scan3A_40, %add3A_55 : i32
      %select_n3A_57 = arith.select %ge3A_53, %shift_right_arithmetic3A_43, %scan3A_41 : i32
      scf.yield %select_n3A_56, %select_n3A_57 : i32, i32
    }
    %gt3A_31 = vector.broadcast %scan3A_13#0 : i32 to vector<10x1x1000xi32>
    %gt3A_32 = arith.cmpi ugt, %select_n3A, %gt3A_31 : vector<10x1x1000xi32>
    %le3A = vector.broadcast %scan3A_30#0 : i32 to vector<10x1x1000xi32>
    %le3A_33 = arith.cmpi sle, %add3A, %le3A : vector<10x1x1000xi32>
    %and3A = arith.andi %eq3A_23, %le3A_33 : vector<10x1x1000xi1>
    %or3A = arith.ori %gt3A_32, %and3A : vector<10x1x1000xi1>
    %convert_element_type3A_34 = arith.extui %or3A : vector<10x1x1000xi1> to vector<10x1x1000xi32>
    %convert_element_type3A_35 = arith.sitofp %convert_element_type3A_34 : vector<10x1x1000xi32> to vector<10x1x1000xf32>
    %swap3A = arith.constant 0 : index
    %swap3A_36 = arith.constant 0 : index
    %swap3A_37 = arith.constant 0 : index
    %swap3A_38 = vector.load %arg1[%swap3A, %swap3A_36, %swap3A_37] : memref<10x1x1000xf32, #tpu.memory_space<vmem>>, vector<10x1x1000xf32>
    tpu.vector_store %arg1[%swap3A, %swap3A_36, %swap3A_37], %convert_element_type3A_35 {strides = array<i32>} : memref<10x1x1000xf32, #tpu.memory_space<vmem>>, vector<10x1x1000xf32>,
    return
  }
}

module attributes {stable_mosaic.version = 14 : i64} {
  func.func @_pool_mm_body(%arg0: i32, %arg1: memref<1000x256xf32, #tpu.memory_space<vmem>>, %arg2: memref<1000x1xf32, #tpu.memory_space<vmem>>, %arg3: memref<1x1x1000xf32, #tpu.memory_space<vmem>>, %arg4: memref<256x128xf32, #tpu.memory_space<vmem>>, %arg5: memref<1000x128xf32, #tpu.memory_space<vmem>>, %arg6: memref<1000x1xf32, #tpu.memory_space<vmem>>, %arg7: memref<1000x16xf32, #tpu.memory_space<vmem>>) attributes {dimension_semantics = [#tpu.dimension_semantics<arbitrary>], iteration_bounds = array<i64: 10>, scalar_prefetch = 0 : i64, scratch_operands = 0 : i64, tpu.core_type = #tpu.core_type<tc>, window_params = [{transform_indices = @transform_0, window_bounds = array<i64: 1000, 256>}, {transform_indices = @transform_1, window_bounds = array<i64: 1000, 1>}, {transform_indices = @transform_2, window_bounds = array<i64: 1, 1, 1000>}, {pipeline_mode = #tpu.pipeline_mode<synchronous>, transform_indices = @transform_3, window_bounds = array<i64: 256, 128>}, {transform_indices = @transform_4, window_bounds = array<i64: 1000, 128>}, {transform_indices = @transform_5, window_bounds = array<i64: 1000, 1>}, {transform_indices = @transform_6, window_bounds = array<i64: 1000, 16>}]} {
    %get3A = arith.constant 0 : index
    %get3A_0 = arith.constant 0 : index
    %get3A_1 = arith.constant 0 : index
    %get3A_2 = vector.load %arg3[%get3A, %get3A_0, %get3A_1] : memref<1x1x1000xf32, #tpu.memory_space<vmem>>, vector<1x1x1000xf32>
    %get3A_3 = vector.shape_cast %get3A_2 : vector<1x1x1000xf32> to vector<1x1000xf32>
    %transpose3A = tpu.transpose %get3A_3, [1, 0] : vector<1x1000xf32> -> vector<1000x1xf32>
    %swap3A = arith.constant 0 : index
    %swap3A_4 = arith.constant 0 : index
    %swap3A_5 = vector.load %arg6[%swap3A, %swap3A_4] : memref<1000x1xf32, #tpu.memory_space<vmem>>, vector<1000x1xf32>
    tpu.vector_store %arg6[%swap3A, %swap3A_4], %transpose3A {strides = array<i32>} : memref<1000x1xf32, #tpu.memory_space<vmem>>, vector<1000x1xf32>,
    %broadcast_in_dim3A = vector.shape_cast %transpose3A : vector<1000x1xf32> to vector<1000x1xf32>
    %broadcast_in_dim3A_6 = vector.broadcast %broadcast_in_dim3A : vector<1000x1xf32> to vector<1000x16xf32>
    %swap3A_7 = arith.constant 0 : index
    %swap3A_8 = arith.constant 0 : index
    %swap3A_9 = vector.load %arg7[%swap3A_7, %swap3A_8] : memref<1000x16xf32, #tpu.memory_space<vmem>>, vector<1000x16xf32>
    tpu.vector_store %arg7[%swap3A_7, %swap3A_8], %broadcast_in_dim3A_6 {strides = array<i32>} : memref<1000x16xf32, #tpu.memory_space<vmem>>, vector<1000x16xf32>,
    %get3A_10 = arith.constant 0 : index
    %get3A_11 = arith.constant 0 : index
    %get3A_12 = vector.load %arg1[%get3A_10, %get3A_11] : memref<1000x256xf32, #tpu.memory_space<vmem>>, vector<1000x256xf32>
    %get3A_13 = arith.constant 0 : index
    %get3A_14 = arith.constant 0 : index
    %get3A_15 = vector.load %arg2[%get3A_13, %get3A_14] : memref<1000x1xf32, #tpu.memory_space<vmem>>, vector<1000x1xf32>
    %tanh3A = math.tanh %get3A_15 : vector<1000x1xf32>
    %mul3A = arith.mulf %tanh3A, %transpose3A : vector<1000x1xf32>
    %mul3A_16 = vector.broadcast %mul3A : vector<1000x1xf32> to vector<1000x256xf32>
    %mul3A_17 = arith.mulf %get3A_12, %mul3A_16 : vector<1000x256xf32>
    %get3A_18 = arith.constant 0 : index
    %get3A_19 = arith.constant 0 : index
    %get3A_20 = vector.load %arg4[%get3A_18, %get3A_19] : memref<256x128xf32, #tpu.memory_space<vmem>>, vector<256x128xf32>
    %dot_general3A = arith.constant dense<0.000000e+00> : vector<1000x128xf32>
    %dot_general3A_21 = tpu.matmul %mul3A_17, %get3A_20, %dot_general3A {dimension_numbers = #tpu.dot_dimension_numbers<[1], [0], [0], [1], [0, 0, 1, 1], [], []>, transpose_lhs_hint = false} : vector<1000x256xf32>, vector<256x128xf32>, vector<1000x128xf32> -> vector<1000x128xf32>
    %swap3A_22 = arith.constant 0 : index
    %swap3A_23 = arith.constant 0 : index
    %swap3A_24 = vector.load %arg5[%swap3A_22, %swap3A_23] : memref<1000x128xf32, #tpu.memory_space<vmem>>, vector<1000x128xf32>
    tpu.vector_store %arg5[%swap3A_22, %swap3A_23], %dot_general3A_21 {strides = array<i32>} : memref<1000x128xf32, #tpu.memory_space<vmem>>, vector<1000x128xf32>,
    return
  }
  func.func @transform_0(%arg0: i32) -> (i32, i32) {
    %c0_i32 = arith.constant 0 : i32
    %c0_i32_0 = arith.constant 0 : i32
    return %arg0, %c0_i32 : i32, i32
  }
  func.func @transform_1(%arg0: i32) -> (i32, i32) {
    %c0_i32 = arith.constant 0 : i32
    %c0_i32_0 = arith.constant 0 : i32
    return %arg0, %c0_i32 : i32, i32
  }
  func.func @transform_2(%arg0: i32) -> (i32, i32, i32) {
    %c0_i32 = arith.constant 0 : i32
    %c0_i32_0 = arith.constant 0 : i32
    %c0_i32_1 = arith.constant 0 : i32
    return %arg0, %c0_i32, %c0_i32_0 : i32, i32, i32
  }
  func.func @transform_3(%arg0: i32) -> (i32, i32) {
    %c0_i32 = arith.constant 0 : i32
    %c0_i32_0 = arith.constant 0 : i32
    %c0_i32_1 = arith.constant 0 : i32
    return %c0_i32, %c0_i32_0 : i32, i32
  }
  func.func @transform_4(%arg0: i32) -> (i32, i32) {
    %c0_i32 = arith.constant 0 : i32
    %c0_i32_0 = arith.constant 0 : i32
    return %arg0, %c0_i32 : i32, i32
  }
  func.func @transform_5(%arg0: i32) -> (i32, i32) {
    %c0_i32 = arith.constant 0 : i32
    %c0_i32_0 = arith.constant 0 : i32
    return %arg0, %c0_i32 : i32, i32
  }
  func.func @transform_6(%arg0: i32) -> (i32, i32) {
    %c0_i32 = arith.constant 0 : i32
    %c0_i32_0 = arith.constant 0 : i32
    return %arg0, %c0_i32 : i32, i32
  }
}

module attributes {stable_mosaic.version = 14 : i64} {
  func.func @_conv2_post_body(%arg0: i32, %arg1: memref<1000x128xf32, #tpu.memory_space<vmem>>, %arg2: memref<1000x128xf32, #tpu.memory_space<vmem>>, %arg3: memref<1000x1xf32, #tpu.memory_space<vmem>>, %arg4: memref<1x128xf32, #tpu.memory_space<vmem>>, %arg5: memref<128x1xf32, #tpu.memory_space<vmem>>, %arg6: memref<1000x1xf32, #tpu.memory_space<vmem>>, %arg7: memref<1000x128xf32, #tpu.memory_space<vmem>>, %arg8: memref<1x1x1000xf32, #tpu.memory_space<vmem>>) attributes {dimension_semantics = [#tpu.dimension_semantics<arbitrary>], iteration_bounds = array<i64: 10>, scalar_prefetch = 0 : i64, scratch_operands = 0 : i64, tpu.core_type = #tpu.core_type<tc>, window_params = [{transform_indices = @transform_0, window_bounds = array<i64: 1000, 128>}, {transform_indices = @transform_1, window_bounds = array<i64: 1000, 128>}, {transform_indices = @transform_2, window_bounds = array<i64: 1000, 1>}, {pipeline_mode = #tpu.pipeline_mode<synchronous>, transform_indices = @transform_3, window_bounds = array<i64: 1, 128>}, {pipeline_mode = #tpu.pipeline_mode<synchronous>, transform_indices = @transform_4, window_bounds = array<i64: 128, 1>}, {transform_indices = @transform_5, window_bounds = array<i64: 1000, 1>}, {transform_indices = @transform_6, window_bounds = array<i64: 1000, 128>}, {transform_indices = @transform_7, window_bounds = array<i64: 1, 1, 1000>}]} {
    %get3A = arith.constant 0 : index
    %get3A_0 = arith.constant 0 : index
    %get3A_1 = vector.load %arg3[%get3A, %get3A_0] : memref<1000x1xf32, #tpu.memory_space<vmem>>, vector<1000x1xf32>
    %get3A_2 = arith.constant 0 : index
    %get3A_3 = arith.constant 0 : index
    %get3A_4 = vector.load %arg1[%get3A_2, %get3A_3] : memref<1000x128xf32, #tpu.memory_space<vmem>>, vector<1000x128xf32>
    %mul3A = vector.broadcast %get3A_1 : vector<1000x1xf32> to vector<1000x128xf32>
    %mul3A_5 = arith.mulf %mul3A, %get3A_4 : vector<1000x128xf32>
    %mul3A_6 = arith.mulf %get3A_1, %get3A_1 : vector<1000x1xf32>
    %get3A_7 = arith.constant 0 : index
    %get3A_8 = arith.constant 0 : index
    %get3A_9 = vector.load %arg2[%get3A_7, %get3A_8] : memref<1000x128xf32, #tpu.memory_space<vmem>>, vector<1000x128xf32>
    %mul3A_10 = vector.broadcast %mul3A_6 : vector<1000x1xf32> to vector<1000x128xf32>
    %mul3A_11 = arith.mulf %mul3A_10, %get3A_9 : vector<1000x128xf32>
    %add3A = arith.addf %mul3A_5, %mul3A_11 : vector<1000x128xf32>
    %get3A_12 = arith.constant 0 : index
    %get3A_13 = arith.constant 0 : index
    %get3A_14 = vector.load %arg4[%get3A_12, %get3A_13] : memref<1x128xf32, #tpu.memory_space<vmem>>, vector<1x128xf32>
    %add3A_15 = vector.broadcast %get3A_14 : vector<1x128xf32> to vector<1000x128xf32>
    %add3A_16 = arith.addf %add3A, %add3A_15 : vector<1000x128xf32>
    %max3A = arith.constant 0.000000e+00 : f32
    %max3A_17 = vector.broadcast %max3A : f32 to vector<1000x128xf32>
    %max3A_18 = arith.maximumf %add3A_16, %max3A_17 : vector<1000x128xf32>
    %swap3A = arith.constant 0 : index
    %swap3A_19 = arith.constant 0 : index
    %swap3A_20 = vector.load %arg7[%swap3A, %swap3A_19] : memref<1000x128xf32, #tpu.memory_space<vmem>>, vector<1000x128xf32>
    tpu.vector_store %arg7[%swap3A, %swap3A_19], %max3A_18 {strides = array<i32>} : memref<1000x128xf32, #tpu.memory_space<vmem>>, vector<1000x128xf32>,
    %get3A_21 = arith.constant 0 : index
    %get3A_22 = arith.constant 0 : index
    %get3A_23 = vector.load %arg5[%get3A_21, %get3A_22] : memref<128x1xf32, #tpu.memory_space<vmem>>, vector<128x1xf32>
    %dot_general3A = arith.constant dense<0.000000e+00> : vector<1000x1xf32>
    %dot_general3A_24 = tpu.matmul %max3A_18, %get3A_23, %dot_general3A {dimension_numbers = #tpu.dot_dimension_numbers<[1], [0], [0], [1], [0, 0, 1, 1], [], []>, transpose_lhs_hint = false} : vector<1000x128xf32>, vector<128x1xf32>, vector<1000x1xf32> -> vector<1000x1xf32>
    %mul3A_25 = arith.mulf %get3A_23, %get3A_23 : vector<128x1xf32>
    %reduce_sum3A = vector.shape_cast %mul3A_25 : vector<128x1xf32> to vector<1x128x1xf32>
    %reduce_sum3A_26 = arith.constant dense<0.000000e+00> : vector<1xf32>
    %reduce_sum3A_27 = vector.multi_reduction <add>, %reduce_sum3A, %reduce_sum3A_26 [1, 2] : vector<1x128x1xf32> to vector<1xf32>
    %reduce_sum3A_28 = vector.shape_cast %reduce_sum3A_27 : vector<1xf32> to vector<1x1x1xf32>
    %reduce_sum3A_29 = vector.extract %reduce_sum3A_28[0, 0, 0] : f32 from vector<1x1x1xf32>
    %rsqrt3A = math.rsqrt %reduce_sum3A_29 : f32
    %mul3A_30 = vector.broadcast %rsqrt3A : f32 to vector<1000x1xf32>
    %mul3A_31 = arith.mulf %dot_general3A_24, %mul3A_30 : vector<1000x1xf32>
    %get3A_32 = arith.constant 0 : index
    %get3A_33 = arith.constant 0 : index
    %get3A_34 = vector.load %arg6[%get3A_32, %get3A_33] : memref<1000x1xf32, #tpu.memory_space<vmem>>, vector<1000x1xf32>
    %gt3A = arith.constant 0.000000e+00 : f32
    %gt3A_35 = vector.broadcast %gt3A : f32 to vector<1000x1xf32>
    %gt3A_36 = arith.cmpf ogt, %get3A_34, %gt3A_35 : vector<1000x1xf32>
    %jit3A = arith.constant 0xFF800000 : f32
    %broadcast_in_dim3A = vector.broadcast %jit3A : f32 to vector<1000x1xf32>
    %select_n3A = arith.select %gt3A_36, %mul3A_31, %broadcast_in_dim3A : vector<1000x1xi1>, vector<1000x1xf32>
    %transpose3A = tpu.transpose %select_n3A, [1, 0] : vector<1000x1xf32> -> vector<1x1000xf32>
    %broadcast_in_dim3A_37 = vector.shape_cast %transpose3A : vector<1x1000xf32> to vector<1x1x1000xf32>
    %swap3A_38 = arith.constant 0 : index
    %swap3A_39 = arith.constant 0 : index
    %swap3A_40 = arith.constant 0 : index
    %swap3A_41 = vector.load %arg8[%swap3A_38, %swap3A_39, %swap3A_40] : memref<1x1x1000xf32, #tpu.memory_space<vmem>>, vector<1x1x1000xf32>
    tpu.vector_store %arg8[%swap3A_38, %swap3A_39, %swap3A_40], %broadcast_in_dim3A_37 {strides = array<i32>} : memref<1x1x1000xf32, #tpu.memory_space<vmem>>, vector<1x1x1000xf32>,
    return
  }
  func.func @transform_0(%arg0: i32) -> (i32, i32) {
    %c0_i32 = arith.constant 0 : i32
    %c0_i32_0 = arith.constant 0 : i32
    return %arg0, %c0_i32 : i32, i32
  }
  func.func @transform_1(%arg0: i32) -> (i32, i32) {
    %c0_i32 = arith.constant 0 : i32
    %c0_i32_0 = arith.constant 0 : i32
    return %arg0, %c0_i32 : i32, i32
  }
  func.func @transform_2(%arg0: i32) -> (i32, i32) {
    %c0_i32 = arith.constant 0 : i32
    %c0_i32_0 = arith.constant 0 : i32
    return %arg0, %c0_i32 : i32, i32
  }
  func.func @transform_3(%arg0: i32) -> (i32, i32) {
    %c0_i32 = arith.constant 0 : i32
    %c0_i32_0 = arith.constant 0 : i32
    %c0_i32_1 = arith.constant 0 : i32
    return %c0_i32, %c0_i32_0 : i32, i32
  }
  func.func @transform_4(%arg0: i32) -> (i32, i32) {
    %c0_i32 = arith.constant 0 : i32
    %c0_i32_0 = arith.constant 0 : i32
    %c0_i32_1 = arith.constant 0 : i32
    return %c0_i32, %c0_i32_0 : i32, i32
  }
  func.func @transform_5(%arg0: i32) -> (i32, i32) {
    %c0_i32 = arith.constant 0 : i32
    %c0_i32_0 = arith.constant 0 : i32
    return %arg0, %c0_i32 : i32, i32
  }
  func.func @transform_6(%arg0: i32) -> (i32, i32) {
    %c0_i32 = arith.constant 0 : i32
    %c0_i32_0 = arith.constant 0 : i32
    return %arg0, %c0_i32 : i32, i32
  }
  func.func @transform_7(%arg0: i32) -> (i32, i32, i32) {
    %c0_i32 = arith.constant 0 : i32
    %c0_i32_0 = arith.constant 0 : i32
    %c0_i32_1 = arith.constant 0 : i32
    return %arg0, %c0_i32, %c0_i32_0 : i32, i32, i32
  }
}

module attributes {stable_mosaic.version = 14 : i64} {
  func.func @_final_body(%arg0: i32, %arg1: memref<1000x128xf32, #tpu.memory_space<vmem>>, %arg2: memref<10x1x1000xf32, #tpu.memory_space<vmem>>, %arg3: memref<128x128xf32, #tpu.memory_space<vmem>>, %arg4: memref<1x128xf32, #tpu.memory_space<vmem>>, %arg5: memref<1x128xf32, #tpu.memory_space<vmem>>, %arg6: memref<10x1x1000xf32, #tpu.memory_space<vmem>>) attributes {dimension_semantics = [#tpu.dimension_semantics<arbitrary>], iteration_bounds = array<i64: 10>, scalar_prefetch = 0 : i64, scratch_operands = 1 : i64, tpu.core_type = #tpu.core_type<tc>, window_params = [{transform_indices = @transform_0, window_bounds = array<i64: 1000, 128>}, {pipeline_mode = #tpu.pipeline_mode<synchronous>, transform_indices = @transform_1, window_bounds = array<i64: 10, 1, 1000>}, {pipeline_mode = #tpu.pipeline_mode<synchronous>, transform_indices = @transform_2, window_bounds = array<i64: 128, 128>}, {pipeline_mode = #tpu.pipeline_mode<synchronous>, transform_indices = @transform_3, window_bounds = array<i64: 1, 128>}, {pipeline_mode = #tpu.pipeline_mode<synchronous>, transform_indices = @transform_4, window_bounds = array<i64: 1, 128>}]} {
    %eq3A = arith.constant 0 : i32
    %eq3A_0 = arith.cmpi eq, %arg0, %eq3A : i32
    %convert_element_type3A = arith.extui %eq3A_0 : i1 to i32
    %cond3A = arith.constant 0 : i32
    %cond3A_1 = arith.cmpi ne, %convert_element_type3A, %cond3A : i32
    scf.if %cond3A_1 {
      %get3A_20 = arith.constant 0 : index
      %get3A_21 = arith.constant 0 : index
      %get3A_22 = arith.constant 0 : index
      %get3A_23 = vector.load %arg2[%get3A_20, %get3A_21, %get3A_22] : memref<10x1x1000xf32, #tpu.memory_space<vmem>>, vector<10x1x1000xf32>
      %bitcast_convert_type3A = tpu.bitcast %get3A_23 : vector<10x1x1000xf32> -> vector<10x1x1000xi32>
      %ge3A = arith.constant -2147483648 : i32
      %ge3A_24 = vector.broadcast %ge3A : i32 to vector<10x1x1000xi32>
      %ge3A_25 = arith.cmpi uge, %bitcast_convert_type3A, %ge3A_24 : vector<10x1x1000xi32>
      %not3A = arith.constant dense<-1> : vector<10x1x1000xi32>
      %not3A_26 = arith.xori %bitcast_convert_type3A, %not3A : vector<10x1x1000xi32>
      %xor3A = arith.constant -2147483648 : i32
      %xor3A_27 = vector.broadcast %xor3A : i32 to vector<10x1x1000xi32>
      %xor3A_28 = arith.xori %bitcast_convert_type3A, %xor3A_27 : vector<10x1x1000xi32>
      %select_n3A = arith.select %ge3A_25, %not3A_26, %xor3A_28 : vector<10x1x1000xi1>, vector<10x1x1000xi32>
      %scan3A = arith.constant 0 : i32
      %scan3A_29 = arith.constant -1 : i32
      %scan3A_30 = arith.constant 0 : i32
      %scan3A_31 = arith.constant 32 : i32
      %scan3A_32 = arith.addi %scan3A_30, %scan3A_31 : i32
      %scan3A_33 = arith.constant 1 : i32
      %scan3A_34:2 = scf.for %scan3A_75 = %scan3A_30 to %scan3A_32 step %scan3A_33 iter_args(%scan3A_76 = %scan3A, %scan3A_77 = %scan3A_29) -> (i32, i32)  : i32 {
        %sub3A_78 = arith.subi %scan3A_77, %scan3A_76 : i32
        %shift_right_logical3A = arith.constant 1 : i32
        %shift_right_logical3A_79 = arith.shrui %sub3A_78, %shift_right_logical3A : i32
        %add3A_80 = arith.addi %scan3A_76, %shift_right_logical3A_79 : i32
        %add3A_81 = arith.constant 1 : i32
        %add3A_82 = arith.addi %add3A_80, %add3A_81 : i32
        %ge3A_83 = vector.broadcast %add3A_82 : i32 to vector<10x1x1000xi32>
        %ge3A_84 = arith.cmpi uge, %select_n3A, %ge3A_83 : vector<10x1x1000xi32>
        %convert_element_type3A_85 = arith.extui %ge3A_84 : vector<10x1x1000xi1> to vector<10x1x1000xi32>
        %reduce_sum3A_86 = vector.shape_cast %convert_element_type3A_85 : vector<10x1x1000xi32> to vector<1x10x1x1000xi32>
        %reduce_sum3A_87 = arith.constant dense<0> : vector<1xi32>
        %reduce_sum3A_88 = vector.multi_reduction <add>, %reduce_sum3A_86, %reduce_sum3A_87 [1, 2, 3] : vector<1x10x1x1000xi32> to vector<1xi32>
        %reduce_sum3A_89 = vector.shape_cast %reduce_sum3A_88 : vector<1xi32> to vector<1x1x1x1xi32>
        %reduce_sum3A_90 = vector.extract %reduce_sum3A_89[0, 0, 0, 0] : i32 from vector<1x1x1x1xi32>
        %ge3A_91 = arith.constant 6400 : i32
        %ge3A_92 = arith.cmpi sge, %reduce_sum3A_90, %ge3A_91 : i32
        %select_n3A_93 = arith.select %ge3A_92, %add3A_82, %scan3A_76 : i32
        %sub3A_94 = arith.constant 1 : i32
        %sub3A_95 = arith.subi %add3A_82, %sub3A_94 : i32
        %select_n3A_96 = arith.select %ge3A_92, %scan3A_77, %sub3A_95 : i32
        scf.yield %select_n3A_93, %select_n3A_96 : i32, i32
      }
      %gt3A = vector.broadcast %scan3A_34#0 : i32 to vector<10x1x1000xi32>
      %gt3A_35 = arith.cmpi ugt, %select_n3A, %gt3A : vector<10x1x1000xi32>
      %convert_element_type3A_36 = arith.extui %gt3A_35 : vector<10x1x1000xi1> to vector<10x1x1000xi32>
      %reduce_sum3A_37 = vector.shape_cast %convert_element_type3A_36 : vector<10x1x1000xi32> to vector<1x10x1x1000xi32>
      %reduce_sum3A_38 = arith.constant dense<0> : vector<1xi32>
      %reduce_sum3A_39 = vector.multi_reduction <add>, %reduce_sum3A_37, %reduce_sum3A_38 [1, 2, 3] : vector<1x10x1x1000xi32> to vector<1xi32>
      %reduce_sum3A_40 = vector.shape_cast %reduce_sum3A_39 : vector<1xi32> to vector<1x1x1x1xi32>
      %reduce_sum3A_41 = vector.extract %reduce_sum3A_40[0, 0, 0, 0] : i32 from vector<1x1x1x1xi32>
      %sub3A = arith.constant 6400 : i32
      %sub3A_42 = arith.subi %sub3A, %reduce_sum3A_41 : i32
      %iota3A = tpu.iota {dimensions = array<i32: 0>} : vector<10x1x1000xi32>
      %mul3A_43 = arith.constant 1000 : i32
      %mul3A_44 = vector.broadcast %mul3A_43 : i32 to vector<10x1x1000xi32>
      %mul3A_45 = arith.muli %iota3A, %mul3A_44 : vector<10x1x1000xi32>
      %iota3A_46 = tpu.iota {dimensions = array<i32: 2>} : vector<10x1x1000xi32>
      %add3A_47 = arith.addi %mul3A_45, %iota3A_46 : vector<10x1x1000xi32>
      %eq3A_48 = vector.broadcast %scan3A_34#0 : i32 to vector<10x1x1000xi32>
      %eq3A_49 = arith.cmpi eq, %select_n3A, %eq3A_48 : vector<10x1x1000xi32>
      %scan3A_50 = arith.constant 0 : i32
      %scan3A_51 = arith.constant 9999 : i32
      %scan3A_52 = arith.constant 0 : i32
      %scan3A_53 = arith.constant 14 : i32
      %scan3A_54 = arith.addi %scan3A_52, %scan3A_53 : i32
      %scan3A_55 = arith.constant 1 : i32
      %scan3A_56:2 = scf.for %scan3A_75 = %scan3A_52 to %scan3A_54 step %scan3A_55 iter_args(%scan3A_76 = %scan3A_50, %scan3A_77 = %scan3A_51) -> (i32, i32)  : i32 {
        %add3A_78 = arith.addi %scan3A_76, %scan3A_77 : i32
        %shift_right_arithmetic3A = arith.constant 1 : i32
        %shift_right_arithmetic3A_79 = arith.shrsi %add3A_78, %shift_right_arithmetic3A : i32
        %le3A_80 = vector.broadcast %shift_right_arithmetic3A_79 : i32 to vector<10x1x1000xi32>
        %le3A_81 = arith.cmpi sle, %add3A_47, %le3A_80 : vector<10x1x1000xi32>
        %and3A_82 = arith.andi %eq3A_49, %le3A_81 : vector<10x1x1000xi1>
        %convert_element_type3A_83 = arith.extui %and3A_82 : vector<10x1x1000xi1> to vector<10x1x1000xi32>
        %reduce_sum3A_84 = vector.shape_cast %convert_element_type3A_83 : vector<10x1x1000xi32> to vector<1x10x1x1000xi32>
        %reduce_sum3A_85 = arith.constant dense<0> : vector<1xi32>
        %reduce_sum3A_86 = vector.multi_reduction <add>, %reduce_sum3A_84, %reduce_sum3A_85 [1, 2, 3] : vector<1x10x1x1000xi32> to vector<1xi32>
        %reduce_sum3A_87 = vector.shape_cast %reduce_sum3A_86 : vector<1xi32> to vector<1x1x1x1xi32>
        %reduce_sum3A_88 = vector.extract %reduce_sum3A_87[0, 0, 0, 0] : i32 from vector<1x1x1x1xi32>
        %ge3A_89 = arith.cmpi sge, %reduce_sum3A_88, %sub3A_42 : i32
        %add3A_90 = arith.constant 1 : i32
        %add3A_91 = arith.addi %shift_right_arithmetic3A_79, %add3A_90 : i32
        %select_n3A_92 = arith.select %ge3A_89, %scan3A_76, %add3A_91 : i32
        %select_n3A_93 = arith.select %ge3A_89, %shift_right_arithmetic3A_79, %scan3A_77 : i32
        scf.yield %select_n3A_92, %select_n3A_93 : i32, i32
      }
      %gt3A_57 = vector.broadcast %scan3A_34#0 : i32 to vector<10x1x1000xi32>
      %gt3A_58 = arith.cmpi ugt, %select_n3A, %gt3A_57 : vector<10x1x1000xi32>
      %le3A = vector.broadcast %scan3A_56#0 : i32 to vector<10x1x1000xi32>
      %le3A_59 = arith.cmpi sle, %add3A_47, %le3A : vector<10x1x1000xi32>
      %and3A = arith.andi %eq3A_49, %le3A_59 : vector<10x1x1000xi1>
      %or3A = arith.ori %gt3A_58, %and3A : vector<10x1x1000xi1>
      %convert_element_type3A_60 = arith.extui %or3A : vector<10x1x1000xi1> to vector<10x1x1000xi32>
      %convert_element_type3A_61 = arith.sitofp %convert_element_type3A_60 : vector<10x1x1000xi32> to vector<10x1x1000xf32>
      %tanh3A = math.tanh %get3A_23 : vector<10x1x1000xf32>
      %mul3A_62 = arith.mulf %tanh3A, %convert_element_type3A_61 : vector<10x1x1000xf32>
      %mul3A_63 = arith.constant 1.562500e-04 : f32
      %mul3A_64 = vector.broadcast %mul3A_63 : f32 to vector<10x1x1000xf32>
      %mul3A_65 = arith.mulf %mul3A_62, %mul3A_64 : vector<10x1x1000xf32>
      %swap3A_66 = arith.constant 0 : index
      %swap3A_67 = arith.constant 0 : index
      %swap3A_68 = arith.constant 0 : index
      %swap3A_69 = vector.load %arg6[%swap3A_66, %swap3A_67, %swap3A_68] : memref<10x1x1000xf32, #tpu.memory_space<vmem>>, vector<10x1x1000xf32>
      tpu.vector_store %arg6[%swap3A_66, %swap3A_67, %swap3A_68], %mul3A_65 {strides = array<i32>} : memref<10x1x1000xf32, #tpu.memory_space<vmem>>, vector<10x1x1000xf32>,
      %broadcast_in_dim3A_70 = arith.constant 0.000000e+00 : f32
      %broadcast_in_dim3A_71 = vector.broadcast %broadcast_in_dim3A_70 : f32 to vector<1x128xf32>
      %swap3A_72 = arith.constant 0 : index
      %swap3A_73 = arith.constant 0 : index
      %swap3A_74 = vector.load %arg5[%swap3A_72, %swap3A_73] : memref<1x128xf32, #tpu.memory_space<vmem>>, vector<1x128xf32>
      tpu.vector_store %arg5[%swap3A_72, %swap3A_73], %broadcast_in_dim3A_71 {strides = array<i32>} : memref<1x128xf32, #tpu.memory_space<vmem>>, vector<1x128xf32>,
    } else {
    }
    %get3A = arith.index_cast %arg0 : i32 to index
    %get3A_2 = arith.constant 0 : index
    %get3A_3 = arith.constant 0 : index
    %get3A_4 = vector.load %arg6[%get3A, %get3A_2, %get3A_3] : memref<10x1x1000xf32, #tpu.memory_space<vmem>>, vector<1x1x1000xf32>
    %squeeze3A = vector.shape_cast %get3A_4 : vector<1x1x1000xf32> to vector<1x1000xf32>
    %transpose3A = tpu.transpose %squeeze3A, [1, 0] : vector<1x1000xf32> -> vector<1000x1xf32>
    %get3A_5 = arith.constant 0 : index
    %get3A_6 = arith.constant 0 : index
    %get3A_7 = vector.load %arg5[%get3A_5, %get3A_6] : memref<1x128xf32, #tpu.memory_space<vmem>>, vector<1x128xf32>
    %get3A_8 = arith.constant 0 : index
    %get3A_9 = arith.constant 0 : index
    %get3A_10 = vector.load %arg1[%get3A_8, %get3A_9] : memref<1000x128xf32, #tpu.memory_space<vmem>>, vector<1000x128xf32>
    %mul3A = vector.broadcast %transpose3A : vector<1000x1xf32> to vector<1000x128xf32>
    %mul3A_11 = arith.mulf %get3A_10, %mul3A : vector<1000x128xf32>
    %reduce_sum3A = arith.constant dense<0.000000e+00> : vector<128xf32>
    %reduce_sum3A_12 = vector.multi_reduction <add>, %mul3A_11, %reduce_sum3A [0] : vector<1000x128xf32> to vector<128xf32>
    %broadcast_in_dim3A = vector.shape_cast %reduce_sum3A_12 : vector<128xf32> to vector<1x128xf32>
    %add3A = arith.addf %get3A_7, %broadcast_in_dim3A : vector<1x128xf32>
    %swap3A = arith.constant 0 : index
    %swap3A_13 = arith.constant 0 : index
    %swap3A_14 = vector.load %arg5[%swap3A, %swap3A_13] : memref<1x128xf32, #tpu.memory_space<vmem>>, vector<1x128xf32>
    tpu.vector_store %arg5[%swap3A, %swap3A_13], %add3A {strides = array<i32>} : memref<1x128xf32, #tpu.memory_space<vmem>>, vector<1x128xf32>,
    %eq3A_15 = arith.constant 9 : i32
    %eq3A_16 = arith.cmpi eq, %arg0, %eq3A_15 : i32
    %convert_element_type3A_17 = arith.extui %eq3A_16 : i1 to i32
    %cond3A_18 = arith.constant 0 : i32
    %cond3A_19 = arith.cmpi ne, %convert_element_type3A_17, %cond3A_18 : i32
    scf.if %cond3A_19 {
      %get3A_20 = arith.constant 0 : index
      %get3A_21 = arith.constant 0 : index
      %get3A_22 = vector.load %arg5[%get3A_20, %get3A_21] : memref<1x128xf32, #tpu.memory_space<vmem>>, vector<1x128xf32>
      %get3A_23 = arith.constant 0 : index
      %get3A_24 = arith.constant 0 : index
      %get3A_25 = vector.load %arg3[%get3A_23, %get3A_24] : memref<128x128xf32, #tpu.memory_space<vmem>>, vector<128x128xf32>
      %dot_general3A = arith.constant dense<0.000000e+00> : vector<1x128xf32>
      %dot_general3A_26 = tpu.matmul %get3A_22, %get3A_25, %dot_general3A {dimension_numbers = #tpu.dot_dimension_numbers<[1], [0], [0], [1], [0, 0, 1, 1], [], []>, transpose_lhs_hint = false} : vector<1x128xf32>, vector<128x128xf32>, vector<1x128xf32> -> vector<1x128xf32>
      %get3A_27 = arith.constant 0 : index
      %get3A_28 = arith.constant 0 : index
      %get3A_29 = vector.load %arg4[%get3A_27, %get3A_28] : memref<1x128xf32, #tpu.memory_space<vmem>>, vector<1x128xf32>
      %add3A_30 = arith.addf %dot_general3A_26, %get3A_29 : vector<1x128xf32>
      %iota3A = tpu.iota {dimensions = array<i32: 1>} : vector<1x128xi32>
      %lt3A = arith.constant 3 : i32
      %lt3A_31 = vector.broadcast %lt3A : i32 to vector<1x128xi32>
      %lt3A_32 = arith.cmpi slt, %iota3A, %lt3A_31 : vector<1x128xi32>
      %jit3A = arith.constant -3.000000e+38 : f32
      %broadcast_in_dim3A_33 = vector.broadcast %jit3A : f32 to vector<1x128xf32>
      %select_n3A = arith.select %lt3A_32, %add3A_30, %broadcast_in_dim3A_33 : vector<1x128xi1>, vector<1x128xf32>
      %reduce_max3A = vector.shape_cast %select_n3A : vector<1x128xf32> to vector<1x1x128xf32>
      %reduce_max3A_34 = arith.constant dense<0xFF800000> : vector<1xf32>
      %reduce_max3A_35 = vector.multi_reduction <maximumf>, %reduce_max3A, %reduce_max3A_34 [1, 2] : vector<1x1x128xf32> to vector<1xf32>
      %reduce_max3A_36 = vector.shape_cast %reduce_max3A_35 : vector<1xf32> to vector<1x1x1xf32>
      %reduce_max3A_37 = vector.extract %reduce_max3A_36[0, 0, 0] : f32 from vector<1x1x1xf32>
      %sub3A = vector.broadcast %reduce_max3A_37 : f32 to vector<1x128xf32>
      %sub3A_38 = arith.subf %add3A_30, %sub3A : vector<1x128xf32>
      %exp3A = math.exp %sub3A_38 : vector<1x128xf32>
      %jit3A_39 = arith.constant 0.000000e+00 : f32
      %broadcast_in_dim3A_40 = vector.broadcast %jit3A_39 : f32 to vector<1x128xf32>
      %select_n3A_41 = arith.select %lt3A_32, %exp3A, %broadcast_in_dim3A_40 : vector<1x128xi1>, vector<1x128xf32>
      %reduce_sum3A_42 = vector.shape_cast %select_n3A_41 : vector<1x128xf32> to vector<1x1x128xf32>
      %reduce_sum3A_43 = arith.constant dense<0.000000e+00> : vector<1xf32>
      %reduce_sum3A_44 = vector.multi_reduction <add>, %reduce_sum3A_42, %reduce_sum3A_43 [1, 2] : vector<1x1x128xf32> to vector<1xf32>
      %reduce_sum3A_45 = vector.shape_cast %reduce_sum3A_44 : vector<1xf32> to vector<1x1x1xf32>
      %reduce_sum3A_46 = vector.extract %reduce_sum3A_45[0, 0, 0] : f32 from vector<1x1x1xf32>
      %log3A = math.log %reduce_sum3A_46 : f32
      %sub3A_47 = vector.broadcast %reduce_max3A_37 : f32 to vector<1x128xf32>
      %sub3A_48 = arith.subf %add3A_30, %sub3A_47 : vector<1x128xf32>
      %sub3A_49 = vector.broadcast %log3A : f32 to vector<1x128xf32>
      %sub3A_50 = arith.subf %sub3A_48, %sub3A_49 : vector<1x128xf32>
      %swap3A_51 = arith.constant 0 : index
      %swap3A_52 = arith.constant 0 : index
      %swap3A_53 = vector.load %arg5[%swap3A_51, %swap3A_52] : memref<1x128xf32, #tpu.memory_space<vmem>>, vector<1x128xf32>
      tpu.vector_store %arg5[%swap3A_51, %swap3A_52], %sub3A_50 {strides = array<i32>} : memref<1x128xf32, #tpu.memory_space<vmem>>, vector<1x128xf32>,
    } else {
    }
    return
  }
  func.func @transform_0(%arg0: i32) -> (i32, i32) {
    %c0_i32 = arith.constant 0 : i32
    %c0_i32_0 = arith.constant 0 : i32
    return %arg0, %c0_i32 : i32, i32
  }
  func.func @transform_1(%arg0: i32) -> (i32, i32, i32) {
    %c0_i32 = arith.constant 0 : i32
    %c0_i32_0 = arith.constant 0 : i32
    %c0_i32_1 = arith.constant 0 : i32
    %c0_i32_2 = arith.constant 0 : i32
    return %c0_i32, %c0_i32_0, %c0_i32_1 : i32, i32, i32
  }
  func.func @transform_2(%arg0: i32) -> (i32, i32) {
    %c0_i32 = arith.constant 0 : i32
    %c0_i32_0 = arith.constant 0 : i32
    %c0_i32_1 = arith.constant 0 : i32
    return %c0_i32, %c0_i32_0 : i32, i32
  }
  func.func @transform_3(%arg0: i32) -> (i32, i32) {
    %c0_i32 = arith.constant 0 : i32
    %c0_i32_0 = arith.constant 0 : i32
    %c0_i32_1 = arith.constant 0 : i32
    return %c0_i32, %c0_i32_0 : i32, i32
  }
  func.func @transform_4(%arg0: i32) -> (i32, i32) {
    %c0_i32 = arith.constant 0 : i32
    %c0_i32_0 = arith.constant 0 : i32
    %c0_i32_1 = arith.constant 0 : i32
    return %c0_i32, %c0_i32_0 : i32, i32
  }
}

</mosaic_0001>

<sc_bundles>
// kernel: kernel.13.cloned.1.call-start
scs
__scs_entry_jumppad:
0x0: {  	(pc) =	sbr.rel $0x88, $3  }
0x1: {  	(tag) =	ssettag $0x0;
	lr =	simm.s32 $0x1  }
0x2: {  	[smem:$0x3F97] =	sst lr;
	_ =	strace $0xD0000000  }
0x3: {  	_ = 	snop  }
0x4: {  	_ = 	snop  }
0x5: {  	_ = 	snop  }
0x6: {  	_ = 	snop  }
0x7: {  	_ = 	snop  }
__scs_overlays_trampoline_lowered:
0x8: {  	[smem:$0x3FA6] =	sst s0  }
0x9: {  	[smem:$0x3FA7] =	sst s1  }
0xa: {  	[smem:$0x3FA8] =	sst s2  }
0xb: {  	[smem:$0x3FA9] =	sst s3  }
0xc: {  	[smem:$0x3FAA] =	sst s4  }
0xd: {  	[smem:$0x3FAB] =	sst s5  }
0xe: {  	[smem:$0x3FAC] =	sst s6  }
0xf: {  	[smem:$0x3FAD] =	sst s7  }
0x10: {  	[smem:$0x3FAE] =	sst s8  }
0x11: {  	[smem:$0x3FAF] =	sst s9;
	s0 =	simm.s32 @!p0 $0x0  }
0x12: {  	s1 =	sld [smem:$0x3F95];
	s0 =	simm.s32 @p0 $0x1  }
0x13: {  	[smem:$0x3FB0] =	sst s0;
	s0 =	simm.s32 @!p1 $0x0  }
0x14: {  	s2 =	sld [smem:$0x3F94];
	s0 =	simm.s32 @p1 $0x1  }
0x15: {  	[smem:$0x3FB1] =	sst s0;
	s0 =	simm.s32 @!p2 $0x0  }
0x16: {  	s3 =	sld [smem:$0x3FDB];
	s0 =	simm.s32 @p2 $0x1  }
0x17: {  	s4 =	simm.s32 $0x1BF5;
	[smem:$0x3FB3] =	sst s0  }
0x18: {  	s0 =	sld [smem:$0x3F96];
	_ =	swait.ge [sflag:s4], $0x0  }
0x19: {  	s7 =	sld [smem:$0x3F97]  }
0x1a: {  	s8 =	sadd.s32 $0xFFFFE003, lr  }
0x1b: {  	s9 =	sadd.s32 $0xFFFFFEF7, lr;
	s5 =	simm.s32 $0xFFFFFFFF;
	p2 =	slt.u32 s8, $0xFFFFF086  }
0x1c: {  	p1 =	slt.u32 s9, $0xF7A;
	s5 =	simm.s32 @!p2 $0x0  }
0x1d: {  	s5 =	simm.s32 @p1 $0x1;
	p0 =	seq.s32 s7, s2  }
0x1e: {  	s7 =	smul.u32 @!p0 $0xF7A, s2;
	p2 =	seq.s32 @!p0 s5, $0x0  }
0x1f: {  	s9 =	smul.u32 $0xF7A, s1;
	s8 =	simm.s32 @!p0 $0x1BF5;
	p2 =	por !p2, p0  }
0x20: {  	[sflag:s8] =	ssyncset.s32 @!p0 $0xFFFFF086;
	s6 =	sadd.s32 @!p0 s3, s7;
	s7 =	simm.s32 @!p0 $0x108  }
0x21: {  	s3 =	sadd.s32 s3, s9;
	s6 =	sadd.s32 @!p0 $0x88, s6;
	s7 =	simm.s32 @p2 $0x1082  }
0x22: {  	[simem:s7], [sflag:s8] =	dma.local @!p0 [hbm:s6], $0xF7A  }
0x23: {  	s9 =	sor.u32 $0xD0000000, s2;
	s6 =	simm.s32 $0x108;
	_ =	swait.ge @!p0 [sflag:s8], $0x0  }
0x24: {  	s3 =	sadd.s32 $0x88, s3;
	s6 =	simm.s32 @!p1 $0x1082;
	[sflag:s4] =	ssyncset.s32 $0xFFFFF086  }
0x25: {  	[simem:s6], [sflag:s4] =	dma.local [hbm:s3], $0xF7A  }
0x26: {  	[smem:$0x3F97] =	sst s1;
	(tag) =	ssettag s2;
	_ =	strace s9  }
0x27: {  	s1 =	sld [smem:$0x3FA7]  }
0x28: {  	s2 =	sld [smem:$0x3FA8]  }
0x29: {  	s4 =	sld [smem:$0x3FAA]  }
0x2a: {  	p0 =	seq.s32 s5, $0x0;
	s5 =	sld [smem:$0x3FAB]  }
0x2b: {  	s6 =	sld [smem:$0x3FAC]  }
0x2c: {  	s7 =	sld [smem:$0x3FAD]  }
0x2d: {  	s3 =	simm.s32 $0x108;
	s8 =	sld [smem:$0x3FAE]  }
0x2e: {  	s3 =	simm.s32 @!p0 $0x1082;
	s9 =	sld [smem:$0x3FAF]  }
0x2f: {  	lr =	sadd.s32 s0, s3;
	s0 =	sld [smem:$0x3FA6]  }
0x30: {  	s3 =	sld [smem:$0x3FA9]  }
0x31: {  	[smem:$0x3FB2] =	sst s10  }
0x32: {  	s10 =	sld [smem:$0x3FB0];
	_ =	sdelay $0x3  }
0x33: {  	p0 =	seq.s32 s10, $0x1;
	s10 =	sld [smem:$0x3FB2];
	_ =	sdelay $0x3  }
0x34: {  	[smem:$0x3FB2] =	sst s10  }
0x35: {  	s10 =	sld [smem:$0x3FB1];
	_ =	sdelay $0x3  }
0x36: {  	p1 =	seq.s32 s10, $0x1;
	s10 =	sld [smem:$0x3FB2];
	_ =	sdelay $0x3  }
0x37: {  	[smem:$0x3FB2] =	sst s10  }
0x38: {  	s10 =	sld [smem:$0x3FB3]  }
0x39: {  	_ = 	snop;
	(pc) =	sbr.ind lr, $3  }
0x3a: {  	_ = 	snop  }
0x3b: {  	_ = 	snop  }
0x3c: {  	p2 =	seq.s32 s10, $0x1;
	s10 =	sld [smem:$0x3FB2]  }
0x3d: {  	_ =	shalt  }
0x3e: {  	_ =	shalt  }
0x3f: {  	_ =	shalt  }
0x40: {  	_ =	shalt  }
0x41: {  	_ =	shalt  }
0x42: {  	_ =	shalt  }
0x43: {  	_ =	shalt  }
0x44: {  	_ =	shalt  }
0x45: {  	_ =	shalt  }
0x46: {  	_ =	shalt  }
0x47: {  	_ =	shalt  }
0x48: {  	_ =	shalt  }
0x49: {  	_ =	shalt  }
0x4a: {  	_ =	shalt  }
0x4b: {  	_ =	shalt  }
0x4c: {  	_ =	shalt  }
0x4d: {  	_ =	shalt  }
0x4e: {  	_ =	shalt  }
0x4f: {  	_ =	shalt  }
0x50: {  	_ =	shalt  }
0x51: {  	_ =	shalt  }
0x52: {  	_ =	shalt  }
0x53: {  	_ =	shalt  }
0x54: {  	_ =	shalt  }
0x55: {  	_ =	shalt  }
0x56: {  	_ =	shalt  }
0x57: {  	_ =	shalt  }
0x58: {  	_ =	shalt  }
0x59: {  	_ =	shalt  }
0x5a: {  	_ =	shalt  }
0x5b: {  	_ =	shalt  }
0x5c: {  	_ =	shalt  }
0x5d: {  	_ =	shalt  }
0x5e: {  	_ =	shalt  }
0x5f: {  	_ =	shalt  }
0x60: {  	_ =	shalt  }
0x61: {  	_ =	shalt  }
0x62: {  	_ =	shalt  }
0x63: {  	_ =	shalt  }
0x64: {  	_ =	shalt  }
0x65: {  	_ =	shalt  }
0x66: {  	_ =	shalt  }
0x67: {  	_ =	shalt  }
0x68: {  	_ =	shalt  }
0x69: {  	_ =	shalt  }
0x6a: {  	_ =	shalt  }
0x6b: {  	_ =	shalt  }
0x6c: {  	_ =	shalt  }
0x6d: {  	_ =	shalt  }
0x6e: {  	_ =	shalt  }
0x6f: {  	_ =	shalt  }
0x70: {  	_ =	shalt  }
0x71: {  	_ =	shalt  }
0x72: {  	_ =	shalt  }
0x73: {  	_ =	shalt  }
0x74: {  	_ =	shalt  }
0x75: {  	_ =	shalt  }
0x76: {  	_ =	shalt  }
0x77: {  	_ =	shalt  }
0x78: {  	_ =	shalt  }
0x79: {  	_ =	shalt  }
0x7a: {  	_ =	shalt  }
0x7b: {  	_ =	shalt  }
0x7c: {  	_ =	shalt  }
0x7d: {  	_ =	shalt  }
0x7e: {  	_ =	shalt  }
0x7f: {  	_ =	shalt  }
0x80: {  	_ =	shalt  }
0x81: {  	_ =	shalt  }
0x82: {  	_ =	shalt  }
0x83: {  	_ =	shalt  }
0x84: {  	_ =	shalt  }
0x85: {  	_ =	shalt  }
0x86: {  	_ =	shalt  }
0x87: {  	_ =	shalt  }
.Lfunc_end0:
.L_simem_size_0:
called_computation_lowered:
.L_overlay_start_0:
0x88: {  	s2 =	sld [smem:$0x3FD9]  }
0x89: {  	s3 =	sld [smem:$0x3FFE];
	_ =	sdelay $0x1  }
0x8a: {  	s1 =	srdreg.scid  }
0x8b: {  	s0 =	sand.u32 $0x1, s1  }
0x8c: {  	s16 =	sshll.u32 s0, $0xA;
	s2 =	sadd.s32 s3, s2  }
0x8d: {  	s2 =	sadd.s32 s2, s16  }
0x8e: {  	[smem:$0x3FBE] =	sst s2  }
0x8f: {  	_ = 	snop  }
0x90: {  	(tm) =	ssettm $0x1  }
0x91: {  	s17 =	sld [smem:$0x3FFB];
	_ =	sdelay $0x3  }
0x92: {  	_ =	strace s17  }
0x93: {  	s2 =	sld [smem:$0x3FFC];
	_ =	sdelay $0x3  }
0x94: {  	_ =	strace s2  }
0x95: {  	s2 =	sld [smem:$0x3FFD];
	_ =	sdelay $0x3  }
0x96: {  	_ =	strace s2  }
0x97: {  	_ =	strace $0x8FFFFFFF  }
0x98: {  	s18 =	sld [smem:$0x3FDB];
	_ =	sdelay $0x1  }
0x99: {  	s19 =	simm.s32 $_scs_section_size  }
0x9a: {  	s4 =	simm.s32 $_size__tile_overlayer_lowered;
	s5 =	simm.s32 $_tile_overlayer_lowered  }
0x9b: {  	s22 =	simm.s32 $0x1BFF;
	s21 =	sshll.u32 s5, $0x1;
	s2 =	sadd.s32 s19, s18  }
0x9c: {  	s6 =	simm.s32 $0x0;
	s20 =	sshll.u32 s4, $0x1;
	s4 =	sadd.s32 s21, s2  }
0x9d: {  	[timem:s6], [sflag:s22] =	dma.local [hbm:s4], s20  }
0x9e: {  	_ =	swait.ge [sflag:s22], s20  }
0x9f: {  	s3 =	ssub.s32 $0x0, s20;
	[sflag:s22] =	ssyncset.done $0x0  }
0xa0: {  	[sflag:s22] =	ssyncadd.s32 s3;
	_ =	sdelay $0x1  }
0xa1: {  	s23 =	simm.s32 $0x1B8B  }
0xa2: {  	_ =	swait.ge [sflag:s23], $0x1  }
0xa3: {  	[sflag:s23] =	ssyncset.done $0x0  }
0xa4: {  	s25 =	simm.s32 $0x1B8E;
	s24 =	sld [smem:$0x3FFE];
	[sflag:s23] =	ssyncadd.s32 $0xFFFFFFFF  }
0xa5: {  	s26 =	simm.s32 $execute0_lowered;
	[smem:$0x3FD2] =	sst s25  }
0xa6: {  	s4 =	sshll.u32 s26, $0x1;
	_ =	strace $0x80000046;
	[dreg:$0x1] =	wrdreg $0xFFFFFFFF  }
0xa7: {  	s28 =	simm.s32 $_size_execute0_lowered;
	s2 =	sadd.s32 s2, s4;
	[dreg:$0x0] =	wrdreg $0x0  }
0xa8: {  	s4 =	sshll.u32 s28, $0x1;
	[dreg:$0x2] =	wrdreg s2  }
0xa9: {  	[dreg:$0x3] =	wrdreg s4  }
0xaa: {  	[dreg:$0x4] =	wrdreg $0xC0  }
0xab: {  	_ =	task [dreg:s6], $0x5FFFF  }
0xac: {  	[dreg:$0x1] =	wrdreg $0xFFFFFFFF  }
0xad: {  	[dreg:$0x0] =	wrdreg $0x60  }
0xae: {  	[dreg:$0x2] =	wrdreg s24  }
0xaf: {  	[dreg:$0x3] =	wrdreg $0x0  }
0xb0: {  	[dreg:$0x4] =	wrdreg $0x9  }
0xb1: {  	_ =	task.clear_ibuf [dreg:s6], $0x5FFFF;
	_ =	strace $0x90000046  }
0xb2: {  	s29 =	simm.s32 $0x9;
	_ =	strace $0x80000048  }
0xb3: {  	_ =	swait.ge [sflag:s29], $0x1  }
0xb4: {  	[sflag:s29] =	ssyncadd.s32 $0xFFFFFFFF  }
0xb5: {  	_ =	strace $0x90000048  }
0xb6: {  	_ =	sfence  }
0xb7: {  	s30 =	sld [smem:$0x0];
	_ =	sdelay $0x2  }
0xb8: {  	s31 =	sshll.u32 s1, $0xD;
	s1 =	sshrl.u32 s1, $0x2  }
0xb9: {  	s3 =	sand.u32 $0x4000, s31;
	s1 =	sadd.s32 s1, s30  }
0xba: {  	s0 =	sor.u32 s3, s0;
	s1 =	sshll.u32 s1, $0x11  }
0xbb: {  	s0 =	sor.u32 s1, s0  }
0xbc: {  	s0 =	sadd.s32 $0x8F2B, s0  }
0xbd: {  	[sflag:s0] =	ssyncadd.remote.s32 $0x1  }
0xbe: {  	_ =	sfence.sel $0xFFFF  }
0xbf: {  	[dreg:$0x0] =	wrdreg $0xFFFFFFFF;
	(pc) =	sbr.abs _section_cstart, $3  }
0xc0: {  	[dreg:$0x1] =	wrdreg $0xFFFFFFFF  }
0xc1: {  	_ =	task.clear_ibuf [dreg:s6], $0x2FFFF;
	_ =	strace $0x9FFFFFFF  }
0xc2: {  	(tm) =	ssettm $0x7FFFFFFF  }
0xc3: {  	_ =	shalt  }
tec
execute0_lowered:
.L_overlay_start_1:
0x0: {  	(tag) =	ssettag $0x1  }
0x1: {  	s0 =	srdreg.scid;
	s24 =	stileid.u32  }
0x2: {  	s5 =	rddreg [dreg:$0x0];
	s11 =	simm.s32 $0xB;
	s14 =	simm.s32 $0x50  }
0x3: {  	s15 =	simm.s32 $0x4E20;
	s16 =	simm.s32 $0x5320;
	s17 =	simm.s32 $0x5820  }
0x4: {  	s18 =	simm.s32 $0x5D20;
	s19 =	simm.s32 $0x6220;
	s20 =	simm.s32 $0x1  }
0x5: {  	s21 =	simm.s32 $0x2;
	s22 =	simm.s32 $0x3;
	s23 =	simm.s32 $0x4  }
0x6: {  	s28 =	simm.s32 $0x8;
	s29 =	simm.s32 $0x9;
	s30 =	simm.s32 $0xA  }
0x7: {  	s31 =	simm.s32 $0x0;
	s1 =	sand.u32 $0x1, s0;
	s8 =	smul.u32 $0x1388, s24  }
0x8: {  	s4 =	sadd.s32 $0x17400, s5;
	s9 =	smul.u32 $0x9C40, s24;
	s2 =	sshll.u32 s1, $0x4  }
0x9: {  	s7 =	smul.u32 $0x13880, s1;
	s1 =	ssub.s32 $0x2, s1;
	s3 =	sor.u32 s24, s2  }
0xa: {  	s2 =	rddreg [dreg:$0x1];
	s25 =	sshrl.u32 s1, $0x1;
	s26 =	sshrl.u32 s9, $0x2  }
0xb: {  	s24 =	simm.s32 $0x5;
	s6 =	smul.u32 $0x2710, s3;
	s3 =	simm.s32 $0x0  }
0xc: {  	s7 =	sadd.s32 s8, s7;
	s1 =	ssub.s32 s1, s25;
	s25 =	simm.s32 $0x6  }
0xd: {  	[smem:$0x7FF] =	sst s3;
	s7 =	sshrl.u32 s7, $0x3;
	s9 =	smax.u32 s1, $0x1  }
0xe: {  	_ =	strace $0x80000047;
	s6 =	sshrl.u32 s6, $0x3;
	s10 =	sadd.s32 s7, s5  }
0xf: {  	s7 =	sadd.s32 s26, s2;
	s26 =	simm.s32 $0x7;
	s6 =	sadd.s32 s6, s5  }
0x10: {  	v0 =	vimm.f32 $0.0e+00;
	s8 =	sadd.s32 $0x1C400, s10;
	s5 =	sadd.s32 $0x3A00, s6;
	s6 =	sadd.s32 $0xD640, s6  }
.LBB2_1:
0x11: {  	s0 =	simm.s32 $0x6720  }
0x12: {  	[tilespmem:s0], [sflag:$0xB] =	stream.linear.gather [hbm4b:s5+s3], $0x2710, $0x38;
	[tilespmem:$0xB540] =	vst v63  }
0x13: {  	_ =	swait.ge [sflag:s11], $0x2710  }
0x14: {  	[sflag:s11] =	ssyncset.done $0x0  }
0x15: {  	s13 =	simm.s32 $0x2710;
	[sflag:s11] =	ssyncadd.s32 $0xFFFFD8F0  }
0x16: {  	[tilespmem:s13], [sflag:$0xB] =	stream.linear.gather [hbm4b:s6+s3], $0x2710, $0x38;
	[tilespmem:$0xB540] =	vst v63  }
0x17: {  	_ =	swait.ge [sflag:s11], $0x2710  }
0x18: {  	[sflag:s11] =	ssyncset.done $0x0  }
0x19: {  	s1 =	simm.s32 $0x40;
	s10 =	simm.s32 $0x0;
	[sflag:s11] =	ssyncadd.s32 $0xFFFFD8F0  }
.LBB2_2:
0x1a: {  	p0 =	sne.s32 s1, $0x9C00;
	[tilespmem:s10+$0x8E30] =	vst v0;
	s10 =	smov.u32 s1;
	s1 =	sadd.s32 $0x40, s1  }
.Ltmp0:
0x1b: {  	(pc) =	sbr.rel @p0 .LBB2_2-.Ltmp0, $2  }
0x1c: {  	_ =	sdelay $0x2  }
0x1d: {  	s10 =	sshra.s32 s10, $0x2  }
0x1e: {  	[tilespmem:s10+$0x8E30] =	vst v0;
	s0 =	simm.s32 $0x8E30  }
0x1f: {  	[spmem:s7] =	stream.linear.scatter [tilespmem:s0], [sflag:$0xB], $0x2710, $0x38;
	[tilespmem:$0xB540] =	vst v63  }
0x20: {  	_ =	swait.ge [sflag:s11], $0x2710  }
0x21: {  	[sflag:s11] =	ssyncset.done $0x0  }
0x22: {  	[sflag:s11] =	ssyncadd.s32 $0xFFFFD8F0  }
0x23: {  	s1 =	simm.s32 $0x6720;
	[bflag:$0x0] =	sbarrier.arrive $0xFFFF  }
0x24: {  	[tilespmem:s15], [sflag:$0x1] =	stream.indirect.gather [hbm4b:s4+s14], $0x10, s1, s14, $0xb8;
	[tilespmem:$0xB540] =	vst v63  }
0x25: {  	s13 =	simm.s32 $0x6770  }
0x26: {  	[tilespmem:s16], [sflag:$0x2] =	stream.indirect.gather [hbm4b:s4+s14], $0x10, s13, s14, $0xb8;
	[tilespmem:$0xB540] =	vst v63  }
0x27: {  	s0 =	simm.s32 $0x67C0  }
0x28: {  	[tilespmem:s17], [sflag:$0x3] =	stream.indirect.gather [hbm4b:s4+s14], $0x10, s0, s14, $0xb8;
	[tilespmem:$0xB540] =	vst v63  }
0x29: {  	s10 =	simm.s32 $0x6810  }
0x2a: {  	[tilespmem:s18], [sflag:$0x4] =	stream.indirect.gather [hbm4b:s4+s14], $0x10, s10, s14, $0xb8;
	[tilespmem:$0xB540] =	vst v63  }
0x2b: {  	s12 =	simm.s32 $0x6860  }
0x2c: {  	[tilespmem:s19], [sflag:$0x5] =	stream.indirect.gather [hbm4b:s4+s14], $0x10, s12, s14, $0xb8;
	[tilespmem:$0xB540] =	vst v63  }
0x2d: {  	_ =	swait.ge [sflag:s20], $0x500  }
0x2e: {  	[sflag:s20] =	ssyncset.done $0x0  }
0x2f: {  	s13 =	simm.s32 $0x2710;
	[sflag:s20] =	ssyncadd.s32 $0xFFFFFB00  }
0x30: {  	[spmem:s2] =	stream.indirect.scatter.add.f32 [tilespmem:s15], [sflag:$0x6], $0x10, s13, s14, $0xb8;
	[tilespmem:$0xB540] =	vst v63  }
0x31: {  	_ =	swait.ge [sflag:s21], $0x500  }
0x32: {  	[sflag:s21] =	ssyncset.done $0x0  }
0x33: {  	s0 =	simm.s32 $0x2760;
	[sflag:s21] =	ssyncadd.s32 $0xFFFFFB00  }
0x34: {  	[spmem:s2] =	stream.indirect.scatter.add.f32 [tilespmem:s16], [sflag:$0x7], $0x10, s0, s14, $0xb8;
	[tilespmem:$0xB540] =	vst v63  }
0x35: {  	_ =	swait.ge [sflag:s22], $0x500  }
0x36: {  	[sflag:s22] =	ssyncset.done $0x0  }
0x37: {  	s10 =	simm.s32 $0x27B0;
	[sflag:s22] =	ssyncadd.s32 $0xFFFFFB00  }
0x38: {  	[spmem:s2] =	stream.indirect.scatter.add.f32 [tilespmem:s17], [sflag:$0x8], $0x10, s10, s14, $0xb8;
	[tilespmem:$0xB540] =	vst v63  }
0x39: {  	_ =	swait.ge [sflag:s23], $0x500  }
0x3a: {  	[sflag:s23] =	ssyncset.done $0x0  }
0x3b: {  	s12 =	simm.s32 $0x2800;
	[sflag:s23] =	ssyncadd.s32 $0xFFFFFB00  }
0x3c: {  	[spmem:s2] =	stream.indirect.scatter.add.f32 [tilespmem:s18], [sflag:$0x9], $0x10, s12, s14, $0xb8;
	[tilespmem:$0xB540] =	vst v63  }
0x3d: {  	_ =	swait.ge [sflag:s24], $0x500  }
0x3e: {  	[sflag:s24] =	ssyncset.done $0x0  }
0x3f: {  	s13 =	simm.s32 $0x2850;
	[sflag:s24] =	ssyncadd.s32 $0xFFFFFB00  }
0x40: {  	[spmem:s2] =	stream.indirect.scatter.add.f32 [tilespmem:s19], [sflag:$0xA], $0x10, s13, s14, $0xb8;
	[tilespmem:$0xB540] =	vst v63  }
0x41: {  	_ =	swait.ge [sflag:s25], $0x500  }
0x42: {  	[sflag:s25] =	ssyncset.done $0x0  }
0x43: {  	[sflag:s25] =	ssyncadd.s32 $0xFFFFFB00  }
0x44: {  	_ =	swait.ge [sflag:s26], $0x500  }
0x45: {  	[sflag:s26] =	ssyncset.done $0x0  }
0x46: {  	[sflag:s26] =	ssyncadd.s32 $0xFFFFFB00  }
0x47: {  	_ =	swait.ge [sflag:s28], $0x500  }
0x48: {  	[sflag:s28] =	ssyncset.done $0x0  }
0x49: {  	[sflag:s28] =	ssyncadd.s32 $0xFFFFFB00  }
0x4a: {  	_ =	swait.ge [sflag:s29], $0x500  }
0x4b: {  	[sflag:s29] =	ssyncset.done $0x0  }
0x4c: {  	[sflag:s29] =	ssyncadd.s32 $0xFFFFFB00  }
0x4d: {  	_ =	swait.ge [sflag:s30], $0x500  }
0x4e: {  	s1 =	simm.s32 $0x190;
	s10 =	simm.s32 $0xC80;
	[sflag:s30] =	ssyncset.done $0x0  }
.LBB2_4:
0x4f: {  	s0 =	sadd.s32 $0x6720, s1  }
0x50: {  	[sflag:s30] =	ssyncadd.s32 $0xFFFFFB00;
	s12 =	smov.u32 s10;
	s13 =	sadd.s32 $0x640, s10  }
0x51: {  	[tilespmem:s15], [sflag:$0x1] =	stream.indirect.gather [hbm4b:s4+s14], $0x10, s0, s14, $0xb8;
	[tilespmem:$0xB540] =	vst v63  }
0x52: {  	p0 =	sne.s32 s10, $0x9600;
	s0 =	sadd.s32 $0x6770, s1  }
0x53: {  	[tilespmem:s16], [sflag:$0x2] =	stream.indirect.gather [hbm4b:s4+s14], $0x10, s0, s14, $0xb8;
	[tilespmem:$0xB540] =	vst v63  }
0x54: {  	s0 =	sadd.s32 $0x67C0, s1  }
0x55: {  	[tilespmem:s17], [sflag:$0x3] =	stream.indirect.gather [hbm4b:s4+s14], $0x10, s0, s14, $0xb8;
	[tilespmem:$0xB540] =	vst v63  }
0x56: {  	s0 =	sadd.s32 $0x6810, s1  }
0x57: {  	[tilespmem:s18], [sflag:$0x4] =	stream.indirect.gather [hbm4b:s4+s14], $0x10, s0, s14, $0xb8;
	[tilespmem:$0xB540] =	vst v63  }
0x58: {  	s0 =	sadd.s32 $0x6860, s1  }
0x59: {  	[tilespmem:s19], [sflag:$0x5] =	stream.indirect.gather [hbm4b:s4+s14], $0x10, s0, s14, $0xb8;
	[tilespmem:$0xB540] =	vst v63  }
0x5a: {  	_ =	swait.ge [sflag:s20], $0x500  }
0x5b: {  	[sflag:s20] =	ssyncset.done $0x0  }
0x5c: {  	s0 =	sadd.s32 $0x2710, s1;
	[sflag:s20] =	ssyncadd.s32 $0xFFFFFB00  }
0x5d: {  	[spmem:s2] =	stream.indirect.scatter.add.f32 [tilespmem:s15], [sflag:$0x6], $0x10, s0, s14, $0xb8;
	[tilespmem:$0xB540] =	vst v63  }
0x5e: {  	_ =	swait.ge [sflag:s21], $0x500  }
0x5f: {  	[sflag:s21] =	ssyncset.done $0x0  }
0x60: {  	s0 =	sadd.s32 $0x2760, s1;
	[sflag:s21] =	ssyncadd.s32 $0xFFFFFB00  }
0x61: {  	[spmem:s2] =	stream.indirect.scatter.add.f32 [tilespmem:s16], [sflag:$0x7], $0x10, s0, s14, $0xb8;
	[tilespmem:$0xB540] =	vst v63  }
0x62: {  	_ =	swait.ge [sflag:s22], $0x500  }
0x63: {  	[sflag:s22] =	ssyncset.done $0x0  }
0x64: {  	s0 =	sadd.s32 $0x27B0, s1;
	[sflag:s22] =	ssyncadd.s32 $0xFFFFFB00  }
0x65: {  	[spmem:s2] =	stream.indirect.scatter.add.f32 [tilespmem:s17], [sflag:$0x8], $0x10, s0, s14, $0xb8;
	[tilespmem:$0xB540] =	vst v63  }
0x66: {  	_ =	swait.ge [sflag:s23], $0x500  }
0x67: {  	[sflag:s23] =	ssyncset.done $0x0  }
0x68: {  	s0 =	sadd.s32 $0x2800, s1;
	[sflag:s23] =	ssyncadd.s32 $0xFFFFFB00  }
0x69: {  	[spmem:s2] =	stream.indirect.scatter.add.f32 [tilespmem:s18], [sflag:$0x9], $0x10, s0, s14, $0xb8;
	[tilespmem:$0xB540] =	vst v63  }
0x6a: {  	_ =	swait.ge [sflag:s24], $0x500  }
0x6b: {  	[sflag:s24] =	ssyncset.done $0x0  }
0x6c: {  	s0 =	sadd.s32 $0x2850, s1;
	[sflag:s24] =	ssyncadd.s32 $0xFFFFFB00  }
0x6d: {  	[spmem:s2] =	stream.indirect.scatter.add.f32 [tilespmem:s19], [sflag:$0xA], $0x10, s0, s14, $0xb8;
	[tilespmem:$0xB540] =	vst v63  }
0x6e: {  	_ =	swait.ge [sflag:s25], $0x500  }
0x6f: {  	[sflag:s25] =	ssyncset.done $0x0  }
0x70: {  	[sflag:s25] =	ssyncadd.s32 $0xFFFFFB00  }
0x71: {  	_ =	swait.ge [sflag:s26], $0x500  }
0x72: {  	[sflag:s26] =	ssyncset.done $0x0  }
0x73: {  	[sflag:s26] =	ssyncadd.s32 $0xFFFFFB00  }
0x74: {  	_ =	swait.ge [sflag:s28], $0x500  }
0x75: {  	[sflag:s28] =	ssyncset.done $0x0  }
0x76: {  	[sflag:s28] =	ssyncadd.s32 $0xFFFFFB00  }
.Ltmp1:
0x77: {  	_ =	swait.ge [sflag:s29], $0x500;
	(pc) =	sbr.rel @p0 .LBB2_4-.Ltmp1, $4  }
0x78: {  	[sflag:s29] =	ssyncset.done $0x0  }
0x79: {  	[sflag:s29] =	ssyncadd.s32 $0xFFFFFB00  }
0x7a: {  	_ =	swait.ge [sflag:s30], $0x500  }
0x7b: {  	s10 =	smov.u32 s13;
	s1 =	sshra.s32 s12, $0x2;
	[sflag:s30] =	ssyncset.done $0x0  }
0x7c: {  	s0 =	sadd.s32 $0x6720, s1;
	[sflag:s30] =	ssyncadd.s32 $0xFFFFFB00  }
0x7d: {  	[tilespmem:s15], [sflag:$0x1] =	stream.indirect.gather [hbm4b:s4+s14], $0x10, s0, s14, $0xb8;
	[tilespmem:$0xB540] =	vst v63  }
0x7e: {  	s12 =	sadd.s32 $0x6770, s1  }
0x7f: {  	[tilespmem:s16], [sflag:$0x2] =	stream.indirect.gather [hbm4b:s4+s14], $0x10, s12, s14, $0xb8;
	[tilespmem:$0xB540] =	vst v63  }
0x80: {  	s13 =	sadd.s32 $0x67C0, s1  }
0x81: {  	[tilespmem:s17], [sflag:$0x3] =	stream.indirect.gather [hbm4b:s4+s14], $0x10, s13, s14, $0xb8;
	[tilespmem:$0xB540] =	vst v63  }
0x82: {  	s10 =	sadd.s32 $0x6810, s1  }
0x83: {  	[tilespmem:s18], [sflag:$0x4] =	stream.indirect.gather [hbm4b:s4+s14], $0x10, s10, s14, $0xb8;
	[tilespmem:$0xB540] =	vst v63  }
0x84: {  	s12 =	sadd.s32 $0x6860, s1  }
0x85: {  	[tilespmem:s19], [sflag:$0x5] =	stream.indirect.gather [hbm4b:s4+s14], $0x10, s12, s14, $0xb8;
	[tilespmem:$0xB540] =	vst v63  }
0x86: {  	_ =	swait.ge [sflag:s20], $0x500  }
0x87: {  	[sflag:s20] =	ssyncset.done $0x0  }
0x88: {  	s13 =	sadd.s32 $0x2710, s1;
	[sflag:s20] =	ssyncadd.s32 $0xFFFFFB00  }
0x89: {  	[spmem:s2] =	stream.indirect.scatter.add.f32 [tilespmem:s15], [sflag:$0x6], $0x10, s13, s14, $0xb8;
	[tilespmem:$0xB540] =	vst v63  }
0x8a: {  	_ =	swait.ge [sflag:s21], $0x500  }
0x8b: {  	[sflag:s21] =	ssyncset.done $0x0  }
0x8c: {  	s10 =	sadd.s32 $0x2760, s1;
	[sflag:s21] =	ssyncadd.s32 $0xFFFFFB00  }
0x8d: {  	[spmem:s2] =	stream.indirect.scatter.add.f32 [tilespmem:s16], [sflag:$0x7], $0x10, s10, s14, $0xb8;
	[tilespmem:$0xB540] =	vst v63  }
0x8e: {  	_ =	swait.ge [sflag:s22], $0x500  }
0x8f: {  	[sflag:s22] =	ssyncset.done $0x0  }
0x90: {  	s12 =	sadd.s32 $0x27B0, s1;
	[sflag:s22] =	ssyncadd.s32 $0xFFFFFB00  }
0x91: {  	[spmem:s2] =	stream.indirect.scatter.add.f32 [tilespmem:s17], [sflag:$0x8], $0x10, s12, s14, $0xb8;
	[tilespmem:$0xB540] =	vst v63  }
0x92: {  	_ =	swait.ge [sflag:s23], $0x500  }
0x93: {  	[sflag:s23] =	ssyncset.done $0x0  }
0x94: {  	s13 =	sadd.s32 $0x2800, s1;
	[sflag:s23] =	ssyncadd.s32 $0xFFFFFB00  }
0x95: {  	[spmem:s2] =	stream.indirect.scatter.add.f32 [tilespmem:s18], [sflag:$0x9], $0x10, s13, s14, $0xb8;
	[tilespmem:$0xB540] =	vst v63  }
0x96: {  	_ =	swait.ge [sflag:s24], $0x500  }
0x97: {  	[sflag:s24] =	ssyncset.done $0x0  }
0x98: {  	s10 =	sadd.s32 $0x2850, s1;
	[sflag:s24] =	ssyncadd.s32 $0xFFFFFB00  }
0x99: {  	[spmem:s2] =	stream.indirect.scatter.add.f32 [tilespmem:s19], [sflag:$0xA], $0x10, s10, s14, $0xb8;
	[tilespmem:$0xB540] =	vst v63  }
0x9a: {  	_ =	swait.ge [sflag:s25], $0x500  }
0x9b: {  	[sflag:s25] =	ssyncset.done $0x0  }
0x9c: {  	[sflag:s25] =	ssyncadd.s32 $0xFFFFFB00  }
0x9d: {  	_ =	swait.ge [sflag:s26], $0x500  }
0x9e: {  	[sflag:s26] =	ssyncset.done $0x0  }
0x9f: {  	[sflag:s26] =	ssyncadd.s32 $0xFFFFFB00  }
0xa0: {  	_ =	swait.ge [sflag:s28], $0x500  }
0xa1: {  	[sflag:s28] =	ssyncset.done $0x0  }
0xa2: {  	[sflag:s28] =	ssyncadd.s32 $0xFFFFFB00  }
0xa3: {  	_ =	swait.ge [sflag:s29], $0x500  }
0xa4: {  	[sflag:s29] =	ssyncset.done $0x0  }
0xa5: {  	[sflag:s29] =	ssyncadd.s32 $0xFFFFFB00  }
0xa6: {  	s12 =	stileid.u32;
	_ =	swait.ge [sflag:s30], $0x500  }
0xa7: {  	s31 =	sadd.s32 $0x1, s31;
	s0 =	sshll.u32 s12, $0x6;
	[sflag:s30] =	ssyncset.done $0x0  }
0xa8: {  	p0 =	sne.s32 s31, s9;
	s0 =	sor.u32 $0x1C0B, s0;
	[sflag:s30] =	ssyncadd.s32 $0xFFFFFB00  }
.Ltmp2:
0xa9: {  	s13 =	sshrl.u32 s7, $0x3;
	[bflag:$0x0] =	sbarrier.arrive $0xFFFF;
	(pc) =	sbr.rel @p0 .LBB2_1-.Ltmp2, $4  }
0xaa: {  	[hbm:s8@s20], [sflag:s0] =	dma.strided [spmem:s13@s21], $0x271, s20, $0x1   }
0xab: {  	_ =	swait.ge [sflag:s11], $0x271  }
0xac: {  	[sflag:s11] =	ssyncset.done $0x0  }
0xad: {  	[sflag:s11] =	ssyncadd.s32 $0xFFFFFD8F  }
0xae: {  	_ =	sfence.sel $0x180000  }
0xaf: {  	[bflag:$0x0] =	sbarrier.arrive $0xFFFF  }
0xb0: {  	_ =	strace $0x90000047  }
0xb1: {  	s0 =	stileid.u32;
	[bflag:$0x2] =	sbarrier.arrive $0xFFFF  }
0xb2: {  	p0 =	sne.s32 s0, $0x0;
	s0 =	rddreg [dreg:$0x2]  }
0xb3: {  	s0 =	sadd.s32 @!p0 $0x100000, s0  }
0xb4: {  	[sflag:s0] =	ssyncadd.tile.s32 @!p0 $0x1;
	_ =	shalt  }
.Lfunc_end2:
_tile_overlayer_lowered:
.L_overlay_start_2:
0xb5: {  	(tag) =	ssettag $0x2  }
0xb6: {  	s0 =	rddreg [dreg:$0x0];
	s2 =	stileid.u32  }
0xb7: {  	s1 =	rddreg [dreg:$0x1];
	p0 =	sne.s32 s2, $0x0  }
0xb8: {  	s3 =	rddreg [dreg:$0x2];
	[bflag:$0x3] =	sbarrier.arrive $0xFFFF;
	s2 =	simm.s32 @!p0 $0x1C0B  }
0xb9: {  	[timem:s3], [sflag:s2] =	dma.local @!p0 [hbm:s0], s1  }
0xba: {  	s0 =	simm.s32 @!p0 $0xB  }
0xbb: {  	_ =	swait.ge @!p0 [sflag:s0], s1  }
0xbc: {  	s1 =	ssub.s32 @!p0 $0x0, s1;
	[sflag:s0] =	ssyncset.done @!p0 $0x0  }
0xbd: {  	[sflag:s0] =	ssyncadd.s32 @!p0 s1  }
0xbe: {  	[bflag:$0x3] =	sbarrier.arrive $0xFFFF  }
0xbf: {  	_ =	shalt  }

// kernel: kernel.16.cloned.1.call-start
scs
__scs_entry_jumppad:
0x0: {  	(pc) =	sbr.rel $0x88, $3  }
0x1: {  	(tag) =	ssettag $0x0;
	lr =	simm.s32 $0x1  }
0x2: {  	[smem:$0x3F97] =	sst lr;
	_ =	strace $0xD0000000  }
0x3: {  	_ = 	snop  }
0x4: {  	_ = 	snop  }
0x5: {  	_ = 	snop  }
0x6: {  	_ = 	snop  }
0x7: {  	_ = 	snop  }
__scs_overlays_trampoline_lowered:
0x8: {  	[smem:$0x3FA6] =	sst s0  }
0x9: {  	[smem:$0x3FA7] =	sst s1  }
0xa: {  	[smem:$0x3FA8] =	sst s2  }
0xb: {  	[smem:$0x3FA9] =	sst s3  }
0xc: {  	[smem:$0x3FAA] =	sst s4  }
0xd: {  	[smem:$0x3FAB] =	sst s5  }
0xe: {  	[smem:$0x3FAC] =	sst s6  }
0xf: {  	[smem:$0x3FAD] =	sst s7  }
0x10: {  	[smem:$0x3FAE] =	sst s8  }
0x11: {  	[smem:$0x3FAF] =	sst s9;
	s0 =	simm.s32 @!p0 $0x0  }
0x12: {  	s1 =	sld [smem:$0x3F95];
	s0 =	simm.s32 @p0 $0x1  }
0x13: {  	[smem:$0x3FB0] =	sst s0;
	s0 =	simm.s32 @!p1 $0x0  }
0x14: {  	s2 =	sld [smem:$0x3F94];
	s0 =	simm.s32 @p1 $0x1  }
0x15: {  	[smem:$0x3FB1] =	sst s0;
	s0 =	simm.s32 @!p2 $0x0  }
0x16: {  	s3 =	sld [smem:$0x3FDB];
	s0 =	simm.s32 @p2 $0x1  }
0x17: {  	s4 =	simm.s32 $0x1BF5;
	[smem:$0x3FB3] =	sst s0  }
0x18: {  	s0 =	sld [smem:$0x3F96];
	_ =	swait.ge [sflag:s4], $0x0  }
0x19: {  	s7 =	sld [smem:$0x3F97]  }
0x1a: {  	s8 =	sadd.s32 $0xFFFFE003, lr  }
0x1b: {  	s9 =	sadd.s32 $0xFFFFFEF7, lr;
	s5 =	simm.s32 $0xFFFFFFFF;
	p2 =	slt.u32 s8, $0xFFFFF086  }
0x1c: {  	p1 =	slt.u32 s9, $0xF7A;
	s5 =	simm.s32 @!p2 $0x0  }
0x1d: {  	s5 =	simm.s32 @p1 $0x1;
	p0 =	seq.s32 s7, s2  }
0x1e: {  	s7 =	smul.u32 @!p0 $0xF7A, s2;
	p2 =	seq.s32 @!p0 s5, $0x0  }
0x1f: {  	s9 =	smul.u32 $0xF7A, s1;
	s8 =	simm.s32 @!p0 $0x1BF5;
	p2 =	por !p2, p0  }
0x20: {  	[sflag:s8] =	ssyncset.s32 @!p0 $0xFFFFF086;
	s6 =	sadd.s32 @!p0 s3, s7;
	s7 =	simm.s32 @!p0 $0x108  }
0x21: {  	s3 =	sadd.s32 s3, s9;
	s6 =	sadd.s32 @!p0 $0x88, s6;
	s7 =	simm.s32 @p2 $0x1082  }
0x22: {  	[simem:s7], [sflag:s8] =	dma.local @!p0 [hbm:s6], $0xF7A  }
0x23: {  	s9 =	sor.u32 $0xD0000000, s2;
	s6 =	simm.s32 $0x108;
	_ =	swait.ge @!p0 [sflag:s8], $0x0  }
0x24: {  	s3 =	sadd.s32 $0x88, s3;
	s6 =	simm.s32 @!p1 $0x1082;
	[sflag:s4] =	ssyncset.s32 $0xFFFFF086  }
0x25: {  	[simem:s6], [sflag:s4] =	dma.local [hbm:s3], $0xF7A  }
0x26: {  	[smem:$0x3F97] =	sst s1;
	(tag) =	ssettag s2;
	_ =	strace s9  }
0x27: {  	s1 =	sld [smem:$0x3FA7]  }
0x28: {  	s2 =	sld [smem:$0x3FA8]  }
0x29: {  	s4 =	sld [smem:$0x3FAA]  }
0x2a: {  	p0 =	seq.s32 s5, $0x0;
	s5 =	sld [smem:$0x3FAB]  }
0x2b: {  	s6 =	sld [smem:$0x3FAC]  }
0x2c: {  	s7 =	sld [smem:$0x3FAD]  }
0x2d: {  	s3 =	simm.s32 $0x108;
	s8 =	sld [smem:$0x3FAE]  }
0x2e: {  	s3 =	simm.s32 @!p0 $0x1082;
	s9 =	sld [smem:$0x3FAF]  }
0x2f: {  	lr =	sadd.s32 s0, s3;
	s0 =	sld [smem:$0x3FA6]  }
0x30: {  	s3 =	sld [smem:$0x3FA9]  }
0x31: {  	[smem:$0x3FB2] =	sst s10  }
0x32: {  	s10 =	sld [smem:$0x3FB0];
	_ =	sdelay $0x3  }
0x33: {  	p0 =	seq.s32 s10, $0x1;
	s10 =	sld [smem:$0x3FB2];
	_ =	sdelay $0x3  }
0x34: {  	[smem:$0x3FB2] =	sst s10  }
0x35: {  	s10 =	sld [smem:$0x3FB1];
	_ =	sdelay $0x3  }
0x36: {  	p1 =	seq.s32 s10, $0x1;
	s10 =	sld [smem:$0x3FB2];
	_ =	sdelay $0x3  }
0x37: {  	[smem:$0x3FB2] =	sst s10  }
0x38: {  	s10 =	sld [smem:$0x3FB3]  }
0x39: {  	_ = 	snop;
	(pc) =	sbr.ind lr, $3  }
0x3a: {  	_ = 	snop  }
0x3b: {  	_ = 	snop  }
0x3c: {  	p2 =	seq.s32 s10, $0x1;
	s10 =	sld [smem:$0x3FB2]  }
0x3d: {  	_ =	shalt  }
0x3e: {  	_ =	shalt  }
0x3f: {  	_ =	shalt  }
0x40: {  	_ =	shalt  }
0x41: {  	_ =	shalt  }
0x42: {  	_ =	shalt  }
0x43: {  	_ =	shalt  }
0x44: {  	_ =	shalt  }
0x45: {  	_ =	shalt  }
0x46: {  	_ =	shalt  }
0x47: {  	_ =	shalt  }
0x48: {  	_ =	shalt  }
0x49: {  	_ =	shalt  }
0x4a: {  	_ =	shalt  }
0x4b: {  	_ =	shalt  }
0x4c: {  	_ =	shalt  }
0x4d: {  	_ =	shalt  }
0x4e: {  	_ =	shalt  }
0x4f: {  	_ =	shalt  }
0x50: {  	_ =	shalt  }
0x51: {  	_ =	shalt  }
0x52: {  	_ =	shalt  }
0x53: {  	_ =	shalt  }
0x54: {  	_ =	shalt  }
0x55: {  	_ =	shalt  }
0x56: {  	_ =	shalt  }
0x57: {  	_ =	shalt  }
0x58: {  	_ =	shalt  }
0x59: {  	_ =	shalt  }
0x5a: {  	_ =	shalt  }
0x5b: {  	_ =	shalt  }
0x5c: {  	_ =	shalt  }
0x5d: {  	_ =	shalt  }
0x5e: {  	_ =	shalt  }
0x5f: {  	_ =	shalt  }
0x60: {  	_ =	shalt  }
0x61: {  	_ =	shalt  }
0x62: {  	_ =	shalt  }
0x63: {  	_ =	shalt  }
0x64: {  	_ =	shalt  }
0x65: {  	_ =	shalt  }
0x66: {  	_ =	shalt  }
0x67: {  	_ =	shalt  }
0x68: {  	_ =	shalt  }
0x69: {  	_ =	shalt  }
0x6a: {  	_ =	shalt  }
0x6b: {  	_ =	shalt  }
0x6c: {  	_ =	shalt  }
0x6d: {  	_ =	shalt  }
0x6e: {  	_ =	shalt  }
0x6f: {  	_ =	shalt  }
0x70: {  	_ =	shalt  }
0x71: {  	_ =	shalt  }
0x72: {  	_ =	shalt  }
0x73: {  	_ =	shalt  }
0x74: {  	_ =	shalt  }
0x75: {  	_ =	shalt  }
0x76: {  	_ =	shalt  }
0x77: {  	_ =	shalt  }
0x78: {  	_ =	shalt  }
0x79: {  	_ =	shalt  }
0x7a: {  	_ =	shalt  }
0x7b: {  	_ =	shalt  }
0x7c: {  	_ =	shalt  }
0x7d: {  	_ =	shalt  }
0x7e: {  	_ =	shalt  }
0x7f: {  	_ =	shalt  }
0x80: {  	_ =	shalt  }
0x81: {  	_ =	shalt  }
0x82: {  	_ =	shalt  }
0x83: {  	_ =	shalt  }
0x84: {  	_ =	shalt  }
0x85: {  	_ =	shalt  }
0x86: {  	_ =	shalt  }
0x87: {  	_ =	shalt  }
.Lfunc_end0:
.L_simem_size_0:
called_computation.1_lowered:
.L_overlay_start_0:
0x88: {  	s2 =	sld [smem:$0x3FD9]  }
0x89: {  	s3 =	sld [smem:$0x3FFE];
	_ =	sdelay $0x1  }
0x8a: {  	s1 =	srdreg.scid  }
0x8b: {  	s0 =	sand.u32 $0x1, s1  }
0x8c: {  	s16 =	sshll.u32 s0, $0xA;
	s2 =	sadd.s32 s3, s2  }
0x8d: {  	s2 =	sadd.s32 s2, s16  }
0x8e: {  	[smem:$0x3FBE] =	sst s2  }
0x8f: {  	_ = 	snop  }
0x90: {  	(tm) =	ssettm $0x1  }
0x91: {  	s17 =	sld [smem:$0x3FFB];
	_ =	sdelay $0x3  }
0x92: {  	_ =	strace s17  }
0x93: {  	s2 =	sld [smem:$0x3FFC];
	_ =	sdelay $0x3  }
0x94: {  	_ =	strace s2  }
0x95: {  	s2 =	sld [smem:$0x3FFD];
	_ =	sdelay $0x3  }
0x96: {  	_ =	strace s2  }
0x97: {  	_ =	strace $0x8FFFFFFF  }
0x98: {  	s18 =	sld [smem:$0x3FDB];
	_ =	sdelay $0x1  }
0x99: {  	s19 =	simm.s32 $_scs_section_size  }
0x9a: {  	s4 =	simm.s32 $_size__tile_overlayer_lowered;
	s5 =	simm.s32 $_tile_overlayer_lowered  }
0x9b: {  	s22 =	simm.s32 $0x1BFF;
	s21 =	sshll.u32 s5, $0x1;
	s2 =	sadd.s32 s19, s18  }
0x9c: {  	s6 =	simm.s32 $0x0;
	s20 =	sshll.u32 s4, $0x1;
	s4 =	sadd.s32 s21, s2  }
0x9d: {  	[timem:s6], [sflag:s22] =	dma.local [hbm:s4], s20  }
0x9e: {  	_ =	swait.ge [sflag:s22], s20  }
0x9f: {  	s3 =	ssub.s32 $0x0, s20;
	[sflag:s22] =	ssyncset.done $0x0  }
0xa0: {  	[sflag:s22] =	ssyncadd.s32 s3;
	_ =	sdelay $0x1  }
0xa1: {  	s23 =	simm.s32 $0x1B8B  }
0xa2: {  	_ =	swait.ge [sflag:s23], $0x1  }
0xa3: {  	[sflag:s23] =	ssyncset.done $0x0  }
0xa4: {  	s25 =	simm.s32 $0x1B8E;
	s24 =	sld [smem:$0x3FFE];
	[sflag:s23] =	ssyncadd.s32 $0xFFFFFFFF  }
0xa5: {  	s26 =	simm.s32 $execute0_lowered;
	[smem:$0x3FD2] =	sst s25  }
0xa6: {  	s4 =	sshll.u32 s26, $0x1;
	_ =	strace $0x80000049;
	[dreg:$0x1] =	wrdreg $0xFFFFFFFF  }
0xa7: {  	s28 =	simm.s32 $_size_execute0_lowered;
	s2 =	sadd.s32 s2, s4;
	[dreg:$0x0] =	wrdreg $0x0  }
0xa8: {  	s4 =	sshll.u32 s28, $0x1;
	[dreg:$0x2] =	wrdreg s2  }
0xa9: {  	[dreg:$0x3] =	wrdreg s4  }
0xaa: {  	[dreg:$0x4] =	wrdreg $0xC0  }
0xab: {  	_ =	task [dreg:s6], $0x5FFFF  }
0xac: {  	[dreg:$0x1] =	wrdreg $0xFFFFFFFF  }
0xad: {  	[dreg:$0x0] =	wrdreg $0x60  }
0xae: {  	[dreg:$0x2] =	wrdreg s24  }
0xaf: {  	[dreg:$0x3] =	wrdreg $0x0  }
0xb0: {  	[dreg:$0x4] =	wrdreg $0x9  }
0xb1: {  	_ =	task.clear_ibuf [dreg:s6], $0x5FFFF;
	_ =	strace $0x90000049  }
0xb2: {  	s29 =	simm.s32 $0x9;
	_ =	strace $0x8000004B  }
0xb3: {  	_ =	swait.ge [sflag:s29], $0x1  }
0xb4: {  	[sflag:s29] =	ssyncadd.s32 $0xFFFFFFFF  }
0xb5: {  	_ =	strace $0x9000004B  }
0xb6: {  	_ =	sfence  }
0xb7: {  	s30 =	sld [smem:$0x0];
	_ =	sdelay $0x2  }
0xb8: {  	s31 =	sshll.u32 s1, $0xD;
	s1 =	sshrl.u32 s1, $0x2  }
0xb9: {  	s3 =	sand.u32 $0x4000, s31;
	s1 =	sadd.s32 s1, s30  }
0xba: {  	s0 =	sor.u32 s3, s0;
	s1 =	sshll.u32 s1, $0x11  }
0xbb: {  	s0 =	sor.u32 s1, s0  }
0xbc: {  	s0 =	sadd.s32 $0x8F2B, s0  }
0xbd: {  	[sflag:s0] =	ssyncadd.remote.s32 $0x1  }
0xbe: {  	_ =	sfence.sel $0xFFFF  }
0xbf: {  	[dreg:$0x0] =	wrdreg $0xFFFFFFFF;
	(pc) =	sbr.abs _section_cstart, $3  }
0xc0: {  	[dreg:$0x1] =	wrdreg $0xFFFFFFFF  }
0xc1: {  	_ =	task.clear_ibuf [dreg:s6], $0x2FFFF;
	_ =	strace $0x9FFFFFFF  }
0xc2: {  	(tm) =	ssettm $0x7FFFFFFF  }
0xc3: {  	_ =	shalt  }
tec
execute0_lowered:
.L_overlay_start_1:
0x0: {  	(tag) =	ssettag $0x1  }
0x1: {  	s0 =	rddreg [dreg:$0x0]  }
0x2: {  	s2 =	rddreg [dreg:$0x1];
	s12 =	stileid.u32  }
0x3: {  	s1 =	simm.s32 $0x0;
	s28 =	srdreg.scid;
	s3 =	smul.u32 $0x9C4, s12  }
0x4: {  	s30 =	simm.s32 $0x15;
	[smem:$0x7FF] =	sst s1;
	s8 =	smul.u32 $0x27100, s12  }
0x5: {  	s1 =	sand.u32 $0x1, s28;
	s4 =	sadd.s32 $0x48A00, s0;
	s29 =	smul.u32 $0x271, s12  }
0x6: {  	s5 =	sadd.s32 $0x35000, s0;
	s19 =	smul.u32 $0x13880, s12;
	s12 =	simm.s32 $0xF  }
0x7: {  	_ =	strace $0x8000004A;
	s6 =	ssub.s32 $0x2, s1;
	s21 =	sshll.u32 s1, $0x6  }
0x8: {  	p0 =	seq.s32 s1, $0x1;
	s3 =	sadd.s32 s3, s0;
	s7 =	sshrl.u32 s6, $0x1  }
0x9: {  	s0 =	sadd.s32 $0x5C400, s0;
	s13 =	sshrl.u32 s8, $0x2;
	s14 =	sadd.s32 $0x7D, s29  }
0xa: {  	s15 =	sadd.s32 $0xFA, s29;
	s11 =	sadd.s32 $0x177, s29;
	s8 =	simm.s32 $0xB  }
0xb: {  	s6 =	ssub.s32 s6, s7;
	s9 =	sadd.s32 $0x2B200, s3;
	s3 =	sadd.s32 $0x21400, s3  }
0xc: {  	s31 =	sadd.s32 s13, s2;
	s16 =	sshll.u32 s14, $0x6;
	s10 =	sshll.u32 s15, $0x6  }
0xd: {  	s18 =	sshll.u32 s11, $0x6;
	s7 =	sadd.s32 $0x1F4, s29;
	s24 =	sshll.u32 s15, $0x7  }
0xe: {  	s25 =	sshll.u32 s11, $0x7;
	s13 =	simm.s32 $0x5;
	[dreg:$0x3] =	wrdreg s9  }
0xf: {  	s15 =	simm.s32 $0x7;
	s11 =	simm.s32 $0xE;
	[dreg:$0x4] =	wrdreg s3  }
0x10: {  	s9 =	sadd.s32 s16, s2;
	s17 =	sadd.s32 s10, s2;
	s20 =	sshll.u32 s7, $0x6  }
0x11: {  	s3 =	sshll.u32 s14, $0x7;
	s7 =	sshll.u32 s7, $0x7;
	[dreg:$0x5] =	wrdreg s31  }
0x12: {  	s29 =	smax.u32 s6, $0x1;
	s14 =	simm.s32 $0x6;
	[dreg:$0x6] =	wrdreg s9  }
0x13: {  	s16 =	simm.s32 $0x8;
	[dreg:$0x7] =	wrdreg s17;
	s9 =	sadd.s32 s18, s2  }
0x14: {  	s10 =	sadd.s32 s20, s2;
	s3 =	sor.u32 s21, s3;
	[dreg:$0xf] =	wrdreg s29  }
0x15: {  	s7 =	sor.u32 s21, s7;
	s18 =	simm.s32 $0xA;
	[dreg:$0x8] =	wrdreg s9  }
0x16: {  	s20 =	simm.s32 $0x11;
	[dreg:$0x9] =	wrdreg s10;
	s9 =	sor.u32 s21, s19  }
0x17: {  	s3 =	sshrl.u32 s3, $0x3;
	s28 =	sshrl.u32 s7, $0x3;
	s7 =	simm.s32 $0x4  }
0x18: {  	s10 =	simm.s32 $0xD;
	s19 =	simm.s32 $0x0;
	s22 =	sshrl.u32 s9, $0x3  }
0x19: {  	s23 =	sadd.s32 s0, s3;
	s3 =	sor.u32 s21, s25;
	s1 =	sadd.s32 s0, s22  }
0x1a: {  	s9 =	simm.s32 $0xC;
	[dreg:$0xa] =	wrdreg s1;
	s1 =	sor.u32 s21, s24  }
.Ltmp0:
0x1b: {  	s25 =	simm.s32 $0x13;
	s1 =	sshrl.u32 s1, $0x3;
	(pc) =	sbr.rel .LBB2_1-.Ltmp0, $4  }
0x1c: {  	[dreg:$0xb] =	wrdreg s23;
	s26 =	sshrl.u32 s3, $0x3;
	s1 =	sadd.s32 s0, s1  }
0x1d: {  	s23 =	simm.s32 $0x28;
	[dreg:$0xc] =	wrdreg s1;
	s1 =	sadd.s32 s0, s26  }
0x1e: {  	s22 =	simm.s32 $0x10;
	s0 =	sadd.s32 s0, s28;
	[dreg:$0xd] =	wrdreg s1  }
0x1f: {  	v0 =	vimm.f32 $0.0e+00;
	s24 =	simm.s32 $0x12;
	s26 =	simm.s32 $0x14;
	[dreg:$0xe] =	wrdreg s0  }
.LBB2_6:
0x20: {  	s26 =	simm.s32 $0x14  }
0x21: {  	s0 =	sadd.s32 $0x14E60, s28;
	s11 =	simm.s32 $0xEA60;
	[sflag:s26] =	ssyncadd.s32 $0xFFFFF600  }
0x22: {  	[tilespmem:s11], [sflag:$0x1] =	stream.indirect.gather [hbm4b:s4+s23], $0x40, s0, s23, $0xb8;
	[tilespmem:$0x1BBC0] =	vst v63  }
0x23: {  	s29 =	sadd.s32 $0x14E88, s28;
	s12 =	simm.s32 $0xF460  }
0x24: {  	[tilespmem:s12], [sflag:$0x2] =	stream.indirect.gather [hbm4b:s4+s23], $0x40, s29, s23, $0xb8;
	[tilespmem:$0x1BBC0] =	vst v63  }
0x25: {  	s30 =	sadd.s32 $0x14EB0, s28;
	s20 =	simm.s32 $0xFE60  }
0x26: {  	[tilespmem:s20], [sflag:$0x3] =	stream.indirect.gather [hbm4b:s4+s23], $0x40, s30, s23, $0xb8;
	[tilespmem:$0x1BBC0] =	vst v63  }
0x27: {  	s31 =	sadd.s32 $0x14ED8, s28;
	s24 =	simm.s32 $0x10860  }
0x28: {  	[tilespmem:s24], [sflag:$0x4] =	stream.indirect.gather [hbm4b:s4+s23], $0x40, s31, s23, $0xb8;
	[tilespmem:$0x1BBC0] =	vst v63  }
0x29: {  	s3 =	sadd.s32 $0x14F00, s28;
	s22 =	simm.s32 $0x11260  }
0x2a: {  	[tilespmem:s22], [sflag:$0x5] =	stream.indirect.gather [hbm4b:s4+s23], $0x40, s3, s23, $0xb8;
	[tilespmem:$0x1BBC0] =	vst v63  }
0x2b: {  	s19 =	sadd.s32 $0x14F28, s28;
	s25 =	simm.s32 $0x11C60  }
0x2c: {  	[tilespmem:s25], [sflag:$0x6] =	stream.indirect.gather [hbm4b:s4+s23], $0x40, s19, s23, $0xb8;
	[tilespmem:$0x1BBC0] =	vst v63  }
0x2d: {  	s21 =	sadd.s32 $0x14F50, s28;
	s3 =	simm.s32 $0x12660  }
0x2e: {  	[tilespmem:s3], [sflag:$0x7] =	stream.indirect.gather [hbm4b:s4+s23], $0x40, s21, s23, $0xb8;
	[tilespmem:$0x1BBC0] =	vst v63  }
0x2f: {  	s29 =	sadd.s32 $0x14F78, s28;
	s19 =	simm.s32 $0x13060  }
0x30: {  	[tilespmem:s19], [sflag:$0x8] =	stream.indirect.gather [hbm4b:s4+s23], $0x40, s29, s23, $0xb8;
	[tilespmem:$0x1BBC0] =	vst v63  }
0x31: {  	s30 =	sadd.s32 $0x14FA0, s28;
	s21 =	simm.s32 $0x13A60  }
0x32: {  	[tilespmem:s21], [sflag:$0x9] =	stream.indirect.gather [hbm4b:s4+s23], $0x40, s30, s23, $0xb8;
	[tilespmem:$0x1BBC0] =	vst v63  }
0x33: {  	s31 =	sadd.s32 $0x14FC8, s28;
	s29 =	simm.s32 $0x14460  }
0x34: {  	[tilespmem:s29], [sflag:$0xA] =	stream.indirect.gather [hbm4b:s4+s23], $0x40, s31, s23, $0xb8;
	[tilespmem:$0x1BBC0] =	vst v63  }
0x35: {  	_ =	swait.ge [sflag:s6], $0xA00  }
0x36: {  	[sflag:s6] =	ssyncset.done $0x0  }
0x37: {  	[sflag:s6] =	ssyncadd.s32 $0xFFFFF600;
	s6 =	sadd.s32 $0x9C40, s28  }
0x38: {  	[spmem:s2] =	stream.indirect.scatter.add.f32 [tilespmem:s11], [sflag:$0xB], $0x40, s6, s23, $0xb8;
	[tilespmem:$0x1BBC0] =	vst v63  }
0x39: {  	_ =	swait.ge [sflag:s1], $0xA00  }
0x3a: {  	[sflag:s1] =	ssyncset.done $0x0  }
0x3b: {  	s11 =	sadd.s32 $0x9C68, s28;
	[sflag:s1] =	ssyncadd.s32 $0xFFFFF600  }
0x3c: {  	[spmem:s2] =	stream.indirect.scatter.add.f32 [tilespmem:s12], [sflag:$0xC], $0x40, s11, s23, $0xb8;
	[tilespmem:$0x1BBC0] =	vst v63  }
0x3d: {  	_ =	swait.ge [sflag:s7], $0xA00  }
0x3e: {  	[sflag:s7] =	ssyncset.done $0x0  }
0x3f: {  	s12 =	sadd.s32 $0x9C90, s28;
	[sflag:s7] =	ssyncadd.s32 $0xFFFFF600  }
0x40: {  	[spmem:s2] =	stream.indirect.scatter.add.f32 [tilespmem:s20], [sflag:$0xD], $0x40, s12, s23, $0xb8;
	[tilespmem:$0x1BBC0] =	vst v63  }
0x41: {  	_ =	swait.ge [sflag:s13], $0xA00  }
0x42: {  	[sflag:s13] =	ssyncset.done $0x0  }
0x43: {  	[sflag:s13] =	ssyncadd.s32 $0xFFFFF600;
	s13 =	sadd.s32 $0x9CB8, s28  }
0x44: {  	[spmem:s2] =	stream.indirect.scatter.add.f32 [tilespmem:s24], [sflag:$0xE], $0x40, s13, s23, $0xb8;
	[tilespmem:$0x1BBC0] =	vst v63  }
0x45: {  	_ =	swait.ge [sflag:s14], $0xA00  }
0x46: {  	[sflag:s14] =	ssyncset.done $0x0  }
0x47: {  	[sflag:s14] =	ssyncadd.s32 $0xFFFFF600;
	s14 =	sadd.s32 $0x9CE0, s28  }
0x48: {  	[spmem:s2] =	stream.indirect.scatter.add.f32 [tilespmem:s22], [sflag:$0xF], $0x40, s14, s23, $0xb8;
	[tilespmem:$0x1BBC0] =	vst v63  }
0x49: {  	_ =	swait.ge [sflag:s15], $0xA00  }
0x4a: {  	[sflag:s15] =	ssyncset.done $0x0  }
0x4b: {  	[sflag:s15] =	ssyncadd.s32 $0xFFFFF600;
	s15 =	sadd.s32 $0x9D08, s28  }
0x4c: {  	[spmem:s2] =	stream.indirect.scatter.add.f32 [tilespmem:s25], [sflag:$0x10], $0x40, s15, s23, $0xb8;
	[tilespmem:$0x1BBC0] =	vst v63  }
0x4d: {  	_ =	swait.ge [sflag:s17], $0xA00  }
0x4e: {  	[sflag:s17] =	ssyncset.done $0x0  }
0x4f: {  	[sflag:s17] =	ssyncadd.s32 $0xFFFFF600;
	s17 =	sadd.s32 $0x9D30, s28  }
0x50: {  	[spmem:s2] =	stream.indirect.scatter.add.f32 [tilespmem:s3], [sflag:$0x11], $0x40, s17, s23, $0xb8;
	[tilespmem:$0x1BBC0] =	vst v63  }
0x51: {  	_ =	swait.ge [sflag:s18], $0xA00  }
0x52: {  	[sflag:s18] =	ssyncset.done $0x0  }
0x53: {  	[sflag:s18] =	ssyncadd.s32 $0xFFFFF600;
	s18 =	sadd.s32 $0x9D58, s28  }
0x54: {  	[spmem:s2] =	stream.indirect.scatter.add.f32 [tilespmem:s19], [sflag:$0x12], $0x40, s18, s23, $0xb8;
	[tilespmem:$0x1BBC0] =	vst v63  }
0x55: {  	_ =	swait.ge [sflag:s16], $0xA00  }
0x56: {  	[sflag:s16] =	ssyncset.done $0x0  }
0x57: {  	s20 =	sadd.s32 $0x9D80, s28;
	[sflag:s16] =	ssyncadd.s32 $0xFFFFF600  }
0x58: {  	[spmem:s2] =	stream.indirect.scatter.add.f32 [tilespmem:s21], [sflag:$0x13], $0x40, s20, s23, $0xb8;
	[tilespmem:$0x1BBC0] =	vst v63  }
0x59: {  	_ =	swait.ge [sflag:s8], $0xA00  }
0x5a: {  	[sflag:s8] =	ssyncset.done $0x0  }
0x5b: {  	s21 =	sadd.s32 $0x9DA8, s28;
	[sflag:s8] =	ssyncadd.s32 $0xFFFFF600  }
0x5c: {  	[spmem:s2] =	stream.indirect.scatter.add.f32 [tilespmem:s29], [sflag:$0x14], $0x40, s21, s23, $0xb8;
	[tilespmem:$0x1BBC0] =	vst v63  }
0x5d: {  	_ =	swait.ge [sflag:s9], $0xA00  }
0x5e: {  	[sflag:s9] =	ssyncset.done $0x0  }
0x5f: {  	[sflag:s9] =	ssyncadd.s32 $0xFFFFF600  }
0x60: {  	_ =	swait.ge [sflag:s10], $0xA00  }
0x61: {  	[sflag:s10] =	ssyncset.done $0x0  }
0x62: {  	s22 =	simm.s32 $0xD;
	[sflag:s10] =	ssyncadd.s32 $0xFFFFF600  }
0x63: {  	_ =	swait.ge [sflag:s22], $0xA00  }
0x64: {  	[sflag:s22] =	ssyncset.done $0x0  }
0x65: {  	s24 =	simm.s32 $0xE;
	[sflag:s22] =	ssyncadd.s32 $0xFFFFF600  }
0x66: {  	_ =	swait.ge [sflag:s24], $0xA00  }
0x67: {  	[sflag:s24] =	ssyncset.done $0x0  }
0x68: {  	s25 =	simm.s32 $0xF;
	[sflag:s24] =	ssyncadd.s32 $0xFFFFF600  }
0x69: {  	_ =	swait.ge [sflag:s25], $0xA00  }
0x6a: {  	[sflag:s25] =	ssyncset.done $0x0  }
0x6b: {  	s28 =	simm.s32 $0x10;
	[sflag:s25] =	ssyncadd.s32 $0xFFFFF600  }
0x6c: {  	_ =	swait.ge [sflag:s28], $0xA00  }
0x6d: {  	[sflag:s28] =	ssyncset.done $0x0  }
0x6e: {  	s29 =	simm.s32 $0x11;
	[sflag:s28] =	ssyncadd.s32 $0xFFFFF600  }
0x6f: {  	_ =	swait.ge [sflag:s29], $0xA00  }
0x70: {  	[sflag:s29] =	ssyncset.done $0x0  }
0x71: {  	s30 =	simm.s32 $0x12;
	s31 =	simm.s32 $0x13;
	[sflag:s29] =	ssyncadd.s32 $0xFFFFF600  }
0x72: {  	s1 =	simm.s32 $0x1;
	s11 =	simm.s32 $0xE;
	_ =	swait.ge [sflag:s30], $0xA00  }
0x73: {  	s7 =	simm.s32 $0x4;
	s12 =	simm.s32 $0xF;
	[sflag:s30] =	ssyncset.done $0x0  }
0x74: {  	s13 =	simm.s32 $0x5;
	s14 =	simm.s32 $0x6;
	[sflag:s30] =	ssyncadd.s32 $0xFFFFF600  }
0x75: {  	s15 =	simm.s32 $0x7;
	s18 =	simm.s32 $0xA;
	_ =	swait.ge [sflag:s31], $0xA00  }
0x76: {  	s16 =	simm.s32 $0x8;
	s20 =	simm.s32 $0x11;
	[sflag:s31] =	ssyncset.done $0x0  }
0x77: {  	s8 =	simm.s32 $0xB;
	s9 =	simm.s32 $0xC;
	[sflag:s31] =	ssyncadd.s32 $0xFFFFF600  }
0x78: {  	s10 =	simm.s32 $0xD;
	s22 =	simm.s32 $0x10;
	_ =	swait.ge [sflag:s26], $0xA00  }
0x79: {  	s24 =	simm.s32 $0x12;
	s25 =	simm.s32 $0x13;
	[sflag:s26] =	ssyncset.done $0x0  }
0x7a: {  	s19 =	rddreg [dreg:$0x10];
	[sflag:s26] =	ssyncadd.s32 $0xFFFFF600;
	s26 =	simm.s32 $0x14  }
.LBB2_10:
0x7b: {  	s0 =	stileid.u32;
	[bflag:$0x0] =	sbarrier.arrive $0xFFFF  }
0x7c: {  	s30 =	simm.s32 $0x15;
	s0 =	sshll.u32 s0, $0x6;
	s31 =	rddreg [dreg:$0x5]  }
0x7d: {  	s29 =	rddreg [dreg:$0xa];
	s0 =	sor.u32 $0x1C15, s0;
	s28 =	sshrl.u32 s31, $0x3  }
0x7e: {  	[hbm:s29@s22], [sflag:s0] =	dma.strided [spmem:s28@s16], $0x3E8, s1, $0x8   }
0x7f: {  	_ =	swait.ge [sflag:s30], $0x3E8  }
0x80: {  	[sflag:s30] =	ssyncset.done $0x0;
	s3 =	rddreg [dreg:$0x6]  }
0x81: {  	s6 =	rddreg [dreg:$0xb];
	[sflag:s30] =	ssyncadd.s32 $0xFFFFFC18;
	s28 =	sshrl.u32 s3, $0x3  }
0x82: {  	[hbm:s6@s22], [sflag:s0] =	dma.strided [spmem:s28@s16], $0x3E8, s1, $0x8   }
0x83: {  	_ =	swait.ge [sflag:s30], $0x3E8  }
0x84: {  	[sflag:s30] =	ssyncset.done $0x0;
	s17 =	rddreg [dreg:$0x7]  }
0x85: {  	s21 =	rddreg [dreg:$0xc];
	[sflag:s30] =	ssyncadd.s32 $0xFFFFFC18;
	s28 =	sshrl.u32 s17, $0x3  }
0x86: {  	[hbm:s21@s22], [sflag:s0] =	dma.strided [spmem:s28@s16], $0x3E8, s1, $0x8   }
0x87: {  	_ =	swait.ge [sflag:s30], $0x3E8  }
0x88: {  	[sflag:s30] =	ssyncset.done $0x0;
	s3 =	rddreg [dreg:$0x8]  }
0x89: {  	s6 =	rddreg [dreg:$0xd];
	[sflag:s30] =	ssyncadd.s32 $0xFFFFFC18;
	s28 =	sshrl.u32 s3, $0x3  }
0x8a: {  	[hbm:s6@s22], [sflag:s0] =	dma.strided [spmem:s28@s16], $0x3E8, s1, $0x8   }
0x8b: {  	_ =	swait.ge [sflag:s30], $0x3E8  }
0x8c: {  	[sflag:s30] =	ssyncset.done $0x0;
	s17 =	rddreg [dreg:$0x9]  }
0x8d: {  	s21 =	rddreg [dreg:$0xe];
	[sflag:s30] =	ssyncadd.s32 $0xFFFFFC18;
	s28 =	sshrl.u32 s17, $0x3  }
0x8e: {  	[hbm:s21@s22], [sflag:s0] =	dma.strided [spmem:s28@s16], $0x3E8, s1, $0x8   }
0x8f: {  	_ =	swait.ge [sflag:s30], $0x3E8  }
0x90: {  	s19 =	sadd.s32 $0x1, s19;
	s29 =	rddreg [dreg:$0xf]  }
0x91: {  	p1 =	sne.s32 s19, s29  }
.Ltmp1:
0x92: {  	_ = 	snop;
	(pc) =	sbr.rel @!p1 .LBB2_11-.Ltmp1, $3  }
0x93: {  	_ =	sdelay $0x1  }
0x94: {  	[sflag:s30] =	ssyncset.done $0x0  }
0x95: {  	[sflag:s30] =	ssyncadd.s32 $0xFFFFFC18  }
.LBB2_1:
0x96: {  	s0 =	simm.s32 $0x0;
	s28 =	rddreg [dreg:$0x3];
	s29 =	simm.s32 $0x14E60  }
0x97: {  	[tilespmem:s29], [sflag:$0x15] =	stream.linear.gather [hbm4b:s28+s0], $0x4E20, $0x38;
	[tilespmem:$0x1BBC0] =	vst v63  }
0x98: {  	_ =	swait.ge [sflag:s30], $0x4E20  }
0x99: {  	[sflag:s30] =	ssyncset.done $0x0  }
0x9a: {  	s29 =	simm.s32 $0x9C40;
	s28 =	rddreg [dreg:$0x4];
	[sflag:s30] =	ssyncadd.s32 $0xFFFFB1E0  }
0x9b: {  	[tilespmem:s29], [sflag:$0x15] =	stream.linear.gather [hbm4b:s28+s0], $0x4E20, $0x38;
	[tilespmem:$0x1BBC0] =	vst v63  }
0x9c: {  	_ =	swait.ge [sflag:s30], $0x4E20  }
0x9d: {  	[sflag:s30] =	ssyncset.done $0x0  }
0x9e: {  	s29 =	simm.s32 $0x100;
	s28 =	simm.s32 $0x0;
	[sflag:s30] =	ssyncadd.s32 $0xFFFFB1E0  }
.LBB2_2:
0x9f: {  	p1 =	sne.s32 s29, $0x7C00;
	[tilespmem:s28+$0x19CB0] =	vst v0;
	s30 =	smov.u32 s29;
	s29 =	sadd.s32 $0x100, s29  }
.Ltmp2:
0xa0: {  	[tilespmem:s28+$0x19CA0] =	vst v0;
	(pc) =	sbr.rel @p1 .LBB2_2-.Ltmp2, $3  }
0xa1: {  	[tilespmem:s28+$0x19C80] =	vst v0  }
0xa2: {  	[tilespmem:s28+$0x19C90] =	vst v0;
	_ =	sdelay $0x1  }
0xa3: {  	s28 =	sshra.s32 s30, $0x2  }
0xa4: {  	[tilespmem:s28+$0x19CB0] =	vst v0  }
0xa5: {  	[tilespmem:s28+$0x19CA0] =	vst v0  }
0xa6: {  	[tilespmem:s28+$0x19C80] =	vst v0  }
0xa7: {  	[dreg:$0x10] =	wrdreg s19;
	[tilespmem:s28+$0x19C90] =	vst v0;
	s29 =	simm.s32 $0x19C80;
	s19 =	simm.s32 $0x15  }
0xa8: {  	[spmem:s31] =	stream.linear.scatter [tilespmem:s29], [sflag:$0x15], $0x1F40, $0x38;
	[tilespmem:$0x1BBC0] =	vst v63  }
0xa9: {  	_ =	swait.ge [sflag:s19], $0x1F40  }
0xaa: {  	[sflag:s19] =	ssyncset.done $0x0  }
0xab: {  	s0 =	rddreg [dreg:$0x6];
	[sflag:s19] =	ssyncadd.s32 $0xFFFFE0C0  }
0xac: {  	[spmem:s0] =	stream.linear.scatter [tilespmem:s29], [sflag:$0x15], $0x1F40, $0x38;
	[tilespmem:$0x1BBC0] =	vst v63  }
0xad: {  	_ =	swait.ge [sflag:s19], $0x1F40  }
0xae: {  	[sflag:s19] =	ssyncset.done $0x0  }
0xaf: {  	s21 =	rddreg [dreg:$0x7];
	[sflag:s19] =	ssyncadd.s32 $0xFFFFE0C0  }
0xb0: {  	[spmem:s21] =	stream.linear.scatter [tilespmem:s29], [sflag:$0x15], $0x1F40, $0x38;
	[tilespmem:$0x1BBC0] =	vst v63  }
0xb1: {  	_ =	swait.ge [sflag:s19], $0x1F40  }
0xb2: {  	[sflag:s19] =	ssyncset.done $0x0  }
0xb3: {  	s30 =	rddreg [dreg:$0x8];
	[sflag:s19] =	ssyncadd.s32 $0xFFFFE0C0  }
0xb4: {  	[spmem:s30] =	stream.linear.scatter [tilespmem:s29], [sflag:$0x15], $0x1F40, $0x38;
	[tilespmem:$0x1BBC0] =	vst v63  }
0xb5: {  	_ =	swait.ge [sflag:s19], $0x1F40  }
0xb6: {  	[sflag:s19] =	ssyncset.done $0x0  }
0xb7: {  	s31 =	rddreg [dreg:$0x9];
	[sflag:s19] =	ssyncadd.s32 $0xFFFFE0C0  }
0xb8: {  	[spmem:s31] =	stream.linear.scatter [tilespmem:s29], [sflag:$0x15], $0x1F40, $0x38;
	[tilespmem:$0x1BBC0] =	vst v63  }
.Ltmp3:
0xb9: {  	_ =	swait.ge [sflag:s19], $0x1F40;
	(pc) =	sbr.rel @!p0 .LBB2_4-.Ltmp3, $3  }
0xba: {  	[sflag:s19] =	ssyncset.done $0x0  }
0xbb: {  	[sflag:s19] =	ssyncadd.s32 $0xFFFFE0C0  }
0xbc: {  	[bflag:$0x0] =	sbarrier.arrive $0xFFFF;
	_ =	sdelay $0x1  }
0xbd: {  	s0 =	simm.s32 $0x14E60;
	s1 =	simm.s32 $0xEA60  }
0xbe: {  	[tilespmem:s1], [sflag:$0x1] =	stream.indirect.gather [hbm4b:s5+s23], $0x40, s0, s23, $0xb8;
	[tilespmem:$0x1BBC0] =	vst v63  }
0xbf: {  	s30 =	simm.s32 $0x14E88;
	s31 =	simm.s32 $0xF460  }
0xc0: {  	[tilespmem:s31], [sflag:$0x2] =	stream.indirect.gather [hbm4b:s5+s23], $0x40, s30, s23, $0xb8;
	[tilespmem:$0x1BBC0] =	vst v63  }
0xc1: {  	s3 =	simm.s32 $0x14EB0;
	s30 =	simm.s32 $0xFE60  }
0xc2: {  	[tilespmem:s30], [sflag:$0x3] =	stream.indirect.gather [hbm4b:s5+s23], $0x40, s3, s23, $0xb8;
	[tilespmem:$0x1BBC0] =	vst v63  }
0xc3: {  	s6 =	simm.s32 $0x14ED8;
	s29 =	simm.s32 $0x10860  }
0xc4: {  	[tilespmem:s29], [sflag:$0x4] =	stream.indirect.gather [hbm4b:s5+s23], $0x40, s6, s23, $0xb8;
	[tilespmem:$0x1BBC0] =	vst v63  }
0xc5: {  	s17 =	simm.s32 $0x14F00;
	s19 =	simm.s32 $0x11260  }
0xc6: {  	[tilespmem:s19], [sflag:$0x5] =	stream.indirect.gather [hbm4b:s5+s23], $0x40, s17, s23, $0xb8;
	[tilespmem:$0x1BBC0] =	vst v63  }
0xc7: {  	s21 =	simm.s32 $0x14F28;
	s17 =	simm.s32 $0x11C60  }
0xc8: {  	[tilespmem:s17], [sflag:$0x6] =	stream.indirect.gather [hbm4b:s5+s23], $0x40, s21, s23, $0xb8;
	[tilespmem:$0x1BBC0] =	vst v63  }
0xc9: {  	s28 =	simm.s32 $0x12660;
	s0 =	simm.s32 $0x14F50  }
0xca: {  	[tilespmem:s28], [sflag:$0x7] =	stream.indirect.gather [hbm4b:s5+s23], $0x40, s0, s23, $0xb8;
	[tilespmem:$0x1BBC0] =	vst v63  }
0xcb: {  	s0 =	simm.s32 $0x14F78;
	s28 =	simm.s32 $0x13060  }
0xcc: {  	[tilespmem:s28], [sflag:$0x8] =	stream.indirect.gather [hbm4b:s5+s23], $0x40, s0, s23, $0xb8;
	[tilespmem:$0x1BBC0] =	vst v63  }
0xcd: {  	s0 =	simm.s32 $0x14FA0;
	s28 =	simm.s32 $0x13A60  }
0xce: {  	[tilespmem:s28], [sflag:$0x9] =	stream.indirect.gather [hbm4b:s5+s23], $0x40, s0, s23, $0xb8;
	[tilespmem:$0x1BBC0] =	vst v63  }
0xcf: {  	s3 =	simm.s32 $0x1;
	s0 =	simm.s32 $0x14FC8;
	s28 =	simm.s32 $0x14460  }
0xd0: {  	[tilespmem:s28], [sflag:$0xA] =	stream.indirect.gather [hbm4b:s5+s23], $0x40, s0, s23, $0xb8;
	[tilespmem:$0x1BBC0] =	vst v63  }
0xd1: {  	_ =	swait.ge [sflag:s3], $0xA00  }
0xd2: {  	[sflag:s3] =	ssyncset.done $0x0  }
0xd3: {  	s21 =	simm.s32 $0x2;
	[sflag:s3] =	ssyncadd.s32 $0xFFFFF600;
	s3 =	simm.s32 $0x9C40  }
0xd4: {  	[spmem:s2] =	stream.indirect.scatter.add.f32 [tilespmem:s1], [sflag:$0xB], $0x40, s3, s23, $0xb8;
	[tilespmem:$0x1BBC0] =	vst v63  }
0xd5: {  	_ =	swait.ge [sflag:s21], $0xA00  }
0xd6: {  	[sflag:s21] =	ssyncset.done $0x0  }
0xd7: {  	s17 =	simm.s32 $0x3;
	s3 =	simm.s32 $0x9C68;
	[sflag:s21] =	ssyncadd.s32 $0xFFFFF600  }
0xd8: {  	[spmem:s2] =	stream.indirect.scatter.add.f32 [tilespmem:s31], [sflag:$0xC], $0x40, s3, s23, $0xb8;
	[tilespmem:$0x1BBC0] =	vst v63  }
0xd9: {  	_ =	swait.ge [sflag:s17], $0xA00  }
0xda: {  	[sflag:s17] =	ssyncset.done $0x0  }
0xdb: {  	s21 =	simm.s32 $0x9C90;
	[sflag:s17] =	ssyncadd.s32 $0xFFFFF600  }
0xdc: {  	[spmem:s2] =	stream.indirect.scatter.add.f32 [tilespmem:s30], [sflag:$0xD], $0x40, s21, s23, $0xb8;
	[tilespmem:$0x1BBC0] =	vst v63  }
0xdd: {  	_ =	swait.ge [sflag:s7], $0xA00  }
0xde: {  	[sflag:s7] =	ssyncset.done $0x0  }
0xdf: {  	s1 =	simm.s32 $0x9CB8;
	[sflag:s7] =	ssyncadd.s32 $0xFFFFF600  }
0xe0: {  	[spmem:s2] =	stream.indirect.scatter.add.f32 [tilespmem:s29], [sflag:$0xE], $0x40, s1, s23, $0xb8;
	[tilespmem:$0x1BBC0] =	vst v63  }
0xe1: {  	_ =	swait.ge [sflag:s13], $0xA00  }
0xe2: {  	[sflag:s13] =	ssyncset.done $0x0  }
0xe3: {  	s3 =	simm.s32 $0x9CE0;
	[sflag:s13] =	ssyncadd.s32 $0xFFFFF600  }
0xe4: {  	[spmem:s2] =	stream.indirect.scatter.add.f32 [tilespmem:s19], [sflag:$0xF], $0x40, s3, s23, $0xb8;
	[tilespmem:$0x1BBC0] =	vst v63  }
0xe5: {  	_ =	swait.ge [sflag:s14], $0xA00  }
0xe6: {  	[sflag:s14] =	ssyncset.done $0x0  }
0xe7: {  	s7 =	simm.s32 $0x9D08;
	s13 =	simm.s32 $0x11C60;
	[sflag:s14] =	ssyncadd.s32 $0xFFFFF600  }
0xe8: {  	[spmem:s2] =	stream.indirect.scatter.add.f32 [tilespmem:s13], [sflag:$0x10], $0x40, s7, s23, $0xb8;
	[tilespmem:$0x1BBC0] =	vst v63  }
0xe9: {  	_ =	swait.ge [sflag:s15], $0xA00  }
0xea: {  	[sflag:s15] =	ssyncset.done $0x0  }
0xeb: {  	s14 =	simm.s32 $0x9D30;
	[sflag:s15] =	ssyncadd.s32 $0xFFFFF600;
	s15 =	simm.s32 $0x12660  }
0xec: {  	[spmem:s2] =	stream.indirect.scatter.add.f32 [tilespmem:s15], [sflag:$0x11], $0x40, s14, s23, $0xb8;
	[tilespmem:$0x1BBC0] =	vst v63  }
0xed: {  	_ =	swait.ge [sflag:s16], $0xA00  }
0xee: {  	s6 =	simm.s32 $0x9;
	[sflag:s16] =	ssyncset.done $0x0  }
0xef: {  	s17 =	simm.s32 $0x9D58;
	s19 =	simm.s32 $0x13060;
	[sflag:s16] =	ssyncadd.s32 $0xFFFFF600  }
0xf0: {  	[spmem:s2] =	stream.indirect.scatter.add.f32 [tilespmem:s19], [sflag:$0x12], $0x40, s17, s23, $0xb8;
	[tilespmem:$0x1BBC0] =	vst v63  }
0xf1: {  	_ =	swait.ge [sflag:s6], $0xA00  }
0xf2: {  	[sflag:s6] =	ssyncset.done $0x0  }
0xf3: {  	s21 =	simm.s32 $0x9D80;
	s29 =	simm.s32 $0x13A60;
	[sflag:s6] =	ssyncadd.s32 $0xFFFFF600  }
0xf4: {  	[spmem:s2] =	stream.indirect.scatter.add.f32 [tilespmem:s29], [sflag:$0x13], $0x40, s21, s23, $0xb8;
	[tilespmem:$0x1BBC0] =	vst v63  }
0xf5: {  	_ =	swait.ge [sflag:s18], $0xA00  }
0xf6: {  	[sflag:s18] =	ssyncset.done $0x0  }
0xf7: {  	s28 =	simm.s32 $0x14460;
	s30 =	simm.s32 $0x9DA8;
	[sflag:s18] =	ssyncadd.s32 $0xFFFFF600  }
0xf8: {  	[spmem:s2] =	stream.indirect.scatter.add.f32 [tilespmem:s28], [sflag:$0x14], $0x40, s30, s23, $0xb8;
	[tilespmem:$0x1BBC0] =	vst v63  }
0xf9: {  	_ =	swait.ge [sflag:s8], $0xA00  }
0xfa: {  	[sflag:s8] =	ssyncset.done $0x0  }
0xfb: {  	[sflag:s8] =	ssyncadd.s32 $0xFFFFF600  }
0xfc: {  	_ =	swait.ge [sflag:s9], $0xA00  }
0xfd: {  	[sflag:s9] =	ssyncset.done $0x0  }
0xfe: {  	[sflag:s9] =	ssyncadd.s32 $0xFFFFF600  }
0xff: {  	_ =	swait.ge [sflag:s10], $0xA00  }
0x100: {  	[sflag:s10] =	ssyncset.done $0x0  }
0x101: {  	[sflag:s10] =	ssyncadd.s32 $0xFFFFF600  }
0x102: {  	_ =	swait.ge [sflag:s11], $0xA00  }
0x103: {  	[sflag:s11] =	ssyncset.done $0x0  }
0x104: {  	[sflag:s11] =	ssyncadd.s32 $0xFFFFF600  }
0x105: {  	_ =	swait.ge [sflag:s12], $0xA00  }
0x106: {  	[sflag:s12] =	ssyncset.done $0x0  }
0x107: {  	[sflag:s12] =	ssyncadd.s32 $0xFFFFF600  }
0x108: {  	_ =	swait.ge [sflag:s22], $0xA00  }
0x109: {  	[sflag:s22] =	ssyncset.done $0x0  }
0x10a: {  	[sflag:s22] =	ssyncadd.s32 $0xFFFFF600  }
0x10b: {  	_ =	swait.ge [sflag:s20], $0xA00  }
0x10c: {  	[sflag:s20] =	ssyncset.done $0x0  }
0x10d: {  	[sflag:s20] =	ssyncadd.s32 $0xFFFFF600  }
0x10e: {  	_ =	swait.ge [sflag:s24], $0xA00  }
0x10f: {  	[sflag:s24] =	ssyncset.done $0x0  }
0x110: {  	[sflag:s24] =	ssyncadd.s32 $0xFFFFF600  }
0x111: {  	_ =	swait.ge [sflag:s25], $0xA00  }
0x112: {  	[sflag:s25] =	ssyncset.done $0x0  }
0x113: {  	[sflag:s25] =	ssyncadd.s32 $0xFFFFF600  }
0x114: {  	s31 =	simm.s32 $0xC80;
	_ =	swait.ge [sflag:s26], $0xA00  }
0x115: {  	s13 =	simm.s32 $0x4;
	s28 =	simm.s32 $0x190;
	[sflag:s26] =	ssyncset.done $0x0  }
.LBB2_8:
0x116: {  	s0 =	sadd.s32 $0x14E60, s28;
	[sflag:s26] =	ssyncadd.s32 $0xFFFFF600  }
0x117: {  	s30 =	smov.u32 s31;
	s29 =	sadd.s32 $0x640, s31;
	s17 =	simm.s32 $0xEA60  }
0x118: {  	[tilespmem:s17], [sflag:$0x1] =	stream.indirect.gather [hbm4b:s5+s23], $0x40, s0, s23, $0xb8;
	[tilespmem:$0x1BBC0] =	vst v63  }
0x119: {  	p1 =	sne.s32 s31, $0x13240;
	s15 =	simm.s32 $0xF460;
	s0 =	sadd.s32 $0x14E88, s28  }
0x11a: {  	[tilespmem:s15], [sflag:$0x2] =	stream.indirect.gather [hbm4b:s5+s23], $0x40, s0, s23, $0xb8;
	[tilespmem:$0x1BBC0] =	vst v63  }
0x11b: {  	s14 =	simm.s32 $0xFE60;
	s0 =	sadd.s32 $0x14EB0, s28  }
0x11c: {  	[tilespmem:s14], [sflag:$0x3] =	stream.indirect.gather [hbm4b:s5+s23], $0x40, s0, s23, $0xb8;
	[tilespmem:$0x1BBC0] =	vst v63  }
0x11d: {  	s7 =	simm.s32 $0x10860;
	s0 =	sadd.s32 $0x14ED8, s28  }
0x11e: {  	[tilespmem:s7], [sflag:$0x4] =	stream.indirect.gather [hbm4b:s5+s23], $0x40, s0, s23, $0xb8;
	[tilespmem:$0x1BBC0] =	vst v63  }
0x11f: {  	s6 =	simm.s32 $0x11260;
	s0 =	sadd.s32 $0x14F00, s28  }
0x120: {  	[tilespmem:s6], [sflag:$0x5] =	stream.indirect.gather [hbm4b:s5+s23], $0x40, s0, s23, $0xb8;
	[tilespmem:$0x1BBC0] =	vst v63  }
0x121: {  	s1 =	simm.s32 $0x11C60;
	s0 =	sadd.s32 $0x14F28, s28  }
0x122: {  	[tilespmem:s1], [sflag:$0x6] =	stream.indirect.gather [hbm4b:s5+s23], $0x40, s0, s23, $0xb8;
	[tilespmem:$0x1BBC0] =	vst v63  }
0x123: {  	s3 =	simm.s32 $0x12660;
	s0 =	sadd.s32 $0x14F50, s28  }
0x124: {  	[tilespmem:s3], [sflag:$0x7] =	stream.indirect.gather [hbm4b:s5+s23], $0x40, s0, s23, $0xb8;
	[tilespmem:$0x1BBC0] =	vst v63  }
0x125: {  	s19 =	simm.s32 $0x13060;
	s0 =	sadd.s32 $0x14F78, s28  }
0x126: {  	[tilespmem:s19], [sflag:$0x8] =	stream.indirect.gather [hbm4b:s5+s23], $0x40, s0, s23, $0xb8;
	[tilespmem:$0x1BBC0] =	vst v63  }
0x127: {  	s21 =	simm.s32 $0x13A60;
	s0 =	sadd.s32 $0x14FA0, s28  }
0x128: {  	[tilespmem:s21], [sflag:$0x9] =	stream.indirect.gather [hbm4b:s5+s23], $0x40, s0, s23, $0xb8;
	[tilespmem:$0x1BBC0] =	vst v63  }
0x129: {  	s31 =	simm.s32 $0x14460;
	s0 =	sadd.s32 $0x14FC8, s28  }
0x12a: {  	[tilespmem:s31], [sflag:$0xA] =	stream.indirect.gather [hbm4b:s5+s23], $0x40, s0, s23, $0xb8;
	[tilespmem:$0x1BBC0] =	vst v63  }
0x12b: {  	s0 =	simm.s32 $0x1  }
0x12c: {  	_ =	swait.ge [sflag:s0], $0xA00  }
0x12d: {  	[sflag:s0] =	ssyncset.done $0x0  }
0x12e: {  	[sflag:s0] =	ssyncadd.s32 $0xFFFFF600;
	s0 =	sadd.s32 $0x9C40, s28  }
0x12f: {  	[spmem:s2] =	stream.indirect.scatter.add.f32 [tilespmem:s17], [sflag:$0xB], $0x40, s0, s23, $0xb8;
	[tilespmem:$0x1BBC0] =	vst v63  }
0x130: {  	s0 =	simm.s32 $0x2  }
0x131: {  	_ =	swait.ge [sflag:s0], $0xA00  }
0x132: {  	[sflag:s0] =	ssyncset.done $0x0  }
0x133: {  	[sflag:s0] =	ssyncadd.s32 $0xFFFFF600;
	s0 =	sadd.s32 $0x9C68, s28  }
0x134: {  	[spmem:s2] =	stream.indirect.scatter.add.f32 [tilespmem:s15], [sflag:$0xC], $0x40, s0, s23, $0xb8;
	[tilespmem:$0x1BBC0] =	vst v63  }
0x135: {  	s0 =	simm.s32 $0x3  }
0x136: {  	_ =	swait.ge [sflag:s0], $0xA00  }
0x137: {  	[sflag:s0] =	ssyncset.done $0x0  }
0x138: {  	[sflag:s0] =	ssyncadd.s32 $0xFFFFF600;
	s0 =	sadd.s32 $0x9C90, s28  }
0x139: {  	[spmem:s2] =	stream.indirect.scatter.add.f32 [tilespmem:s14], [sflag:$0xD], $0x40, s0, s23, $0xb8;
	[tilespmem:$0x1BBC0] =	vst v63  }
0x13a: {  	_ =	swait.ge [sflag:s13], $0xA00  }
0x13b: {  	[sflag:s13] =	ssyncset.done $0x0  }
0x13c: {  	s0 =	sadd.s32 $0x9CB8, s28;
	[sflag:s13] =	ssyncadd.s32 $0xFFFFF600  }
0x13d: {  	[spmem:s2] =	stream.indirect.scatter.add.f32 [tilespmem:s7], [sflag:$0xE], $0x40, s0, s23, $0xb8;
	[tilespmem:$0x1BBC0] =	vst v63  }
0x13e: {  	s0 =	simm.s32 $0x5  }
0x13f: {  	_ =	swait.ge [sflag:s0], $0xA00  }
0x140: {  	[sflag:s0] =	ssyncset.done $0x0  }
0x141: {  	[sflag:s0] =	ssyncadd.s32 $0xFFFFF600;
	s0 =	sadd.s32 $0x9CE0, s28  }
0x142: {  	[spmem:s2] =	stream.indirect.scatter.add.f32 [tilespmem:s6], [sflag:$0xF], $0x40, s0, s23, $0xb8;
	[tilespmem:$0x1BBC0] =	vst v63  }
0x143: {  	s0 =	simm.s32 $0x6  }
0x144: {  	_ =	swait.ge [sflag:s0], $0xA00  }
0x145: {  	[sflag:s0] =	ssyncset.done $0x0  }
0x146: {  	[sflag:s0] =	ssyncadd.s32 $0xFFFFF600;
	s0 =	sadd.s32 $0x9D08, s28  }
0x147: {  	[spmem:s2] =	stream.indirect.scatter.add.f32 [tilespmem:s1], [sflag:$0x10], $0x40, s0, s23, $0xb8;
	[tilespmem:$0x1BBC0] =	vst v63  }
0x148: {  	s0 =	simm.s32 $0x7  }
0x149: {  	_ =	swait.ge [sflag:s0], $0xA00  }
0x14a: {  	[sflag:s0] =	ssyncset.done $0x0  }
0x14b: {  	[sflag:s0] =	ssyncadd.s32 $0xFFFFF600;
	s0 =	sadd.s32 $0x9D30, s28  }
0x14c: {  	[spmem:s2] =	stream.indirect.scatter.add.f32 [tilespmem:s3], [sflag:$0x11], $0x40, s0, s23, $0xb8;
	[tilespmem:$0x1BBC0] =	vst v63  }
0x14d: {  	_ =	swait.ge [sflag:s16], $0xA00  }
0x14e: {  	[sflag:s16] =	ssyncset.done $0x0  }
0x14f: {  	s0 =	sadd.s32 $0x9D58, s28;
	[sflag:s16] =	ssyncadd.s32 $0xFFFFF600  }
0x150: {  	[spmem:s2] =	stream.indirect.scatter.add.f32 [tilespmem:s19], [sflag:$0x12], $0x40, s0, s23, $0xb8;
	[tilespmem:$0x1BBC0] =	vst v63  }
0x151: {  	s0 =	simm.s32 $0x9  }
0x152: {  	_ =	swait.ge [sflag:s0], $0xA00  }
0x153: {  	[sflag:s0] =	ssyncset.done $0x0  }
0x154: {  	[sflag:s0] =	ssyncadd.s32 $0xFFFFF600;
	s0 =	sadd.s32 $0x9D80, s28  }
0x155: {  	[spmem:s2] =	stream.indirect.scatter.add.f32 [tilespmem:s21], [sflag:$0x13], $0x40, s0, s23, $0xb8;
	[tilespmem:$0x1BBC0] =	vst v63  }
0x156: {  	_ =	swait.ge [sflag:s18], $0xA00  }
0x157: {  	[sflag:s18] =	ssyncset.done $0x0  }
0x158: {  	s0 =	sadd.s32 $0x9DA8, s28;
	[sflag:s18] =	ssyncadd.s32 $0xFFFFF600  }
0x159: {  	[spmem:s2] =	stream.indirect.scatter.add.f32 [tilespmem:s31], [sflag:$0x14], $0x40, s0, s23, $0xb8;
	[tilespmem:$0x1BBC0] =	vst v63  }
0x15a: {  	_ =	swait.ge [sflag:s8], $0xA00  }
0x15b: {  	[sflag:s8] =	ssyncset.done $0x0  }
0x15c: {  	[sflag:s8] =	ssyncadd.s32 $0xFFFFF600  }
0x15d: {  	_ =	swait.ge [sflag:s9], $0xA00  }
0x15e: {  	[sflag:s9] =	ssyncset.done $0x0  }
0x15f: {  	[sflag:s9] =	ssyncadd.s32 $0xFFFFF600  }
0x160: {  	_ =	swait.ge [sflag:s10], $0xA00  }
0x161: {  	[sflag:s10] =	ssyncset.done $0x0  }
0x162: {  	[sflag:s10] =	ssyncadd.s32 $0xFFFFF600  }
0x163: {  	_ =	swait.ge [sflag:s11], $0xA00  }
0x164: {  	[sflag:s11] =	ssyncset.done $0x0  }
0x165: {  	[sflag:s11] =	ssyncadd.s32 $0xFFFFF600  }
0x166: {  	_ =	swait.ge [sflag:s12], $0xA00  }
0x167: {  	[sflag:s12] =	ssyncset.done $0x0  }
0x168: {  	[sflag:s12] =	ssyncadd.s32 $0xFFFFF600  }
0x169: {  	_ =	swait.ge [sflag:s22], $0xA00  }
0x16a: {  	[sflag:s22] =	ssyncset.done $0x0  }
0x16b: {  	[sflag:s22] =	ssyncadd.s32 $0xFFFFF600  }
0x16c: {  	_ =	swait.ge [sflag:s20], $0xA00  }
0x16d: {  	[sflag:s20] =	ssyncset.done $0x0  }
0x16e: {  	[sflag:s20] =	ssyncadd.s32 $0xFFFFF600  }
0x16f: {  	_ =	swait.ge [sflag:s24], $0xA00  }
0x170: {  	[sflag:s24] =	ssyncset.done $0x0  }
0x171: {  	[sflag:s24] =	ssyncadd.s32 $0xFFFFF600  }
.Ltmp4:
0x172: {  	_ =	swait.ge [sflag:s25], $0xA00;
	(pc) =	sbr.rel @p1 .LBB2_8-.Ltmp4, $4  }
0x173: {  	[sflag:s25] =	ssyncset.done $0x0  }
0x174: {  	[sflag:s25] =	ssyncadd.s32 $0xFFFFF600  }
0x175: {  	_ =	swait.ge [sflag:s26], $0xA00  }
0x176: {  	s28 =	sshra.s32 s30, $0x2;
	s31 =	smov.u32 s29;
	[sflag:s26] =	ssyncset.done $0x0  }
0x177: {  	s0 =	sadd.s32 $0x14E60, s28;
	[sflag:s26] =	ssyncadd.s32 $0xFFFFF600;
	s17 =	simm.s32 $0xEA60  }
0x178: {  	[tilespmem:s17], [sflag:$0x1] =	stream.indirect.gather [hbm4b:s5+s23], $0x40, s0, s23, $0xb8;
	[tilespmem:$0x1BBC0] =	vst v63  }
0x179: {  	s30 =	sadd.s32 $0x14E88, s28;
	s15 =	simm.s32 $0xF460  }
0x17a: {  	[tilespmem:s15], [sflag:$0x2] =	stream.indirect.gather [hbm4b:s5+s23], $0x40, s30, s23, $0xb8;
	[tilespmem:$0x1BBC0] =	vst v63  }
0x17b: {  	s31 =	sadd.s32 $0x14EB0, s28;
	s14 =	simm.s32 $0xFE60  }
0x17c: {  	[tilespmem:s14], [sflag:$0x3] =	stream.indirect.gather [hbm4b:s5+s23], $0x40, s31, s23, $0xb8;
	[tilespmem:$0x1BBC0] =	vst v63  }
0x17d: {  	s1 =	sadd.s32 $0x14ED8, s28;
	s7 =	simm.s32 $0x10860  }
0x17e: {  	[tilespmem:s7], [sflag:$0x4] =	stream.indirect.gather [hbm4b:s5+s23], $0x40, s1, s23, $0xb8;
	[tilespmem:$0x1BBC0] =	vst v63  }
0x17f: {  	s3 =	sadd.s32 $0x14F00, s28;
	s6 =	simm.s32 $0x11260  }
0x180: {  	[tilespmem:s6], [sflag:$0x5] =	stream.indirect.gather [hbm4b:s5+s23], $0x40, s3, s23, $0xb8;
	[tilespmem:$0x1BBC0] =	vst v63  }
0x181: {  	s19 =	sadd.s32 $0x14F28, s28;
	s1 =	simm.s32 $0x11C60  }
0x182: {  	[tilespmem:s1], [sflag:$0x6] =	stream.indirect.gather [hbm4b:s5+s23], $0x40, s19, s23, $0xb8;
	[tilespmem:$0x1BBC0] =	vst v63  }
0x183: {  	s21 =	sadd.s32 $0x14F50, s28;
	s3 =	simm.s32 $0x12660  }
0x184: {  	[tilespmem:s3], [sflag:$0x7] =	stream.indirect.gather [hbm4b:s5+s23], $0x40, s21, s23, $0xb8;
	[tilespmem:$0x1BBC0] =	vst v63  }
0x185: {  	s29 =	sadd.s32 $0x14F78, s28;
	s19 =	simm.s32 $0x13060  }
0x186: {  	[tilespmem:s19], [sflag:$0x8] =	stream.indirect.gather [hbm4b:s5+s23], $0x40, s29, s23, $0xb8;
	[tilespmem:$0x1BBC0] =	vst v63  }
0x187: {  	s30 =	sadd.s32 $0x14FA0, s28;
	s21 =	simm.s32 $0x13A60  }
0x188: {  	[tilespmem:s21], [sflag:$0x9] =	stream.indirect.gather [hbm4b:s5+s23], $0x40, s30, s23, $0xb8;
	[tilespmem:$0x1BBC0] =	vst v63  }
0x189: {  	s31 =	sadd.s32 $0x14FC8, s28;
	s29 =	simm.s32 $0x14460;
	s30 =	simm.s32 $0x1  }
0x18a: {  	[tilespmem:s29], [sflag:$0xA] =	stream.indirect.gather [hbm4b:s5+s23], $0x40, s31, s23, $0xb8;
	[tilespmem:$0x1BBC0] =	vst v63  }
0x18b: {  	_ =	swait.ge [sflag:s30], $0xA00  }
0x18c: {  	[sflag:s30] =	ssyncset.done $0x0  }
0x18d: {  	s31 =	sadd.s32 $0x9C40, s28;
	[sflag:s30] =	ssyncadd.s32 $0xFFFFF600  }
0x18e: {  	[spmem:s2] =	stream.indirect.scatter.add.f32 [tilespmem:s17], [sflag:$0xB], $0x40, s31, s23, $0xb8;
	[tilespmem:$0x1BBC0] =	vst v63  }
0x18f: {  	s17 =	simm.s32 $0x2  }
0x190: {  	_ =	swait.ge [sflag:s17], $0xA00  }
0x191: {  	[sflag:s17] =	ssyncset.done $0x0  }
0x192: {  	s30 =	sadd.s32 $0x9C68, s28;
	s31 =	simm.s32 $0x3;
	[sflag:s17] =	ssyncadd.s32 $0xFFFFF600  }
0x193: {  	[spmem:s2] =	stream.indirect.scatter.add.f32 [tilespmem:s15], [sflag:$0xC], $0x40, s30, s23, $0xb8;
	[tilespmem:$0x1BBC0] =	vst v63  }
0x194: {  	_ =	swait.ge [sflag:s31], $0xA00  }
0x195: {  	[sflag:s31] =	ssyncset.done $0x0  }
0x196: {  	s15 =	sadd.s32 $0x9C90, s28;
	[sflag:s31] =	ssyncadd.s32 $0xFFFFF600  }
0x197: {  	[spmem:s2] =	stream.indirect.scatter.add.f32 [tilespmem:s14], [sflag:$0xD], $0x40, s15, s23, $0xb8;
	[tilespmem:$0x1BBC0] =	vst v63  }
0x198: {  	_ =	swait.ge [sflag:s13], $0xA00  }
0x199: {  	[sflag:s13] =	ssyncset.done $0x0  }
0x19a: {  	s17 =	sadd.s32 $0x9CB8, s28;
	s30 =	simm.s32 $0x5;
	[sflag:s13] =	ssyncadd.s32 $0xFFFFF600  }
0x19b: {  	[spmem:s2] =	stream.indirect.scatter.add.f32 [tilespmem:s7], [sflag:$0xE], $0x40, s17, s23, $0xb8;
	[tilespmem:$0x1BBC0] =	vst v63  }
0x19c: {  	_ =	swait.ge [sflag:s30], $0xA00  }
0x19d: {  	[sflag:s30] =	ssyncset.done $0x0  }
0x19e: {  	s31 =	sadd.s32 $0x9CE0, s28;
	s7 =	simm.s32 $0x6;
	[sflag:s30] =	ssyncadd.s32 $0xFFFFF600  }
0x19f: {  	[spmem:s2] =	stream.indirect.scatter.add.f32 [tilespmem:s6], [sflag:$0xF], $0x40, s31, s23, $0xb8;
	[tilespmem:$0x1BBC0] =	vst v63  }
0x1a0: {  	_ =	swait.ge [sflag:s7], $0xA00  }
0x1a1: {  	[sflag:s7] =	ssyncset.done $0x0  }
0x1a2: {  	s14 =	simm.s32 $0x7;
	s13 =	sadd.s32 $0x9D08, s28;
	[sflag:s7] =	ssyncadd.s32 $0xFFFFF600  }
0x1a3: {  	[spmem:s2] =	stream.indirect.scatter.add.f32 [tilespmem:s1], [sflag:$0x10], $0x40, s13, s23, $0xb8;
	[tilespmem:$0x1BBC0] =	vst v63  }
0x1a4: {  	_ =	swait.ge [sflag:s14], $0xA00  }
0x1a5: {  	[sflag:s14] =	ssyncset.done $0x0  }
0x1a6: {  	s15 =	sadd.s32 $0x9D30, s28;
	[sflag:s14] =	ssyncadd.s32 $0xFFFFF600  }
0x1a7: {  	[spmem:s2] =	stream.indirect.scatter.add.f32 [tilespmem:s3], [sflag:$0x11], $0x40, s15, s23, $0xb8;
	[tilespmem:$0x1BBC0] =	vst v63  }
0x1a8: {  	_ =	swait.ge [sflag:s16], $0xA00  }
0x1a9: {  	[sflag:s16] =	ssyncset.done $0x0  }
0x1aa: {  	s17 =	sadd.s32 $0x9D58, s28;
	[sflag:s16] =	ssyncadd.s32 $0xFFFFF600  }
0x1ab: {  	[spmem:s2] =	stream.indirect.scatter.add.f32 [tilespmem:s19], [sflag:$0x12], $0x40, s17, s23, $0xb8;
	[tilespmem:$0x1BBC0] =	vst v63  }
0x1ac: {  	s19 =	simm.s32 $0x9  }
0x1ad: {  	_ =	swait.ge [sflag:s19], $0xA00  }
0x1ae: {  	[sflag:s19] =	ssyncset.done $0x0  }
0x1af: {  	s30 =	sadd.s32 $0x9D80, s28;
	[sflag:s19] =	ssyncadd.s32 $0xFFFFF600  }
0x1b0: {  	[spmem:s2] =	stream.indirect.scatter.add.f32 [tilespmem:s21], [sflag:$0x13], $0x40, s30, s23, $0xb8;
	[tilespmem:$0x1BBC0] =	vst v63  }
0x1b1: {  	_ =	swait.ge [sflag:s18], $0xA00  }
0x1b2: {  	[sflag:s18] =	ssyncset.done $0x0  }
0x1b3: {  	s31 =	sadd.s32 $0x9DA8, s28;
	[sflag:s18] =	ssyncadd.s32 $0xFFFFF600  }
0x1b4: {  	[spmem:s2] =	stream.indirect.scatter.add.f32 [tilespmem:s29], [sflag:$0x14], $0x40, s31, s23, $0xb8;
	[tilespmem:$0x1BBC0] =	vst v63  }
0x1b5: {  	_ =	swait.ge [sflag:s8], $0xA00  }
0x1b6: {  	[sflag:s8] =	ssyncset.done $0x0  }
0x1b7: {  	[sflag:s8] =	ssyncadd.s32 $0xFFFFF600  }
0x1b8: {  	_ =	swait.ge [sflag:s9], $0xA00  }
0x1b9: {  	[sflag:s9] =	ssyncset.done $0x0  }
0x1ba: {  	[sflag:s9] =	ssyncadd.s32 $0xFFFFF600  }
0x1bb: {  	_ =	swait.ge [sflag:s10], $0xA00  }
0x1bc: {  	[sflag:s10] =	ssyncset.done $0x0  }
0x1bd: {  	[sflag:s10] =	ssyncadd.s32 $0xFFFFF600  }
0x1be: {  	_ =	swait.ge [sflag:s11], $0xA00  }
0x1bf: {  	[sflag:s11] =	ssyncset.done $0x0  }
0x1c0: {  	[sflag:s11] =	ssyncadd.s32 $0xFFFFF600  }
0x1c1: {  	_ =	swait.ge [sflag:s12], $0xA00  }
0x1c2: {  	[sflag:s12] =	ssyncset.done $0x0  }
0x1c3: {  	[sflag:s12] =	ssyncadd.s32 $0xFFFFF600  }
0x1c4: {  	_ =	swait.ge [sflag:s22], $0xA00  }
0x1c5: {  	[sflag:s22] =	ssyncset.done $0x0  }
0x1c6: {  	[sflag:s22] =	ssyncadd.s32 $0xFFFFF600  }
0x1c7: {  	_ =	swait.ge [sflag:s20], $0xA00  }
0x1c8: {  	[sflag:s20] =	ssyncset.done $0x0  }
0x1c9: {  	[sflag:s20] =	ssyncadd.s32 $0xFFFFF600  }
0x1ca: {  	_ =	swait.ge [sflag:s24], $0xA00  }
0x1cb: {  	[sflag:s24] =	ssyncset.done $0x0  }
0x1cc: {  	[sflag:s24] =	ssyncadd.s32 $0xFFFFF600  }
0x1cd: {  	_ =	swait.ge [sflag:s25], $0xA00  }
.Ltmp5:
0x1ce: {  	[sflag:s25] =	ssyncset.done $0x0;
	(pc) =	sbr.rel .LBB2_10-.Ltmp5, $4  }
0x1cf: {  	[sflag:s25] =	ssyncadd.s32 $0xFFFFF600  }
0x1d0: {  	s7 =	simm.s32 $0x4;
	s1 =	simm.s32 $0x1;
	_ =	swait.ge [sflag:s26], $0xA00  }
0x1d1: {  	s13 =	simm.s32 $0x5;
	s14 =	simm.s32 $0x6;
	[sflag:s26] =	ssyncset.done $0x0  }
0x1d2: {  	s15 =	simm.s32 $0x7;
	s19 =	rddreg [dreg:$0x10];
	[sflag:s26] =	ssyncadd.s32 $0xFFFFF600  }
.LBB2_4:
0x1d3: {  	s28 =	simm.s32 $0x14E60;
	s0 =	simm.s32 $0xEA60  }
0x1d4: {  	[tilespmem:s0], [sflag:$0x1] =	stream.indirect.gather [hbm4b:s4+s23], $0x40, s28, s23, $0xb8;
	[tilespmem:$0x1BBC0] =	vst v63  }
0x1d5: {  	s3 =	simm.s32 $0xF460;
	s28 =	simm.s32 $0x14E88  }
0x1d6: {  	[tilespmem:s3], [sflag:$0x2] =	stream.indirect.gather [hbm4b:s4+s23], $0x40, s28, s23, $0xb8;
	[tilespmem:$0x1BBC0] =	vst v63  }
0x1d7: {  	s12 =	simm.s32 $0xFE60;
	s28 =	simm.s32 $0x14EB0  }
0x1d8: {  	[tilespmem:s12], [sflag:$0x3] =	stream.indirect.gather [hbm4b:s4+s23], $0x40, s28, s23, $0xb8;
	[tilespmem:$0x1BBC0] =	vst v63  }
0x1d9: {  	s19 =	simm.s32 $0x10860;
	s28 =	simm.s32 $0x14ED8  }
0x1da: {  	[tilespmem:s19], [sflag:$0x4] =	stream.indirect.gather [hbm4b:s4+s23], $0x40, s28, s23, $0xb8;
	[tilespmem:$0x1BBC0] =	vst v63  }
0x1db: {  	s22 =	simm.s32 $0x11260;
	s28 =	simm.s32 $0x14F00  }
0x1dc: {  	[tilespmem:s22], [sflag:$0x5] =	stream.indirect.gather [hbm4b:s4+s23], $0x40, s28, s23, $0xb8;
	[tilespmem:$0x1BBC0] =	vst v63  }
0x1dd: {  	s25 =	simm.s32 $0x11C60;
	s28 =	simm.s32 $0x14F28  }
0x1de: {  	[tilespmem:s25], [sflag:$0x6] =	stream.indirect.gather [hbm4b:s4+s23], $0x40, s28, s23, $0xb8;
	[tilespmem:$0x1BBC0] =	vst v63  }
0x1df: {  	s20 =	simm.s32 $0x12660;
	s28 =	simm.s32 $0x14F50  }
0x1e0: {  	[tilespmem:s20], [sflag:$0x7] =	stream.indirect.gather [hbm4b:s4+s23], $0x40, s28, s23, $0xb8;
	[tilespmem:$0x1BBC0] =	vst v63  }
0x1e1: {  	s24 =	simm.s32 $0x13060;
	s28 =	simm.s32 $0x14F78  }
0x1e2: {  	[tilespmem:s24], [sflag:$0x8] =	stream.indirect.gather [hbm4b:s4+s23], $0x40, s28, s23, $0xb8;
	[tilespmem:$0x1BBC0] =	vst v63  }
0x1e3: {  	s29 =	simm.s32 $0x13A60;
	s28 =	simm.s32 $0x14FA0  }
0x1e4: {  	[tilespmem:s29], [sflag:$0x9] =	stream.indirect.gather [hbm4b:s4+s23], $0x40, s28, s23, $0xb8;
	[tilespmem:$0x1BBC0] =	vst v63  }
0x1e5: {  	s6 =	simm.s32 $0x1;
	s31 =	simm.s32 $0x14460;
	s28 =	simm.s32 $0x14FC8  }
0x1e6: {  	[tilespmem:s31], [sflag:$0xA] =	stream.indirect.gather [hbm4b:s4+s23], $0x40, s28, s23, $0xb8;
	[tilespmem:$0x1BBC0] =	vst v63  }
0x1e7: {  	_ =	swait.ge [sflag:s6], $0xA00  }
0x1e8: {  	[sflag:s6] =	ssyncset.done $0x0  }
0x1e9: {  	s1 =	simm.s32 $0x2;
	s28 =	simm.s32 $0x9C40;
	[sflag:s6] =	ssyncadd.s32 $0xFFFFF600  }
0x1ea: {  	[spmem:s2] =	stream.indirect.scatter.add.f32 [tilespmem:s0], [sflag:$0xB], $0x40, s28, s23, $0xb8;
	[tilespmem:$0x1BBC0] =	vst v63  }
0x1eb: {  	_ =	swait.ge [sflag:s1], $0xA00  }
0x1ec: {  	[sflag:s1] =	ssyncset.done $0x0  }
0x1ed: {  	s7 =	simm.s32 $0x3;
	s28 =	simm.s32 $0x9C68;
	[sflag:s1] =	ssyncadd.s32 $0xFFFFF600  }
0x1ee: {  	[spmem:s2] =	stream.indirect.scatter.add.f32 [tilespmem:s3], [sflag:$0xC], $0x40, s28, s23, $0xb8;
	[tilespmem:$0x1BBC0] =	vst v63  }
0x1ef: {  	_ =	swait.ge [sflag:s7], $0xA00  }
0x1f0: {  	[sflag:s7] =	ssyncset.done $0x0  }
0x1f1: {  	s13 =	simm.s32 $0x4;
	s28 =	simm.s32 $0x9C90;
	[sflag:s7] =	ssyncadd.s32 $0xFFFFF600  }
0x1f2: {  	[spmem:s2] =	stream.indirect.scatter.add.f32 [tilespmem:s12], [sflag:$0xD], $0x40, s28, s23, $0xb8;
	[tilespmem:$0x1BBC0] =	vst v63  }
0x1f3: {  	_ =	swait.ge [sflag:s13], $0xA00  }
0x1f4: {  	[sflag:s13] =	ssyncset.done $0x0  }
0x1f5: {  	s14 =	simm.s32 $0x5;
	s28 =	simm.s32 $0x9CB8;
	[sflag:s13] =	ssyncadd.s32 $0xFFFFF600  }
0x1f6: {  	[spmem:s2] =	stream.indirect.scatter.add.f32 [tilespmem:s19], [sflag:$0xE], $0x40, s28, s23, $0xb8;
	[tilespmem:$0x1BBC0] =	vst v63  }
0x1f7: {  	_ =	swait.ge [sflag:s14], $0xA00  }
0x1f8: {  	[sflag:s14] =	ssyncset.done $0x0  }
0x1f9: {  	s15 =	simm.s32 $0x6;
	s28 =	simm.s32 $0x9CE0;
	[sflag:s14] =	ssyncadd.s32 $0xFFFFF600  }
0x1fa: {  	[spmem:s2] =	stream.indirect.scatter.add.f32 [tilespmem:s22], [sflag:$0xF], $0x40, s28, s23, $0xb8;
	[tilespmem:$0x1BBC0] =	vst v63  }
0x1fb: {  	_ =	swait.ge [sflag:s15], $0xA00  }
0x1fc: {  	[sflag:s15] =	ssyncset.done $0x0  }
0x1fd: {  	s17 =	simm.s32 $0x7;
	s28 =	simm.s32 $0x9D08;
	[sflag:s15] =	ssyncadd.s32 $0xFFFFF600  }
0x1fe: {  	[spmem:s2] =	stream.indirect.scatter.add.f32 [tilespmem:s25], [sflag:$0x10], $0x40, s28, s23, $0xb8;
	[tilespmem:$0x1BBC0] =	vst v63  }
0x1ff: {  	_ =	swait.ge [sflag:s17], $0xA00  }
0x200: {  	[sflag:s17] =	ssyncset.done $0x0  }
0x201: {  	s18 =	simm.s32 $0x8;
	s28 =	simm.s32 $0x9D30;
	[sflag:s17] =	ssyncadd.s32 $0xFFFFF600  }
0x202: {  	[spmem:s2] =	stream.indirect.scatter.add.f32 [tilespmem:s20], [sflag:$0x11], $0x40, s28, s23, $0xb8;
	[tilespmem:$0x1BBC0] =	vst v63  }
0x203: {  	_ =	swait.ge [sflag:s18], $0xA00  }
0x204: {  	[sflag:s18] =	ssyncset.done $0x0  }
0x205: {  	s16 =	simm.s32 $0x9;
	s28 =	simm.s32 $0x9D58;
	[sflag:s18] =	ssyncadd.s32 $0xFFFFF600  }
0x206: {  	[spmem:s2] =	stream.indirect.scatter.add.f32 [tilespmem:s24], [sflag:$0x12], $0x40, s28, s23, $0xb8;
	[tilespmem:$0x1BBC0] =	vst v63  }
0x207: {  	_ =	swait.ge [sflag:s16], $0xA00  }
0x208: {  	[sflag:s16] =	ssyncset.done $0x0  }
0x209: {  	s8 =	simm.s32 $0xA;
	s28 =	simm.s32 $0x9D80;
	[sflag:s16] =	ssyncadd.s32 $0xFFFFF600  }
0x20a: {  	[spmem:s2] =	stream.indirect.scatter.add.f32 [tilespmem:s29], [sflag:$0x13], $0x40, s28, s23, $0xb8;
	[tilespmem:$0x1BBC0] =	vst v63  }
0x20b: {  	_ =	swait.ge [sflag:s8], $0xA00  }
0x20c: {  	s9 =	simm.s32 $0xB;
	[sflag:s8] =	ssyncset.done $0x0  }
0x20d: {  	s31 =	simm.s32 $0x14460;
	s28 =	simm.s32 $0x9DA8;
	[sflag:s8] =	ssyncadd.s32 $0xFFFFF600  }
0x20e: {  	[spmem:s2] =	stream.indirect.scatter.add.f32 [tilespmem:s31], [sflag:$0x14], $0x40, s28, s23, $0xb8;
	[tilespmem:$0x1BBC0] =	vst v63  }
0x20f: {  	_ =	swait.ge [sflag:s9], $0xA00  }
0x210: {  	[sflag:s9] =	ssyncset.done $0x0  }
0x211: {  	s10 =	simm.s32 $0xC;
	[sflag:s9] =	ssyncadd.s32 $0xFFFFF600  }
0x212: {  	_ =	swait.ge [sflag:s10], $0xA00  }
0x213: {  	[sflag:s10] =	ssyncset.done $0x0  }
0x214: {  	s11 =	simm.s32 $0xD;
	[sflag:s10] =	ssyncadd.s32 $0xFFFFF600  }
0x215: {  	_ =	swait.ge [sflag:s11], $0xA00  }
0x216: {  	[sflag:s11] =	ssyncset.done $0x0  }
0x217: {  	s21 =	simm.s32 $0xE;
	[sflag:s11] =	ssyncadd.s32 $0xFFFFF600  }
0x218: {  	_ =	swait.ge [sflag:s21], $0xA00  }
0x219: {  	[sflag:s21] =	ssyncset.done $0x0  }
0x21a: {  	s26 =	simm.s32 $0xF;
	[sflag:s21] =	ssyncadd.s32 $0xFFFFF600  }
0x21b: {  	_ =	swait.ge [sflag:s26], $0xA00  }
0x21c: {  	[sflag:s26] =	ssyncset.done $0x0  }
0x21d: {  	s30 =	simm.s32 $0x10;
	[sflag:s26] =	ssyncadd.s32 $0xFFFFF600  }
0x21e: {  	_ =	swait.ge [sflag:s30], $0xA00  }
0x21f: {  	[sflag:s30] =	ssyncset.done $0x0  }
0x220: {  	s25 =	simm.s32 $0x11;
	[sflag:s30] =	ssyncadd.s32 $0xFFFFF600  }
0x221: {  	_ =	swait.ge [sflag:s25], $0xA00  }
0x222: {  	[sflag:s25] =	ssyncset.done $0x0  }
0x223: {  	s26 =	simm.s32 $0x12;
	[sflag:s25] =	ssyncadd.s32 $0xFFFFF600  }
0x224: {  	_ =	swait.ge [sflag:s26], $0xA00  }
0x225: {  	[sflag:s26] =	ssyncset.done $0x0  }
0x226: {  	s30 =	simm.s32 $0x13;
	[sflag:s26] =	ssyncadd.s32 $0xFFFFF600  }
0x227: {  	_ =	swait.ge [sflag:s30], $0xA00  }
0x228: {  	[sflag:s30] =	ssyncset.done $0x0  }
0x229: {  	s31 =	simm.s32 $0x14;
	[sflag:s30] =	ssyncadd.s32 $0xFFFFF600  }
0x22a: {  	_ =	swait.ge [sflag:s31], $0xA00  }
0x22b: {  	s29 =	simm.s32 $0xC80;
	s28 =	simm.s32 $0x190;
	[sflag:s31] =	ssyncset.done $0x0  }
.LBB2_5:
0x22c: {  	s0 =	sadd.s32 $0x14E60, s28;
	s26 =	simm.s32 $0x14;
	s30 =	smov.u32 s29  }
0x22d: {  	s31 =	sadd.s32 $0x640, s29;
	s11 =	simm.s32 $0xEA60;
	[sflag:s26] =	ssyncadd.s32 $0xFFFFF600  }
0x22e: {  	[tilespmem:s11], [sflag:$0x1] =	stream.indirect.gather [hbm4b:s4+s23], $0x40, s0, s23, $0xb8;
	[tilespmem:$0x1BBC0] =	vst v63  }
0x22f: {  	p1 =	seq.s32 s29, $0x13240;
	s12 =	simm.s32 $0xF460;
	s0 =	sadd.s32 $0x14E88, s28  }
0x230: {  	[tilespmem:s12], [sflag:$0x2] =	stream.indirect.gather [hbm4b:s4+s23], $0x40, s0, s23, $0xb8;
	[tilespmem:$0x1BBC0] =	vst v63  }
0x231: {  	s20 =	simm.s32 $0xFE60;
	s0 =	sadd.s32 $0x14EB0, s28  }
0x232: {  	[tilespmem:s20], [sflag:$0x3] =	stream.indirect.gather [hbm4b:s4+s23], $0x40, s0, s23, $0xb8;
	[tilespmem:$0x1BBC0] =	vst v63  }
0x233: {  	s24 =	simm.s32 $0x10860;
	s0 =	sadd.s32 $0x14ED8, s28  }
0x234: {  	[tilespmem:s24], [sflag:$0x4] =	stream.indirect.gather [hbm4b:s4+s23], $0x40, s0, s23, $0xb8;
	[tilespmem:$0x1BBC0] =	vst v63  }
0x235: {  	s22 =	simm.s32 $0x11260;
	s0 =	sadd.s32 $0x14F00, s28  }
0x236: {  	[tilespmem:s22], [sflag:$0x5] =	stream.indirect.gather [hbm4b:s4+s23], $0x40, s0, s23, $0xb8;
	[tilespmem:$0x1BBC0] =	vst v63  }
0x237: {  	s25 =	simm.s32 $0x11C60;
	s0 =	sadd.s32 $0x14F28, s28  }
0x238: {  	[tilespmem:s25], [sflag:$0x6] =	stream.indirect.gather [hbm4b:s4+s23], $0x40, s0, s23, $0xb8;
	[tilespmem:$0x1BBC0] =	vst v63  }
0x239: {  	s3 =	simm.s32 $0x12660;
	s0 =	sadd.s32 $0x14F50, s28  }
0x23a: {  	[tilespmem:s3], [sflag:$0x7] =	stream.indirect.gather [hbm4b:s4+s23], $0x40, s0, s23, $0xb8;
	[tilespmem:$0x1BBC0] =	vst v63  }
0x23b: {  	s19 =	simm.s32 $0x13060;
	s0 =	sadd.s32 $0x14F78, s28  }
0x23c: {  	[tilespmem:s19], [sflag:$0x8] =	stream.indirect.gather [hbm4b:s4+s23], $0x40, s0, s23, $0xb8;
	[tilespmem:$0x1BBC0] =	vst v63  }
0x23d: {  	s21 =	simm.s32 $0x13A60;
	s0 =	sadd.s32 $0x14FA0, s28  }
0x23e: {  	[tilespmem:s21], [sflag:$0x9] =	stream.indirect.gather [hbm4b:s4+s23], $0x40, s0, s23, $0xb8;
	[tilespmem:$0x1BBC0] =	vst v63  }
0x23f: {  	s29 =	simm.s32 $0x14460;
	s0 =	sadd.s32 $0x14FC8, s28  }
0x240: {  	[tilespmem:s29], [sflag:$0xA] =	stream.indirect.gather [hbm4b:s4+s23], $0x40, s0, s23, $0xb8;
	[tilespmem:$0x1BBC0] =	vst v63  }
0x241: {  	_ =	swait.ge [sflag:s6], $0xA00  }
0x242: {  	[sflag:s6] =	ssyncset.done $0x0  }
0x243: {  	s0 =	sadd.s32 $0x9C40, s28;
	[sflag:s6] =	ssyncadd.s32 $0xFFFFF600  }
0x244: {  	[spmem:s2] =	stream.indirect.scatter.add.f32 [tilespmem:s11], [sflag:$0xB], $0x40, s0, s23, $0xb8;
	[tilespmem:$0x1BBC0] =	vst v63  }
0x245: {  	_ =	swait.ge [sflag:s1], $0xA00  }
0x246: {  	[sflag:s1] =	ssyncset.done $0x0  }
0x247: {  	s0 =	sadd.s32 $0x9C68, s28;
	[sflag:s1] =	ssyncadd.s32 $0xFFFFF600  }
0x248: {  	[spmem:s2] =	stream.indirect.scatter.add.f32 [tilespmem:s12], [sflag:$0xC], $0x40, s0, s23, $0xb8;
	[tilespmem:$0x1BBC0] =	vst v63  }
0x249: {  	_ =	swait.ge [sflag:s7], $0xA00  }
0x24a: {  	[sflag:s7] =	ssyncset.done $0x0  }
0x24b: {  	s0 =	sadd.s32 $0x9C90, s28;
	[sflag:s7] =	ssyncadd.s32 $0xFFFFF600  }
0x24c: {  	[spmem:s2] =	stream.indirect.scatter.add.f32 [tilespmem:s20], [sflag:$0xD], $0x40, s0, s23, $0xb8;
	[tilespmem:$0x1BBC0] =	vst v63  }
0x24d: {  	_ =	swait.ge [sflag:s13], $0xA00  }
0x24e: {  	[sflag:s13] =	ssyncset.done $0x0  }
0x24f: {  	s0 =	sadd.s32 $0x9CB8, s28;
	[sflag:s13] =	ssyncadd.s32 $0xFFFFF600  }
0x250: {  	[spmem:s2] =	stream.indirect.scatter.add.f32 [tilespmem:s24], [sflag:$0xE], $0x40, s0, s23, $0xb8;
	[tilespmem:$0x1BBC0] =	vst v63  }
0x251: {  	_ =	swait.ge [sflag:s14], $0xA00  }
0x252: {  	[sflag:s14] =	ssyncset.done $0x0  }
0x253: {  	s0 =	sadd.s32 $0x9CE0, s28;
	[sflag:s14] =	ssyncadd.s32 $0xFFFFF600  }
0x254: {  	[spmem:s2] =	stream.indirect.scatter.add.f32 [tilespmem:s22], [sflag:$0xF], $0x40, s0, s23, $0xb8;
	[tilespmem:$0x1BBC0] =	vst v63  }
0x255: {  	_ =	swait.ge [sflag:s15], $0xA00  }
0x256: {  	[sflag:s15] =	ssyncset.done $0x0  }
0x257: {  	s0 =	sadd.s32 $0x9D08, s28;
	[sflag:s15] =	ssyncadd.s32 $0xFFFFF600  }
0x258: {  	[spmem:s2] =	stream.indirect.scatter.add.f32 [tilespmem:s25], [sflag:$0x10], $0x40, s0, s23, $0xb8;
	[tilespmem:$0x1BBC0] =	vst v63  }
0x259: {  	_ =	swait.ge [sflag:s17], $0xA00  }
0x25a: {  	[sflag:s17] =	ssyncset.done $0x0  }
0x25b: {  	s0 =	sadd.s32 $0x9D30, s28;
	[sflag:s17] =	ssyncadd.s32 $0xFFFFF600  }
0x25c: {  	[spmem:s2] =	stream.indirect.scatter.add.f32 [tilespmem:s3], [sflag:$0x11], $0x40, s0, s23, $0xb8;
	[tilespmem:$0x1BBC0] =	vst v63  }
0x25d: {  	_ =	swait.ge [sflag:s18], $0xA00  }
0x25e: {  	[sflag:s18] =	ssyncset.done $0x0  }
0x25f: {  	s0 =	sadd.s32 $0x9D58, s28;
	[sflag:s18] =	ssyncadd.s32 $0xFFFFF600  }
0x260: {  	[spmem:s2] =	stream.indirect.scatter.add.f32 [tilespmem:s19], [sflag:$0x12], $0x40, s0, s23, $0xb8;
	[tilespmem:$0x1BBC0] =	vst v63  }
0x261: {  	_ =	swait.ge [sflag:s16], $0xA00  }
0x262: {  	[sflag:s16] =	ssyncset.done $0x0  }
0x263: {  	s0 =	sadd.s32 $0x9D80, s28;
	[sflag:s16] =	ssyncadd.s32 $0xFFFFF600  }
0x264: {  	[spmem:s2] =	stream.indirect.scatter.add.f32 [tilespmem:s21], [sflag:$0x13], $0x40, s0, s23, $0xb8;
	[tilespmem:$0x1BBC0] =	vst v63  }
0x265: {  	_ =	swait.ge [sflag:s8], $0xA00  }
0x266: {  	[sflag:s8] =	ssyncset.done $0x0  }
0x267: {  	s0 =	sadd.s32 $0x9DA8, s28;
	[sflag:s8] =	ssyncadd.s32 $0xFFFFF600  }
0x268: {  	[spmem:s2] =	stream.indirect.scatter.add.f32 [tilespmem:s29], [sflag:$0x14], $0x40, s0, s23, $0xb8;
	[tilespmem:$0x1BBC0] =	vst v63  }
0x269: {  	_ =	swait.ge [sflag:s9], $0xA00  }
0x26a: {  	[sflag:s9] =	ssyncset.done $0x0  }
0x26b: {  	[sflag:s9] =	ssyncadd.s32 $0xFFFFF600  }
0x26c: {  	_ =	swait.ge [sflag:s10], $0xA00  }
0x26d: {  	[sflag:s10] =	ssyncset.done $0x0  }
0x26e: {  	s0 =	simm.s32 $0xD;
	[sflag:s10] =	ssyncadd.s32 $0xFFFFF600  }
0x26f: {  	_ =	swait.ge [sflag:s0], $0xA00  }
0x270: {  	[sflag:s0] =	ssyncset.done $0x0  }
0x271: {  	[sflag:s0] =	ssyncadd.s32 $0xFFFFF600;
	s0 =	simm.s32 $0xE  }
0x272: {  	_ =	swait.ge [sflag:s0], $0xA00  }
0x273: {  	[sflag:s0] =	ssyncset.done $0x0  }
0x274: {  	[sflag:s0] =	ssyncadd.s32 $0xFFFFF600;
	s0 =	simm.s32 $0xF  }
0x275: {  	_ =	swait.ge [sflag:s0], $0xA00  }
0x276: {  	[sflag:s0] =	ssyncset.done $0x0  }
0x277: {  	[sflag:s0] =	ssyncadd.s32 $0xFFFFF600;
	s0 =	simm.s32 $0x10  }
0x278: {  	_ =	swait.ge [sflag:s0], $0xA00  }
0x279: {  	[sflag:s0] =	ssyncset.done $0x0  }
0x27a: {  	[sflag:s0] =	ssyncadd.s32 $0xFFFFF600;
	s0 =	simm.s32 $0x11  }
0x27b: {  	_ =	swait.ge [sflag:s0], $0xA00  }
0x27c: {  	[sflag:s0] =	ssyncset.done $0x0  }
0x27d: {  	[sflag:s0] =	ssyncadd.s32 $0xFFFFF600;
	s0 =	simm.s32 $0x12  }
0x27e: {  	_ =	swait.ge [sflag:s0], $0xA00  }
0x27f: {  	[sflag:s0] =	ssyncset.done $0x0  }
0x280: {  	[sflag:s0] =	ssyncadd.s32 $0xFFFFF600;
	s0 =	simm.s32 $0x13  }
.Ltmp6:
0x281: {  	_ =	swait.ge [sflag:s0], $0xA00;
	(pc) =	sbr.rel @!p1 .LBB2_5-.Ltmp6, $4  }
0x282: {  	[sflag:s0] =	ssyncset.done $0x0  }
0x283: {  	[sflag:s0] =	ssyncadd.s32 $0xFFFFF600  }
0x284: {  	_ =	swait.ge [sflag:s26], $0xA00  }
0x285: {  	s28 =	sshra.s32 s30, $0x2;
	s29 =	smov.u32 s31;
	[sflag:s26] =	ssyncset.done $0x0  }
.Ltmp7:
0x286: {  	_ = 	snop;
	(pc) =	sbr.rel .LBB2_6-.Ltmp7, $1  }
0x287: {  	_ =	sdelay $0x3  }
.LBB2_11:
0x288: {  	_ =	sfence.sel $0x180000  }
0x289: {  	[bflag:$0x0] =	sbarrier.arrive $0xFFFF  }
0x28a: {  	_ =	strace $0x9000004A  }
0x28b: {  	s0 =	stileid.u32;
	[bflag:$0x2] =	sbarrier.arrive $0xFFFF  }
0x28c: {  	p0 =	sne.s32 s0, $0x0;
	s0 =	rddreg [dreg:$0x2]  }
0x28d: {  	s0 =	sadd.s32 @!p0 $0x100000, s0  }
0x28e: {  	[sflag:s0] =	ssyncadd.tile.s32 @!p0 $0x1;
	_ =	shalt  }
.Lfunc_end2:
_tile_overlayer_lowered:
.L_overlay_start_2:
0x28f: {  	(tag) =	ssettag $0x2  }
0x290: {  	s0 =	rddreg [dreg:$0x0];
	s2 =	stileid.u32  }
0x291: {  	s1 =	rddreg [dreg:$0x1];
	p0 =	sne.s32 s2, $0x0  }
0x292: {  	s3 =	rddreg [dreg:$0x2];
	[bflag:$0x3] =	sbarrier.arrive $0xFFFF;
	s2 =	simm.s32 @!p0 $0x1C15  }
0x293: {  	[timem:s3], [sflag:s2] =	dma.local @!p0 [hbm:s0], s1  }
0x294: {  	s0 =	simm.s32 @!p0 $0x15  }
0x295: {  	_ =	swait.ge @!p0 [sflag:s0], s1  }
0x296: {  	s1 =	ssub.s32 @!p0 $0x0, s1;
	[sflag:s0] =	ssyncset.done @!p0 $0x0  }
0x297: {  	[sflag:s0] =	ssyncadd.s32 @!p0 s1  }
0x298: {  	[bflag:$0x3] =	sbarrier.arrive $0xFFFF  }
0x299: {  	_ =	shalt  }

// kernel: kernel.19.cloned.1.call-start
scs
__scs_entry_jumppad:
0x0: {  	(pc) =	sbr.rel $0x88, $3  }
0x1: {  	(tag) =	ssettag $0x0;
	lr =	simm.s32 $0x1  }
0x2: {  	[smem:$0x3F97] =	sst lr;
	_ =	strace $0xD0000000  }
0x3: {  	_ = 	snop  }
0x4: {  	_ = 	snop  }
0x5: {  	_ = 	snop  }
0x6: {  	_ = 	snop  }
0x7: {  	_ = 	snop  }
__scs_overlays_trampoline_lowered:
0x8: {  	[smem:$0x3FA6] =	sst s0  }
0x9: {  	[smem:$0x3FA7] =	sst s1  }
0xa: {  	[smem:$0x3FA8] =	sst s2  }
0xb: {  	[smem:$0x3FA9] =	sst s3  }
0xc: {  	[smem:$0x3FAA] =	sst s4  }
0xd: {  	[smem:$0x3FAB] =	sst s5  }
0xe: {  	[smem:$0x3FAC] =	sst s6  }
0xf: {  	[smem:$0x3FAD] =	sst s7  }
0x10: {  	[smem:$0x3FAE] =	sst s8  }
0x11: {  	[smem:$0x3FAF] =	sst s9;
	s0 =	simm.s32 @!p0 $0x0  }
0x12: {  	s1 =	sld [smem:$0x3F95];
	s0 =	simm.s32 @p0 $0x1  }
0x13: {  	[smem:$0x3FB0] =	sst s0;
	s0 =	simm.s32 @!p1 $0x0  }
0x14: {  	s2 =	sld [smem:$0x3F94];
	s0 =	simm.s32 @p1 $0x1  }
0x15: {  	[smem:$0x3FB1] =	sst s0;
	s0 =	simm.s32 @!p2 $0x0  }
0x16: {  	s3 =	sld [smem:$0x3FDB];
	s0 =	simm.s32 @p2 $0x1  }
0x17: {  	s4 =	simm.s32 $0x1BF5;
	[smem:$0x3FB3] =	sst s0  }
0x18: {  	s0 =	sld [smem:$0x3F96];
	_ =	swait.ge [sflag:s4], $0x0  }
0x19: {  	s7 =	sld [smem:$0x3F97]  }
0x1a: {  	s8 =	sadd.s32 $0xFFFFE003, lr  }
0x1b: {  	s9 =	sadd.s32 $0xFFFFFEF7, lr;
	s5 =	simm.s32 $0xFFFFFFFF;
	p2 =	slt.u32 s8, $0xFFFFF086  }
0x1c: {  	p1 =	slt.u32 s9, $0xF7A;
	s5 =	simm.s32 @!p2 $0x0  }
0x1d: {  	s5 =	simm.s32 @p1 $0x1;
	p0 =	seq.s32 s7, s2  }
0x1e: {  	s7 =	smul.u32 @!p0 $0xF7A, s2;
	p2 =	seq.s32 @!p0 s5, $0x0  }
0x1f: {  	s9 =	smul.u32 $0xF7A, s1;
	s8 =	simm.s32 @!p0 $0x1BF5;
	p2 =	por !p2, p0  }
0x20: {  	[sflag:s8] =	ssyncset.s32 @!p0 $0xFFFFF086;
	s6 =	sadd.s32 @!p0 s3, s7;
	s7 =	simm.s32 @!p0 $0x108  }
0x21: {  	s3 =	sadd.s32 s3, s9;
	s6 =	sadd.s32 @!p0 $0x88, s6;
	s7 =	simm.s32 @p2 $0x1082  }
0x22: {  	[simem:s7], [sflag:s8] =	dma.local @!p0 [hbm:s6], $0xF7A  }
0x23: {  	s9 =	sor.u32 $0xD0000000, s2;
	s6 =	simm.s32 $0x108;
	_ =	swait.ge @!p0 [sflag:s8], $0x0  }
0x24: {  	s3 =	sadd.s32 $0x88, s3;
	s6 =	simm.s32 @!p1 $0x1082;
	[sflag:s4] =	ssyncset.s32 $0xFFFFF086  }
0x25: {  	[simem:s6], [sflag:s4] =	dma.local [hbm:s3], $0xF7A  }
0x26: {  	[smem:$0x3F97] =	sst s1;
	(tag) =	ssettag s2;
	_ =	strace s9  }
0x27: {  	s1 =	sld [smem:$0x3FA7]  }
0x28: {  	s2 =	sld [smem:$0x3FA8]  }
0x29: {  	s4 =	sld [smem:$0x3FAA]  }
0x2a: {  	p0 =	seq.s32 s5, $0x0;
	s5 =	sld [smem:$0x3FAB]  }
0x2b: {  	s6 =	sld [smem:$0x3FAC]  }
0x2c: {  	s7 =	sld [smem:$0x3FAD]  }
0x2d: {  	s3 =	simm.s32 $0x108;
	s8 =	sld [smem:$0x3FAE]  }
0x2e: {  	s3 =	simm.s32 @!p0 $0x1082;
	s9 =	sld [smem:$0x3FAF]  }
0x2f: {  	lr =	sadd.s32 s0, s3;
	s0 =	sld [smem:$0x3FA6]  }
0x30: {  	s3 =	sld [smem:$0x3FA9]  }
0x31: {  	[smem:$0x3FB2] =	sst s10  }
0x32: {  	s10 =	sld [smem:$0x3FB0];
	_ =	sdelay $0x3  }
0x33: {  	p0 =	seq.s32 s10, $0x1;
	s10 =	sld [smem:$0x3FB2];
	_ =	sdelay $0x3  }
0x34: {  	[smem:$0x3FB2] =	sst s10  }
0x35: {  	s10 =	sld [smem:$0x3FB1];
	_ =	sdelay $0x3  }
0x36: {  	p1 =	seq.s32 s10, $0x1;
	s10 =	sld [smem:$0x3FB2];
	_ =	sdelay $0x3  }
0x37: {  	[smem:$0x3FB2] =	sst s10  }
0x38: {  	s10 =	sld [smem:$0x3FB3]  }
0x39: {  	_ = 	snop;
	(pc) =	sbr.ind lr, $3  }
0x3a: {  	_ = 	snop  }
0x3b: {  	_ = 	snop  }
0x3c: {  	p2 =	seq.s32 s10, $0x1;
	s10 =	sld [smem:$0x3FB2]  }
0x3d: {  	_ =	shalt  }
0x3e: {  	_ =	shalt  }
0x3f: {  	_ =	shalt  }
0x40: {  	_ =	shalt  }
0x41: {  	_ =	shalt  }
0x42: {  	_ =	shalt  }
0x43: {  	_ =	shalt  }
0x44: {  	_ =	shalt  }
0x45: {  	_ =	shalt  }
0x46: {  	_ =	shalt  }
0x47: {  	_ =	shalt  }
0x48: {  	_ =	shalt  }
0x49: {  	_ =	shalt  }
0x4a: {  	_ =	shalt  }
0x4b: {  	_ =	shalt  }
0x4c: {  	_ =	shalt  }
0x4d: {  	_ =	shalt  }
0x4e: {  	_ =	shalt  }
0x4f: {  	_ =	shalt  }
0x50: {  	_ =	shalt  }
0x51: {  	_ =	shalt  }
0x52: {  	_ =	shalt  }
0x53: {  	_ =	shalt  }
0x54: {  	_ =	shalt  }
0x55: {  	_ =	shalt  }
0x56: {  	_ =	shalt  }
0x57: {  	_ =	shalt  }
0x58: {  	_ =	shalt  }
0x59: {  	_ =	shalt  }
0x5a: {  	_ =	shalt  }
0x5b: {  	_ =	shalt  }
0x5c: {  	_ =	shalt  }
0x5d: {  	_ =	shalt  }
0x5e: {  	_ =	shalt  }
0x5f: {  	_ =	shalt  }
0x60: {  	_ =	shalt  }
0x61: {  	_ =	shalt  }
0x62: {  	_ =	shalt  }
0x63: {  	_ =	shalt  }
0x64: {  	_ =	shalt  }
0x65: {  	_ =	shalt  }
0x66: {  	_ =	shalt  }
0x67: {  	_ =	shalt  }
0x68: {  	_ =	shalt  }
0x69: {  	_ =	shalt  }
0x6a: {  	_ =	shalt  }
0x6b: {  	_ =	shalt  }
0x6c: {  	_ =	shalt  }
0x6d: {  	_ =	shalt  }
0x6e: {  	_ =	shalt  }
0x6f: {  	_ =	shalt  }
0x70: {  	_ =	shalt  }
0x71: {  	_ =	shalt  }
0x72: {  	_ =	shalt  }
0x73: {  	_ =	shalt  }
0x74: {  	_ =	shalt  }
0x75: {  	_ =	shalt  }
0x76: {  	_ =	shalt  }
0x77: {  	_ =	shalt  }
0x78: {  	_ =	shalt  }
0x79: {  	_ =	shalt  }
0x7a: {  	_ =	shalt  }
0x7b: {  	_ =	shalt  }
0x7c: {  	_ =	shalt  }
0x7d: {  	_ =	shalt  }
0x7e: {  	_ =	shalt  }
0x7f: {  	_ =	shalt  }
0x80: {  	_ =	shalt  }
0x81: {  	_ =	shalt  }
0x82: {  	_ =	shalt  }
0x83: {  	_ =	shalt  }
0x84: {  	_ =	shalt  }
0x85: {  	_ =	shalt  }
0x86: {  	_ =	shalt  }
0x87: {  	_ =	shalt  }
.Lfunc_end0:
.L_simem_size_0:
called_computation.2_lowered:
.L_overlay_start_0:
0x88: {  	s2 =	sld [smem:$0x3FD9]  }
0x89: {  	s3 =	sld [smem:$0x3FFE];
	_ =	sdelay $0x1  }
0x8a: {  	s1 =	srdreg.scid  }
0x8b: {  	s0 =	sand.u32 $0x1, s1  }
0x8c: {  	s16 =	sshll.u32 s0, $0xA;
	s2 =	sadd.s32 s3, s2  }
0x8d: {  	s2 =	sadd.s32 s2, s16  }
0x8e: {  	[smem:$0x3FBE] =	sst s2  }
0x8f: {  	_ = 	snop  }
0x90: {  	(tm) =	ssettm $0x1  }
0x91: {  	s17 =	sld [smem:$0x3FFB];
	_ =	sdelay $0x3  }
0x92: {  	_ =	strace s17  }
0x93: {  	s2 =	sld [smem:$0x3FFC];
	_ =	sdelay $0x3  }
0x94: {  	_ =	strace s2  }
0x95: {  	s2 =	sld [smem:$0x3FFD];
	_ =	sdelay $0x3  }
0x96: {  	_ =	strace s2  }
0x97: {  	_ =	strace $0x8FFFFFFF  }
0x98: {  	s18 =	sld [smem:$0x3FDB];
	_ =	sdelay $0x1  }
0x99: {  	s19 =	simm.s32 $_scs_section_size  }
0x9a: {  	s4 =	simm.s32 $_size__tile_overlayer_lowered;
	s5 =	simm.s32 $_tile_overlayer_lowered  }
0x9b: {  	s22 =	simm.s32 $0x1BFF;
	s21 =	sshll.u32 s5, $0x1;
	s2 =	sadd.s32 s19, s18  }
0x9c: {  	s6 =	simm.s32 $0x0;
	s20 =	sshll.u32 s4, $0x1;
	s4 =	sadd.s32 s21, s2  }
0x9d: {  	[timem:s6], [sflag:s22] =	dma.local [hbm:s4], s20  }
0x9e: {  	_ =	swait.ge [sflag:s22], s20  }
0x9f: {  	s3 =	ssub.s32 $0x0, s20;
	[sflag:s22] =	ssyncset.done $0x0  }
0xa0: {  	[sflag:s22] =	ssyncadd.s32 s3;
	_ =	sdelay $0x1  }
0xa1: {  	s23 =	simm.s32 $0x1B8B  }
0xa2: {  	_ =	swait.ge [sflag:s23], $0x1  }
0xa3: {  	[sflag:s23] =	ssyncset.done $0x0  }
0xa4: {  	s25 =	simm.s32 $0x1B8E;
	s24 =	sld [smem:$0x3FFE];
	[sflag:s23] =	ssyncadd.s32 $0xFFFFFFFF  }
0xa5: {  	s26 =	simm.s32 $execute0_lowered;
	[smem:$0x3FD2] =	sst s25  }
0xa6: {  	s4 =	sshll.u32 s26, $0x1;
	_ =	strace $0x8000004C;
	[dreg:$0x1] =	wrdreg $0xFFFFFFFF  }
0xa7: {  	s28 =	simm.s32 $_size_execute0_lowered;
	s2 =	sadd.s32 s2, s4;
	[dreg:$0x0] =	wrdreg $0x0  }
0xa8: {  	s4 =	sshll.u32 s28, $0x1;
	[dreg:$0x2] =	wrdreg s2  }
0xa9: {  	[dreg:$0x3] =	wrdreg s4  }
0xaa: {  	[dreg:$0x4] =	wrdreg $0xC0  }
0xab: {  	_ =	task [dreg:s6], $0x5FFFF  }
0xac: {  	[dreg:$0x1] =	wrdreg $0xFFFFFFFF  }
0xad: {  	[dreg:$0x0] =	wrdreg $0x60  }
0xae: {  	[dreg:$0x2] =	wrdreg s24  }
0xaf: {  	[dreg:$0x3] =	wrdreg $0x0  }
0xb0: {  	[dreg:$0x4] =	wrdreg $0x9  }
0xb1: {  	_ =	task.clear_ibuf [dreg:s6], $0x5FFFF;
	_ =	strace $0x9000004C  }
0xb2: {  	s29 =	simm.s32 $0x9;
	_ =	strace $0x8000004E  }
0xb3: {  	_ =	swait.ge [sflag:s29], $0x1  }
0xb4: {  	[sflag:s29] =	ssyncadd.s32 $0xFFFFFFFF  }
0xb5: {  	_ =	strace $0x9000004E  }
0xb6: {  	_ =	sfence  }
0xb7: {  	s30 =	sld [smem:$0x0];
	_ =	sdelay $0x2  }
0xb8: {  	s31 =	sshll.u32 s1, $0xD;
	s1 =	sshrl.u32 s1, $0x2  }
0xb9: {  	s3 =	sand.u32 $0x4000, s31;
	s1 =	sadd.s32 s1, s30  }
0xba: {  	s0 =	sor.u32 s3, s0;
	s1 =	sshll.u32 s1, $0x11  }
0xbb: {  	s0 =	sor.u32 s1, s0  }
0xbc: {  	s0 =	sadd.s32 $0x8F2B, s0  }
0xbd: {  	[sflag:s0] =	ssyncadd.remote.s32 $0x1  }
0xbe: {  	_ =	sfence.sel $0xFFFF  }
0xbf: {  	[dreg:$0x0] =	wrdreg $0xFFFFFFFF;
	(pc) =	sbr.abs _section_cstart, $3  }
0xc0: {  	[dreg:$0x1] =	wrdreg $0xFFFFFFFF  }
0xc1: {  	_ =	task.clear_ibuf [dreg:s6], $0x2FFFF;
	_ =	strace $0x9FFFFFFF  }
0xc2: {  	(tm) =	ssettm $0x7FFFFFFF  }
0xc3: {  	_ =	shalt  }
tec
execute0_lowered:
.L_overlay_start_1:
0x0: {  	(tag) =	ssettag $0x1  }
0x1: {  	s0 =	srdreg.scid;
	s24 =	stileid.u32  }
0x2: {  	s5 =	rddreg [dreg:$0x0];
	s11 =	simm.s32 $0xB;
	s14 =	simm.s32 $0x50  }
0x3: {  	s15 =	simm.s32 $0x4E20;
	s16 =	simm.s32 $0x5320;
	s17 =	simm.s32 $0x5820  }
0x4: {  	s18 =	simm.s32 $0x5D20;
	s19 =	simm.s32 $0x6220;
	s20 =	simm.s32 $0x1  }
0x5: {  	s21 =	simm.s32 $0x2;
	s22 =	simm.s32 $0x3;
	s23 =	simm.s32 $0x4  }
0x6: {  	s28 =	simm.s32 $0x8;
	s29 =	simm.s32 $0x9;
	s30 =	simm.s32 $0xA  }
0x7: {  	s31 =	simm.s32 $0x0;
	s1 =	sand.u32 $0x1, s0;
	s8 =	smul.u32 $0x1388, s24  }
0x8: {  	s4 =	sadd.s32 $0x17400, s5;
	s9 =	smul.u32 $0x9C40, s24;
	s2 =	sshll.u32 s1, $0x4  }
0x9: {  	s7 =	smul.u32 $0x13880, s1;
	s1 =	ssub.s32 $0x2, s1;
	s3 =	sor.u32 s24, s2  }
0xa: {  	s2 =	rddreg [dreg:$0x1];
	s25 =	sshrl.u32 s1, $0x1;
	s26 =	sshrl.u32 s9, $0x2  }
0xb: {  	s24 =	simm.s32 $0x5;
	s6 =	smul.u32 $0x2710, s3;
	s3 =	simm.s32 $0x0  }
0xc: {  	s7 =	sadd.s32 s8, s7;
	s1 =	ssub.s32 s1, s25;
	s25 =	simm.s32 $0x6  }
0xd: {  	[smem:$0x7FF] =	sst s3;
	s7 =	sshrl.u32 s7, $0x3;
	s9 =	smax.u32 s1, $0x1  }
0xe: {  	_ =	strace $0x8000004D;
	s6 =	sshrl.u32 s6, $0x3;
	s10 =	sadd.s32 s7, s5  }
0xf: {  	s7 =	sadd.s32 s26, s2;
	s26 =	simm.s32 $0x7;
	s6 =	sadd.s32 s6, s5  }
0x10: {  	v0 =	vimm.f32 $0.0e+00;
	s8 =	sadd.s32 $0x1C400, s10;
	s5 =	sadd.s32 $0x3A00, s6;
	s6 =	sadd.s32 $0xD640, s6  }
.LBB2_1:
0x11: {  	s0 =	simm.s32 $0x6720  }
0x12: {  	[tilespmem:s0], [sflag:$0xB] =	stream.linear.gather [hbm4b:s5+s3], $0x2710, $0x38;
	[tilespmem:$0xB540] =	vst v63  }
0x13: {  	_ =	swait.ge [sflag:s11], $0x2710  }
0x14: {  	[sflag:s11] =	ssyncset.done $0x0  }
0x15: {  	s13 =	simm.s32 $0x2710;
	[sflag:s11] =	ssyncadd.s32 $0xFFFFD8F0  }
0x16: {  	[tilespmem:s13], [sflag:$0xB] =	stream.linear.gather [hbm4b:s6+s3], $0x2710, $0x38;
	[tilespmem:$0xB540] =	vst v63  }
0x17: {  	_ =	swait.ge [sflag:s11], $0x2710  }
0x18: {  	[sflag:s11] =	ssyncset.done $0x0  }
0x19: {  	s1 =	simm.s32 $0x40;
	s10 =	simm.s32 $0x0;
	[sflag:s11] =	ssyncadd.s32 $0xFFFFD8F0  }
.LBB2_2:
0x1a: {  	p0 =	sne.s32 s1, $0x9C00;
	[tilespmem:s10+$0x8E30] =	vst v0;
	s10 =	smov.u32 s1;
	s1 =	sadd.s32 $0x40, s1  }
.Ltmp0:
0x1b: {  	(pc) =	sbr.rel @p0 .LBB2_2-.Ltmp0, $2  }
0x1c: {  	_ =	sdelay $0x2  }
0x1d: {  	s10 =	sshra.s32 s10, $0x2  }
0x1e: {  	[tilespmem:s10+$0x8E30] =	vst v0;
	s0 =	simm.s32 $0x8E30  }
0x1f: {  	[spmem:s7] =	stream.linear.scatter [tilespmem:s0], [sflag:$0xB], $0x2710, $0x38;
	[tilespmem:$0xB540] =	vst v63  }
0x20: {  	_ =	swait.ge [sflag:s11], $0x2710  }
0x21: {  	[sflag:s11] =	ssyncset.done $0x0  }
0x22: {  	[sflag:s11] =	ssyncadd.s32 $0xFFFFD8F0  }
0x23: {  	s1 =	simm.s32 $0x6720;
	[bflag:$0x0] =	sbarrier.arrive $0xFFFF  }
0x24: {  	[tilespmem:s15], [sflag:$0x1] =	stream.indirect.gather [hbm4b:s4+s14], $0x10, s1, s14, $0xb8;
	[tilespmem:$0xB540] =	vst v63  }
0x25: {  	s13 =	simm.s32 $0x6770  }
0x26: {  	[tilespmem:s16], [sflag:$0x2] =	stream.indirect.gather [hbm4b:s4+s14], $0x10, s13, s14, $0xb8;
	[tilespmem:$0xB540] =	vst v63  }
0x27: {  	s0 =	simm.s32 $0x67C0  }
0x28: {  	[tilespmem:s17], [sflag:$0x3] =	stream.indirect.gather [hbm4b:s4+s14], $0x10, s0, s14, $0xb8;
	[tilespmem:$0xB540] =	vst v63  }
0x29: {  	s10 =	simm.s32 $0x6810  }
0x2a: {  	[tilespmem:s18], [sflag:$0x4] =	stream.indirect.gather [hbm4b:s4+s14], $0x10, s10, s14, $0xb8;
	[tilespmem:$0xB540] =	vst v63  }
0x2b: {  	s12 =	simm.s32 $0x6860  }
0x2c: {  	[tilespmem:s19], [sflag:$0x5] =	stream.indirect.gather [hbm4b:s4+s14], $0x10, s12, s14, $0xb8;
	[tilespmem:$0xB540] =	vst v63  }
0x2d: {  	_ =	swait.ge [sflag:s20], $0x500  }
0x2e: {  	[sflag:s20] =	ssyncset.done $0x0  }
0x2f: {  	s13 =	simm.s32 $0x2710;
	[sflag:s20] =	ssyncadd.s32 $0xFFFFFB00  }
0x30: {  	[spmem:s2] =	stream.indirect.scatter.add.f32 [tilespmem:s15], [sflag:$0x6], $0x10, s13, s14, $0xb8;
	[tilespmem:$0xB540] =	vst v63  }
0x31: {  	_ =	swait.ge [sflag:s21], $0x500  }
0x32: {  	[sflag:s21] =	ssyncset.done $0x0  }
0x33: {  	s0 =	simm.s32 $0x2760;
	[sflag:s21] =	ssyncadd.s32 $0xFFFFFB00  }
0x34: {  	[spmem:s2] =	stream.indirect.scatter.add.f32 [tilespmem:s16], [sflag:$0x7], $0x10, s0, s14, $0xb8;
	[tilespmem:$0xB540] =	vst v63  }
0x35: {  	_ =	swait.ge [sflag:s22], $0x500  }
0x36: {  	[sflag:s22] =	ssyncset.done $0x0  }
0x37: {  	s10 =	simm.s32 $0x27B0;
	[sflag:s22] =	ssyncadd.s32 $0xFFFFFB00  }
0x38: {  	[spmem:s2] =	stream.indirect.scatter.add.f32 [tilespmem:s17], [sflag:$0x8], $0x10, s10, s14, $0xb8;
	[tilespmem:$0xB540] =	vst v63  }
0x39: {  	_ =	swait.ge [sflag:s23], $0x500  }
0x3a: {  	[sflag:s23] =	ssyncset.done $0x0  }
0x3b: {  	s12 =	simm.s32 $0x2800;
	[sflag:s23] =	ssyncadd.s32 $0xFFFFFB00  }
0x3c: {  	[spmem:s2] =	stream.indirect.scatter.add.f32 [tilespmem:s18], [sflag:$0x9], $0x10, s12, s14, $0xb8;
	[tilespmem:$0xB540] =	vst v63  }
0x3d: {  	_ =	swait.ge [sflag:s24], $0x500  }
0x3e: {  	[sflag:s24] =	ssyncset.done $0x0  }
0x3f: {  	s13 =	simm.s32 $0x2850;
	[sflag:s24] =	ssyncadd.s32 $0xFFFFFB00  }
0x40: {  	[spmem:s2] =	stream.indirect.scatter.add.f32 [tilespmem:s19], [sflag:$0xA], $0x10, s13, s14, $0xb8;
	[tilespmem:$0xB540] =	vst v63  }
0x41: {  	_ =	swait.ge [sflag:s25], $0x500  }
0x42: {  	[sflag:s25] =	ssyncset.done $0x0  }
0x43: {  	[sflag:s25] =	ssyncadd.s32 $0xFFFFFB00  }
0x44: {  	_ =	swait.ge [sflag:s26], $0x500  }
0x45: {  	[sflag:s26] =	ssyncset.done $0x0  }
0x46: {  	[sflag:s26] =	ssyncadd.s32 $0xFFFFFB00  }
0x47: {  	_ =	swait.ge [sflag:s28], $0x500  }
0x48: {  	[sflag:s28] =	ssyncset.done $0x0  }
0x49: {  	[sflag:s28] =	ssyncadd.s32 $0xFFFFFB00  }
0x4a: {  	_ =	swait.ge [sflag:s29], $0x500  }
0x4b: {  	[sflag:s29] =	ssyncset.done $0x0  }
0x4c: {  	[sflag:s29] =	ssyncadd.s32 $0xFFFFFB00  }
0x4d: {  	_ =	swait.ge [sflag:s30], $0x500  }
0x4e: {  	s1 =	simm.s32 $0x190;
	s10 =	simm.s32 $0xC80;
	[sflag:s30] =	ssyncset.done $0x0  }
.LBB2_4:
0x4f: {  	s0 =	sadd.s32 $0x6720, s1  }
0x50: {  	[sflag:s30] =	ssyncadd.s32 $0xFFFFFB00;
	s12 =	smov.u32 s10;
	s13 =	sadd.s32 $0x640, s10  }
0x51: {  	[tilespmem:s15], [sflag:$0x1] =	stream.indirect.gather [hbm4b:s4+s14], $0x10, s0, s14, $0xb8;
	[tilespmem:$0xB540] =	vst v63  }
0x52: {  	p0 =	sne.s32 s10, $0x9600;
	s0 =	sadd.s32 $0x6770, s1  }
0x53: {  	[tilespmem:s16], [sflag:$0x2] =	stream.indirect.gather [hbm4b:s4+s14], $0x10, s0, s14, $0xb8;
	[tilespmem:$0xB540] =	vst v63  }
0x54: {  	s0 =	sadd.s32 $0x67C0, s1  }
0x55: {  	[tilespmem:s17], [sflag:$0x3] =	stream.indirect.gather [hbm4b:s4+s14], $0x10, s0, s14, $0xb8;
	[tilespmem:$0xB540] =	vst v63  }
0x56: {  	s0 =	sadd.s32 $0x6810, s1  }
0x57: {  	[tilespmem:s18], [sflag:$0x4] =	stream.indirect.gather [hbm4b:s4+s14], $0x10, s0, s14, $0xb8;
	[tilespmem:$0xB540] =	vst v63  }
0x58: {  	s0 =	sadd.s32 $0x6860, s1  }
0x59: {  	[tilespmem:s19], [sflag:$0x5] =	stream.indirect.gather [hbm4b:s4+s14], $0x10, s0, s14, $0xb8;
	[tilespmem:$0xB540] =	vst v63  }
0x5a: {  	_ =	swait.ge [sflag:s20], $0x500  }
0x5b: {  	[sflag:s20] =	ssyncset.done $0x0  }
0x5c: {  	s0 =	sadd.s32 $0x2710, s1;
	[sflag:s20] =	ssyncadd.s32 $0xFFFFFB00  }
0x5d: {  	[spmem:s2] =	stream.indirect.scatter.add.f32 [tilespmem:s15], [sflag:$0x6], $0x10, s0, s14, $0xb8;
	[tilespmem:$0xB540] =	vst v63  }
0x5e: {  	_ =	swait.ge [sflag:s21], $0x500  }
0x5f: {  	[sflag:s21] =	ssyncset.done $0x0  }
0x60: {  	s0 =	sadd.s32 $0x2760, s1;
	[sflag:s21] =	ssyncadd.s32 $0xFFFFFB00  }
0x61: {  	[spmem:s2] =	stream.indirect.scatter.add.f32 [tilespmem:s16], [sflag:$0x7], $0x10, s0, s14, $0xb8;
	[tilespmem:$0xB540] =	vst v63  }
0x62: {  	_ =	swait.ge [sflag:s22], $0x500  }
0x63: {  	[sflag:s22] =	ssyncset.done $0x0  }
0x64: {  	s0 =	sadd.s32 $0x27B0, s1;
	[sflag:s22] =	ssyncadd.s32 $0xFFFFFB00  }
0x65: {  	[spmem:s2] =	stream.indirect.scatter.add.f32 [tilespmem:s17], [sflag:$0x8], $0x10, s0, s14, $0xb8;
	[tilespmem:$0xB540] =	vst v63  }
0x66: {  	_ =	swait.ge [sflag:s23], $0x500  }
0x67: {  	[sflag:s23] =	ssyncset.done $0x0  }
0x68: {  	s0 =	sadd.s32 $0x2800, s1;
	[sflag:s23] =	ssyncadd.s32 $0xFFFFFB00  }
0x69: {  	[spmem:s2] =	stream.indirect.scatter.add.f32 [tilespmem:s18], [sflag:$0x9], $0x10, s0, s14, $0xb8;
	[tilespmem:$0xB540] =	vst v63  }
0x6a: {  	_ =	swait.ge [sflag:s24], $0x500  }
0x6b: {  	[sflag:s24] =	ssyncset.done $0x0  }
0x6c: {  	s0 =	sadd.s32 $0x2850, s1;
	[sflag:s24] =	ssyncadd.s32 $0xFFFFFB00  }
0x6d: {  	[spmem:s2] =	stream.indirect.scatter.add.f32 [tilespmem:s19], [sflag:$0xA], $0x10, s0, s14, $0xb8;
	[tilespmem:$0xB540] =	vst v63  }
0x6e: {  	_ =	swait.ge [sflag:s25], $0x500  }
0x6f: {  	[sflag:s25] =	ssyncset.done $0x0  }
0x70: {  	[sflag:s25] =	ssyncadd.s32 $0xFFFFFB00  }
0x71: {  	_ =	swait.ge [sflag:s26], $0x500  }
0x72: {  	[sflag:s26] =	ssyncset.done $0x0  }
0x73: {  	[sflag:s26] =	ssyncadd.s32 $0xFFFFFB00  }
0x74: {  	_ =	swait.ge [sflag:s28], $0x500  }
0x75: {  	[sflag:s28] =	ssyncset.done $0x0  }
0x76: {  	[sflag:s28] =	ssyncadd.s32 $0xFFFFFB00  }
.Ltmp1:
0x77: {  	_ =	swait.ge [sflag:s29], $0x500;
	(pc) =	sbr.rel @p0 .LBB2_4-.Ltmp1, $4  }
0x78: {  	[sflag:s29] =	ssyncset.done $0x0  }
0x79: {  	[sflag:s29] =	ssyncadd.s32 $0xFFFFFB00  }
0x7a: {  	_ =	swait.ge [sflag:s30], $0x500  }
0x7b: {  	s10 =	smov.u32 s13;
	s1 =	sshra.s32 s12, $0x2;
	[sflag:s30] =	ssyncset.done $0x0  }
0x7c: {  	s0 =	sadd.s32 $0x6720, s1;
	[sflag:s30] =	ssyncadd.s32 $0xFFFFFB00  }
0x7d: {  	[tilespmem:s15], [sflag:$0x1] =	stream.indirect.gather [hbm4b:s4+s14], $0x10, s0, s14, $0xb8;
	[tilespmem:$0xB540] =	vst v63  }
0x7e: {  	s12 =	sadd.s32 $0x6770, s1  }
0x7f: {  	[tilespmem:s16], [sflag:$0x2] =	stream.indirect.gather [hbm4b:s4+s14], $0x10, s12, s14, $0xb8;
	[tilespmem:$0xB540] =	vst v63  }
0x80: {  	s13 =	sadd.s32 $0x67C0, s1  }
0x81: {  	[tilespmem:s17], [sflag:$0x3] =	stream.indirect.gather [hbm4b:s4+s14], $0x10, s13, s14, $0xb8;
	[tilespmem:$0xB540] =	vst v63  }
0x82: {  	s10 =	sadd.s32 $0x6810, s1  }
0x83: {  	[tilespmem:s18], [sflag:$0x4] =	stream.indirect.gather [hbm4b:s4+s14], $0x10, s10, s14, $0xb8;
	[tilespmem:$0xB540] =	vst v63  }
0x84: {  	s12 =	sadd.s32 $0x6860, s1  }
0x85: {  	[tilespmem:s19], [sflag:$0x5] =	stream.indirect.gather [hbm4b:s4+s14], $0x10, s12, s14, $0xb8;
	[tilespmem:$0xB540] =	vst v63  }
0x86: {  	_ =	swait.ge [sflag:s20], $0x500  }
0x87: {  	[sflag:s20] =	ssyncset.done $0x0  }
0x88: {  	s13 =	sadd.s32 $0x2710, s1;
	[sflag:s20] =	ssyncadd.s32 $0xFFFFFB00  }
0x89: {  	[spmem:s2] =	stream.indirect.scatter.add.f32 [tilespmem:s15], [sflag:$0x6], $0x10, s13, s14, $0xb8;
	[tilespmem:$0xB540] =	vst v63  }
0x8a: {  	_ =	swait.ge [sflag:s21], $0x500  }
0x8b: {  	[sflag:s21] =	ssyncset.done $0x0  }
0x8c: {  	s10 =	sadd.s32 $0x2760, s1;
	[sflag:s21] =	ssyncadd.s32 $0xFFFFFB00  }
0x8d: {  	[spmem:s2] =	stream.indirect.scatter.add.f32 [tilespmem:s16], [sflag:$0x7], $0x10, s10, s14, $0xb8;
	[tilespmem:$0xB540] =	vst v63  }
0x8e: {  	_ =	swait.ge [sflag:s22], $0x500  }
0x8f: {  	[sflag:s22] =	ssyncset.done $0x0  }
0x90: {  	s12 =	sadd.s32 $0x27B0, s1;
	[sflag:s22] =	ssyncadd.s32 $0xFFFFFB00  }
0x91: {  	[spmem:s2] =	stream.indirect.scatter.add.f32 [tilespmem:s17], [sflag:$0x8], $0x10, s12, s14, $0xb8;
	[tilespmem:$0xB540] =	vst v63  }
0x92: {  	_ =	swait.ge [sflag:s23], $0x500  }
0x93: {  	[sflag:s23] =	ssyncset.done $0x0  }
0x94: {  	s13 =	sadd.s32 $0x2800, s1;
	[sflag:s23] =	ssyncadd.s32 $0xFFFFFB00  }
0x95: {  	[spmem:s2] =	stream.indirect.scatter.add.f32 [tilespmem:s18], [sflag:$0x9], $0x10, s13, s14, $0xb8;
	[tilespmem:$0xB540] =	vst v63  }
0x96: {  	_ =	swait.ge [sflag:s24], $0x500  }
0x97: {  	[sflag:s24] =	ssyncset.done $0x0  }
0x98: {  	s10 =	sadd.s32 $0x2850, s1;
	[sflag:s24] =	ssyncadd.s32 $0xFFFFFB00  }
0x99: {  	[spmem:s2] =	stream.indirect.scatter.add.f32 [tilespmem:s19], [sflag:$0xA], $0x10, s10, s14, $0xb8;
	[tilespmem:$0xB540] =	vst v63  }
0x9a: {  	_ =	swait.ge [sflag:s25], $0x500  }
0x9b: {  	[sflag:s25] =	ssyncset.done $0x0  }
0x9c: {  	[sflag:s25] =	ssyncadd.s32 $0xFFFFFB00  }
0x9d: {  	_ =	swait.ge [sflag:s26], $0x500  }
0x9e: {  	[sflag:s26] =	ssyncset.done $0x0  }
0x9f: {  	[sflag:s26] =	ssyncadd.s32 $0xFFFFFB00  }
0xa0: {  	_ =	swait.ge [sflag:s28], $0x500  }
0xa1: {  	[sflag:s28] =	ssyncset.done $0x0  }
0xa2: {  	[sflag:s28] =	ssyncadd.s32 $0xFFFFFB00  }
0xa3: {  	_ =	swait.ge [sflag:s29], $0x500  }
0xa4: {  	[sflag:s29] =	ssyncset.done $0x0  }
0xa5: {  	[sflag:s29] =	ssyncadd.s32 $0xFFFFFB00  }
0xa6: {  	s12 =	stileid.u32;
	_ =	swait.ge [sflag:s30], $0x500  }
0xa7: {  	s31 =	sadd.s32 $0x1, s31;
	s0 =	sshll.u32 s12, $0x6;
	[sflag:s30] =	ssyncset.done $0x0  }
0xa8: {  	p0 =	sne.s32 s31, s9;
	s0 =	sor.u32 $0x1C0B, s0;
	[sflag:s30] =	ssyncadd.s32 $0xFFFFFB00  }
.Ltmp2:
0xa9: {  	s13 =	sshrl.u32 s7, $0x3;
	[bflag:$0x0] =	sbarrier.arrive $0xFFFF;
	(pc) =	sbr.rel @p0 .LBB2_1-.Ltmp2, $4  }
0xaa: {  	[hbm:s8@s20], [sflag:s0] =	dma.strided [spmem:s13@s21], $0x271, s20, $0x1   }
0xab: {  	_ =	swait.ge [sflag:s11], $0x271  }
0xac: {  	[sflag:s11] =	ssyncset.done $0x0  }
0xad: {  	[sflag:s11] =	ssyncadd.s32 $0xFFFFFD8F  }
0xae: {  	_ =	sfence.sel $0x180000  }
0xaf: {  	[bflag:$0x0] =	sbarrier.arrive $0xFFFF  }
0xb0: {  	_ =	strace $0x9000004D  }
0xb1: {  	s0 =	stileid.u32;
	[bflag:$0x2] =	sbarrier.arrive $0xFFFF  }
0xb2: {  	p0 =	sne.s32 s0, $0x0;
	s0 =	rddreg [dreg:$0x2]  }
0xb3: {  	s0 =	sadd.s32 @!p0 $0x100000, s0  }
0xb4: {  	[sflag:s0] =	ssyncadd.tile.s32 @!p0 $0x1;
	_ =	shalt  }
.Lfunc_end2:
_tile_overlayer_lowered:
.L_overlay_start_2:
0xb5: {  	(tag) =	ssettag $0x2  }
0xb6: {  	s0 =	rddreg [dreg:$0x0];
	s2 =	stileid.u32  }
0xb7: {  	s1 =	rddreg [dreg:$0x1];
	p0 =	sne.s32 s2, $0x0  }
0xb8: {  	s3 =	rddreg [dreg:$0x2];
	[bflag:$0x3] =	sbarrier.arrive $0xFFFF;
	s2 =	simm.s32 @!p0 $0x1C0B  }
0xb9: {  	[timem:s3], [sflag:s2] =	dma.local @!p0 [hbm:s0], s1  }
0xba: {  	s0 =	simm.s32 @!p0 $0xB  }
0xbb: {  	_ =	swait.ge @!p0 [sflag:s0], s1  }
0xbc: {  	s1 =	ssub.s32 @!p0 $0x0, s1;
	[sflag:s0] =	ssyncset.done @!p0 $0x0  }
0xbd: {  	[sflag:s0] =	ssyncadd.s32 @!p0 s1  }
0xbe: {  	[bflag:$0x3] =	sbarrier.arrive $0xFFFF  }
0xbf: {  	_ =	shalt  }

// kernel: kernel.22.cloned.1.call-start
scs
__scs_entry_jumppad:
0x0: {  	(pc) =	sbr.rel $0x88, $3  }
0x1: {  	(tag) =	ssettag $0x0;
	lr =	simm.s32 $0x1  }
0x2: {  	[smem:$0x3F97] =	sst lr;
	_ =	strace $0xD0000000  }
0x3: {  	_ = 	snop  }
0x4: {  	_ = 	snop  }
0x5: {  	_ = 	snop  }
0x6: {  	_ = 	snop  }
0x7: {  	_ = 	snop  }
__scs_overlays_trampoline_lowered:
0x8: {  	[smem:$0x3FA6] =	sst s0  }
0x9: {  	[smem:$0x3FA7] =	sst s1  }
0xa: {  	[smem:$0x3FA8] =	sst s2  }
0xb: {  	[smem:$0x3FA9] =	sst s3  }
0xc: {  	[smem:$0x3FAA] =	sst s4  }
0xd: {  	[smem:$0x3FAB] =	sst s5  }
0xe: {  	[smem:$0x3FAC] =	sst s6  }
0xf: {  	[smem:$0x3FAD] =	sst s7  }
0x10: {  	[smem:$0x3FAE] =	sst s8  }
0x11: {  	[smem:$0x3FAF] =	sst s9;
	s0 =	simm.s32 @!p0 $0x0  }
0x12: {  	s1 =	sld [smem:$0x3F95];
	s0 =	simm.s32 @p0 $0x1  }
0x13: {  	[smem:$0x3FB0] =	sst s0;
	s0 =	simm.s32 @!p1 $0x0  }
0x14: {  	s2 =	sld [smem:$0x3F94];
	s0 =	simm.s32 @p1 $0x1  }
0x15: {  	[smem:$0x3FB1] =	sst s0;
	s0 =	simm.s32 @!p2 $0x0  }
0x16: {  	s3 =	sld [smem:$0x3FDB];
	s0 =	simm.s32 @p2 $0x1  }
0x17: {  	s4 =	simm.s32 $0x1BF5;
	[smem:$0x3FB3] =	sst s0  }
0x18: {  	s0 =	sld [smem:$0x3F96];
	_ =	swait.ge [sflag:s4], $0x0  }
0x19: {  	s7 =	sld [smem:$0x3F97]  }
0x1a: {  	s8 =	sadd.s32 $0xFFFFE003, lr  }
0x1b: {  	s9 =	sadd.s32 $0xFFFFFEF7, lr;
	s5 =	simm.s32 $0xFFFFFFFF;
	p2 =	slt.u32 s8, $0xFFFFF086  }
0x1c: {  	p1 =	slt.u32 s9, $0xF7A;
	s5 =	simm.s32 @!p2 $0x0  }
0x1d: {  	s5 =	simm.s32 @p1 $0x1;
	p0 =	seq.s32 s7, s2  }
0x1e: {  	s7 =	smul.u32 @!p0 $0xF7A, s2;
	p2 =	seq.s32 @!p0 s5, $0x0  }
0x1f: {  	s9 =	smul.u32 $0xF7A, s1;
	s8 =	simm.s32 @!p0 $0x1BF5;
	p2 =	por !p2, p0  }
0x20: {  	[sflag:s8] =	ssyncset.s32 @!p0 $0xFFFFF086;
	s6 =	sadd.s32 @!p0 s3, s7;
	s7 =	simm.s32 @!p0 $0x108  }
0x21: {  	s3 =	sadd.s32 s3, s9;
	s6 =	sadd.s32 @!p0 $0x88, s6;
	s7 =	simm.s32 @p2 $0x1082  }
0x22: {  	[simem:s7], [sflag:s8] =	dma.local @!p0 [hbm:s6], $0xF7A  }
0x23: {  	s9 =	sor.u32 $0xD0000000, s2;
	s6 =	simm.s32 $0x108;
	_ =	swait.ge @!p0 [sflag:s8], $0x0  }
0x24: {  	s3 =	sadd.s32 $0x88, s3;
	s6 =	simm.s32 @!p1 $0x1082;
	[sflag:s4] =	ssyncset.s32 $0xFFFFF086  }
0x25: {  	[simem:s6], [sflag:s4] =	dma.local [hbm:s3], $0xF7A  }
0x26: {  	[smem:$0x3F97] =	sst s1;
	(tag) =	ssettag s2;
	_ =	strace s9  }
0x27: {  	s1 =	sld [smem:$0x3FA7]  }
0x28: {  	s2 =	sld [smem:$0x3FA8]  }
0x29: {  	s4 =	sld [smem:$0x3FAA]  }
0x2a: {  	p0 =	seq.s32 s5, $0x0;
	s5 =	sld [smem:$0x3FAB]  }
0x2b: {  	s6 =	sld [smem:$0x3FAC]  }
0x2c: {  	s7 =	sld [smem:$0x3FAD]  }
0x2d: {  	s3 =	simm.s32 $0x108;
	s8 =	sld [smem:$0x3FAE]  }
0x2e: {  	s3 =	simm.s32 @!p0 $0x1082;
	s9 =	sld [smem:$0x3FAF]  }
0x2f: {  	lr =	sadd.s32 s0, s3;
	s0 =	sld [smem:$0x3FA6]  }
0x30: {  	s3 =	sld [smem:$0x3FA9]  }
0x31: {  	[smem:$0x3FB2] =	sst s10  }
0x32: {  	s10 =	sld [smem:$0x3FB0];
	_ =	sdelay $0x3  }
0x33: {  	p0 =	seq.s32 s10, $0x1;
	s10 =	sld [smem:$0x3FB2];
	_ =	sdelay $0x3  }
0x34: {  	[smem:$0x3FB2] =	sst s10  }
0x35: {  	s10 =	sld [smem:$0x3FB1];
	_ =	sdelay $0x3  }
0x36: {  	p1 =	seq.s32 s10, $0x1;
	s10 =	sld [smem:$0x3FB2];
	_ =	sdelay $0x3  }
0x37: {  	[smem:$0x3FB2] =	sst s10  }
0x38: {  	s10 =	sld [smem:$0x3FB3]  }
0x39: {  	_ = 	snop;
	(pc) =	sbr.ind lr, $3  }
0x3a: {  	_ = 	snop  }
0x3b: {  	_ = 	snop  }
0x3c: {  	p2 =	seq.s32 s10, $0x1;
	s10 =	sld [smem:$0x3FB2]  }
0x3d: {  	_ =	shalt  }
0x3e: {  	_ =	shalt  }
0x3f: {  	_ =	shalt  }
0x40: {  	_ =	shalt  }
0x41: {  	_ =	shalt  }
0x42: {  	_ =	shalt  }
0x43: {  	_ =	shalt  }
0x44: {  	_ =	shalt  }
0x45: {  	_ =	shalt  }
0x46: {  	_ =	shalt  }
0x47: {  	_ =	shalt  }
0x48: {  	_ =	shalt  }
0x49: {  	_ =	shalt  }
0x4a: {  	_ =	shalt  }
0x4b: {  	_ =	shalt  }
0x4c: {  	_ =	shalt  }
0x4d: {  	_ =	shalt  }
0x4e: {  	_ =	shalt  }
0x4f: {  	_ =	shalt  }
0x50: {  	_ =	shalt  }
0x51: {  	_ =	shalt  }
0x52: {  	_ =	shalt  }
0x53: {  	_ =	shalt  }
0x54: {  	_ =	shalt  }
0x55: {  	_ =	shalt  }
0x56: {  	_ =	shalt  }
0x57: {  	_ =	shalt  }
0x58: {  	_ =	shalt  }
0x59: {  	_ =	shalt  }
0x5a: {  	_ =	shalt  }
0x5b: {  	_ =	shalt  }
0x5c: {  	_ =	shalt  }
0x5d: {  	_ =	shalt  }
0x5e: {  	_ =	shalt  }
0x5f: {  	_ =	shalt  }
0x60: {  	_ =	shalt  }
0x61: {  	_ =	shalt  }
0x62: {  	_ =	shalt  }
0x63: {  	_ =	shalt  }
0x64: {  	_ =	shalt  }
0x65: {  	_ =	shalt  }
0x66: {  	_ =	shalt  }
0x67: {  	_ =	shalt  }
0x68: {  	_ =	shalt  }
0x69: {  	_ =	shalt  }
0x6a: {  	_ =	shalt  }
0x6b: {  	_ =	shalt  }
0x6c: {  	_ =	shalt  }
0x6d: {  	_ =	shalt  }
0x6e: {  	_ =	shalt  }
0x6f: {  	_ =	shalt  }
0x70: {  	_ =	shalt  }
0x71: {  	_ =	shalt  }
0x72: {  	_ =	shalt  }
0x73: {  	_ =	shalt  }
0x74: {  	_ =	shalt  }
0x75: {  	_ =	shalt  }
0x76: {  	_ =	shalt  }
0x77: {  	_ =	shalt  }
0x78: {  	_ =	shalt  }
0x79: {  	_ =	shalt  }
0x7a: {  	_ =	shalt  }
0x7b: {  	_ =	shalt  }
0x7c: {  	_ =	shalt  }
0x7d: {  	_ =	shalt  }
0x7e: {  	_ =	shalt  }
0x7f: {  	_ =	shalt  }
0x80: {  	_ =	shalt  }
0x81: {  	_ =	shalt  }
0x82: {  	_ =	shalt  }
0x83: {  	_ =	shalt  }
0x84: {  	_ =	shalt  }
0x85: {  	_ =	shalt  }
0x86: {  	_ =	shalt  }
0x87: {  	_ =	shalt  }
.Lfunc_end0:
.L_simem_size_0:
called_computation.3_lowered:
.L_overlay_start_0:
0x88: {  	s2 =	sld [smem:$0x3FD9]  }
0x89: {  	s3 =	sld [smem:$0x3FFE];
	_ =	sdelay $0x1  }
0x8a: {  	s1 =	srdreg.scid  }
0x8b: {  	s0 =	sand.u32 $0x1, s1  }
0x8c: {  	s16 =	sshll.u32 s0, $0xA;
	s2 =	sadd.s32 s3, s2  }
0x8d: {  	s2 =	sadd.s32 s2, s16  }
0x8e: {  	[smem:$0x3FBE] =	sst s2  }
0x8f: {  	_ = 	snop  }
0x90: {  	(tm) =	ssettm $0x1  }
0x91: {  	s17 =	sld [smem:$0x3FFB];
	_ =	sdelay $0x3  }
0x92: {  	_ =	strace s17  }
0x93: {  	s2 =	sld [smem:$0x3FFC];
	_ =	sdelay $0x3  }
0x94: {  	_ =	strace s2  }
0x95: {  	s2 =	sld [smem:$0x3FFD];
	_ =	sdelay $0x3  }
0x96: {  	_ =	strace s2  }
0x97: {  	_ =	strace $0x8FFFFFFF  }
0x98: {  	s18 =	sld [smem:$0x3FDB];
	_ =	sdelay $0x1  }
0x99: {  	s19 =	simm.s32 $_scs_section_size  }
0x9a: {  	s4 =	simm.s32 $_size__tile_overlayer_lowered;
	s5 =	simm.s32 $_tile_overlayer_lowered  }
0x9b: {  	s22 =	simm.s32 $0x1BFF;
	s21 =	sshll.u32 s5, $0x1;
	s2 =	sadd.s32 s19, s18  }
0x9c: {  	s6 =	simm.s32 $0x0;
	s20 =	sshll.u32 s4, $0x1;
	s4 =	sadd.s32 s21, s2  }
0x9d: {  	[timem:s6], [sflag:s22] =	dma.local [hbm:s4], s20  }
0x9e: {  	_ =	swait.ge [sflag:s22], s20  }
0x9f: {  	s3 =	ssub.s32 $0x0, s20;
	[sflag:s22] =	ssyncset.done $0x0  }
0xa0: {  	[sflag:s22] =	ssyncadd.s32 s3;
	_ =	sdelay $0x1  }
0xa1: {  	s23 =	simm.s32 $0x1B8B  }
0xa2: {  	_ =	swait.ge [sflag:s23], $0x1  }
0xa3: {  	[sflag:s23] =	ssyncset.done $0x0  }
0xa4: {  	s25 =	simm.s32 $0x1B8E;
	s24 =	sld [smem:$0x3FFE];
	[sflag:s23] =	ssyncadd.s32 $0xFFFFFFFF  }
0xa5: {  	s26 =	simm.s32 $execute0_lowered;
	[smem:$0x3FD2] =	sst s25  }
0xa6: {  	s4 =	sshll.u32 s26, $0x1;
	_ =	strace $0x8000004F;
	[dreg:$0x1] =	wrdreg $0xFFFFFFFF  }
0xa7: {  	s28 =	simm.s32 $_size_execute0_lowered;
	s2 =	sadd.s32 s2, s4;
	[dreg:$0x0] =	wrdreg $0x0  }
0xa8: {  	s4 =	sshll.u32 s28, $0x1;
	[dreg:$0x2] =	wrdreg s2  }
0xa9: {  	[dreg:$0x3] =	wrdreg s4  }
0xaa: {  	[dreg:$0x4] =	wrdreg $0xC0  }
0xab: {  	_ =	task [dreg:s6], $0x5FFFF  }
0xac: {  	[dreg:$0x1] =	wrdreg $0xFFFFFFFF  }
0xad: {  	[dreg:$0x0] =	wrdreg $0x60  }
0xae: {  	[dreg:$0x2] =	wrdreg s24  }
0xaf: {  	[dreg:$0x3] =	wrdreg $0x0  }
0xb0: {  	[dreg:$0x4] =	wrdreg $0x9  }
0xb1: {  	_ =	task.clear_ibuf [dreg:s6], $0x5FFFF;
	_ =	strace $0x9000004F  }
0xb2: {  	s29 =	simm.s32 $0x9;
	_ =	strace $0x80000051  }
0xb3: {  	_ =	swait.ge [sflag:s29], $0x1  }
0xb4: {  	[sflag:s29] =	ssyncadd.s32 $0xFFFFFFFF  }
0xb5: {  	_ =	strace $0x90000051  }
0xb6: {  	_ =	sfence  }
0xb7: {  	s30 =	sld [smem:$0x0];
	_ =	sdelay $0x2  }
0xb8: {  	s31 =	sshll.u32 s1, $0xD;
	s1 =	sshrl.u32 s1, $0x2  }
0xb9: {  	s3 =	sand.u32 $0x4000, s31;
	s1 =	sadd.s32 s1, s30  }
0xba: {  	s0 =	sor.u32 s3, s0;
	s1 =	sshll.u32 s1, $0x11  }
0xbb: {  	s0 =	sor.u32 s1, s0  }
0xbc: {  	s0 =	sadd.s32 $0x8F2B, s0  }
0xbd: {  	[sflag:s0] =	ssyncadd.remote.s32 $0x1  }
0xbe: {  	_ =	sfence.sel $0xFFFF  }
0xbf: {  	[dreg:$0x0] =	wrdreg $0xFFFFFFFF;
	(pc) =	sbr.abs _section_cstart, $3  }
0xc0: {  	[dreg:$0x1] =	wrdreg $0xFFFFFFFF  }
0xc1: {  	_ =	task.clear_ibuf [dreg:s6], $0x2FFFF;
	_ =	strace $0x9FFFFFFF  }
0xc2: {  	(tm) =	ssettm $0x7FFFFFFF  }
0xc3: {  	_ =	shalt  }
tec
execute0_lowered:
.L_overlay_start_1:
0x0: {  	(tag) =	ssettag $0x1  }
0x1: {  	s0 =	rddreg [dreg:$0x0]  }
0x2: {  	s2 =	rddreg [dreg:$0x1];
	s12 =	stileid.u32  }
0x3: {  	s1 =	simm.s32 $0x0;
	s28 =	srdreg.scid;
	s3 =	smul.u32 $0x9C4, s12  }
0x4: {  	s30 =	simm.s32 $0x15;
	[smem:$0x7FF] =	sst s1;
	s8 =	smul.u32 $0x27100, s12  }
0x5: {  	s1 =	sand.u32 $0x1, s28;
	s4 =	sadd.s32 $0x5C200, s0;
	s29 =	smul.u32 $0x271, s12  }
0x6: {  	s5 =	sadd.s32 $0x3A00, s0;
	s19 =	smul.u32 $0x13880, s12;
	s12 =	simm.s32 $0xF  }
0x7: {  	_ =	strace $0x80000050;
	s6 =	ssub.s32 $0x2, s1;
	s21 =	sshll.u32 s1, $0x6  }
0x8: {  	p0 =	seq.s32 s1, $0x1;
	s3 =	sadd.s32 s3, s0;
	s7 =	sshrl.u32 s6, $0x1  }
0x9: {  	s0 =	sadd.s32 $0x6FC00, s0;
	s13 =	sshrl.u32 s8, $0x2;
	s14 =	sadd.s32 $0x7D, s29  }
0xa: {  	s15 =	sadd.s32 $0xFA, s29;
	s11 =	sadd.s32 $0x177, s29;
	s8 =	simm.s32 $0xB  }
0xb: {  	s6 =	ssub.s32 s6, s7;
	s9 =	sadd.s32 $0x2B200, s3;
	s3 =	sadd.s32 $0x21400, s3  }
0xc: {  	s31 =	sadd.s32 s13, s2;
	s16 =	sshll.u32 s14, $0x6;
	s10 =	sshll.u32 s15, $0x6  }
0xd: {  	s18 =	sshll.u32 s11, $0x6;
	s7 =	sadd.s32 $0x1F4, s29;
	s24 =	sshll.u32 s15, $0x7  }
0xe: {  	s25 =	sshll.u32 s11, $0x7;
	s13 =	simm.s32 $0x5;
	[dreg:$0x3] =	wrdreg s9  }
0xf: {  	s15 =	simm.s32 $0x7;
	s11 =	simm.s32 $0xE;
	[dreg:$0x4] =	wrdreg s3  }
0x10: {  	s9 =	sadd.s32 s16, s2;
	s17 =	sadd.s32 s10, s2;
	s20 =	sshll.u32 s7, $0x6  }
0x11: {  	s3 =	sshll.u32 s14, $0x7;
	s7 =	sshll.u32 s7, $0x7;
	[dreg:$0x5] =	wrdreg s31  }
0x12: {  	s29 =	smax.u32 s6, $0x1;
	s14 =	simm.s32 $0x6;
	[dreg:$0x6] =	wrdreg s9  }
0x13: {  	s16 =	simm.s32 $0x8;
	[dreg:$0x7] =	wrdreg s17;
	s9 =	sadd.s32 s18, s2  }
0x14: {  	s10 =	sadd.s32 s20, s2;
	s3 =	sor.u32 s21, s3;
	[dreg:$0xf] =	wrdreg s29  }
0x15: {  	s7 =	sor.u32 s21, s7;
	s18 =	simm.s32 $0xA;
	[dreg:$0x8] =	wrdreg s9  }
0x16: {  	s20 =	simm.s32 $0x11;
	[dreg:$0x9] =	wrdreg s10;
	s9 =	sor.u32 s21, s19  }
0x17: {  	s3 =	sshrl.u32 s3, $0x3;
	s28 =	sshrl.u32 s7, $0x3;
	s7 =	simm.s32 $0x4  }
0x18: {  	s10 =	simm.s32 $0xD;
	s19 =	simm.s32 $0x0;
	s22 =	sshrl.u32 s9, $0x3  }
0x19: {  	s23 =	sadd.s32 s0, s3;
	s3 =	sor.u32 s21, s25;
	s1 =	sadd.s32 s0, s22  }
0x1a: {  	s9 =	simm.s32 $0xC;
	[dreg:$0xa] =	wrdreg s1;
	s1 =	sor.u32 s21, s24  }
.Ltmp0:
0x1b: {  	s25 =	simm.s32 $0x13;
	s1 =	sshrl.u32 s1, $0x3;
	(pc) =	sbr.rel .LBB2_1-.Ltmp0, $4  }
0x1c: {  	[dreg:$0xb] =	wrdreg s23;
	s26 =	sshrl.u32 s3, $0x3;
	s1 =	sadd.s32 s0, s1  }
0x1d: {  	s23 =	simm.s32 $0x28;
	[dreg:$0xc] =	wrdreg s1;
	s1 =	sadd.s32 s0, s26  }
0x1e: {  	s22 =	simm.s32 $0x10;
	s0 =	sadd.s32 s0, s28;
	[dreg:$0xd] =	wrdreg s1  }
0x1f: {  	v0 =	vimm.f32 $0.0e+00;
	s24 =	simm.s32 $0x12;
	s26 =	simm.s32 $0x14;
	[dreg:$0xe] =	wrdreg s0  }
.LBB2_6:
0x20: {  	s26 =	simm.s32 $0x14  }
0x21: {  	s0 =	sadd.s32 $0x14E60, s28;
	s11 =	simm.s32 $0xEA60;
	[sflag:s26] =	ssyncadd.s32 $0xFFFFF600  }
0x22: {  	[tilespmem:s11], [sflag:$0x1] =	stream.indirect.gather [hbm4b:s4+s23], $0x40, s0, s23, $0xb8;
	[tilespmem:$0x1BBC0] =	vst v63  }
0x23: {  	s29 =	sadd.s32 $0x14E88, s28;
	s12 =	simm.s32 $0xF460  }
0x24: {  	[tilespmem:s12], [sflag:$0x2] =	stream.indirect.gather [hbm4b:s4+s23], $0x40, s29, s23, $0xb8;
	[tilespmem:$0x1BBC0] =	vst v63  }
0x25: {  	s30 =	sadd.s32 $0x14EB0, s28;
	s20 =	simm.s32 $0xFE60  }
0x26: {  	[tilespmem:s20], [sflag:$0x3] =	stream.indirect.gather [hbm4b:s4+s23], $0x40, s30, s23, $0xb8;
	[tilespmem:$0x1BBC0] =	vst v63  }
0x27: {  	s31 =	sadd.s32 $0x14ED8, s28;
	s24 =	simm.s32 $0x10860  }
0x28: {  	[tilespmem:s24], [sflag:$0x4] =	stream.indirect.gather [hbm4b:s4+s23], $0x40, s31, s23, $0xb8;
	[tilespmem:$0x1BBC0] =	vst v63  }
0x29: {  	s3 =	sadd.s32 $0x14F00, s28;
	s22 =	simm.s32 $0x11260  }
0x2a: {  	[tilespmem:s22], [sflag:$0x5] =	stream.indirect.gather [hbm4b:s4+s23], $0x40, s3, s23, $0xb8;
	[tilespmem:$0x1BBC0] =	vst v63  }
0x2b: {  	s19 =	sadd.s32 $0x14F28, s28;
	s25 =	simm.s32 $0x11C60  }
0x2c: {  	[tilespmem:s25], [sflag:$0x6] =	stream.indirect.gather [hbm4b:s4+s23], $0x40, s19, s23, $0xb8;
	[tilespmem:$0x1BBC0] =	vst v63  }
0x2d: {  	s21 =	sadd.s32 $0x14F50, s28;
	s3 =	simm.s32 $0x12660  }
0x2e: {  	[tilespmem:s3], [sflag:$0x7] =	stream.indirect.gather [hbm4b:s4+s23], $0x40, s21, s23, $0xb8;
	[tilespmem:$0x1BBC0] =	vst v63  }
0x2f: {  	s29 =	sadd.s32 $0x14F78, s28;
	s19 =	simm.s32 $0x13060  }
0x30: {  	[tilespmem:s19], [sflag:$0x8] =	stream.indirect.gather [hbm4b:s4+s23], $0x40, s29, s23, $0xb8;
	[tilespmem:$0x1BBC0] =	vst v63  }
0x31: {  	s30 =	sadd.s32 $0x14FA0, s28;
	s21 =	simm.s32 $0x13A60  }
0x32: {  	[tilespmem:s21], [sflag:$0x9] =	stream.indirect.gather [hbm4b:s4+s23], $0x40, s30, s23, $0xb8;
	[tilespmem:$0x1BBC0] =	vst v63  }
0x33: {  	s31 =	sadd.s32 $0x14FC8, s28;
	s29 =	simm.s32 $0x14460  }
0x34: {  	[tilespmem:s29], [sflag:$0xA] =	stream.indirect.gather [hbm4b:s4+s23], $0x40, s31, s23, $0xb8;
	[tilespmem:$0x1BBC0] =	vst v63  }
0x35: {  	_ =	swait.ge [sflag:s6], $0xA00  }
0x36: {  	[sflag:s6] =	ssyncset.done $0x0  }
0x37: {  	[sflag:s6] =	ssyncadd.s32 $0xFFFFF600;
	s6 =	sadd.s32 $0x9C40, s28  }
0x38: {  	[spmem:s2] =	stream.indirect.scatter.add.f32 [tilespmem:s11], [sflag:$0xB], $0x40, s6, s23, $0xb8;
	[tilespmem:$0x1BBC0] =	vst v63  }
0x39: {  	_ =	swait.ge [sflag:s1], $0xA00  }
0x3a: {  	[sflag:s1] =	ssyncset.done $0x0  }
0x3b: {  	s11 =	sadd.s32 $0x9C68, s28;
	[sflag:s1] =	ssyncadd.s32 $0xFFFFF600  }
0x3c: {  	[spmem:s2] =	stream.indirect.scatter.add.f32 [tilespmem:s12], [sflag:$0xC], $0x40, s11, s23, $0xb8;
	[tilespmem:$0x1BBC0] =	vst v63  }
0x3d: {  	_ =	swait.ge [sflag:s7], $0xA00  }
0x3e: {  	[sflag:s7] =	ssyncset.done $0x0  }
0x3f: {  	s12 =	sadd.s32 $0x9C90, s28;
	[sflag:s7] =	ssyncadd.s32 $0xFFFFF600  }
0x40: {  	[spmem:s2] =	stream.indirect.scatter.add.f32 [tilespmem:s20], [sflag:$0xD], $0x40, s12, s23, $0xb8;
	[tilespmem:$0x1BBC0] =	vst v63  }
0x41: {  	_ =	swait.ge [sflag:s13], $0xA00  }
0x42: {  	[sflag:s13] =	ssyncset.done $0x0  }
0x43: {  	[sflag:s13] =	ssyncadd.s32 $0xFFFFF600;
	s13 =	sadd.s32 $0x9CB8, s28  }
0x44: {  	[spmem:s2] =	stream.indirect.scatter.add.f32 [tilespmem:s24], [sflag:$0xE], $0x40, s13, s23, $0xb8;
	[tilespmem:$0x1BBC0] =	vst v63  }
0x45: {  	_ =	swait.ge [sflag:s14], $0xA00  }
0x46: {  	[sflag:s14] =	ssyncset.done $0x0  }
0x47: {  	[sflag:s14] =	ssyncadd.s32 $0xFFFFF600;
	s14 =	sadd.s32 $0x9CE0, s28  }
0x48: {  	[spmem:s2] =	stream.indirect.scatter.add.f32 [tilespmem:s22], [sflag:$0xF], $0x40, s14, s23, $0xb8;
	[tilespmem:$0x1BBC0] =	vst v63  }
0x49: {  	_ =	swait.ge [sflag:s15], $0xA00  }
0x4a: {  	[sflag:s15] =	ssyncset.done $0x0  }
0x4b: {  	[sflag:s15] =	ssyncadd.s32 $0xFFFFF600;
	s15 =	sadd.s32 $0x9D08, s28  }
0x4c: {  	[spmem:s2] =	stream.indirect.scatter.add.f32 [tilespmem:s25], [sflag:$0x10], $0x40, s15, s23, $0xb8;
	[tilespmem:$0x1BBC0] =	vst v63  }
0x4d: {  	_ =	swait.ge [sflag:s17], $0xA00  }
0x4e: {  	[sflag:s17] =	ssyncset.done $0x0  }
0x4f: {  	[sflag:s17] =	ssyncadd.s32 $0xFFFFF600;
	s17 =	sadd.s32 $0x9D30, s28  }
0x50: {  	[spmem:s2] =	stream.indirect.scatter.add.f32 [tilespmem:s3], [sflag:$0x11], $0x40, s17, s23, $0xb8;
	[tilespmem:$0x1BBC0] =	vst v63  }
0x51: {  	_ =	swait.ge [sflag:s18], $0xA00  }
0x52: {  	[sflag:s18] =	ssyncset.done $0x0  }
0x53: {  	[sflag:s18] =	ssyncadd.s32 $0xFFFFF600;
	s18 =	sadd.s32 $0x9D58, s28  }
0x54: {  	[spmem:s2] =	stream.indirect.scatter.add.f32 [tilespmem:s19], [sflag:$0x12], $0x40, s18, s23, $0xb8;
	[tilespmem:$0x1BBC0] =	vst v63  }
0x55: {  	_ =	swait.ge [sflag:s16], $0xA00  }
0x56: {  	[sflag:s16] =	ssyncset.done $0x0  }
0x57: {  	s20 =	sadd.s32 $0x9D80, s28;
	[sflag:s16] =	ssyncadd.s32 $0xFFFFF600  }
0x58: {  	[spmem:s2] =	stream.indirect.scatter.add.f32 [tilespmem:s21], [sflag:$0x13], $0x40, s20, s23, $0xb8;
	[tilespmem:$0x1BBC0] =	vst v63  }
0x59: {  	_ =	swait.ge [sflag:s8], $0xA00  }
0x5a: {  	[sflag:s8] =	ssyncset.done $0x0  }
0x5b: {  	s21 =	sadd.s32 $0x9DA8, s28;
	[sflag:s8] =	ssyncadd.s32 $0xFFFFF600  }
0x5c: {  	[spmem:s2] =	stream.indirect.scatter.add.f32 [tilespmem:s29], [sflag:$0x14], $0x40, s21, s23, $0xb8;
	[tilespmem:$0x1BBC0] =	vst v63  }
0x5d: {  	_ =	swait.ge [sflag:s9], $0xA00  }
0x5e: {  	[sflag:s9] =	ssyncset.done $0x0  }
0x5f: {  	[sflag:s9] =	ssyncadd.s32 $0xFFFFF600  }
0x60: {  	_ =	swait.ge [sflag:s10], $0xA00  }
0x61: {  	[sflag:s10] =	ssyncset.done $0x0  }
0x62: {  	s22 =	simm.s32 $0xD;
	[sflag:s10] =	ssyncadd.s32 $0xFFFFF600  }
0x63: {  	_ =	swait.ge [sflag:s22], $0xA00  }
0x64: {  	[sflag:s22] =	ssyncset.done $0x0  }
0x65: {  	s24 =	simm.s32 $0xE;
	[sflag:s22] =	ssyncadd.s32 $0xFFFFF600  }
0x66: {  	_ =	swait.ge [sflag:s24], $0xA00  }
0x67: {  	[sflag:s24] =	ssyncset.done $0x0  }
0x68: {  	s25 =	simm.s32 $0xF;
	[sflag:s24] =	ssyncadd.s32 $0xFFFFF600  }
0x69: {  	_ =	swait.ge [sflag:s25], $0xA00  }
0x6a: {  	[sflag:s25] =	ssyncset.done $0x0  }
0x6b: {  	s28 =	simm.s32 $0x10;
	[sflag:s25] =	ssyncadd.s32 $0xFFFFF600  }
0x6c: {  	_ =	swait.ge [sflag:s28], $0xA00  }
0x6d: {  	[sflag:s28] =	ssyncset.done $0x0  }
0x6e: {  	s29 =	simm.s32 $0x11;
	[sflag:s28] =	ssyncadd.s32 $0xFFFFF600  }
0x6f: {  	_ =	swait.ge [sflag:s29], $0xA00  }
0x70: {  	[sflag:s29] =	ssyncset.done $0x0  }
0x71: {  	s30 =	simm.s32 $0x12;
	s31 =	simm.s32 $0x13;
	[sflag:s29] =	ssyncadd.s32 $0xFFFFF600  }
0x72: {  	s1 =	simm.s32 $0x1;
	s11 =	simm.s32 $0xE;
	_ =	swait.ge [sflag:s30], $0xA00  }
0x73: {  	s7 =	simm.s32 $0x4;
	s12 =	simm.s32 $0xF;
	[sflag:s30] =	ssyncset.done $0x0  }
0x74: {  	s13 =	simm.s32 $0x5;
	s14 =	simm.s32 $0x6;
	[sflag:s30] =	ssyncadd.s32 $0xFFFFF600  }
0x75: {  	s15 =	simm.s32 $0x7;
	s18 =	simm.s32 $0xA;
	_ =	swait.ge [sflag:s31], $0xA00  }
0x76: {  	s16 =	simm.s32 $0x8;
	s20 =	simm.s32 $0x11;
	[sflag:s31] =	ssyncset.done $0x0  }
0x77: {  	s8 =	simm.s32 $0xB;
	s9 =	simm.s32 $0xC;
	[sflag:s31] =	ssyncadd.s32 $0xFFFFF600  }
0x78: {  	s10 =	simm.s32 $0xD;
	s22 =	simm.s32 $0x10;
	_ =	swait.ge [sflag:s26], $0xA00  }
0x79: {  	s24 =	simm.s32 $0x12;
	s25 =	simm.s32 $0x13;
	[sflag:s26] =	ssyncset.done $0x0  }
0x7a: {  	s19 =	rddreg [dreg:$0x10];
	[sflag:s26] =	ssyncadd.s32 $0xFFFFF600;
	s26 =	simm.s32 $0x14  }
.LBB2_10:
0x7b: {  	s0 =	stileid.u32;
	[bflag:$0x0] =	sbarrier.arrive $0xFFFF  }
0x7c: {  	s30 =	simm.s32 $0x15;
	s0 =	sshll.u32 s0, $0x6;
	s31 =	rddreg [dreg:$0x5]  }
0x7d: {  	s29 =	rddreg [dreg:$0xa];
	s0 =	sor.u32 $0x1C15, s0;
	s28 =	sshrl.u32 s31, $0x3  }
0x7e: {  	[hbm:s29@s22], [sflag:s0] =	dma.strided [spmem:s28@s16], $0x3E8, s1, $0x8   }
0x7f: {  	_ =	swait.ge [sflag:s30], $0x3E8  }
0x80: {  	[sflag:s30] =	ssyncset.done $0x0;
	s3 =	rddreg [dreg:$0x6]  }
0x81: {  	s6 =	rddreg [dreg:$0xb];
	[sflag:s30] =	ssyncadd.s32 $0xFFFFFC18;
	s28 =	sshrl.u32 s3, $0x3  }
0x82: {  	[hbm:s6@s22], [sflag:s0] =	dma.strided [spmem:s28@s16], $0x3E8, s1, $0x8   }
0x83: {  	_ =	swait.ge [sflag:s30], $0x3E8  }
0x84: {  	[sflag:s30] =	ssyncset.done $0x0;
	s17 =	rddreg [dreg:$0x7]  }
0x85: {  	s21 =	rddreg [dreg:$0xc];
	[sflag:s30] =	ssyncadd.s32 $0xFFFFFC18;
	s28 =	sshrl.u32 s17, $0x3  }
0x86: {  	[hbm:s21@s22], [sflag:s0] =	dma.strided [spmem:s28@s16], $0x3E8, s1, $0x8   }
0x87: {  	_ =	swait.ge [sflag:s30], $0x3E8  }
0x88: {  	[sflag:s30] =	ssyncset.done $0x0;
	s3 =	rddreg [dreg:$0x8]  }
0x89: {  	s6 =	rddreg [dreg:$0xd];
	[sflag:s30] =	ssyncadd.s32 $0xFFFFFC18;
	s28 =	sshrl.u32 s3, $0x3  }
0x8a: {  	[hbm:s6@s22], [sflag:s0] =	dma.strided [spmem:s28@s16], $0x3E8, s1, $0x8   }
0x8b: {  	_ =	swait.ge [sflag:s30], $0x3E8  }
0x8c: {  	[sflag:s30] =	ssyncset.done $0x0;
	s17 =	rddreg [dreg:$0x9]  }
0x8d: {  	s21 =	rddreg [dreg:$0xe];
	[sflag:s30] =	ssyncadd.s32 $0xFFFFFC18;
	s28 =	sshrl.u32 s17, $0x3  }
0x8e: {  	[hbm:s21@s22], [sflag:s0] =	dma.strided [spmem:s28@s16], $0x3E8, s1, $0x8   }
0x8f: {  	_ =	swait.ge [sflag:s30], $0x3E8  }
0x90: {  	s19 =	sadd.s32 $0x1, s19;
	s29 =	rddreg [dreg:$0xf]  }
0x91: {  	p1 =	sne.s32 s19, s29  }
.Ltmp1:
0x92: {  	_ = 	snop;
	(pc) =	sbr.rel @!p1 .LBB2_11-.Ltmp1, $3  }
0x93: {  	_ =	sdelay $0x1  }
0x94: {  	[sflag:s30] =	ssyncset.done $0x0  }
0x95: {  	[sflag:s30] =	ssyncadd.s32 $0xFFFFFC18  }
.LBB2_1:
0x96: {  	s0 =	simm.s32 $0x0;
	s28 =	rddreg [dreg:$0x3];
	s29 =	simm.s32 $0x14E60  }
0x97: {  	[tilespmem:s29], [sflag:$0x15] =	stream.linear.gather [hbm4b:s28+s0], $0x4E20, $0x38;
	[tilespmem:$0x1BBC0] =	vst v63  }
0x98: {  	_ =	swait.ge [sflag:s30], $0x4E20  }
0x99: {  	[sflag:s30] =	ssyncset.done $0x0  }
0x9a: {  	s29 =	simm.s32 $0x9C40;
	s28 =	rddreg [dreg:$0x4];
	[sflag:s30] =	ssyncadd.s32 $0xFFFFB1E0  }
0x9b: {  	[tilespmem:s29], [sflag:$0x15] =	stream.linear.gather [hbm4b:s28+s0], $0x4E20, $0x38;
	[tilespmem:$0x1BBC0] =	vst v63  }
0x9c: {  	_ =	swait.ge [sflag:s30], $0x4E20  }
0x9d: {  	[sflag:s30] =	ssyncset.done $0x0  }
0x9e: {  	s29 =	simm.s32 $0x100;
	s28 =	simm.s32 $0x0;
	[sflag:s30] =	ssyncadd.s32 $0xFFFFB1E0  }
.LBB2_2:
0x9f: {  	p1 =	sne.s32 s29, $0x7C00;
	[tilespmem:s28+$0x19CB0] =	vst v0;
	s30 =	smov.u32 s29;
	s29 =	sadd.s32 $0x100, s29  }
.Ltmp2:
0xa0: {  	[tilespmem:s28+$0x19CA0] =	vst v0;
	(pc) =	sbr.rel @p1 .LBB2_2-.Ltmp2, $3  }
0xa1: {  	[tilespmem:s28+$0x19C80] =	vst v0  }
0xa2: {  	[tilespmem:s28+$0x19C90] =	vst v0;
	_ =	sdelay $0x1  }
0xa3: {  	s28 =	sshra.s32 s30, $0x2  }
0xa4: {  	[tilespmem:s28+$0x19CB0] =	vst v0  }
0xa5: {  	[tilespmem:s28+$0x19CA0] =	vst v0  }
0xa6: {  	[tilespmem:s28+$0x19C80] =	vst v0  }
0xa7: {  	[dreg:$0x10] =	wrdreg s19;
	[tilespmem:s28+$0x19C90] =	vst v0;
	s29 =	simm.s32 $0x19C80;
	s19 =	simm.s32 $0x15  }
0xa8: {  	[spmem:s31] =	stream.linear.scatter [tilespmem:s29], [sflag:$0x15], $0x1F40, $0x38;
	[tilespmem:$0x1BBC0] =	vst v63  }
0xa9: {  	_ =	swait.ge [sflag:s19], $0x1F40  }
0xaa: {  	[sflag:s19] =	ssyncset.done $0x0  }
0xab: {  	s0 =	rddreg [dreg:$0x6];
	[sflag:s19] =	ssyncadd.s32 $0xFFFFE0C0  }
0xac: {  	[spmem:s0] =	stream.linear.scatter [tilespmem:s29], [sflag:$0x15], $0x1F40, $0x38;
	[tilespmem:$0x1BBC0] =	vst v63  }
0xad: {  	_ =	swait.ge [sflag:s19], $0x1F40  }
0xae: {  	[sflag:s19] =	ssyncset.done $0x0  }
0xaf: {  	s21 =	rddreg [dreg:$0x7];
	[sflag:s19] =	ssyncadd.s32 $0xFFFFE0C0  }
0xb0: {  	[spmem:s21] =	stream.linear.scatter [tilespmem:s29], [sflag:$0x15], $0x1F40, $0x38;
	[tilespmem:$0x1BBC0] =	vst v63  }
0xb1: {  	_ =	swait.ge [sflag:s19], $0x1F40  }
0xb2: {  	[sflag:s19] =	ssyncset.done $0x0  }
0xb3: {  	s30 =	rddreg [dreg:$0x8];
	[sflag:s19] =	ssyncadd.s32 $0xFFFFE0C0  }
0xb4: {  	[spmem:s30] =	stream.linear.scatter [tilespmem:s29], [sflag:$0x15], $0x1F40, $0x38;
	[tilespmem:$0x1BBC0] =	vst v63  }
0xb5: {  	_ =	swait.ge [sflag:s19], $0x1F40  }
0xb6: {  	[sflag:s19] =	ssyncset.done $0x0  }
0xb7: {  	s31 =	rddreg [dreg:$0x9];
	[sflag:s19] =	ssyncadd.s32 $0xFFFFE0C0  }
0xb8: {  	[spmem:s31] =	stream.linear.scatter [tilespmem:s29], [sflag:$0x15], $0x1F40, $0x38;
	[tilespmem:$0x1BBC0] =	vst v63  }
.Ltmp3:
0xb9: {  	_ =	swait.ge [sflag:s19], $0x1F40;
	(pc) =	sbr.rel @!p0 .LBB2_4-.Ltmp3, $3  }
0xba: {  	[sflag:s19] =	ssyncset.done $0x0  }
0xbb: {  	[sflag:s19] =	ssyncadd.s32 $0xFFFFE0C0  }
0xbc: {  	[bflag:$0x0] =	sbarrier.arrive $0xFFFF;
	_ =	sdelay $0x1  }
0xbd: {  	s0 =	simm.s32 $0x14E60;
	s1 =	simm.s32 $0xEA60  }
0xbe: {  	[tilespmem:s1], [sflag:$0x1] =	stream.indirect.gather [hbm4b:s5+s23], $0x40, s0, s23, $0xb8;
	[tilespmem:$0x1BBC0] =	vst v63  }
0xbf: {  	s30 =	simm.s32 $0x14E88;
	s31 =	simm.s32 $0xF460  }
0xc0: {  	[tilespmem:s31], [sflag:$0x2] =	stream.indirect.gather [hbm4b:s5+s23], $0x40, s30, s23, $0xb8;
	[tilespmem:$0x1BBC0] =	vst v63  }
0xc1: {  	s3 =	simm.s32 $0x14EB0;
	s30 =	simm.s32 $0xFE60  }
0xc2: {  	[tilespmem:s30], [sflag:$0x3] =	stream.indirect.gather [hbm4b:s5+s23], $0x40, s3, s23, $0xb8;
	[tilespmem:$0x1BBC0] =	vst v63  }
0xc3: {  	s6 =	simm.s32 $0x14ED8;
	s29 =	simm.s32 $0x10860  }
0xc4: {  	[tilespmem:s29], [sflag:$0x4] =	stream.indirect.gather [hbm4b:s5+s23], $0x40, s6, s23, $0xb8;
	[tilespmem:$0x1BBC0] =	vst v63  }
0xc5: {  	s17 =	simm.s32 $0x14F00;
	s19 =	simm.s32 $0x11260  }
0xc6: {  	[tilespmem:s19], [sflag:$0x5] =	stream.indirect.gather [hbm4b:s5+s23], $0x40, s17, s23, $0xb8;
	[tilespmem:$0x1BBC0] =	vst v63  }
0xc7: {  	s21 =	simm.s32 $0x14F28;
	s17 =	simm.s32 $0x11C60  }
0xc8: {  	[tilespmem:s17], [sflag:$0x6] =	stream.indirect.gather [hbm4b:s5+s23], $0x40, s21, s23, $0xb8;
	[tilespmem:$0x1BBC0] =	vst v63  }
0xc9: {  	s28 =	simm.s32 $0x12660;
	s0 =	simm.s32 $0x14F50  }
0xca: {  	[tilespmem:s28], [sflag:$0x7] =	stream.indirect.gather [hbm4b:s5+s23], $0x40, s0, s23, $0xb8;
	[tilespmem:$0x1BBC0] =	vst v63  }
0xcb: {  	s0 =	simm.s32 $0x14F78;
	s28 =	simm.s32 $0x13060  }
0xcc: {  	[tilespmem:s28], [sflag:$0x8] =	stream.indirect.gather [hbm4b:s5+s23], $0x40, s0, s23, $0xb8;
	[tilespmem:$0x1BBC0] =	vst v63  }
0xcd: {  	s0 =	simm.s32 $0x14FA0;
	s28 =	simm.s32 $0x13A60  }
0xce: {  	[tilespmem:s28], [sflag:$0x9] =	stream.indirect.gather [hbm4b:s5+s23], $0x40, s0, s23, $0xb8;
	[tilespmem:$0x1BBC0] =	vst v63  }
0xcf: {  	s3 =	simm.s32 $0x1;
	s0 =	simm.s32 $0x14FC8;
	s28 =	simm.s32 $0x14460  }
0xd0: {  	[tilespmem:s28], [sflag:$0xA] =	stream.indirect.gather [hbm4b:s5+s23], $0x40, s0, s23, $0xb8;
	[tilespmem:$0x1BBC0] =	vst v63  }
0xd1: {  	_ =	swait.ge [sflag:s3], $0xA00  }
0xd2: {  	[sflag:s3] =	ssyncset.done $0x0  }
0xd3: {  	s21 =	simm.s32 $0x2;
	[sflag:s3] =	ssyncadd.s32 $0xFFFFF600;
	s3 =	simm.s32 $0x9C40  }
0xd4: {  	[spmem:s2] =	stream.indirect.scatter.add.f32 [tilespmem:s1], [sflag:$0xB], $0x40, s3, s23, $0xb8;
	[tilespmem:$0x1BBC0] =	vst v63  }
0xd5: {  	_ =	swait.ge [sflag:s21], $0xA00  }
0xd6: {  	[sflag:s21] =	ssyncset.done $0x0  }
0xd7: {  	s17 =	simm.s32 $0x3;
	s3 =	simm.s32 $0x9C68;
	[sflag:s21] =	ssyncadd.s32 $0xFFFFF600  }
0xd8: {  	[spmem:s2] =	stream.indirect.scatter.add.f32 [tilespmem:s31], [sflag:$0xC], $0x40, s3, s23, $0xb8;
	[tilespmem:$0x1BBC0] =	vst v63  }
0xd9: {  	_ =	swait.ge [sflag:s17], $0xA00  }
0xda: {  	[sflag:s17] =	ssyncset.done $0x0  }
0xdb: {  	s21 =	simm.s32 $0x9C90;
	[sflag:s17] =	ssyncadd.s32 $0xFFFFF600  }
0xdc: {  	[spmem:s2] =	stream.indirect.scatter.add.f32 [tilespmem:s30], [sflag:$0xD], $0x40, s21, s23, $0xb8;
	[tilespmem:$0x1BBC0] =	vst v63  }
0xdd: {  	_ =	swait.ge [sflag:s7], $0xA00  }
0xde: {  	[sflag:s7] =	ssyncset.done $0x0  }
0xdf: {  	s1 =	simm.s32 $0x9CB8;
	[sflag:s7] =	ssyncadd.s32 $0xFFFFF600  }
0xe0: {  	[spmem:s2] =	stream.indirect.scatter.add.f32 [tilespmem:s29], [sflag:$0xE], $0x40, s1, s23, $0xb8;
	[tilespmem:$0x1BBC0] =	vst v63  }
0xe1: {  	_ =	swait.ge [sflag:s13], $0xA00  }
0xe2: {  	[sflag:s13] =	ssyncset.done $0x0  }
0xe3: {  	s3 =	simm.s32 $0x9CE0;
	[sflag:s13] =	ssyncadd.s32 $0xFFFFF600  }
0xe4: {  	[spmem:s2] =	stream.indirect.scatter.add.f32 [tilespmem:s19], [sflag:$0xF], $0x40, s3, s23, $0xb8;
	[tilespmem:$0x1BBC0] =	vst v63  }
0xe5: {  	_ =	swait.ge [sflag:s14], $0xA00  }
0xe6: {  	[sflag:s14] =	ssyncset.done $0x0  }
0xe7: {  	s7 =	simm.s32 $0x9D08;
	s13 =	simm.s32 $0x11C60;
	[sflag:s14] =	ssyncadd.s32 $0xFFFFF600  }
0xe8: {  	[spmem:s2] =	stream.indirect.scatter.add.f32 [tilespmem:s13], [sflag:$0x10], $0x40, s7, s23, $0xb8;
	[tilespmem:$0x1BBC0] =	vst v63  }
0xe9: {  	_ =	swait.ge [sflag:s15], $0xA00  }
0xea: {  	[sflag:s15] =	ssyncset.done $0x0  }
0xeb: {  	s14 =	simm.s32 $0x9D30;
	[sflag:s15] =	ssyncadd.s32 $0xFFFFF600;
	s15 =	simm.s32 $0x12660  }
0xec: {  	[spmem:s2] =	stream.indirect.scatter.add.f32 [tilespmem:s15], [sflag:$0x11], $0x40, s14, s23, $0xb8;
	[tilespmem:$0x1BBC0] =	vst v63  }
0xed: {  	_ =	swait.ge [sflag:s16], $0xA00  }
0xee: {  	s6 =	simm.s32 $0x9;
	[sflag:s16] =	ssyncset.done $0x0  }
0xef: {  	s17 =	simm.s32 $0x9D58;
	s19 =	simm.s32 $0x13060;
	[sflag:s16] =	ssyncadd.s32 $0xFFFFF600  }
0xf0: {  	[spmem:s2] =	stream.indirect.scatter.add.f32 [tilespmem:s19], [sflag:$0x12], $0x40, s17, s23, $0xb8;
	[tilespmem:$0x1BBC0] =	vst v63  }
0xf1: {  	_ =	swait.ge [sflag:s6], $0xA00  }
0xf2: {  	[sflag:s6] =	ssyncset.done $0x0  }
0xf3: {  	s21 =	simm.s32 $0x9D80;
	s29 =	simm.s32 $0x13A60;
	[sflag:s6] =	ssyncadd.s32 $0xFFFFF600  }
0xf4: {  	[spmem:s2] =	stream.indirect.scatter.add.f32 [tilespmem:s29], [sflag:$0x13], $0x40, s21, s23, $0xb8;
	[tilespmem:$0x1BBC0] =	vst v63  }
0xf5: {  	_ =	swait.ge [sflag:s18], $0xA00  }
0xf6: {  	[sflag:s18] =	ssyncset.done $0x0  }
0xf7: {  	s28 =	simm.s32 $0x14460;
	s30 =	simm.s32 $0x9DA8;
	[sflag:s18] =	ssyncadd.s32 $0xFFFFF600  }
0xf8: {  	[spmem:s2] =	stream.indirect.scatter.add.f32 [tilespmem:s28], [sflag:$0x14], $0x40, s30, s23, $0xb8;
	[tilespmem:$0x1BBC0] =	vst v63  }
0xf9: {  	_ =	swait.ge [sflag:s8], $0xA00  }
0xfa: {  	[sflag:s8] =	ssyncset.done $0x0  }
0xfb: {  	[sflag:s8] =	ssyncadd.s32 $0xFFFFF600  }
0xfc: {  	_ =	swait.ge [sflag:s9], $0xA00  }
0xfd: {  	[sflag:s9] =	ssyncset.done $0x0  }
0xfe: {  	[sflag:s9] =	ssyncadd.s32 $0xFFFFF600  }
0xff: {  	_ =	swait.ge [sflag:s10], $0xA00  }
0x100: {  	[sflag:s10] =	ssyncset.done $0x0  }
0x101: {  	[sflag:s10] =	ssyncadd.s32 $0xFFFFF600  }
0x102: {  	_ =	swait.ge [sflag:s11], $0xA00  }
0x103: {  	[sflag:s11] =	ssyncset.done $0x0  }
0x104: {  	[sflag:s11] =	ssyncadd.s32 $0xFFFFF600  }
0x105: {  	_ =	swait.ge [sflag:s12], $0xA00  }
0x106: {  	[sflag:s12] =	ssyncset.done $0x0  }
0x107: {  	[sflag:s12] =	ssyncadd.s32 $0xFFFFF600  }
0x108: {  	_ =	swait.ge [sflag:s22], $0xA00  }
0x109: {  	[sflag:s22] =	ssyncset.done $0x0  }
0x10a: {  	[sflag:s22] =	ssyncadd.s32 $0xFFFFF600  }
0x10b: {  	_ =	swait.ge [sflag:s20], $0xA00  }
0x10c: {  	[sflag:s20] =	ssyncset.done $0x0  }
0x10d: {  	[sflag:s20] =	ssyncadd.s32 $0xFFFFF600  }
0x10e: {  	_ =	swait.ge [sflag:s24], $0xA00  }
0x10f: {  	[sflag:s24] =	ssyncset.done $0x0  }
0x110: {  	[sflag:s24] =	ssyncadd.s32 $0xFFFFF600  }
0x111: {  	_ =	swait.ge [sflag:s25], $0xA00  }
0x112: {  	[sflag:s25] =	ssyncset.done $0x0  }
0x113: {  	[sflag:s25] =	ssyncadd.s32 $0xFFFFF600  }
0x114: {  	s31 =	simm.s32 $0xC80;
	_ =	swait.ge [sflag:s26], $0xA00  }
0x115: {  	s13 =	simm.s32 $0x4;
	s28 =	simm.s32 $0x190;
	[sflag:s26] =	ssyncset.done $0x0  }
.LBB2_8:
0x116: {  	s0 =	sadd.s32 $0x14E60, s28;
	[sflag:s26] =	ssyncadd.s32 $0xFFFFF600  }
0x117: {  	s30 =	smov.u32 s31;
	s29 =	sadd.s32 $0x640, s31;
	s17 =	simm.s32 $0xEA60  }
0x118: {  	[tilespmem:s17], [sflag:$0x1] =	stream.indirect.gather [hbm4b:s5+s23], $0x40, s0, s23, $0xb8;
	[tilespmem:$0x1BBC0] =	vst v63  }
0x119: {  	p1 =	sne.s32 s31, $0x13240;
	s15 =	simm.s32 $0xF460;
	s0 =	sadd.s32 $0x14E88, s28  }
0x11a: {  	[tilespmem:s15], [sflag:$0x2] =	stream.indirect.gather [hbm4b:s5+s23], $0x40, s0, s23, $0xb8;
	[tilespmem:$0x1BBC0] =	vst v63  }
0x11b: {  	s14 =	simm.s32 $0xFE60;
	s0 =	sadd.s32 $0x14EB0, s28  }
0x11c: {  	[tilespmem:s14], [sflag:$0x3] =	stream.indirect.gather [hbm4b:s5+s23], $0x40, s0, s23, $0xb8;
	[tilespmem:$0x1BBC0] =	vst v63  }
0x11d: {  	s7 =	simm.s32 $0x10860;
	s0 =	sadd.s32 $0x14ED8, s28  }
0x11e: {  	[tilespmem:s7], [sflag:$0x4] =	stream.indirect.gather [hbm4b:s5+s23], $0x40, s0, s23, $0xb8;
	[tilespmem:$0x1BBC0] =	vst v63  }
0x11f: {  	s6 =	simm.s32 $0x11260;
	s0 =	sadd.s32 $0x14F00, s28  }
0x120: {  	[tilespmem:s6], [sflag:$0x5] =	stream.indirect.gather [hbm4b:s5+s23], $0x40, s0, s23, $0xb8;
	[tilespmem:$0x1BBC0] =	vst v63  }
0x121: {  	s1 =	simm.s32 $0x11C60;
	s0 =	sadd.s32 $0x14F28, s28  }
0x122: {  	[tilespmem:s1], [sflag:$0x6] =	stream.indirect.gather [hbm4b:s5+s23], $0x40, s0, s23, $0xb8;
	[tilespmem:$0x1BBC0] =	vst v63  }
0x123: {  	s3 =	simm.s32 $0x12660;
	s0 =	sadd.s32 $0x14F50, s28  }
0x124: {  	[tilespmem:s3], [sflag:$0x7] =	stream.indirect.gather [hbm4b:s5+s23], $0x40, s0, s23, $0xb8;
	[tilespmem:$0x1BBC0] =	vst v63  }
0x125: {  	s19 =	simm.s32 $0x13060;
	s0 =	sadd.s32 $0x14F78, s28  }
0x126: {  	[tilespmem:s19], [sflag:$0x8] =	stream.indirect.gather [hbm4b:s5+s23], $0x40, s0, s23, $0xb8;
	[tilespmem:$0x1BBC0] =	vst v63  }
0x127: {  	s21 =	simm.s32 $0x13A60;
	s0 =	sadd.s32 $0x14FA0, s28  }
0x128: {  	[tilespmem:s21], [sflag:$0x9] =	stream.indirect.gather [hbm4b:s5+s23], $0x40, s0, s23, $0xb8;
	[tilespmem:$0x1BBC0] =	vst v63  }
0x129: {  	s31 =	simm.s32 $0x14460;
	s0 =	sadd.s32 $0x14FC8, s28  }
0x12a: {  	[tilespmem:s31], [sflag:$0xA] =	stream.indirect.gather [hbm4b:s5+s23], $0x40, s0, s23, $0xb8;
	[tilespmem:$0x1BBC0] =	vst v63  }
0x12b: {  	s0 =	simm.s32 $0x1  }
0x12c: {  	_ =	swait.ge [sflag:s0], $0xA00  }
0x12d: {  	[sflag:s0] =	ssyncset.done $0x0  }
0x12e: {  	[sflag:s0] =	ssyncadd.s32 $0xFFFFF600;
	s0 =	sadd.s32 $0x9C40, s28  }
0x12f: {  	[spmem:s2] =	stream.indirect.scatter.add.f32 [tilespmem:s17], [sflag:$0xB], $0x40, s0, s23, $0xb8;
	[tilespmem:$0x1BBC0] =	vst v63  }
0x130: {  	s0 =	simm.s32 $0x2  }
0x131: {  	_ =	swait.ge [sflag:s0], $0xA00  }
0x132: {  	[sflag:s0] =	ssyncset.done $0x0  }
0x133: {  	[sflag:s0] =	ssyncadd.s32 $0xFFFFF600;
	s0 =	sadd.s32 $0x9C68, s28  }
0x134: {  	[spmem:s2] =	stream.indirect.scatter.add.f32 [tilespmem:s15], [sflag:$0xC], $0x40, s0, s23, $0xb8;
	[tilespmem:$0x1BBC0] =	vst v63  }
0x135: {  	s0 =	simm.s32 $0x3  }
0x136: {  	_ =	swait.ge [sflag:s0], $0xA00  }
0x137: {  	[sflag:s0] =	ssyncset.done $0x0  }
0x138: {  	[sflag:s0] =	ssyncadd.s32 $0xFFFFF600;
	s0 =	sadd.s32 $0x9C90, s28  }
0x139: {  	[spmem:s2] =	stream.indirect.scatter.add.f32 [tilespmem:s14], [sflag:$0xD], $0x40, s0, s23, $0xb8;
	[tilespmem:$0x1BBC0] =	vst v63  }
0x13a: {  	_ =	swait.ge [sflag:s13], $0xA00  }
0x13b: {  	[sflag:s13] =	ssyncset.done $0x0  }
0x13c: {  	s0 =	sadd.s32 $0x9CB8, s28;
	[sflag:s13] =	ssyncadd.s32 $0xFFFFF600  }
0x13d: {  	[spmem:s2] =	stream.indirect.scatter.add.f32 [tilespmem:s7], [sflag:$0xE], $0x40, s0, s23, $0xb8;
	[tilespmem:$0x1BBC0] =	vst v63  }
0x13e: {  	s0 =	simm.s32 $0x5  }
0x13f: {  	_ =	swait.ge [sflag:s0], $0xA00  }
0x140: {  	[sflag:s0] =	ssyncset.done $0x0  }
0x141: {  	[sflag:s0] =	ssyncadd.s32 $0xFFFFF600;
	s0 =	sadd.s32 $0x9CE0, s28  }
0x142: {  	[spmem:s2] =	stream.indirect.scatter.add.f32 [tilespmem:s6], [sflag:$0xF], $0x40, s0, s23, $0xb8;
	[tilespmem:$0x1BBC0] =	vst v63  }
0x143: {  	s0 =	simm.s32 $0x6  }
0x144: {  	_ =	swait.ge [sflag:s0], $0xA00  }
0x145: {  	[sflag:s0] =	ssyncset.done $0x0  }
0x146: {  	[sflag:s0] =	ssyncadd.s32 $0xFFFFF600;
	s0 =	sadd.s32 $0x9D08, s28  }
0x147: {  	[spmem:s2] =	stream.indirect.scatter.add.f32 [tilespmem:s1], [sflag:$0x10], $0x40, s0, s23, $0xb8;
	[tilespmem:$0x1BBC0] =	vst v63  }
0x148: {  	s0 =	simm.s32 $0x7  }
0x149: {  	_ =	swait.ge [sflag:s0], $0xA00  }
0x14a: {  	[sflag:s0] =	ssyncset.done $0x0  }
0x14b: {  	[sflag:s0] =	ssyncadd.s32 $0xFFFFF600;
	s0 =	sadd.s32 $0x9D30, s28  }
0x14c: {  	[spmem:s2] =	stream.indirect.scatter.add.f32 [tilespmem:s3], [sflag:$0x11], $0x40, s0, s23, $0xb8;
	[tilespmem:$0x1BBC0] =	vst v63  }
0x14d: {  	_ =	swait.ge [sflag:s16], $0xA00  }
0x14e: {  	[sflag:s16] =	ssyncset.done $0x0  }
0x14f: {  	s0 =	sadd.s32 $0x9D58, s28;
	[sflag:s16] =	ssyncadd.s32 $0xFFFFF600  }
0x150: {  	[spmem:s2] =	stream.indirect.scatter.add.f32 [tilespmem:s19], [sflag:$0x12], $0x40, s0, s23, $0xb8;
	[tilespmem:$0x1BBC0] =	vst v63  }
0x151: {  	s0 =	simm.s32 $0x9  }
0x152: {  	_ =	swait.ge [sflag:s0], $0xA00  }
0x153: {  	[sflag:s0] =	ssyncset.done $0x0  }
0x154: {  	[sflag:s0] =	ssyncadd.s32 $0xFFFFF600;
	s0 =	sadd.s32 $0x9D80, s28  }
0x155: {  	[spmem:s2] =	stream.indirect.scatter.add.f32 [tilespmem:s21], [sflag:$0x13], $0x40, s0, s23, $0xb8;
	[tilespmem:$0x1BBC0] =	vst v63  }
0x156: {  	_ =	swait.ge [sflag:s18], $0xA00  }
0x157: {  	[sflag:s18] =	ssyncset.done $0x0  }
0x158: {  	s0 =	sadd.s32 $0x9DA8, s28;
	[sflag:s18] =	ssyncadd.s32 $0xFFFFF600  }
0x159: {  	[spmem:s2] =	stream.indirect.scatter.add.f32 [tilespmem:s31], [sflag:$0x14], $0x40, s0, s23, $0xb8;
	[tilespmem:$0x1BBC0] =	vst v63  }
0x15a: {  	_ =	swait.ge [sflag:s8], $0xA00  }
0x15b: {  	[sflag:s8] =	ssyncset.done $0x0  }
0x15c: {  	[sflag:s8] =	ssyncadd.s32 $0xFFFFF600  }
0x15d: {  	_ =	swait.ge [sflag:s9], $0xA00  }
0x15e: {  	[sflag:s9] =	ssyncset.done $0x0  }
0x15f: {  	[sflag:s9] =	ssyncadd.s32 $0xFFFFF600  }
0x160: {  	_ =	swait.ge [sflag:s10], $0xA00  }
0x161: {  	[sflag:s10] =	ssyncset.done $0x0  }
0x162: {  	[sflag:s10] =	ssyncadd.s32 $0xFFFFF600  }
0x163: {  	_ =	swait.ge [sflag:s11], $0xA00  }
0x164: {  	[sflag:s11] =	ssyncset.done $0x0  }
0x165: {  	[sflag:s11] =	ssyncadd.s32 $0xFFFFF600  }
0x166: {  	_ =	swait.ge [sflag:s12], $0xA00  }
0x167: {  	[sflag:s12] =	ssyncset.done $0x0  }
0x168: {  	[sflag:s12] =	ssyncadd.s32 $0xFFFFF600  }
0x169: {  	_ =	swait.ge [sflag:s22], $0xA00  }
0x16a: {  	[sflag:s22] =	ssyncset.done $0x0  }
0x16b: {  	[sflag:s22] =	ssyncadd.s32 $0xFFFFF600  }
0x16c: {  	_ =	swait.ge [sflag:s20], $0xA00  }
0x16d: {  	[sflag:s20] =	ssyncset.done $0x0  }
0x16e: {  	[sflag:s20] =	ssyncadd.s32 $0xFFFFF600  }
0x16f: {  	_ =	swait.ge [sflag:s24], $0xA00  }
0x170: {  	[sflag:s24] =	ssyncset.done $0x0  }
0x171: {  	[sflag:s24] =	ssyncadd.s32 $0xFFFFF600  }
.Ltmp4:
0x172: {  	_ =	swait.ge [sflag:s25], $0xA00;
	(pc) =	sbr.rel @p1 .LBB2_8-.Ltmp4, $4  }
0x173: {  	[sflag:s25] =	ssyncset.done $0x0  }
0x174: {  	[sflag:s25] =	ssyncadd.s32 $0xFFFFF600  }
0x175: {  	_ =	swait.ge [sflag:s26], $0xA00  }
0x176: {  	s28 =	sshra.s32 s30, $0x2;
	s31 =	smov.u32 s29;
	[sflag:s26] =	ssyncset.done $0x0  }
0x177: {  	s0 =	sadd.s32 $0x14E60, s28;
	[sflag:s26] =	ssyncadd.s32 $0xFFFFF600;
	s17 =	simm.s32 $0xEA60  }
0x178: {  	[tilespmem:s17], [sflag:$0x1] =	stream.indirect.gather [hbm4b:s5+s23], $0x40, s0, s23, $0xb8;
	[tilespmem:$0x1BBC0] =	vst v63  }
0x179: {  	s30 =	sadd.s32 $0x14E88, s28;
	s15 =	simm.s32 $0xF460  }
0x17a: {  	[tilespmem:s15], [sflag:$0x2] =	stream.indirect.gather [hbm4b:s5+s23], $0x40, s30, s23, $0xb8;
	[tilespmem:$0x1BBC0] =	vst v63  }
0x17b: {  	s31 =	sadd.s32 $0x14EB0, s28;
	s14 =	simm.s32 $0xFE60  }
0x17c: {  	[tilespmem:s14], [sflag:$0x3] =	stream.indirect.gather [hbm4b:s5+s23], $0x40, s31, s23, $0xb8;
	[tilespmem:$0x1BBC0] =	vst v63  }
0x17d: {  	s1 =	sadd.s32 $0x14ED8, s28;
	s7 =	simm.s32 $0x10860  }
0x17e: {  	[tilespmem:s7], [sflag:$0x4] =	stream.indirect.gather [hbm4b:s5+s23], $0x40, s1, s23, $0xb8;
	[tilespmem:$0x1BBC0] =	vst v63  }
0x17f: {  	s3 =	sadd.s32 $0x14F00, s28;
	s6 =	simm.s32 $0x11260  }
0x180: {  	[tilespmem:s6], [sflag:$0x5] =	stream.indirect.gather [hbm4b:s5+s23], $0x40, s3, s23, $0xb8;
	[tilespmem:$0x1BBC0] =	vst v63  }
0x181: {  	s19 =	sadd.s32 $0x14F28, s28;
	s1 =	simm.s32 $0x11C60  }
0x182: {  	[tilespmem:s1], [sflag:$0x6] =	stream.indirect.gather [hbm4b:s5+s23], $0x40, s19, s23, $0xb8;
	[tilespmem:$0x1BBC0] =	vst v63  }
0x183: {  	s21 =	sadd.s32 $0x14F50, s28;
	s3 =	simm.s32 $0x12660  }
0x184: {  	[tilespmem:s3], [sflag:$0x7] =	stream.indirect.gather [hbm4b:s5+s23], $0x40, s21, s23, $0xb8;
	[tilespmem:$0x1BBC0] =	vst v63  }
0x185: {  	s29 =	sadd.s32 $0x14F78, s28;
	s19 =	simm.s32 $0x13060  }
0x186: {  	[tilespmem:s19], [sflag:$0x8] =	stream.indirect.gather [hbm4b:s5+s23], $0x40, s29, s23, $0xb8;
	[tilespmem:$0x1BBC0] =	vst v63  }
0x187: {  	s30 =	sadd.s32 $0x14FA0, s28;
	s21 =	simm.s32 $0x13A60  }
0x188: {  	[tilespmem:s21], [sflag:$0x9] =	stream.indirect.gather [hbm4b:s5+s23], $0x40, s30, s23, $0xb8;
	[tilespmem:$0x1BBC0] =	vst v63  }
0x189: {  	s31 =	sadd.s32 $0x14FC8, s28;
	s29 =	simm.s32 $0x14460;
	s30 =	simm.s32 $0x1  }
0x18a: {  	[tilespmem:s29], [sflag:$0xA] =	stream.indirect.gather [hbm4b:s5+s23], $0x40, s31, s23, $0xb8;
	[tilespmem:$0x1BBC0] =	vst v63  }
0x18b: {  	_ =	swait.ge [sflag:s30], $0xA00  }
0x18c: {  	[sflag:s30] =	ssyncset.done $0x0  }
0x18d: {  	s31 =	sadd.s32 $0x9C40, s28;
	[sflag:s30] =	ssyncadd.s32 $0xFFFFF600  }
0x18e: {  	[spmem:s2] =	stream.indirect.scatter.add.f32 [tilespmem:s17], [sflag:$0xB], $0x40, s31, s23, $0xb8;
	[tilespmem:$0x1BBC0] =	vst v63  }
0x18f: {  	s17 =	simm.s32 $0x2  }
0x190: {  	_ =	swait.ge [sflag:s17], $0xA00  }
0x191: {  	[sflag:s17] =	ssyncset.done $0x0  }
0x192: {  	s30 =	sadd.s32 $0x9C68, s28;
	s31 =	simm.s32 $0x3;
	[sflag:s17] =	ssyncadd.s32 $0xFFFFF600  }
0x193: {  	[spmem:s2] =	stream.indirect.scatter.add.f32 [tilespmem:s15], [sflag:$0xC], $0x40, s30, s23, $0xb8;
	[tilespmem:$0x1BBC0] =	vst v63  }
0x194: {  	_ =	swait.ge [sflag:s31], $0xA00  }
0x195: {  	[sflag:s31] =	ssyncset.done $0x0  }
0x196: {  	s15 =	sadd.s32 $0x9C90, s28;
	[sflag:s31] =	ssyncadd.s32 $0xFFFFF600  }
0x197: {  	[spmem:s2] =	stream.indirect.scatter.add.f32 [tilespmem:s14], [sflag:$0xD], $0x40, s15, s23, $0xb8;
	[tilespmem:$0x1BBC0] =	vst v63  }
0x198: {  	_ =	swait.ge [sflag:s13], $0xA00  }
0x199: {  	[sflag:s13] =	ssyncset.done $0x0  }
0x19a: {  	s17 =	sadd.s32 $0x9CB8, s28;
	s30 =	simm.s32 $0x5;
	[sflag:s13] =	ssyncadd.s32 $0xFFFFF600  }
0x19b: {  	[spmem:s2] =	stream.indirect.scatter.add.f32 [tilespmem:s7], [sflag:$0xE], $0x40, s17, s23, $0xb8;
	[tilespmem:$0x1BBC0] =	vst v63  }
0x19c: {  	_ =	swait.ge [sflag:s30], $0xA00  }
0x19d: {  	[sflag:s30] =	ssyncset.done $0x0  }
0x19e: {  	s31 =	sadd.s32 $0x9CE0, s28;
	s7 =	simm.s32 $0x6;
	[sflag:s30] =	ssyncadd.s32 $0xFFFFF600  }
0x19f: {  	[spmem:s2] =	stream.indirect.scatter.add.f32 [tilespmem:s6], [sflag:$0xF], $0x40, s31, s23, $0xb8;
	[tilespmem:$0x1BBC0] =	vst v63  }
0x1a0: {  	_ =	swait.ge [sflag:s7], $0xA00  }
0x1a1: {  	[sflag:s7] =	ssyncset.done $0x0  }
0x1a2: {  	s14 =	simm.s32 $0x7;
	s13 =	sadd.s32 $0x9D08, s28;
	[sflag:s7] =	ssyncadd.s32 $0xFFFFF600  }
0x1a3: {  	[spmem:s2] =	stream.indirect.scatter.add.f32 [tilespmem:s1], [sflag:$0x10], $0x40, s13, s23, $0xb8;
	[tilespmem:$0x1BBC0] =	vst v63  }
0x1a4: {  	_ =	swait.ge [sflag:s14], $0xA00  }
0x1a5: {  	[sflag:s14] =	ssyncset.done $0x0  }
0x1a6: {  	s15 =	sadd.s32 $0x9D30, s28;
	[sflag:s14] =	ssyncadd.s32 $0xFFFFF600  }
0x1a7: {  	[spmem:s2] =	stream.indirect.scatter.add.f32 [tilespmem:s3], [sflag:$0x11], $0x40, s15, s23, $0xb8;
	[tilespmem:$0x1BBC0] =	vst v63  }
0x1a8: {  	_ =	swait.ge [sflag:s16], $0xA00  }
0x1a9: {  	[sflag:s16] =	ssyncset.done $0x0  }
0x1aa: {  	s17 =	sadd.s32 $0x9D58, s28;
	[sflag:s16] =	ssyncadd.s32 $0xFFFFF600  }
0x1ab: {  	[spmem:s2] =	stream.indirect.scatter.add.f32 [tilespmem:s19], [sflag:$0x12], $0x40, s17, s23, $0xb8;
	[tilespmem:$0x1BBC0] =	vst v63  }
0x1ac: {  	s19 =	simm.s32 $0x9  }
0x1ad: {  	_ =	swait.ge [sflag:s19], $0xA00  }
0x1ae: {  	[sflag:s19] =	ssyncset.done $0x0  }
0x1af: {  	s30 =	sadd.s32 $0x9D80, s28;
	[sflag:s19] =	ssyncadd.s32 $0xFFFFF600  }
0x1b0: {  	[spmem:s2] =	stream.indirect.scatter.add.f32 [tilespmem:s21], [sflag:$0x13], $0x40, s30, s23, $0xb8;
	[tilespmem:$0x1BBC0] =	vst v63  }
0x1b1: {  	_ =	swait.ge [sflag:s18], $0xA00  }
0x1b2: {  	[sflag:s18] =	ssyncset.done $0x0  }
0x1b3: {  	s31 =	sadd.s32 $0x9DA8, s28;
	[sflag:s18] =	ssyncadd.s32 $0xFFFFF600  }
0x1b4: {  	[spmem:s2] =	stream.indirect.scatter.add.f32 [tilespmem:s29], [sflag:$0x14], $0x40, s31, s23, $0xb8;
	[tilespmem:$0x1BBC0] =	vst v63  }
0x1b5: {  	_ =	swait.ge [sflag:s8], $0xA00  }
0x1b6: {  	[sflag:s8] =	ssyncset.done $0x0  }
0x1b7: {  	[sflag:s8] =	ssyncadd.s32 $0xFFFFF600  }
0x1b8: {  	_ =	swait.ge [sflag:s9], $0xA00  }
0x1b9: {  	[sflag:s9] =	ssyncset.done $0x0  }
0x1ba: {  	[sflag:s9] =	ssyncadd.s32 $0xFFFFF600  }
0x1bb: {  	_ =	swait.ge [sflag:s10], $0xA00  }
0x1bc: {  	[sflag:s10] =	ssyncset.done $0x0  }
0x1bd: {  	[sflag:s10] =	ssyncadd.s32 $0xFFFFF600  }
0x1be: {  	_ =	swait.ge [sflag:s11], $0xA00  }
0x1bf: {  	[sflag:s11] =	ssyncset.done $0x0  }
0x1c0: {  	[sflag:s11] =	ssyncadd.s32 $0xFFFFF600  }
0x1c1: {  	_ =	swait.ge [sflag:s12], $0xA00  }
0x1c2: {  	[sflag:s12] =	ssyncset.done $0x0  }
0x1c3: {  	[sflag:s12] =	ssyncadd.s32 $0xFFFFF600  }
0x1c4: {  	_ =	swait.ge [sflag:s22], $0xA00  }
0x1c5: {  	[sflag:s22] =	ssyncset.done $0x0  }
0x1c6: {  	[sflag:s22] =	ssyncadd.s32 $0xFFFFF600  }
0x1c7: {  	_ =	swait.ge [sflag:s20], $0xA00  }
0x1c8: {  	[sflag:s20] =	ssyncset.done $0x0  }
0x1c9: {  	[sflag:s20] =	ssyncadd.s32 $0xFFFFF600  }
0x1ca: {  	_ =	swait.ge [sflag:s24], $0xA00  }
0x1cb: {  	[sflag:s24] =	ssyncset.done $0x0  }
0x1cc: {  	[sflag:s24] =	ssyncadd.s32 $0xFFFFF600  }
0x1cd: {  	_ =	swait.ge [sflag:s25], $0xA00  }
.Ltmp5:
0x1ce: {  	[sflag:s25] =	ssyncset.done $0x0;
	(pc) =	sbr.rel .LBB2_10-.Ltmp5, $4  }
0x1cf: {  	[sflag:s25] =	ssyncadd.s32 $0xFFFFF600  }
0x1d0: {  	s7 =	simm.s32 $0x4;
	s1 =	simm.s32 $0x1;
	_ =	swait.ge [sflag:s26], $0xA00  }
0x1d1: {  	s13 =	simm.s32 $0x5;
	s14 =	simm.s32 $0x6;
	[sflag:s26] =	ssyncset.done $0x0  }
0x1d2: {  	s15 =	simm.s32 $0x7;
	s19 =	rddreg [dreg:$0x10];
	[sflag:s26] =	ssyncadd.s32 $0xFFFFF600  }
.LBB2_4:
0x1d3: {  	s28 =	simm.s32 $0x14E60;
	s0 =	simm.s32 $0xEA60  }
0x1d4: {  	[tilespmem:s0], [sflag:$0x1] =	stream.indirect.gather [hbm4b:s4+s23], $0x40, s28, s23, $0xb8;
	[tilespmem:$0x1BBC0] =	vst v63  }
0x1d5: {  	s3 =	simm.s32 $0xF460;
	s28 =	simm.s32 $0x14E88  }
0x1d6: {  	[tilespmem:s3], [sflag:$0x2] =	stream.indirect.gather [hbm4b:s4+s23], $0x40, s28, s23, $0xb8;
	[tilespmem:$0x1BBC0] =	vst v63  }
0x1d7: {  	s12 =	simm.s32 $0xFE60;
	s28 =	simm.s32 $0x14EB0  }
0x1d8: {  	[tilespmem:s12], [sflag:$0x3] =	stream.indirect.gather [hbm4b:s4+s23], $0x40, s28, s23, $0xb8;
	[tilespmem:$0x1BBC0] =	vst v63  }
0x1d9: {  	s19 =	simm.s32 $0x10860;
	s28 =	simm.s32 $0x14ED8  }
0x1da: {  	[tilespmem:s19], [sflag:$0x4] =	stream.indirect.gather [hbm4b:s4+s23], $0x40, s28, s23, $0xb8;
	[tilespmem:$0x1BBC0] =	vst v63  }
0x1db: {  	s22 =	simm.s32 $0x11260;
	s28 =	simm.s32 $0x14F00  }
0x1dc: {  	[tilespmem:s22], [sflag:$0x5] =	stream.indirect.gather [hbm4b:s4+s23], $0x40, s28, s23, $0xb8;
	[tilespmem:$0x1BBC0] =	vst v63  }
0x1dd: {  	s25 =	simm.s32 $0x11C60;
	s28 =	simm.s32 $0x14F28  }
0x1de: {  	[tilespmem:s25], [sflag:$0x6] =	stream.indirect.gather [hbm4b:s4+s23], $0x40, s28, s23, $0xb8;
	[tilespmem:$0x1BBC0] =	vst v63  }
0x1df: {  	s20 =	simm.s32 $0x12660;
	s28 =	simm.s32 $0x14F50  }
0x1e0: {  	[tilespmem:s20], [sflag:$0x7] =	stream.indirect.gather [hbm4b:s4+s23], $0x40, s28, s23, $0xb8;
	[tilespmem:$0x1BBC0] =	vst v63  }
0x1e1: {  	s24 =	simm.s32 $0x13060;
	s28 =	simm.s32 $0x14F78  }
0x1e2: {  	[tilespmem:s24], [sflag:$0x8] =	stream.indirect.gather [hbm4b:s4+s23], $0x40, s28, s23, $0xb8;
	[tilespmem:$0x1BBC0] =	vst v63  }
0x1e3: {  	s29 =	simm.s32 $0x13A60;
	s28 =	simm.s32 $0x14FA0  }
0x1e4: {  	[tilespmem:s29], [sflag:$0x9] =	stream.indirect.gather [hbm4b:s4+s23], $0x40, s28, s23, $0xb8;
	[tilespmem:$0x1BBC0] =	vst v63  }
0x1e5: {  	s6 =	simm.s32 $0x1;
	s31 =	simm.s32 $0x14460;
	s28 =	simm.s32 $0x14FC8  }
0x1e6: {  	[tilespmem:s31], [sflag:$0xA] =	stream.indirect.gather [hbm4b:s4+s23], $0x40, s28, s23, $0xb8;
	[tilespmem:$0x1BBC0] =	vst v63  }
0x1e7: {  	_ =	swait.ge [sflag:s6], $0xA00  }
0x1e8: {  	[sflag:s6] =	ssyncset.done $0x0  }
0x1e9: {  	s1 =	simm.s32 $0x2;
	s28 =	simm.s32 $0x9C40;
	[sflag:s6] =	ssyncadd.s32 $0xFFFFF600  }
0x1ea: {  	[spmem:s2] =	stream.indirect.scatter.add.f32 [tilespmem:s0], [sflag:$0xB], $0x40, s28, s23, $0xb8;
	[tilespmem:$0x1BBC0] =	vst v63  }
0x1eb: {  	_ =	swait.ge [sflag:s1], $0xA00  }
0x1ec: {  	[sflag:s1] =	ssyncset.done $0x0  }
0x1ed: {  	s7 =	simm.s32 $0x3;
	s28 =	simm.s32 $0x9C68;
	[sflag:s1] =	ssyncadd.s32 $0xFFFFF600  }
0x1ee: {  	[spmem:s2] =	stream.indirect.scatter.add.f32 [tilespmem:s3], [sflag:$0xC], $0x40, s28, s23, $0xb8;
	[tilespmem:$0x1BBC0] =	vst v63  }
0x1ef: {  	_ =	swait.ge [sflag:s7], $0xA00  }
0x1f0: {  	[sflag:s7] =	ssyncset.done $0x0  }
0x1f1: {  	s13 =	simm.s32 $0x4;
	s28 =	simm.s32 $0x9C90;
	[sflag:s7] =	ssyncadd.s32 $0xFFFFF600  }
0x1f2: {  	[spmem:s2] =	stream.indirect.scatter.add.f32 [tilespmem:s12], [sflag:$0xD], $0x40, s28, s23, $0xb8;
	[tilespmem:$0x1BBC0] =	vst v63  }
0x1f3: {  	_ =	swait.ge [sflag:s13], $0xA00  }
0x1f4: {  	[sflag:s13] =	ssyncset.done $0x0  }
0x1f5: {  	s14 =	simm.s32 $0x5;
	s28 =	simm.s32 $0x9CB8;
	[sflag:s13] =	ssyncadd.s32 $0xFFFFF600  }
0x1f6: {  	[spmem:s2] =	stream.indirect.scatter.add.f32 [tilespmem:s19], [sflag:$0xE], $0x40, s28, s23, $0xb8;
	[tilespmem:$0x1BBC0] =	vst v63  }
0x1f7: {  	_ =	swait.ge [sflag:s14], $0xA00  }
0x1f8: {  	[sflag:s14] =	ssyncset.done $0x0  }
0x1f9: {  	s15 =	simm.s32 $0x6;
	s28 =	simm.s32 $0x9CE0;
	[sflag:s14] =	ssyncadd.s32 $0xFFFFF600  }
0x1fa: {  	[spmem:s2] =	stream.indirect.scatter.add.f32 [tilespmem:s22], [sflag:$0xF], $0x40, s28, s23, $0xb8;
	[tilespmem:$0x1BBC0] =	vst v63  }
0x1fb: {  	_ =	swait.ge [sflag:s15], $0xA00  }
0x1fc: {  	[sflag:s15] =	ssyncset.done $0x0  }
0x1fd: {  	s17 =	simm.s32 $0x7;
	s28 =	simm.s32 $0x9D08;
	[sflag:s15] =	ssyncadd.s32 $0xFFFFF600  }
0x1fe: {  	[spmem:s2] =	stream.indirect.scatter.add.f32 [tilespmem:s25], [sflag:$0x10], $0x40, s28, s23, $0xb8;
	[tilespmem:$0x1BBC0] =	vst v63  }
0x1ff: {  	_ =	swait.ge [sflag:s17], $0xA00  }
0x200: {  	[sflag:s17] =	ssyncset.done $0x0  }
0x201: {  	s18 =	simm.s32 $0x8;
	s28 =	simm.s32 $0x9D30;
	[sflag:s17] =	ssyncadd.s32 $0xFFFFF600  }
0x202: {  	[spmem:s2] =	stream.indirect.scatter.add.f32 [tilespmem:s20], [sflag:$0x11], $0x40, s28, s23, $0xb8;
	[tilespmem:$0x1BBC0] =	vst v63  }
0x203: {  	_ =	swait.ge [sflag:s18], $0xA00  }
0x204: {  	[sflag:s18] =	ssyncset.done $0x0  }
0x205: {  	s16 =	simm.s32 $0x9;
	s28 =	simm.s32 $0x9D58;
	[sflag:s18] =	ssyncadd.s32 $0xFFFFF600  }
0x206: {  	[spmem:s2] =	stream.indirect.scatter.add.f32 [tilespmem:s24], [sflag:$0x12], $0x40, s28, s23, $0xb8;
	[tilespmem:$0x1BBC0] =	vst v63  }
0x207: {  	_ =	swait.ge [sflag:s16], $0xA00  }
0x208: {  	[sflag:s16] =	ssyncset.done $0x0  }
0x209: {  	s8 =	simm.s32 $0xA;
	s28 =	simm.s32 $0x9D80;
	[sflag:s16] =	ssyncadd.s32 $0xFFFFF600  }
0x20a: {  	[spmem:s2] =	stream.indirect.scatter.add.f32 [tilespmem:s29], [sflag:$0x13], $0x40, s28, s23, $0xb8;
	[tilespmem:$0x1BBC0] =	vst v63  }
0x20b: {  	_ =	swait.ge [sflag:s8], $0xA00  }
0x20c: {  	s9 =	simm.s32 $0xB;
	[sflag:s8] =	ssyncset.done $0x0  }
0x20d: {  	s31 =	simm.s32 $0x14460;
	s28 =	simm.s32 $0x9DA8;
	[sflag:s8] =	ssyncadd.s32 $0xFFFFF600  }
0x20e: {  	[spmem:s2] =	stream.indirect.scatter.add.f32 [tilespmem:s31], [sflag:$0x14], $0x40, s28, s23, $0xb8;
	[tilespmem:$0x1BBC0] =	vst v63  }
0x20f: {  	_ =	swait.ge [sflag:s9], $0xA00  }
0x210: {  	[sflag:s9] =	ssyncset.done $0x0  }
0x211: {  	s10 =	simm.s32 $0xC;
	[sflag:s9] =	ssyncadd.s32 $0xFFFFF600  }
0x212: {  	_ =	swait.ge [sflag:s10], $0xA00  }
0x213: {  	[sflag:s10] =	ssyncset.done $0x0  }
0x214: {  	s11 =	simm.s32 $0xD;
	[sflag:s10] =	ssyncadd.s32 $0xFFFFF600  }
0x215: {  	_ =	swait.ge [sflag:s11], $0xA00  }
0x216: {  	[sflag:s11] =	ssyncset.done $0x0  }
0x217: {  	s21 =	simm.s32 $0xE;
	[sflag:s11] =	ssyncadd.s32 $0xFFFFF600  }
0x218: {  	_ =	swait.ge [sflag:s21], $0xA00  }
0x219: {  	[sflag:s21] =	ssyncset.done $0x0  }
0x21a: {  	s26 =	simm.s32 $0xF;
	[sflag:s21] =	ssyncadd.s32 $0xFFFFF600  }
0x21b: {  	_ =	swait.ge [sflag:s26], $0xA00  }
0x21c: {  	[sflag:s26] =	ssyncset.done $0x0  }
0x21d: {  	s30 =	simm.s32 $0x10;
	[sflag:s26] =	ssyncadd.s32 $0xFFFFF600  }
0x21e: {  	_ =	swait.ge [sflag:s30], $0xA00  }
0x21f: {  	[sflag:s30] =	ssyncset.done $0x0  }
0x220: {  	s25 =	simm.s32 $0x11;
	[sflag:s30] =	ssyncadd.s32 $0xFFFFF600  }
0x221: {  	_ =	swait.ge [sflag:s25], $0xA00  }
0x222: {  	[sflag:s25] =	ssyncset.done $0x0  }
0x223: {  	s26 =	simm.s32 $0x12;
	[sflag:s25] =	ssyncadd.s32 $0xFFFFF600  }
0x224: {  	_ =	swait.ge [sflag:s26], $0xA00  }
0x225: {  	[sflag:s26] =	ssyncset.done $0x0  }
0x226: {  	s30 =	simm.s32 $0x13;
	[sflag:s26] =	ssyncadd.s32 $0xFFFFF600  }
0x227: {  	_ =	swait.ge [sflag:s30], $0xA00  }
0x228: {  	[sflag:s30] =	ssyncset.done $0x0  }
0x229: {  	s31 =	simm.s32 $0x14;
	[sflag:s30] =	ssyncadd.s32 $0xFFFFF600  }
0x22a: {  	_ =	swait.ge [sflag:s31], $0xA00  }
0x22b: {  	s29 =	simm.s32 $0xC80;
	s28 =	simm.s32 $0x190;
	[sflag:s31] =	ssyncset.done $0x0  }
.LBB2_5:
0x22c: {  	s0 =	sadd.s32 $0x14E60, s28;
	s26 =	simm.s32 $0x14;
	s30 =	smov.u32 s29  }
0x22d: {  	s31 =	sadd.s32 $0x640, s29;
	s11 =	simm.s32 $0xEA60;
	[sflag:s26] =	ssyncadd.s32 $0xFFFFF600  }
0x22e: {  	[tilespmem:s11], [sflag:$0x1] =	stream.indirect.gather [hbm4b:s4+s23], $0x40, s0, s23, $0xb8;
	[tilespmem:$0x1BBC0] =	vst v63  }
0x22f: {  	p1 =	seq.s32 s29, $0x13240;
	s12 =	simm.s32 $0xF460;
	s0 =	sadd.s32 $0x14E88, s28  }
0x230: {  	[tilespmem:s12], [sflag:$0x2] =	stream.indirect.gather [hbm4b:s4+s23], $0x40, s0, s23, $0xb8;
	[tilespmem:$0x1BBC0] =	vst v63  }
0x231: {  	s20 =	simm.s32 $0xFE60;
	s0 =	sadd.s32 $0x14EB0, s28  }
0x232: {  	[tilespmem:s20], [sflag:$0x3] =	stream.indirect.gather [hbm4b:s4+s23], $0x40, s0, s23, $0xb8;
	[tilespmem:$0x1BBC0] =	vst v63  }
0x233: {  	s24 =	simm.s32 $0x10860;
	s0 =	sadd.s32 $0x14ED8, s28  }
0x234: {  	[tilespmem:s24], [sflag:$0x4] =	stream.indirect.gather [hbm4b:s4+s23], $0x40, s0, s23, $0xb8;
	[tilespmem:$0x1BBC0] =	vst v63  }
0x235: {  	s22 =	simm.s32 $0x11260;
	s0 =	sadd.s32 $0x14F00, s28  }
0x236: {  	[tilespmem:s22], [sflag:$0x5] =	stream.indirect.gather [hbm4b:s4+s23], $0x40, s0, s23, $0xb8;
	[tilespmem:$0x1BBC0] =	vst v63  }
0x237: {  	s25 =	simm.s32 $0x11C60;
	s0 =	sadd.s32 $0x14F28, s28  }
0x238: {  	[tilespmem:s25], [sflag:$0x6] =	stream.indirect.gather [hbm4b:s4+s23], $0x40, s0, s23, $0xb8;
	[tilespmem:$0x1BBC0] =	vst v63  }
0x239: {  	s3 =	simm.s32 $0x12660;
	s0 =	sadd.s32 $0x14F50, s28  }
0x23a: {  	[tilespmem:s3], [sflag:$0x7] =	stream.indirect.gather [hbm4b:s4+s23], $0x40, s0, s23, $0xb8;
	[tilespmem:$0x1BBC0] =	vst v63  }
0x23b: {  	s19 =	simm.s32 $0x13060;
	s0 =	sadd.s32 $0x14F78, s28  }
0x23c: {  	[tilespmem:s19], [sflag:$0x8] =	stream.indirect.gather [hbm4b:s4+s23], $0x40, s0, s23, $0xb8;
	[tilespmem:$0x1BBC0] =	vst v63  }
0x23d: {  	s21 =	simm.s32 $0x13A60;
	s0 =	sadd.s32 $0x14FA0, s28  }
0x23e: {  	[tilespmem:s21], [sflag:$0x9] =	stream.indirect.gather [hbm4b:s4+s23], $0x40, s0, s23, $0xb8;
	[tilespmem:$0x1BBC0] =	vst v63  }
0x23f: {  	s29 =	simm.s32 $0x14460;
	s0 =	sadd.s32 $0x14FC8, s28  }
0x240: {  	[tilespmem:s29], [sflag:$0xA] =	stream.indirect.gather [hbm4b:s4+s23], $0x40, s0, s23, $0xb8;
	[tilespmem:$0x1BBC0] =	vst v63  }
0x241: {  	_ =	swait.ge [sflag:s6], $0xA00  }
0x242: {  	[sflag:s6] =	ssyncset.done $0x0  }
0x243: {  	s0 =	sadd.s32 $0x9C40, s28;
	[sflag:s6] =	ssyncadd.s32 $0xFFFFF600  }
0x244: {  	[spmem:s2] =	stream.indirect.scatter.add.f32 [tilespmem:s11], [sflag:$0xB], $0x40, s0, s23, $0xb8;
	[tilespmem:$0x1BBC0] =	vst v63  }
0x245: {  	_ =	swait.ge [sflag:s1], $0xA00  }
0x246: {  	[sflag:s1] =	ssyncset.done $0x0  }
0x247: {  	s0 =	sadd.s32 $0x9C68, s28;
	[sflag:s1] =	ssyncadd.s32 $0xFFFFF600  }
0x248: {  	[spmem:s2] =	stream.indirect.scatter.add.f32 [tilespmem:s12], [sflag:$0xC], $0x40, s0, s23, $0xb8;
	[tilespmem:$0x1BBC0] =	vst v63  }
0x249: {  	_ =	swait.ge [sflag:s7], $0xA00  }
0x24a: {  	[sflag:s7] =	ssyncset.done $0x0  }
0x24b: {  	s0 =	sadd.s32 $0x9C90, s28;
	[sflag:s7] =	ssyncadd.s32 $0xFFFFF600  }
0x24c: {  	[spmem:s2] =	stream.indirect.scatter.add.f32 [tilespmem:s20], [sflag:$0xD], $0x40, s0, s23, $0xb8;
	[tilespmem:$0x1BBC0] =	vst v63  }
0x24d: {  	_ =	swait.ge [sflag:s13], $0xA00  }
0x24e: {  	[sflag:s13] =	ssyncset.done $0x0  }
0x24f: {  	s0 =	sadd.s32 $0x9CB8, s28;
	[sflag:s13] =	ssyncadd.s32 $0xFFFFF600  }
0x250: {  	[spmem:s2] =	stream.indirect.scatter.add.f32 [tilespmem:s24], [sflag:$0xE], $0x40, s0, s23, $0xb8;
	[tilespmem:$0x1BBC0] =	vst v63  }
0x251: {  	_ =	swait.ge [sflag:s14], $0xA00  }
0x252: {  	[sflag:s14] =	ssyncset.done $0x0  }
0x253: {  	s0 =	sadd.s32 $0x9CE0, s28;
	[sflag:s14] =	ssyncadd.s32 $0xFFFFF600  }
0x254: {  	[spmem:s2] =	stream.indirect.scatter.add.f32 [tilespmem:s22], [sflag:$0xF], $0x40, s0, s23, $0xb8;
	[tilespmem:$0x1BBC0] =	vst v63  }
0x255: {  	_ =	swait.ge [sflag:s15], $0xA00  }
0x256: {  	[sflag:s15] =	ssyncset.done $0x0  }
0x257: {  	s0 =	sadd.s32 $0x9D08, s28;
	[sflag:s15] =	ssyncadd.s32 $0xFFFFF600  }
0x258: {  	[spmem:s2] =	stream.indirect.scatter.add.f32 [tilespmem:s25], [sflag:$0x10], $0x40, s0, s23, $0xb8;
	[tilespmem:$0x1BBC0] =	vst v63  }
0x259: {  	_ =	swait.ge [sflag:s17], $0xA00  }
0x25a: {  	[sflag:s17] =	ssyncset.done $0x0  }
0x25b: {  	s0 =	sadd.s32 $0x9D30, s28;
	[sflag:s17] =	ssyncadd.s32 $0xFFFFF600  }
0x25c: {  	[spmem:s2] =	stream.indirect.scatter.add.f32 [tilespmem:s3], [sflag:$0x11], $0x40, s0, s23, $0xb8;
	[tilespmem:$0x1BBC0] =	vst v63  }
0x25d: {  	_ =	swait.ge [sflag:s18], $0xA00  }
0x25e: {  	[sflag:s18] =	ssyncset.done $0x0  }
0x25f: {  	s0 =	sadd.s32 $0x9D58, s28;
	[sflag:s18] =	ssyncadd.s32 $0xFFFFF600  }
0x260: {  	[spmem:s2] =	stream.indirect.scatter.add.f32 [tilespmem:s19], [sflag:$0x12], $0x40, s0, s23, $0xb8;
	[tilespmem:$0x1BBC0] =	vst v63  }
0x261: {  	_ =	swait.ge [sflag:s16], $0xA00  }
0x262: {  	[sflag:s16] =	ssyncset.done $0x0  }
0x263: {  	s0 =	sadd.s32 $0x9D80, s28;
	[sflag:s16] =	ssyncadd.s32 $0xFFFFF600  }
0x264: {  	[spmem:s2] =	stream.indirect.scatter.add.f32 [tilespmem:s21], [sflag:$0x13], $0x40, s0, s23, $0xb8;
	[tilespmem:$0x1BBC0] =	vst v63  }
0x265: {  	_ =	swait.ge [sflag:s8], $0xA00  }
0x266: {  	[sflag:s8] =	ssyncset.done $0x0  }
0x267: {  	s0 =	sadd.s32 $0x9DA8, s28;
	[sflag:s8] =	ssyncadd.s32 $0xFFFFF600  }
0x268: {  	[spmem:s2] =	stream.indirect.scatter.add.f32 [tilespmem:s29], [sflag:$0x14], $0x40, s0, s23, $0xb8;
	[tilespmem:$0x1BBC0] =	vst v63  }
0x269: {  	_ =	swait.ge [sflag:s9], $0xA00  }
0x26a: {  	[sflag:s9] =	ssyncset.done $0x0  }
0x26b: {  	[sflag:s9] =	ssyncadd.s32 $0xFFFFF600  }
0x26c: {  	_ =	swait.ge [sflag:s10], $0xA00  }
0x26d: {  	[sflag:s10] =	ssyncset.done $0x0  }
0x26e: {  	s0 =	simm.s32 $0xD;
	[sflag:s10] =	ssyncadd.s32 $0xFFFFF600  }
0x26f: {  	_ =	swait.ge [sflag:s0], $0xA00  }
0x270: {  	[sflag:s0] =	ssyncset.done $0x0  }
0x271: {  	[sflag:s0] =	ssyncadd.s32 $0xFFFFF600;
	s0 =	simm.s32 $0xE  }
0x272: {  	_ =	swait.ge [sflag:s0], $0xA00  }
0x273: {  	[sflag:s0] =	ssyncset.done $0x0  }
0x274: {  	[sflag:s0] =	ssyncadd.s32 $0xFFFFF600;
	s0 =	simm.s32 $0xF  }
0x275: {  	_ =	swait.ge [sflag:s0], $0xA00  }
0x276: {  	[sflag:s0] =	ssyncset.done $0x0  }
0x277: {  	[sflag:s0] =	ssyncadd.s32 $0xFFFFF600;
	s0 =	simm.s32 $0x10  }
0x278: {  	_ =	swait.ge [sflag:s0], $0xA00  }
0x279: {  	[sflag:s0] =	ssyncset.done $0x0  }
0x27a: {  	[sflag:s0] =	ssyncadd.s32 $0xFFFFF600;
	s0 =	simm.s32 $0x11  }
0x27b: {  	_ =	swait.ge [sflag:s0], $0xA00  }
0x27c: {  	[sflag:s0] =	ssyncset.done $0x0  }
0x27d: {  	[sflag:s0] =	ssyncadd.s32 $0xFFFFF600;
	s0 =	simm.s32 $0x12  }
0x27e: {  	_ =	swait.ge [sflag:s0], $0xA00  }
0x27f: {  	[sflag:s0] =	ssyncset.done $0x0  }
0x280: {  	[sflag:s0] =	ssyncadd.s32 $0xFFFFF600;
	s0 =	simm.s32 $0x13  }
.Ltmp6:
0x281: {  	_ =	swait.ge [sflag:s0], $0xA00;
	(pc) =	sbr.rel @!p1 .LBB2_5-.Ltmp6, $4  }
0x282: {  	[sflag:s0] =	ssyncset.done $0x0  }
0x283: {  	[sflag:s0] =	ssyncadd.s32 $0xFFFFF600  }
0x284: {  	_ =	swait.ge [sflag:s26], $0xA00  }
0x285: {  	s28 =	sshra.s32 s30, $0x2;
	s29 =	smov.u32 s31;
	[sflag:s26] =	ssyncset.done $0x0  }
.Ltmp7:
0x286: {  	_ = 	snop;
	(pc) =	sbr.rel .LBB2_6-.Ltmp7, $1  }
0x287: {  	_ =	sdelay $0x3  }
.LBB2_11:
0x288: {  	_ =	sfence.sel $0x180000  }
0x289: {  	[bflag:$0x0] =	sbarrier.arrive $0xFFFF  }
0x28a: {  	_ =	strace $0x90000050  }
0x28b: {  	s0 =	stileid.u32;
	[bflag:$0x2] =	sbarrier.arrive $0xFFFF  }
0x28c: {  	p0 =	sne.s32 s0, $0x0;
	s0 =	rddreg [dreg:$0x2]  }
0x28d: {  	s0 =	sadd.s32 @!p0 $0x100000, s0  }
0x28e: {  	[sflag:s0] =	ssyncadd.tile.s32 @!p0 $0x1;
	_ =	shalt  }
.Lfunc_end2:
_tile_overlayer_lowered:
.L_overlay_start_2:
0x28f: {  	(tag) =	ssettag $0x2  }
0x290: {  	s0 =	rddreg [dreg:$0x0];
	s2 =	stileid.u32  }
0x291: {  	s1 =	rddreg [dreg:$0x1];
	p0 =	sne.s32 s2, $0x0  }
0x292: {  	s3 =	rddreg [dreg:$0x2];
	[bflag:$0x3] =	sbarrier.arrive $0xFFFF;
	s2 =	simm.s32 @!p0 $0x1C15  }
0x293: {  	[timem:s3], [sflag:s2] =	dma.local @!p0 [hbm:s0], s1  }
0x294: {  	s0 =	simm.s32 @!p0 $0x15  }
0x295: {  	_ =	swait.ge @!p0 [sflag:s0], s1  }
0x296: {  	s1 =	ssub.s32 @!p0 $0x0, s1;
	[sflag:s0] =	ssyncset.done @!p0 $0x0  }
0x297: {  	[sflag:s0] =	ssyncadd.s32 @!p0 s1  }
0x298: {  	[bflag:$0x3] =	sbarrier.arrive $0xFFFF  }
0x299: {  	_ =	shalt  }

</sc_bundles>
